<compile_context>
chip_gen: v7x
topology: tpu7x:2x2x1
jax: 0.10.2.dev20260603
libtpu: 0.0.44.dev20260713+nightly
codegen_flags: <defaults>
</compile_context>

<pallas_src>
import functools
import numpy as np
import jax
import jax.numpy as jnp
from jax import lax
from jax.experimental import pallas as pl
from jax.experimental.pallas import tpu as pltpu
from jax.experimental.pallas import tpu_sc as plsc

ROWS = 16384
CLASSES = 1000
BLOCK_COLS = 2048
NUM_BINS = 15

_H = ROWS // 2
_HBLK = _H // BLOCK_COLS

_SC_TILES = 16
_LANES = 16
_CHUNK = _H // _SC_TILES
_NVEC = _CHUNK // _LANES
_HW = 3 * _LANES


def _rowstats_body(xt_ref, lab_ref, conf_ref, acc_ref):
    x = xt_ref[...]
    m = jnp.max(x, axis=0, keepdims=True)
    s = jnp.sum(jnp.exp(x - m), axis=0)
    idx = lax.broadcasted_iota(jnp.int32, x.shape, 0)
    pred = jnp.min(jnp.where(x == m, idx, CLASSES), axis=0)
    conf_ref[0, 0, :] = 1.0 / s
    acc_ref[0, 0, :] = (pred == lab_ref[0, 0, :]).astype(jnp.float32)


def _rowstats_half(xt, labs, half):
    return pl.pallas_call(
        _rowstats_body,
        grid=(_HBLK,),
        in_specs=[
            pl.BlockSpec(
                (CLASSES, BLOCK_COLS), lambda i, h=half: (0, i + h * _HBLK)
            ),
            pl.BlockSpec((1, 1, BLOCK_COLS), lambda i: (i, 0, 0)),
        ],
        out_specs=[
            pl.BlockSpec((1, 1, BLOCK_COLS), lambda i: (i, 0, 0)),
            pl.BlockSpec((1, 1, BLOCK_COLS), lambda i: (i, 0, 0)),
        ],
        out_shape=[
            jax.ShapeDtypeStruct((_HBLK, 1, BLOCK_COLS), jnp.float32),
            jax.ShapeDtypeStruct((_HBLK, 1, BLOCK_COLS), jnp.float32),
        ],
    )(xt, labs)


def _hist_common(conf_hbm, acc_hbm, conf_v, acc_v, hist_v, part_v, shared, sid):
    base = sid * _CHUNK
    pltpu.sync_copy(conf_hbm.at[pl.ds(base, _CHUNK)], conf_v)
    pltpu.sync_copy(acc_hbm.at[pl.ds(base, _CHUNK)], acc_v)

    zeros16 = jnp.zeros((_LANES,), jnp.float32)
    for i in range(_HW):
        hist_v[pl.ds(i * _LANES, _LANES)] = zeros16

    lane48 = lax.iota(jnp.int32, _LANES) * _HW
    ones16 = jnp.ones((_LANES,), jnp.float32)

    for j in range(_NVEC):
        c = conf_v[pl.ds(j * _LANES, _LANES)]
        a = acc_v[pl.ds(j * _LANES, _LANES)]
        b = jnp.minimum(
            (c * jnp.float32(NUM_BINS)).astype(jnp.int32), NUM_BINS - 1
        )
        plsc.addupdate_scatter(hist_v, [lane48 + b], ones16)
        plsc.addupdate_scatter(hist_v, [lane48 + (b + _LANES)], c)
        plsc.addupdate_scatter(hist_v, [lane48 + (b + 2 * _LANES)], a)

    for c in range(3):
        acc_vec = hist_v[pl.ds(c * _LANES, _LANES)]
        for l in range(1, _LANES):
            acc_vec = acc_vec + hist_v[pl.ds(l * _HW + c * _LANES, _LANES)]
        part_v[pl.ds(c * _LANES, _LANES)] = acc_vec

    pltpu.sync_copy(part_v, shared.at[pl.ds(sid * _HW, _HW)])
    plsc.subcore_barrier()


def _cross_tile_sums(final_v):
    sums = []
    for c in range(3):
        acc_vec = final_v[pl.ds(c * _LANES, _LANES)]
        for l in range(1, _SC_TILES):
            acc_vec = acc_vec + final_v[pl.ds(l * _HW + c * _LANES, _LANES)]
        sums.append(acc_vec)
    return sums


def _sc_part_body(conf_hbm, acc_hbm, out_hbm, conf_v, acc_v, hist_v, part_v,
                  final_v, res_v, shared):
    sid = lax.axis_index("s")
    _hist_common(conf_hbm, acc_hbm, conf_v, acc_v, hist_v, part_v, shared, sid)

    @pl.when(sid == 0)
    def _():
        pltpu.sync_copy(shared, final_v)
        counts, sum_conf, sum_acc = _cross_tile_sums(final_v)
        res_v[pl.ds(0, _LANES)] = counts
        res_v[pl.ds(_LANES, _LANES)] = sum_conf
        res_v[pl.ds(2 * _LANES, _LANES)] = sum_acc
        pltpu.sync_copy(res_v, out_hbm)


def _sc_final_body(conf_hbm, acc_hbm, h1_hbm, out_hbm, conf_v, acc_v, hist_v,
                   part_v, final_v, h1_v, res_v, shared):
    sid = lax.axis_index("s")
    _hist_common(conf_hbm, acc_hbm, conf_v, acc_v, hist_v, part_v, shared, sid)

    @pl.when(sid == 0)
    def _():
        pltpu.sync_copy(shared, final_v)
        pltpu.sync_copy(h1_hbm, h1_v)
        counts, sum_conf, sum_acc = _cross_tile_sums(final_v)
        counts = counts + h1_v[pl.ds(0, _LANES)]
        sum_conf = sum_conf + h1_v[pl.ds(_LANES, _LANES)]
        sum_acc = sum_acc + h1_v[pl.ds(2 * _LANES, _LANES)]
        safe = jnp.maximum(counts, 1.0)
        contrib = jnp.where(
            counts > 0.0,
            jnp.abs(sum_conf / safe - sum_acc / safe) * (counts / float(ROWS)),
            0.0,
        )
        ece = jnp.sum(contrib)
        res_v[...] = jnp.full((_LANES,), ece, jnp.float32)
        pltpu.sync_copy(res_v, out_hbm)


_SC_MESH = plsc.VectorSubcoreMesh(
    core_axis_name="c", subcore_axis_name="s", num_cores=1
)

_COMMON_SCRATCH = [
    pltpu.VMEM((_CHUNK,), jnp.float32),
    pltpu.VMEM((_CHUNK,), jnp.float32),
    pltpu.VMEM((_LANES * _HW,), jnp.float32),
    pltpu.VMEM((_HW,), jnp.float32),
    pltpu.VMEM((_SC_TILES * _HW,), jnp.float32),
]

_sc_part = functools.partial(
    pl.kernel,
    out_type=jax.ShapeDtypeStruct((_HW,), jnp.float32),
    mesh=_SC_MESH,
    compiler_params=pltpu.CompilerParams(needs_layout_passes=False),
    scratch_types=_COMMON_SCRATCH + [
        pltpu.VMEM((_HW,), jnp.float32),
        pltpu.VMEM_SHARED((_SC_TILES * _HW,), jnp.float32),
    ],
)(_sc_part_body)

_sc_final = functools.partial(
    pl.kernel,
    out_type=jax.ShapeDtypeStruct((_LANES,), jnp.float32),
    mesh=_SC_MESH,
    compiler_params=pltpu.CompilerParams(needs_layout_passes=False),
    scratch_types=_COMMON_SCRATCH + [
        pltpu.VMEM((_HW,), jnp.float32),
        pltpu.VMEM((_LANES,), jnp.float32),
        pltpu.VMEM_SHARED((_SC_TILES * _HW,), jnp.float32),
    ],
)(_sc_final_body)


def kernel(inputs, labels):
    xt = inputs.T
    labs0 = labels[:_H].reshape(_HBLK, 1, BLOCK_COLS)
    labs1 = labels[_H:].reshape(_HBLK, 1, BLOCK_COLS)
    c0, a0 = _rowstats_half(xt, labs0, 0)
    h1 = _sc_part(c0.reshape(_H), a0.reshape(_H))
    c1, a1 = _rowstats_half(xt, labs1, 1)
    ece16 = _sc_final(c1.reshape(_H), a1.reshape(_H), h1)
    return ece16[:1]

# --- scband reference (transcript-rebuilt; emitter-appended) ---
"""Pipeline reference for scband-eceloss-80711025426498 (READ-ONLY COPY).

The authoritative reference and input builder live on the scoring server;
editing this copy changes nothing except your own understanding.
"""

import jax, jax.numpy as jnp
import numpy as np

N_BINS = 15
LOGIT = True


def setup_inputs(seed: int = 0) -> dict:
    key = jax.random.key(seed)
    k1, k2 = jax.random.split(key)
    inputs = jax.random.normal(k1, (16384, 1000), dtype=jnp.float32)
    labels = jax.random.randint(k2, (16384,), 0, 1000, dtype=jnp.int32)
    return {"inputs": inputs, "labels": labels}


def reference(inputs, labels):
    # Faithful translation of ECELoss.forward
    if LOGIT:
        probs = jax.nn.softmax(inputs, axis=1)
    else:
        probs = inputs
    confidences = jnp.max(probs, axis=1)
    predictions = jnp.argmax(probs, axis=1)
    accuracies = (predictions == labels).astype(jnp.float32)

    bin_boundaries = jnp.linspace(0.0, 1.0, N_BINS + 1)
    bin_lowers = bin_boundaries[:-1]  # [n_bins]
    bin_uppers = bin_boundaries[1:]   # [n_bins]

    n = confidences.shape[0]
    # in_bin[b, i] = (conf_i > lower_b) & (conf_i <= upper_b)
    in_bin = (confidences[None, :] > bin_lowers[:, None]) & (
        confidences[None, :] <= bin_uppers[:, None]
    )
    in_bin_f = in_bin.astype(jnp.float32)  # [n_bins, N]

    counts = in_bin_f.sum(axis=1)                     # samples per bin
    prop_in_bin = counts / float(n)                   # in_bin.float().mean()
    safe_counts = jnp.maximum(counts, 1.0)
    accuracy_in_bin = (in_bin_f * accuracies[None, :]).sum(axis=1) / safe_counts
    avg_confidence_in_bin = (in_bin_f * confidences[None, :]).sum(axis=1) / safe_counts

    contrib = jnp.where(
        counts > 0,
        jnp.abs(avg_confidence_in_bin - accuracy_in_bin) * prop_in_bin,
        0.0,
    )
    ece = jnp.sum(contrib)
    return ece.reshape(1)

if __name__ == "__main__":
    import jax
    _d = setup_inputs()
    print(jax.jit(kernel)(*tuple(_d.values())))

</pallas_src>

<mosaic_0001>
#map = affine_map<(d0, d1) -> (0)>
module attributes {stable_mosaic.version = 14 : i64} {
  func.func @_sc_part_body(%arg0: i32, %arg1: i32, %arg2: memref<8192xf32, #tpu.memory_space<hbm>>, %arg3: memref<8192xf32, #tpu.memory_space<hbm>>, %arg4: memref<48xf32, #tpu.memory_space<hbm>>, %arg5: memref<512xf32, #tpu.memory_space<vmem>>, %arg6: memref<512xf32, #tpu.memory_space<vmem>>, %arg7: memref<768xf32, #tpu.memory_space<vmem>>, %arg8: memref<48xf32, #tpu.memory_space<vmem>>, %arg9: memref<768xf32, #tpu.memory_space<vmem>>, %arg10: memref<48xf32, #tpu.memory_space<vmem>>, %arg11: memref<768xf32, #tpu.memory_space<vmem_shared>>) attributes {dimension_semantics = [#tpu.dimension_semantics<core_parallel>, #tpu.dimension_semantics<subcore_parallel>], iteration_bounds = array<i64: 1, 16>, scalar_prefetch = 0 : i64, scratch_operands = 7 : i64, tpu.core_type = #tpu.core_type<sc_vector_subcore>, window_params = [{transform_indices = #map}, {transform_indices = #map}, {transform_indices = #map}]} {
    %mul3A = arith.constant 512 : i32
    %mul3A_0 = arith.muli %arg1, %mul3A : i32
    "tpu.region"() ({
      %run_scoped3A = tpu.sem_alloc : memref<!tpu.dma_semaphore, #tpu.memory_space<semaphore_mem>>
      %dma_start3A = tpu.memref_slice %arg2[%mul3A_0] : memref<8192xf32, #tpu.memory_space<hbm>> -> memref<512xf32, #tpu.memory_space<hbm>>
      %dma_start3A_890 = tpu.memref_slice %arg2[%mul3A_0] : memref<8192xf32, #tpu.memory_space<hbm>> -> memref<512xf32, #tpu.memory_space<hbm>>
      tpu.enqueue_dma source(%dma_start3A_890 : memref<512xf32, #tpu.memory_space<hbm>>) target(%arg5 : memref<512xf32, #tpu.memory_space<vmem>>) target_semaphore(%run_scoped3A : memref<!tpu.dma_semaphore, #tpu.memory_space<semaphore_mem>>)
      %dma_wait3A = tpu.memref_slice %arg2[%mul3A_0] : memref<8192xf32, #tpu.memory_space<hbm>> -> memref<512xf32, #tpu.memory_space<hbm>>
      %dma_wait3A_891 = tpu.memref_slice %arg2[%mul3A_0] : memref<8192xf32, #tpu.memory_space<hbm>> -> memref<512xf32, #tpu.memory_space<hbm>>
      tpu.wait_dma2 semaphore(%run_scoped3A : memref<!tpu.dma_semaphore, #tpu.memory_space<semaphore_mem>>) src(%dma_wait3A_891 : memref<512xf32, #tpu.memory_space<hbm>>) dst(%arg5 : memref<512xf32, #tpu.memory_space<vmem>>)
      tpu.yield
    }) : () -> ()
    "tpu.region"() ({
      %run_scoped3A = tpu.sem_alloc : memref<!tpu.dma_semaphore, #tpu.memory_space<semaphore_mem>>
      %dma_start3A = tpu.memref_slice %arg3[%mul3A_0] : memref<8192xf32, #tpu.memory_space<hbm>> -> memref<512xf32, #tpu.memory_space<hbm>>
      %dma_start3A_890 = tpu.memref_slice %arg3[%mul3A_0] : memref<8192xf32, #tpu.memory_space<hbm>> -> memref<512xf32, #tpu.memory_space<hbm>>
      tpu.enqueue_dma source(%dma_start3A_890 : memref<512xf32, #tpu.memory_space<hbm>>) target(%arg6 : memref<512xf32, #tpu.memory_space<vmem>>) target_semaphore(%run_scoped3A : memref<!tpu.dma_semaphore, #tpu.memory_space<semaphore_mem>>)
      %dma_wait3A = tpu.memref_slice %arg3[%mul3A_0] : memref<8192xf32, #tpu.memory_space<hbm>> -> memref<512xf32, #tpu.memory_space<hbm>>
      %dma_wait3A_891 = tpu.memref_slice %arg3[%mul3A_0] : memref<8192xf32, #tpu.memory_space<hbm>> -> memref<512xf32, #tpu.memory_space<hbm>>
      tpu.wait_dma2 semaphore(%run_scoped3A : memref<!tpu.dma_semaphore, #tpu.memory_space<semaphore_mem>>) src(%dma_wait3A_891 : memref<512xf32, #tpu.memory_space<hbm>>) dst(%arg6 : memref<512xf32, #tpu.memory_space<vmem>>)
      tpu.yield
    }) : () -> ()
    %broadcast_in_dim3A = arith.constant 0.000000e+00 : f32
    %broadcast_in_dim3A_1 = vector.broadcast %broadcast_in_dim3A : f32 to vector<16xf32>
    %swap3A = arith.constant 0 : index
    %swap3A_2 = tpu.vector_load %arg7[%swap3A] {strides = array<i32>} : memref<768xf32, #tpu.memory_space<vmem>>, vector<16xf32>,
    tpu.vector_store %arg7[%swap3A], %broadcast_in_dim3A_1 {strides = array<i32>} : memref<768xf32, #tpu.memory_space<vmem>>, vector<16xf32>,
    %swap3A_3 = arith.constant 16 : index
    %swap3A_4 = tpu.vector_load %arg7[%swap3A_3] {strides = array<i32>} : memref<768xf32, #tpu.memory_space<vmem>>, vector<16xf32>,
    tpu.vector_store %arg7[%swap3A_3], %broadcast_in_dim3A_1 {strides = array<i32>} : memref<768xf32, #tpu.memory_space<vmem>>, vector<16xf32>,
    %swap3A_5 = arith.constant 32 : index
    %swap3A_6 = tpu.vector_load %arg7[%swap3A_5] {strides = array<i32>} : memref<768xf32, #tpu.memory_space<vmem>>, vector<16xf32>,
    tpu.vector_store %arg7[%swap3A_5], %broadcast_in_dim3A_1 {strides = array<i32>} : memref<768xf32, #tpu.memory_space<vmem>>, vector<16xf32>,
    %swap3A_7 = arith.constant 48 : index
    %swap3A_8 = tpu.vector_load %arg7[%swap3A_7] {strides = array<i32>} : memref<768xf32, #tpu.memory_space<vmem>>, vector<16xf32>,
    tpu.vector_store %arg7[%swap3A_7], %broadcast_in_dim3A_1 {strides = array<i32>} : memref<768xf32, #tpu.memory_space<vmem>>, vector<16xf32>,
    %swap3A_9 = arith.constant 64 : index
    %swap3A_10 = tpu.vector_load %arg7[%swap3A_9] {strides = array<i32>} : memref<768xf32, #tpu.memory_space<vmem>>, vector<16xf32>,
    tpu.vector_store %arg7[%swap3A_9], %broadcast_in_dim3A_1 {strides = array<i32>} : memref<768xf32, #tpu.memory_space<vmem>>, vector<16xf32>,
    %swap3A_11 = arith.constant 80 : index
    %swap3A_12 = tpu.vector_load %arg7[%swap3A_11] {strides = array<i32>} : memref<768xf32, #tpu.memory_space<vmem>>, vector<16xf32>,
    tpu.vector_store %arg7[%swap3A_11], %broadcast_in_dim3A_1 {strides = array<i32>} : memref<768xf32, #tpu.memory_space<vmem>>, vector<16xf32>,
    %swap3A_13 = arith.constant 96 : index
    %swap3A_14 = tpu.vector_load %arg7[%swap3A_13] {strides = array<i32>} : memref<768xf32, #tpu.memory_space<vmem>>, vector<16xf32>,
    tpu.vector_store %arg7[%swap3A_13], %broadcast_in_dim3A_1 {strides = array<i32>} : memref<768xf32, #tpu.memory_space<vmem>>, vector<16xf32>,
    %swap3A_15 = arith.constant 112 : index
    %swap3A_16 = tpu.vector_load %arg7[%swap3A_15] {strides = array<i32>} : memref<768xf32, #tpu.memory_space<vmem>>, vector<16xf32>,
    tpu.vector_store %arg7[%swap3A_15], %broadcast_in_dim3A_1 {strides = array<i32>} : memref<768xf32, #tpu.memory_space<vmem>>, vector<16xf32>,
    %swap3A_17 = arith.constant 128 : index
    %swap3A_18 = tpu.vector_load %arg7[%swap3A_17] {strides = array<i32>} : memref<768xf32, #tpu.memory_space<vmem>>, vector<16xf32>,
    tpu.vector_store %arg7[%swap3A_17], %broadcast_in_dim3A_1 {strides = array<i32>} : memref<768xf32, #tpu.memory_space<vmem>>, vector<16xf32>,
    %swap3A_19 = arith.constant 144 : index
    %swap3A_20 = tpu.vector_load %arg7[%swap3A_19] {strides = array<i32>} : memref<768xf32, #tpu.memory_space<vmem>>, vector<16xf32>,
    tpu.vector_store %arg7[%swap3A_19], %broadcast_in_dim3A_1 {strides = array<i32>} : memref<768xf32, #tpu.memory_space<vmem>>, vector<16xf32>,
    %swap3A_21 = arith.constant 160 : index
    %swap3A_22 = tpu.vector_load %arg7[%swap3A_21] {strides = array<i32>} : memref<768xf32, #tpu.memory_space<vmem>>, vector<16xf32>,
    tpu.vector_store %arg7[%swap3A_21], %broadcast_in_dim3A_1 {strides = array<i32>} : memref<768xf32, #tpu.memory_space<vmem>>, vector<16xf32>,
    %swap3A_23 = arith.constant 176 : index
    %swap3A_24 = tpu.vector_load %arg7[%swap3A_23] {strides = array<i32>} : memref<768xf32, #tpu.memory_space<vmem>>, vector<16xf32>,
    tpu.vector_store %arg7[%swap3A_23], %broadcast_in_dim3A_1 {strides = array<i32>} : memref<768xf32, #tpu.memory_space<vmem>>, vector<16xf32>,
    %swap3A_25 = arith.constant 192 : index
    %swap3A_26 = tpu.vector_load %arg7[%swap3A_25] {strides = array<i32>} : memref<768xf32, #tpu.memory_space<vmem>>, vector<16xf32>,
    tpu.vector_store %arg7[%swap3A_25], %broadcast_in_dim3A_1 {strides = array<i32>} : memref<768xf32, #tpu.memory_space<vmem>>, vector<16xf32>,
    %swap3A_27 = arith.constant 208 : index
    %swap3A_28 = tpu.vector_load %arg7[%swap3A_27] {strides = array<i32>} : memref<768xf32, #tpu.memory_space<vmem>>, vector<16xf32>,
    tpu.vector_store %arg7[%swap3A_27], %broadcast_in_dim3A_1 {strides = array<i32>} : memref<768xf32, #tpu.memory_space<vmem>>, vector<16xf32>,
    %swap3A_29 = arith.constant 224 : index
    %swap3A_30 = tpu.vector_load %arg7[%swap3A_29] {strides = array<i32>} : memref<768xf32, #tpu.memory_space<vmem>>, vector<16xf32>,
    tpu.vector_store %arg7[%swap3A_29], %broadcast_in_dim3A_1 {strides = array<i32>} : memref<768xf32, #tpu.memory_space<vmem>>, vector<16xf32>,
    %swap3A_31 = arith.constant 240 : index
    %swap3A_32 = tpu.vector_load %arg7[%swap3A_31] {strides = array<i32>} : memref<768xf32, #tpu.memory_space<vmem>>, vector<16xf32>,
    tpu.vector_store %arg7[%swap3A_31], %broadcast_in_dim3A_1 {strides = array<i32>} : memref<768xf32, #tpu.memory_space<vmem>>, vector<16xf32>,
    %swap3A_33 = arith.constant 256 : index
    %swap3A_34 = tpu.vector_load %arg7[%swap3A_33] {strides = array<i32>} : memref<768xf32, #tpu.memory_space<vmem>>, vector<16xf32>,
    tpu.vector_store %arg7[%swap3A_33], %broadcast_in_dim3A_1 {strides = array<i32>} : memref<768xf32, #tpu.memory_space<vmem>>, vector<16xf32>,
    %swap3A_35 = arith.constant 272 : index
    %swap3A_36 = tpu.vector_load %arg7[%swap3A_35] {strides = array<i32>} : memref<768xf32, #tpu.memory_space<vmem>>, vector<16xf32>,
    tpu.vector_store %arg7[%swap3A_35], %broadcast_in_dim3A_1 {strides = array<i32>} : memref<768xf32, #tpu.memory_space<vmem>>, vector<16xf32>,
    %swap3A_37 = arith.constant 288 : index
    %swap3A_38 = tpu.vector_load %arg7[%swap3A_37] {strides = array<i32>} : memref<768xf32, #tpu.memory_space<vmem>>, vector<16xf32>,
    tpu.vector_store %arg7[%swap3A_37], %broadcast_in_dim3A_1 {strides = array<i32>} : memref<768xf32, #tpu.memory_space<vmem>>, vector<16xf32>,
    %swap3A_39 = arith.constant 304 : index
    %swap3A_40 = tpu.vector_load %arg7[%swap3A_39] {strides = array<i32>} : memref<768xf32, #tpu.memory_space<vmem>>, vector<16xf32>,
    tpu.vector_store %arg7[%swap3A_39], %broadcast_in_dim3A_1 {strides = array<i32>} : memref<768xf32, #tpu.memory_space<vmem>>, vector<16xf32>,
    %swap3A_41 = arith.constant 320 : index
    %swap3A_42 = tpu.vector_load %arg7[%swap3A_41] {strides = array<i32>} : memref<768xf32, #tpu.memory_space<vmem>>, vector<16xf32>,
    tpu.vector_store %arg7[%swap3A_41], %broadcast_in_dim3A_1 {strides = array<i32>} : memref<768xf32, #tpu.memory_space<vmem>>, vector<16xf32>,
    %swap3A_43 = arith.constant 336 : index
    %swap3A_44 = tpu.vector_load %arg7[%swap3A_43] {strides = array<i32>} : memref<768xf32, #tpu.memory_space<vmem>>, vector<16xf32>,
    tpu.vector_store %arg7[%swap3A_43], %broadcast_in_dim3A_1 {strides = array<i32>} : memref<768xf32, #tpu.memory_space<vmem>>, vector<16xf32>,
    %swap3A_45 = arith.constant 352 : index
    %swap3A_46 = tpu.vector_load %arg7[%swap3A_45] {strides = array<i32>} : memref<768xf32, #tpu.memory_space<vmem>>, vector<16xf32>,
    tpu.vector_store %arg7[%swap3A_45], %broadcast_in_dim3A_1 {strides = array<i32>} : memref<768xf32, #tpu.memory_space<vmem>>, vector<16xf32>,
    %swap3A_47 = arith.constant 368 : index
    %swap3A_48 = tpu.vector_load %arg7[%swap3A_47] {strides = array<i32>} : memref<768xf32, #tpu.memory_space<vmem>>, vector<16xf32>,
    tpu.vector_store %arg7[%swap3A_47], %broadcast_in_dim3A_1 {strides = array<i32>} : memref<768xf32, #tpu.memory_space<vmem>>, vector<16xf32>,
    %swap3A_49 = arith.constant 384 : index
    %swap3A_50 = tpu.vector_load %arg7[%swap3A_49] {strides = array<i32>} : memref<768xf32, #tpu.memory_space<vmem>>, vector<16xf32>,
    tpu.vector_store %arg7[%swap3A_49], %broadcast_in_dim3A_1 {strides = array<i32>} : memref<768xf32, #tpu.memory_space<vmem>>, vector<16xf32>,
    %swap3A_51 = arith.constant 400 : index
    %swap3A_52 = tpu.vector_load %arg7[%swap3A_51] {strides = array<i32>} : memref<768xf32, #tpu.memory_space<vmem>>, vector<16xf32>,
    tpu.vector_store %arg7[%swap3A_51], %broadcast_in_dim3A_1 {strides = array<i32>} : memref<768xf32, #tpu.memory_space<vmem>>, vector<16xf32>,
    %swap3A_53 = arith.constant 416 : index
    %swap3A_54 = tpu.vector_load %arg7[%swap3A_53] {strides = array<i32>} : memref<768xf32, #tpu.memory_space<vmem>>, vector<16xf32>,
    tpu.vector_store %arg7[%swap3A_53], %broadcast_in_dim3A_1 {strides = array<i32>} : memref<768xf32, #tpu.memory_space<vmem>>, vector<16xf32>,
    %swap3A_55 = arith.constant 432 : index
    %swap3A_56 = tpu.vector_load %arg7[%swap3A_55] {strides = array<i32>} : memref<768xf32, #tpu.memory_space<vmem>>, vector<16xf32>,
    tpu.vector_store %arg7[%swap3A_55], %broadcast_in_dim3A_1 {strides = array<i32>} : memref<768xf32, #tpu.memory_space<vmem>>, vector<16xf32>,
    %swap3A_57 = arith.constant 448 : index
    %swap3A_58 = tpu.vector_load %arg7[%swap3A_57] {strides = array<i32>} : memref<768xf32, #tpu.memory_space<vmem>>, vector<16xf32>,
    tpu.vector_store %arg7[%swap3A_57], %broadcast_in_dim3A_1 {strides = array<i32>} : memref<768xf32, #tpu.memory_space<vmem>>, vector<16xf32>,
    %swap3A_59 = arith.constant 464 : index
    %swap3A_60 = tpu.vector_load %arg7[%swap3A_59] {strides = array<i32>} : memref<768xf32, #tpu.memory_space<vmem>>, vector<16xf32>,
    tpu.vector_store %arg7[%swap3A_59], %broadcast_in_dim3A_1 {strides = array<i32>} : memref<768xf32, #tpu.memory_space<vmem>>, vector<16xf32>,
    %swap3A_61 = arith.constant 480 : index
    %swap3A_62 = tpu.vector_load %arg7[%swap3A_61] {strides = array<i32>} : memref<768xf32, #tpu.memory_space<vmem>>, vector<16xf32>,
    tpu.vector_store %arg7[%swap3A_61], %broadcast_in_dim3A_1 {strides = array<i32>} : memref<768xf32, #tpu.memory_space<vmem>>, vector<16xf32>,
    %swap3A_63 = arith.constant 496 : index
    %swap3A_64 = tpu.vector_load %arg7[%swap3A_63] {strides = array<i32>} : memref<768xf32, #tpu.memory_space<vmem>>, vector<16xf32>,
    tpu.vector_store %arg7[%swap3A_63], %broadcast_in_dim3A_1 {strides = array<i32>} : memref<768xf32, #tpu.memory_space<vmem>>, vector<16xf32>,
    %swap3A_65 = arith.constant 512 : index
    %swap3A_66 = tpu.vector_load %arg7[%swap3A_65] {strides = array<i32>} : memref<768xf32, #tpu.memory_space<vmem>>, vector<16xf32>,
    tpu.vector_store %arg7[%swap3A_65], %broadcast_in_dim3A_1 {strides = array<i32>} : memref<768xf32, #tpu.memory_space<vmem>>, vector<16xf32>,
    %swap3A_67 = arith.constant 528 : index
    %swap3A_68 = tpu.vector_load %arg7[%swap3A_67] {strides = array<i32>} : memref<768xf32, #tpu.memory_space<vmem>>, vector<16xf32>,
    tpu.vector_store %arg7[%swap3A_67], %broadcast_in_dim3A_1 {strides = array<i32>} : memref<768xf32, #tpu.memory_space<vmem>>, vector<16xf32>,
    %swap3A_69 = arith.constant 544 : index
    %swap3A_70 = tpu.vector_load %arg7[%swap3A_69] {strides = array<i32>} : memref<768xf32, #tpu.memory_space<vmem>>, vector<16xf32>,
    tpu.vector_store %arg7[%swap3A_69], %broadcast_in_dim3A_1 {strides = array<i32>} : memref<768xf32, #tpu.memory_space<vmem>>, vector<16xf32>,
    %swap3A_71 = arith.constant 560 : index
    %swap3A_72 = tpu.vector_load %arg7[%swap3A_71] {strides = array<i32>} : memref<768xf32, #tpu.memory_space<vmem>>, vector<16xf32>,
    tpu.vector_store %arg7[%swap3A_71], %broadcast_in_dim3A_1 {strides = array<i32>} : memref<768xf32, #tpu.memory_space<vmem>>, vector<16xf32>,
    %swap3A_73 = arith.constant 576 : index
    %swap3A_74 = tpu.vector_load %arg7[%swap3A_73] {strides = array<i32>} : memref<768xf32, #tpu.memory_space<vmem>>, vector<16xf32>,
    tpu.vector_store %arg7[%swap3A_73], %broadcast_in_dim3A_1 {strides = array<i32>} : memref<768xf32, #tpu.memory_space<vmem>>, vector<16xf32>,
    %swap3A_75 = arith.constant 592 : index
    %swap3A_76 = tpu.vector_load %arg7[%swap3A_75] {strides = array<i32>} : memref<768xf32, #tpu.memory_space<vmem>>, vector<16xf32>,
    tpu.vector_store %arg7[%swap3A_75], %broadcast_in_dim3A_1 {strides = array<i32>} : memref<768xf32, #tpu.memory_space<vmem>>, vector<16xf32>,
    %swap3A_77 = arith.constant 608 : index
    %swap3A_78 = tpu.vector_load %arg7[%swap3A_77] {strides = array<i32>} : memref<768xf32, #tpu.memory_space<vmem>>, vector<16xf32>,
    tpu.vector_store %arg7[%swap3A_77], %broadcast_in_dim3A_1 {strides = array<i32>} : memref<768xf32, #tpu.memory_space<vmem>>, vector<16xf32>,
    %swap3A_79 = arith.constant 624 : index
    %swap3A_80 = tpu.vector_load %arg7[%swap3A_79] {strides = array<i32>} : memref<768xf32, #tpu.memory_space<vmem>>, vector<16xf32>,
    tpu.vector_store %arg7[%swap3A_79], %broadcast_in_dim3A_1 {strides = array<i32>} : memref<768xf32, #tpu.memory_space<vmem>>, vector<16xf32>,
    %swap3A_81 = arith.constant 640 : index
    %swap3A_82 = tpu.vector_load %arg7[%swap3A_81] {strides = array<i32>} : memref<768xf32, #tpu.memory_space<vmem>>, vector<16xf32>,
    tpu.vector_store %arg7[%swap3A_81], %broadcast_in_dim3A_1 {strides = array<i32>} : memref<768xf32, #tpu.memory_space<vmem>>, vector<16xf32>,
    %swap3A_83 = arith.constant 656 : index
    %swap3A_84 = tpu.vector_load %arg7[%swap3A_83] {strides = array<i32>} : memref<768xf32, #tpu.memory_space<vmem>>, vector<16xf32>,
    tpu.vector_store %arg7[%swap3A_83], %broadcast_in_dim3A_1 {strides = array<i32>} : memref<768xf32, #tpu.memory_space<vmem>>, vector<16xf32>,
    %swap3A_85 = arith.constant 672 : index
    %swap3A_86 = tpu.vector_load %arg7[%swap3A_85] {strides = array<i32>} : memref<768xf32, #tpu.memory_space<vmem>>, vector<16xf32>,
    tpu.vector_store %arg7[%swap3A_85], %broadcast_in_dim3A_1 {strides = array<i32>} : memref<768xf32, #tpu.memory_space<vmem>>, vector<16xf32>,
    %swap3A_87 = arith.constant 688 : index
    %swap3A_88 = tpu.vector_load %arg7[%swap3A_87] {strides = array<i32>} : memref<768xf32, #tpu.memory_space<vmem>>, vector<16xf32>,
    tpu.vector_store %arg7[%swap3A_87], %broadcast_in_dim3A_1 {strides = array<i32>} : memref<768xf32, #tpu.memory_space<vmem>>, vector<16xf32>,
    %swap3A_89 = arith.constant 704 : index
    %swap3A_90 = tpu.vector_load %arg7[%swap3A_89] {strides = array<i32>} : memref<768xf32, #tpu.memory_space<vmem>>, vector<16xf32>,
    tpu.vector_store %arg7[%swap3A_89], %broadcast_in_dim3A_1 {strides = array<i32>} : memref<768xf32, #tpu.memory_space<vmem>>, vector<16xf32>,
    %swap3A_91 = arith.constant 720 : index
    %swap3A_92 = tpu.vector_load %arg7[%swap3A_91] {strides = array<i32>} : memref<768xf32, #tpu.memory_space<vmem>>, vector<16xf32>,
    tpu.vector_store %arg7[%swap3A_91], %broadcast_in_dim3A_1 {strides = array<i32>} : memref<768xf32, #tpu.memory_space<vmem>>, vector<16xf32>,
    %swap3A_93 = arith.constant 736 : index
    %swap3A_94 = tpu.vector_load %arg7[%swap3A_93] {strides = array<i32>} : memref<768xf32, #tpu.memory_space<vmem>>, vector<16xf32>,
    tpu.vector_store %arg7[%swap3A_93], %broadcast_in_dim3A_1 {strides = array<i32>} : memref<768xf32, #tpu.memory_space<vmem>>, vector<16xf32>,
    %swap3A_95 = arith.constant 752 : index
    %swap3A_96 = tpu.vector_load %arg7[%swap3A_95] {strides = array<i32>} : memref<768xf32, #tpu.memory_space<vmem>>, vector<16xf32>,
    tpu.vector_store %arg7[%swap3A_95], %broadcast_in_dim3A_1 {strides = array<i32>} : memref<768xf32, #tpu.memory_space<vmem>>, vector<16xf32>,
    %iota3A = tpu.iota {dimensions = array<i32: 0>} : vector<16xi32>
    %mul3A_97 = arith.constant 48 : i32
    %mul3A_98 = vector.broadcast %mul3A_97 : i32 to vector<16xi32>
    %mul3A_99 = arith.muli %iota3A, %mul3A_98 : vector<16xi32>
    %broadcast_in_dim3A_100 = arith.constant 1.000000e+00 : f32
    %broadcast_in_dim3A_101 = vector.broadcast %broadcast_in_dim3A_100 : f32 to vector<16xf32>
    %get3A = arith.constant 0 : index
    %get3A_102 = tpu.vector_load %arg5[%get3A] {strides = array<i32>} : memref<512xf32, #tpu.memory_space<vmem>>, vector<16xf32>,
    %get3A_103 = arith.constant 0 : index
    %get3A_104 = tpu.vector_load %arg6[%get3A_103] {strides = array<i32>} : memref<512xf32, #tpu.memory_space<vmem>>, vector<16xf32>,
    %mul3A_105 = arith.constant 1.500000e+01 : f32
    %mul3A_106 = vector.broadcast %mul3A_105 : f32 to vector<16xf32>
    %mul3A_107 = arith.mulf %get3A_102, %mul3A_106 : vector<16xf32>
    %convert_element_type3A = arith.fptosi %mul3A_107 : vector<16xf32> to vector<16xi32>
    %min3A = arith.constant 14 : i32
    %min3A_108 = vector.broadcast %min3A : i32 to vector<16xi32>
    %min3A_109 = arith.minsi %convert_element_type3A, %min3A_108 : vector<16xi32>
    %add3A = arith.addi %mul3A_99, %min3A_109 : vector<16xi32>
    tpu.vector_store_idx %arg7[%add3A], %broadcast_in_dim3A_101 {add = true} : memref<768xf32, #tpu.memory_space<vmem>>[vector<16xi32>], vector<16xf32>,
    %add3A_110 = arith.constant 16 : i32
    %add3A_111 = vector.broadcast %add3A_110 : i32 to vector<16xi32>
    %add3A_112 = arith.addi %min3A_109, %add3A_111 : vector<16xi32>
    %add3A_113 = arith.addi %mul3A_99, %add3A_112 : vector<16xi32>
    tpu.vector_store_idx %arg7[%add3A_113], %get3A_102 {add = true} : memref<768xf32, #tpu.memory_space<vmem>>[vector<16xi32>], vector<16xf32>,
    %add3A_114 = arith.constant 32 : i32
    %add3A_115 = vector.broadcast %add3A_114 : i32 to vector<16xi32>
    %add3A_116 = arith.addi %min3A_109, %add3A_115 : vector<16xi32>
    %add3A_117 = arith.addi %mul3A_99, %add3A_116 : vector<16xi32>
    tpu.vector_store_idx %arg7[%add3A_117], %get3A_104 {add = true} : memref<768xf32, #tpu.memory_space<vmem>>[vector<16xi32>], vector<16xf32>,
    %get3A_118 = arith.constant 16 : index
    %get3A_119 = tpu.vector_load %arg5[%get3A_118] {strides = array<i32>} : memref<512xf32, #tpu.memory_space<vmem>>, vector<16xf32>,
    %get3A_120 = arith.constant 16 : index
    %get3A_121 = tpu.vector_load %arg6[%get3A_120] {strides = array<i32>} : memref<512xf32, #tpu.memory_space<vmem>>, vector<16xf32>,
    %mul3A_122 = arith.constant 1.500000e+01 : f32
    %mul3A_123 = vector.broadcast %mul3A_122 : f32 to vector<16xf32>
    %mul3A_124 = arith.mulf %get3A_119, %mul3A_123 : vector<16xf32>
    %convert_element_type3A_125 = arith.fptosi %mul3A_124 : vector<16xf32> to vector<16xi32>
    %min3A_126 = arith.constant 14 : i32
    %min3A_127 = vector.broadcast %min3A_126 : i32 to vector<16xi32>
    %min3A_128 = arith.minsi %convert_element_type3A_125, %min3A_127 : vector<16xi32>
    %add3A_129 = arith.addi %mul3A_99, %min3A_128 : vector<16xi32>
    tpu.vector_store_idx %arg7[%add3A_129], %broadcast_in_dim3A_101 {add = true} : memref<768xf32, #tpu.memory_space<vmem>>[vector<16xi32>], vector<16xf32>,
    %add3A_130 = arith.constant 16 : i32
    %add3A_131 = vector.broadcast %add3A_130 : i32 to vector<16xi32>
    %add3A_132 = arith.addi %min3A_128, %add3A_131 : vector<16xi32>
    %add3A_133 = arith.addi %mul3A_99, %add3A_132 : vector<16xi32>
    tpu.vector_store_idx %arg7[%add3A_133], %get3A_119 {add = true} : memref<768xf32, #tpu.memory_space<vmem>>[vector<16xi32>], vector<16xf32>,
    %add3A_134 = arith.constant 32 : i32
    %add3A_135 = vector.broadcast %add3A_134 : i32 to vector<16xi32>
    %add3A_136 = arith.addi %min3A_128, %add3A_135 : vector<16xi32>
    %add3A_137 = arith.addi %mul3A_99, %add3A_136 : vector<16xi32>
    tpu.vector_store_idx %arg7[%add3A_137], %get3A_121 {add = true} : memref<768xf32, #tpu.memory_space<vmem>>[vector<16xi32>], vector<16xf32>,
    %get3A_138 = arith.constant 32 : index
    %get3A_139 = tpu.vector_load %arg5[%get3A_138] {strides = array<i32>} : memref<512xf32, #tpu.memory_space<vmem>>, vector<16xf32>,
    %get3A_140 = arith.constant 32 : index
    %get3A_141 = tpu.vector_load %arg6[%get3A_140] {strides = array<i32>} : memref<512xf32, #tpu.memory_space<vmem>>, vector<16xf32>,
    %mul3A_142 = arith.constant 1.500000e+01 : f32
    %mul3A_143 = vector.broadcast %mul3A_142 : f32 to vector<16xf32>
    %mul3A_144 = arith.mulf %get3A_139, %mul3A_143 : vector<16xf32>
    %convert_element_type3A_145 = arith.fptosi %mul3A_144 : vector<16xf32> to vector<16xi32>
    %min3A_146 = arith.constant 14 : i32
    %min3A_147 = vector.broadcast %min3A_146 : i32 to vector<16xi32>
    %min3A_148 = arith.minsi %convert_element_type3A_145, %min3A_147 : vector<16xi32>
    %add3A_149 = arith.addi %mul3A_99, %min3A_148 : vector<16xi32>
    tpu.vector_store_idx %arg7[%add3A_149], %broadcast_in_dim3A_101 {add = true} : memref<768xf32, #tpu.memory_space<vmem>>[vector<16xi32>], vector<16xf32>,
    %add3A_150 = arith.constant 16 : i32
    %add3A_151 = vector.broadcast %add3A_150 : i32 to vector<16xi32>
    %add3A_152 = arith.addi %min3A_148, %add3A_151 : vector<16xi32>
    %add3A_153 = arith.addi %mul3A_99, %add3A_152 : vector<16xi32>
    tpu.vector_store_idx %arg7[%add3A_153], %get3A_139 {add = true} : memref<768xf32, #tpu.memory_space<vmem>>[vector<16xi32>], vector<16xf32>,
    %add3A_154 = arith.constant 32 : i32
    %add3A_155 = vector.broadcast %add3A_154 : i32 to vector<16xi32>
    %add3A_156 = arith.addi %min3A_148, %add3A_155 : vector<16xi32>
    %add3A_157 = arith.addi %mul3A_99, %add3A_156 : vector<16xi32>
    tpu.vector_store_idx %arg7[%add3A_157], %get3A_141 {add = true} : memref<768xf32, #tpu.memory_space<vmem>>[vector<16xi32>], vector<16xf32>,
    %get3A_158 = arith.constant 48 : index
    %get3A_159 = tpu.vector_load %arg5[%get3A_158] {strides = array<i32>} : memref<512xf32, #tpu.memory_space<vmem>>, vector<16xf32>,
    %get3A_160 = arith.constant 48 : index
    %get3A_161 = tpu.vector_load %arg6[%get3A_160] {strides = array<i32>} : memref<512xf32, #tpu.memory_space<vmem>>, vector<16xf32>,
    %mul3A_162 = arith.constant 1.500000e+01 : f32
    %mul3A_163 = vector.broadcast %mul3A_162 : f32 to vector<16xf32>
    %mul3A_164 = arith.mulf %get3A_159, %mul3A_163 : vector<16xf32>
    %convert_element_type3A_165 = arith.fptosi %mul3A_164 : vector<16xf32> to vector<16xi32>
    %min3A_166 = arith.constant 14 : i32
    %min3A_167 = vector.broadcast %min3A_166 : i32 to vector<16xi32>
    %min3A_168 = arith.minsi %convert_element_type3A_165, %min3A_167 : vector<16xi32>
    %add3A_169 = arith.addi %mul3A_99, %min3A_168 : vector<16xi32>
    tpu.vector_store_idx %arg7[%add3A_169], %broadcast_in_dim3A_101 {add = true} : memref<768xf32, #tpu.memory_space<vmem>>[vector<16xi32>], vector<16xf32>,
    %add3A_170 = arith.constant 16 : i32
    %add3A_171 = vector.broadcast %add3A_170 : i32 to vector<16xi32>
    %add3A_172 = arith.addi %min3A_168, %add3A_171 : vector<16xi32>
    %add3A_173 = arith.addi %mul3A_99, %add3A_172 : vector<16xi32>
    tpu.vector_store_idx %arg7[%add3A_173], %get3A_159 {add = true} : memref<768xf32, #tpu.memory_space<vmem>>[vector<16xi32>], vector<16xf32>,
    %add3A_174 = arith.constant 32 : i32
    %add3A_175 = vector.broadcast %add3A_174 : i32 to vector<16xi32>
    %add3A_176 = arith.addi %min3A_168, %add3A_175 : vector<16xi32>
    %add3A_177 = arith.addi %mul3A_99, %add3A_176 : vector<16xi32>
    tpu.vector_store_idx %arg7[%add3A_177], %get3A_161 {add = true} : memref<768xf32, #tpu.memory_space<vmem>>[vector<16xi32>], vector<16xf32>,
    %get3A_178 = arith.constant 64 : index
    %get3A_179 = tpu.vector_load %arg5[%get3A_178] {strides = array<i32>} : memref<512xf32, #tpu.memory_space<vmem>>, vector<16xf32>,
    %get3A_180 = arith.constant 64 : index
    %get3A_181 = tpu.vector_load %arg6[%get3A_180] {strides = array<i32>} : memref<512xf32, #tpu.memory_space<vmem>>, vector<16xf32>,
    %mul3A_182 = arith.constant 1.500000e+01 : f32
    %mul3A_183 = vector.broadcast %mul3A_182 : f32 to vector<16xf32>
    %mul3A_184 = arith.mulf %get3A_179, %mul3A_183 : vector<16xf32>
    %convert_element_type3A_185 = arith.fptosi %mul3A_184 : vector<16xf32> to vector<16xi32>
    %min3A_186 = arith.constant 14 : i32
    %min3A_187 = vector.broadcast %min3A_186 : i32 to vector<16xi32>
    %min3A_188 = arith.minsi %convert_element_type3A_185, %min3A_187 : vector<16xi32>
    %add3A_189 = arith.addi %mul3A_99, %min3A_188 : vector<16xi32>
    tpu.vector_store_idx %arg7[%add3A_189], %broadcast_in_dim3A_101 {add = true} : memref<768xf32, #tpu.memory_space<vmem>>[vector<16xi32>], vector<16xf32>,
    %add3A_190 = arith.constant 16 : i32
    %add3A_191 = vector.broadcast %add3A_190 : i32 to vector<16xi32>
    %add3A_192 = arith.addi %min3A_188, %add3A_191 : vector<16xi32>
    %add3A_193 = arith.addi %mul3A_99, %add3A_192 : vector<16xi32>
    tpu.vector_store_idx %arg7[%add3A_193], %get3A_179 {add = true} : memref<768xf32, #tpu.memory_space<vmem>>[vector<16xi32>], vector<16xf32>,
    %add3A_194 = arith.constant 32 : i32
    %add3A_195 = vector.broadcast %add3A_194 : i32 to vector<16xi32>
    %add3A_196 = arith.addi %min3A_188, %add3A_195 : vector<16xi32>
    %add3A_197 = arith.addi %mul3A_99, %add3A_196 : vector<16xi32>
    tpu.vector_store_idx %arg7[%add3A_197], %get3A_181 {add = true} : memref<768xf32, #tpu.memory_space<vmem>>[vector<16xi32>], vector<16xf32>,
    %get3A_198 = arith.constant 80 : index
    %get3A_199 = tpu.vector_load %arg5[%get3A_198] {strides = array<i32>} : memref<512xf32, #tpu.memory_space<vmem>>, vector<16xf32>,
    %get3A_200 = arith.constant 80 : index
    %get3A_201 = tpu.vector_load %arg6[%get3A_200] {strides = array<i32>} : memref<512xf32, #tpu.memory_space<vmem>>, vector<16xf32>,
    %mul3A_202 = arith.constant 1.500000e+01 : f32
    %mul3A_203 = vector.broadcast %mul3A_202 : f32 to vector<16xf32>
    %mul3A_204 = arith.mulf %get3A_199, %mul3A_203 : vector<16xf32>
    %convert_element_type3A_205 = arith.fptosi %mul3A_204 : vector<16xf32> to vector<16xi32>
    %min3A_206 = arith.constant 14 : i32
    %min3A_207 = vector.broadcast %min3A_206 : i32 to vector<16xi32>
    %min3A_208 = arith.minsi %convert_element_type3A_205, %min3A_207 : vector<16xi32>
    %add3A_209 = arith.addi %mul3A_99, %min3A_208 : vector<16xi32>
    tpu.vector_store_idx %arg7[%add3A_209], %broadcast_in_dim3A_101 {add = true} : memref<768xf32, #tpu.memory_space<vmem>>[vector<16xi32>], vector<16xf32>,
    %add3A_210 = arith.constant 16 : i32
    %add3A_211 = vector.broadcast %add3A_210 : i32 to vector<16xi32>
    %add3A_212 = arith.addi %min3A_208, %add3A_211 : vector<16xi32>
    %add3A_213 = arith.addi %mul3A_99, %add3A_212 : vector<16xi32>
    tpu.vector_store_idx %arg7[%add3A_213], %get3A_199 {add = true} : memref<768xf32, #tpu.memory_space<vmem>>[vector<16xi32>], vector<16xf32>,
    %add3A_214 = arith.constant 32 : i32
    %add3A_215 = vector.broadcast %add3A_214 : i32 to vector<16xi32>
    %add3A_216 = arith.addi %min3A_208, %add3A_215 : vector<16xi32>
    %add3A_217 = arith.addi %mul3A_99, %add3A_216 : vector<16xi32>
    tpu.vector_store_idx %arg7[%add3A_217], %get3A_201 {add = true} : memref<768xf32, #tpu.memory_space<vmem>>[vector<16xi32>], vector<16xf32>,
    %get3A_218 = arith.constant 96 : index
    %get3A_219 = tpu.vector_load %arg5[%get3A_218] {strides = array<i32>} : memref<512xf32, #tpu.memory_space<vmem>>, vector<16xf32>,
    %get3A_220 = arith.constant 96 : index
    %get3A_221 = tpu.vector_load %arg6[%get3A_220] {strides = array<i32>} : memref<512xf32, #tpu.memory_space<vmem>>, vector<16xf32>,
    %mul3A_222 = arith.constant 1.500000e+01 : f32
    %mul3A_223 = vector.broadcast %mul3A_222 : f32 to vector<16xf32>
    %mul3A_224 = arith.mulf %get3A_219, %mul3A_223 : vector<16xf32>
    %convert_element_type3A_225 = arith.fptosi %mul3A_224 : vector<16xf32> to vector<16xi32>
    %min3A_226 = arith.constant 14 : i32
    %min3A_227 = vector.broadcast %min3A_226 : i32 to vector<16xi32>
    %min3A_228 = arith.minsi %convert_element_type3A_225, %min3A_227 : vector<16xi32>
    %add3A_229 = arith.addi %mul3A_99, %min3A_228 : vector<16xi32>
    tpu.vector_store_idx %arg7[%add3A_229], %broadcast_in_dim3A_101 {add = true} : memref<768xf32, #tpu.memory_space<vmem>>[vector<16xi32>], vector<16xf32>,
    %add3A_230 = arith.constant 16 : i32
    %add3A_231 = vector.broadcast %add3A_230 : i32 to vector<16xi32>
    %add3A_232 = arith.addi %min3A_228, %add3A_231 : vector<16xi32>
    %add3A_233 = arith.addi %mul3A_99, %add3A_232 : vector<16xi32>
    tpu.vector_store_idx %arg7[%add3A_233], %get3A_219 {add = true} : memref<768xf32, #tpu.memory_space<vmem>>[vector<16xi32>], vector<16xf32>,
    %add3A_234 = arith.constant 32 : i32
    %add3A_235 = vector.broadcast %add3A_234 : i32 to vector<16xi32>
    %add3A_236 = arith.addi %min3A_228, %add3A_235 : vector<16xi32>
    %add3A_237 = arith.addi %mul3A_99, %add3A_236 : vector<16xi32>
    tpu.vector_store_idx %arg7[%add3A_237], %get3A_221 {add = true} : memref<768xf32, #tpu.memory_space<vmem>>[vector<16xi32>], vector<16xf32>,
    %get3A_238 = arith.constant 112 : index
    %get3A_239 = tpu.vector_load %arg5[%get3A_238] {strides = array<i32>} : memref<512xf32, #tpu.memory_space<vmem>>, vector<16xf32>,
    %get3A_240 = arith.constant 112 : index
    %get3A_241 = tpu.vector_load %arg6[%get3A_240] {strides = array<i32>} : memref<512xf32, #tpu.memory_space<vmem>>, vector<16xf32>,
    %mul3A_242 = arith.constant 1.500000e+01 : f32
    %mul3A_243 = vector.broadcast %mul3A_242 : f32 to vector<16xf32>
    %mul3A_244 = arith.mulf %get3A_239, %mul3A_243 : vector<16xf32>
    %convert_element_type3A_245 = arith.fptosi %mul3A_244 : vector<16xf32> to vector<16xi32>
    %min3A_246 = arith.constant 14 : i32
    %min3A_247 = vector.broadcast %min3A_246 : i32 to vector<16xi32>
    %min3A_248 = arith.minsi %convert_element_type3A_245, %min3A_247 : vector<16xi32>
    %add3A_249 = arith.addi %mul3A_99, %min3A_248 : vector<16xi32>
    tpu.vector_store_idx %arg7[%add3A_249], %broadcast_in_dim3A_101 {add = true} : memref<768xf32, #tpu.memory_space<vmem>>[vector<16xi32>], vector<16xf32>,
    %add3A_250 = arith.constant 16 : i32
    %add3A_251 = vector.broadcast %add3A_250 : i32 to vector<16xi32>
    %add3A_252 = arith.addi %min3A_248, %add3A_251 : vector<16xi32>
    %add3A_253 = arith.addi %mul3A_99, %add3A_252 : vector<16xi32>
    tpu.vector_store_idx %arg7[%add3A_253], %get3A_239 {add = true} : memref<768xf32, #tpu.memory_space<vmem>>[vector<16xi32>], vector<16xf32>,
    %add3A_254 = arith.constant 32 : i32
    %add3A_255 = vector.broadcast %add3A_254 : i32 to vector<16xi32>
    %add3A_256 = arith.addi %min3A_248, %add3A_255 : vector<16xi32>
    %add3A_257 = arith.addi %mul3A_99, %add3A_256 : vector<16xi32>
    tpu.vector_store_idx %arg7[%add3A_257], %get3A_241 {add = true} : memref<768xf32, #tpu.memory_space<vmem>>[vector<16xi32>], vector<16xf32>,
    %get3A_258 = arith.constant 128 : index
    %get3A_259 = tpu.vector_load %arg5[%get3A_258] {strides = array<i32>} : memref<512xf32, #tpu.memory_space<vmem>>, vector<16xf32>,
    %get3A_260 = arith.constant 128 : index
    %get3A_261 = tpu.vector_load %arg6[%get3A_260] {strides = array<i32>} : memref<512xf32, #tpu.memory_space<vmem>>, vector<16xf32>,
    %mul3A_262 = arith.constant 1.500000e+01 : f32
    %mul3A_263 = vector.broadcast %mul3A_262 : f32 to vector<16xf32>
    %mul3A_264 = arith.mulf %get3A_259, %mul3A_263 : vector<16xf32>
    %convert_element_type3A_265 = arith.fptosi %mul3A_264 : vector<16xf32> to vector<16xi32>
    %min3A_266 = arith.constant 14 : i32
    %min3A_267 = vector.broadcast %min3A_266 : i32 to vector<16xi32>
    %min3A_268 = arith.minsi %convert_element_type3A_265, %min3A_267 : vector<16xi32>
    %add3A_269 = arith.addi %mul3A_99, %min3A_268 : vector<16xi32>
    tpu.vector_store_idx %arg7[%add3A_269], %broadcast_in_dim3A_101 {add = true} : memref<768xf32, #tpu.memory_space<vmem>>[vector<16xi32>], vector<16xf32>,
    %add3A_270 = arith.constant 16 : i32
    %add3A_271 = vector.broadcast %add3A_270 : i32 to vector<16xi32>
    %add3A_272 = arith.addi %min3A_268, %add3A_271 : vector<16xi32>
    %add3A_273 = arith.addi %mul3A_99, %add3A_272 : vector<16xi32>
    tpu.vector_store_idx %arg7[%add3A_273], %get3A_259 {add = true} : memref<768xf32, #tpu.memory_space<vmem>>[vector<16xi32>], vector<16xf32>,
    %add3A_274 = arith.constant 32 : i32
    %add3A_275 = vector.broadcast %add3A_274 : i32 to vector<16xi32>
    %add3A_276 = arith.addi %min3A_268, %add3A_275 : vector<16xi32>
    %add3A_277 = arith.addi %mul3A_99, %add3A_276 : vector<16xi32>
    tpu.vector_store_idx %arg7[%add3A_277], %get3A_261 {add = true} : memref<768xf32, #tpu.memory_space<vmem>>[vector<16xi32>], vector<16xf32>,
    %get3A_278 = arith.constant 144 : index
    %get3A_279 = tpu.vector_load %arg5[%get3A_278] {strides = array<i32>} : memref<512xf32, #tpu.memory_space<vmem>>, vector<16xf32>,
    %get3A_280 = arith.constant 144 : index
    %get3A_281 = tpu.vector_load %arg6[%get3A_280] {strides = array<i32>} : memref<512xf32, #tpu.memory_space<vmem>>, vector<16xf32>,
    %mul3A_282 = arith.constant 1.500000e+01 : f32
    %mul3A_283 = vector.broadcast %mul3A_282 : f32 to vector<16xf32>
    %mul3A_284 = arith.mulf %get3A_279, %mul3A_283 : vector<16xf32>
    %convert_element_type3A_285 = arith.fptosi %mul3A_284 : vector<16xf32> to vector<16xi32>
    %min3A_286 = arith.constant 14 : i32
    %min3A_287 = vector.broadcast %min3A_286 : i32 to vector<16xi32>
    %min3A_288 = arith.minsi %convert_element_type3A_285, %min3A_287 : vector<16xi32>
    %add3A_289 = arith.addi %mul3A_99, %min3A_288 : vector<16xi32>
    tpu.vector_store_idx %arg7[%add3A_289], %broadcast_in_dim3A_101 {add = true} : memref<768xf32, #tpu.memory_space<vmem>>[vector<16xi32>], vector<16xf32>,
    %add3A_290 = arith.constant 16 : i32
    %add3A_291 = vector.broadcast %add3A_290 : i32 to vector<16xi32>
    %add3A_292 = arith.addi %min3A_288, %add3A_291 : vector<16xi32>
    %add3A_293 = arith.addi %mul3A_99, %add3A_292 : vector<16xi32>
    tpu.vector_store_idx %arg7[%add3A_293], %get3A_279 {add = true} : memref<768xf32, #tpu.memory_space<vmem>>[vector<16xi32>], vector<16xf32>,
    %add3A_294 = arith.constant 32 : i32
    %add3A_295 = vector.broadcast %add3A_294 : i32 to vector<16xi32>
    %add3A_296 = arith.addi %min3A_288, %add3A_295 : vector<16xi32>
    %add3A_297 = arith.addi %mul3A_99, %add3A_296 : vector<16xi32>
    tpu.vector_store_idx %arg7[%add3A_297], %get3A_281 {add = true} : memref<768xf32, #tpu.memory_space<vmem>>[vector<16xi32>], vector<16xf32>,
    %get3A_298 = arith.constant 160 : index
    %get3A_299 = tpu.vector_load %arg5[%get3A_298] {strides = array<i32>} : memref<512xf32, #tpu.memory_space<vmem>>, vector<16xf32>,
    %get3A_300 = arith.constant 160 : index
    %get3A_301 = tpu.vector_load %arg6[%get3A_300] {strides = array<i32>} : memref<512xf32, #tpu.memory_space<vmem>>, vector<16xf32>,
    %mul3A_302 = arith.constant 1.500000e+01 : f32
    %mul3A_303 = vector.broadcast %mul3A_302 : f32 to vector<16xf32>
    %mul3A_304 = arith.mulf %get3A_299, %mul3A_303 : vector<16xf32>
    %convert_element_type3A_305 = arith.fptosi %mul3A_304 : vector<16xf32> to vector<16xi32>
    %min3A_306 = arith.constant 14 : i32
    %min3A_307 = vector.broadcast %min3A_306 : i32 to vector<16xi32>
    %min3A_308 = arith.minsi %convert_element_type3A_305, %min3A_307 : vector<16xi32>
    %add3A_309 = arith.addi %mul3A_99, %min3A_308 : vector<16xi32>
    tpu.vector_store_idx %arg7[%add3A_309], %broadcast_in_dim3A_101 {add = true} : memref<768xf32, #tpu.memory_space<vmem>>[vector<16xi32>], vector<16xf32>,
    %add3A_310 = arith.constant 16 : i32
    %add3A_311 = vector.broadcast %add3A_310 : i32 to vector<16xi32>
    %add3A_312 = arith.addi %min3A_308, %add3A_311 : vector<16xi32>
    %add3A_313 = arith.addi %mul3A_99, %add3A_312 : vector<16xi32>
    tpu.vector_store_idx %arg7[%add3A_313], %get3A_299 {add = true} : memref<768xf32, #tpu.memory_space<vmem>>[vector<16xi32>], vector<16xf32>,
    %add3A_314 = arith.constant 32 : i32
    %add3A_315 = vector.broadcast %add3A_314 : i32 to vector<16xi32>
    %add3A_316 = arith.addi %min3A_308, %add3A_315 : vector<16xi32>
    %add3A_317 = arith.addi %mul3A_99, %add3A_316 : vector<16xi32>
    tpu.vector_store_idx %arg7[%add3A_317], %get3A_301 {add = true} : memref<768xf32, #tpu.memory_space<vmem>>[vector<16xi32>], vector<16xf32>,
    %get3A_318 = arith.constant 176 : index
    %get3A_319 = tpu.vector_load %arg5[%get3A_318] {strides = array<i32>} : memref<512xf32, #tpu.memory_space<vmem>>, vector<16xf32>,
    %get3A_320 = arith.constant 176 : index
    %get3A_321 = tpu.vector_load %arg6[%get3A_320] {strides = array<i32>} : memref<512xf32, #tpu.memory_space<vmem>>, vector<16xf32>,
    %mul3A_322 = arith.constant 1.500000e+01 : f32
    %mul3A_323 = vector.broadcast %mul3A_322 : f32 to vector<16xf32>
    %mul3A_324 = arith.mulf %get3A_319, %mul3A_323 : vector<16xf32>
    %convert_element_type3A_325 = arith.fptosi %mul3A_324 : vector<16xf32> to vector<16xi32>
    %min3A_326 = arith.constant 14 : i32
    %min3A_327 = vector.broadcast %min3A_326 : i32 to vector<16xi32>
    %min3A_328 = arith.minsi %convert_element_type3A_325, %min3A_327 : vector<16xi32>
    %add3A_329 = arith.addi %mul3A_99, %min3A_328 : vector<16xi32>
    tpu.vector_store_idx %arg7[%add3A_329], %broadcast_in_dim3A_101 {add = true} : memref<768xf32, #tpu.memory_space<vmem>>[vector<16xi32>], vector<16xf32>,
    %add3A_330 = arith.constant 16 : i32
    %add3A_331 = vector.broadcast %add3A_330 : i32 to vector<16xi32>
    %add3A_332 = arith.addi %min3A_328, %add3A_331 : vector<16xi32>
    %add3A_333 = arith.addi %mul3A_99, %add3A_332 : vector<16xi32>
    tpu.vector_store_idx %arg7[%add3A_333], %get3A_319 {add = true} : memref<768xf32, #tpu.memory_space<vmem>>[vector<16xi32>], vector<16xf32>,
    %add3A_334 = arith.constant 32 : i32
    %add3A_335 = vector.broadcast %add3A_334 : i32 to vector<16xi32>
    %add3A_336 = arith.addi %min3A_328, %add3A_335 : vector<16xi32>
    %add3A_337 = arith.addi %mul3A_99, %add3A_336 : vector<16xi32>
    tpu.vector_store_idx %arg7[%add3A_337], %get3A_321 {add = true} : memref<768xf32, #tpu.memory_space<vmem>>[vector<16xi32>], vector<16xf32>,
    %get3A_338 = arith.constant 192 : index
    %get3A_339 = tpu.vector_load %arg5[%get3A_338] {strides = array<i32>} : memref<512xf32, #tpu.memory_space<vmem>>, vector<16xf32>,
    %get3A_340 = arith.constant 192 : index
    %get3A_341 = tpu.vector_load %arg6[%get3A_340] {strides = array<i32>} : memref<512xf32, #tpu.memory_space<vmem>>, vector<16xf32>,
    %mul3A_342 = arith.constant 1.500000e+01 : f32
    %mul3A_343 = vector.broadcast %mul3A_342 : f32 to vector<16xf32>
    %mul3A_344 = arith.mulf %get3A_339, %mul3A_343 : vector<16xf32>
    %convert_element_type3A_345 = arith.fptosi %mul3A_344 : vector<16xf32> to vector<16xi32>
    %min3A_346 = arith.constant 14 : i32
    %min3A_347 = vector.broadcast %min3A_346 : i32 to vector<16xi32>
    %min3A_348 = arith.minsi %convert_element_type3A_345, %min3A_347 : vector<16xi32>
    %add3A_349 = arith.addi %mul3A_99, %min3A_348 : vector<16xi32>
    tpu.vector_store_idx %arg7[%add3A_349], %broadcast_in_dim3A_101 {add = true} : memref<768xf32, #tpu.memory_space<vmem>>[vector<16xi32>], vector<16xf32>,
    %add3A_350 = arith.constant 16 : i32
    %add3A_351 = vector.broadcast %add3A_350 : i32 to vector<16xi32>
    %add3A_352 = arith.addi %min3A_348, %add3A_351 : vector<16xi32>
    %add3A_353 = arith.addi %mul3A_99, %add3A_352 : vector<16xi32>
    tpu.vector_store_idx %arg7[%add3A_353], %get3A_339 {add = true} : memref<768xf32, #tpu.memory_space<vmem>>[vector<16xi32>], vector<16xf32>,
    %add3A_354 = arith.constant 32 : i32
    %add3A_355 = vector.broadcast %add3A_354 : i32 to vector<16xi32>
    %add3A_356 = arith.addi %min3A_348, %add3A_355 : vector<16xi32>
    %add3A_357 = arith.addi %mul3A_99, %add3A_356 : vector<16xi32>
    tpu.vector_store_idx %arg7[%add3A_357], %get3A_341 {add = true} : memref<768xf32, #tpu.memory_space<vmem>>[vector<16xi32>], vector<16xf32>,
    %get3A_358 = arith.constant 208 : index
    %get3A_359 = tpu.vector_load %arg5[%get3A_358] {strides = array<i32>} : memref<512xf32, #tpu.memory_space<vmem>>, vector<16xf32>,
    %get3A_360 = arith.constant 208 : index
    %get3A_361 = tpu.vector_load %arg6[%get3A_360] {strides = array<i32>} : memref<512xf32, #tpu.memory_space<vmem>>, vector<16xf32>,
    %mul3A_362 = arith.constant 1.500000e+01 : f32
    %mul3A_363 = vector.broadcast %mul3A_362 : f32 to vector<16xf32>
    %mul3A_364 = arith.mulf %get3A_359, %mul3A_363 : vector<16xf32>
    %convert_element_type3A_365 = arith.fptosi %mul3A_364 : vector<16xf32> to vector<16xi32>
    %min3A_366 = arith.constant 14 : i32
    %min3A_367 = vector.broadcast %min3A_366 : i32 to vector<16xi32>
    %min3A_368 = arith.minsi %convert_element_type3A_365, %min3A_367 : vector<16xi32>
    %add3A_369 = arith.addi %mul3A_99, %min3A_368 : vector<16xi32>
    tpu.vector_store_idx %arg7[%add3A_369], %broadcast_in_dim3A_101 {add = true} : memref<768xf32, #tpu.memory_space<vmem>>[vector<16xi32>], vector<16xf32>,
    %add3A_370 = arith.constant 16 : i32
    %add3A_371 = vector.broadcast %add3A_370 : i32 to vector<16xi32>
    %add3A_372 = arith.addi %min3A_368, %add3A_371 : vector<16xi32>
    %add3A_373 = arith.addi %mul3A_99, %add3A_372 : vector<16xi32>
    tpu.vector_store_idx %arg7[%add3A_373], %get3A_359 {add = true} : memref<768xf32, #tpu.memory_space<vmem>>[vector<16xi32>], vector<16xf32>,
    %add3A_374 = arith.constant 32 : i32
    %add3A_375 = vector.broadcast %add3A_374 : i32 to vector<16xi32>
    %add3A_376 = arith.addi %min3A_368, %add3A_375 : vector<16xi32>
    %add3A_377 = arith.addi %mul3A_99, %add3A_376 : vector<16xi32>
    tpu.vector_store_idx %arg7[%add3A_377], %get3A_361 {add = true} : memref<768xf32, #tpu.memory_space<vmem>>[vector<16xi32>], vector<16xf32>,
    %get3A_378 = arith.constant 224 : index
    %get3A_379 = tpu.vector_load %arg5[%get3A_378] {strides = array<i32>} : memref<512xf32, #tpu.memory_space<vmem>>, vector<16xf32>,
    %get3A_380 = arith.constant 224 : index
    %get3A_381 = tpu.vector_load %arg6[%get3A_380] {strides = array<i32>} : memref<512xf32, #tpu.memory_space<vmem>>, vector<16xf32>,
    %mul3A_382 = arith.constant 1.500000e+01 : f32
    %mul3A_383 = vector.broadcast %mul3A_382 : f32 to vector<16xf32>
    %mul3A_384 = arith.mulf %get3A_379, %mul3A_383 : vector<16xf32>
    %convert_element_type3A_385 = arith.fptosi %mul3A_384 : vector<16xf32> to vector<16xi32>
    %min3A_386 = arith.constant 14 : i32
    %min3A_387 = vector.broadcast %min3A_386 : i32 to vector<16xi32>
    %min3A_388 = arith.minsi %convert_element_type3A_385, %min3A_387 : vector<16xi32>
    %add3A_389 = arith.addi %mul3A_99, %min3A_388 : vector<16xi32>
    tpu.vector_store_idx %arg7[%add3A_389], %broadcast_in_dim3A_101 {add = true} : memref<768xf32, #tpu.memory_space<vmem>>[vector<16xi32>], vector<16xf32>,
    %add3A_390 = arith.constant 16 : i32
    %add3A_391 = vector.broadcast %add3A_390 : i32 to vector<16xi32>
    %add3A_392 = arith.addi %min3A_388, %add3A_391 : vector<16xi32>
    %add3A_393 = arith.addi %mul3A_99, %add3A_392 : vector<16xi32>
    tpu.vector_store_idx %arg7[%add3A_393], %get3A_379 {add = true} : memref<768xf32, #tpu.memory_space<vmem>>[vector<16xi32>], vector<16xf32>,
    %add3A_394 = arith.constant 32 : i32
    %add3A_395 = vector.broadcast %add3A_394 : i32 to vector<16xi32>
    %add3A_396 = arith.addi %min3A_388, %add3A_395 : vector<16xi32>
    %add3A_397 = arith.addi %mul3A_99, %add3A_396 : vector<16xi32>
    tpu.vector_store_idx %arg7[%add3A_397], %get3A_381 {add = true} : memref<768xf32, #tpu.memory_space<vmem>>[vector<16xi32>], vector<16xf32>,
    %get3A_398 = arith.constant 240 : index
    %get3A_399 = tpu.vector_load %arg5[%get3A_398] {strides = array<i32>} : memref<512xf32, #tpu.memory_space<vmem>>, vector<16xf32>,
    %get3A_400 = arith.constant 240 : index
    %get3A_401 = tpu.vector_load %arg6[%get3A_400] {strides = array<i32>} : memref<512xf32, #tpu.memory_space<vmem>>, vector<16xf32>,
    %mul3A_402 = arith.constant 1.500000e+01 : f32
    %mul3A_403 = vector.broadcast %mul3A_402 : f32 to vector<16xf32>
    %mul3A_404 = arith.mulf %get3A_399, %mul3A_403 : vector<16xf32>
    %convert_element_type3A_405 = arith.fptosi %mul3A_404 : vector<16xf32> to vector<16xi32>
    %min3A_406 = arith.constant 14 : i32
    %min3A_407 = vector.broadcast %min3A_406 : i32 to vector<16xi32>
    %min3A_408 = arith.minsi %convert_element_type3A_405, %min3A_407 : vector<16xi32>
    %add3A_409 = arith.addi %mul3A_99, %min3A_408 : vector<16xi32>
    tpu.vector_store_idx %arg7[%add3A_409], %broadcast_in_dim3A_101 {add = true} : memref<768xf32, #tpu.memory_space<vmem>>[vector<16xi32>], vector<16xf32>,
    %add3A_410 = arith.constant 16 : i32
    %add3A_411 = vector.broadcast %add3A_410 : i32 to vector<16xi32>
    %add3A_412 = arith.addi %min3A_408, %add3A_411 : vector<16xi32>
    %add3A_413 = arith.addi %mul3A_99, %add3A_412 : vector<16xi32>
    tpu.vector_store_idx %arg7[%add3A_413], %get3A_399 {add = true} : memref<768xf32, #tpu.memory_space<vmem>>[vector<16xi32>], vector<16xf32>,
    %add3A_414 = arith.constant 32 : i32
    %add3A_415 = vector.broadcast %add3A_414 : i32 to vector<16xi32>
    %add3A_416 = arith.addi %min3A_408, %add3A_415 : vector<16xi32>
    %add3A_417 = arith.addi %mul3A_99, %add3A_416 : vector<16xi32>
    tpu.vector_store_idx %arg7[%add3A_417], %get3A_401 {add = true} : memref<768xf32, #tpu.memory_space<vmem>>[vector<16xi32>], vector<16xf32>,
    %get3A_418 = arith.constant 256 : index
    %get3A_419 = tpu.vector_load %arg5[%get3A_418] {strides = array<i32>} : memref<512xf32, #tpu.memory_space<vmem>>, vector<16xf32>,
    %get3A_420 = arith.constant 256 : index
    %get3A_421 = tpu.vector_load %arg6[%get3A_420] {strides = array<i32>} : memref<512xf32, #tpu.memory_space<vmem>>, vector<16xf32>,
    %mul3A_422 = arith.constant 1.500000e+01 : f32
    %mul3A_423 = vector.broadcast %mul3A_422 : f32 to vector<16xf32>
    %mul3A_424 = arith.mulf %get3A_419, %mul3A_423 : vector<16xf32>
    %convert_element_type3A_425 = arith.fptosi %mul3A_424 : vector<16xf32> to vector<16xi32>
    %min3A_426 = arith.constant 14 : i32
    %min3A_427 = vector.broadcast %min3A_426 : i32 to vector<16xi32>
    %min3A_428 = arith.minsi %convert_element_type3A_425, %min3A_427 : vector<16xi32>
    %add3A_429 = arith.addi %mul3A_99, %min3A_428 : vector<16xi32>
    tpu.vector_store_idx %arg7[%add3A_429], %broadcast_in_dim3A_101 {add = true} : memref<768xf32, #tpu.memory_space<vmem>>[vector<16xi32>], vector<16xf32>,
    %add3A_430 = arith.constant 16 : i32
    %add3A_431 = vector.broadcast %add3A_430 : i32 to vector<16xi32>
    %add3A_432 = arith.addi %min3A_428, %add3A_431 : vector<16xi32>
    %add3A_433 = arith.addi %mul3A_99, %add3A_432 : vector<16xi32>
    tpu.vector_store_idx %arg7[%add3A_433], %get3A_419 {add = true} : memref<768xf32, #tpu.memory_space<vmem>>[vector<16xi32>], vector<16xf32>,
    %add3A_434 = arith.constant 32 : i32
    %add3A_435 = vector.broadcast %add3A_434 : i32 to vector<16xi32>
    %add3A_436 = arith.addi %min3A_428, %add3A_435 : vector<16xi32>
    %add3A_437 = arith.addi %mul3A_99, %add3A_436 : vector<16xi32>
    tpu.vector_store_idx %arg7[%add3A_437], %get3A_421 {add = true} : memref<768xf32, #tpu.memory_space<vmem>>[vector<16xi32>], vector<16xf32>,
    %get3A_438 = arith.constant 272 : index
    %get3A_439 = tpu.vector_load %arg5[%get3A_438] {strides = array<i32>} : memref<512xf32, #tpu.memory_space<vmem>>, vector<16xf32>,
    %get3A_440 = arith.constant 272 : index
    %get3A_441 = tpu.vector_load %arg6[%get3A_440] {strides = array<i32>} : memref<512xf32, #tpu.memory_space<vmem>>, vector<16xf32>,
    %mul3A_442 = arith.constant 1.500000e+01 : f32
    %mul3A_443 = vector.broadcast %mul3A_442 : f32 to vector<16xf32>
    %mul3A_444 = arith.mulf %get3A_439, %mul3A_443 : vector<16xf32>
    %convert_element_type3A_445 = arith.fptosi %mul3A_444 : vector<16xf32> to vector<16xi32>
    %min3A_446 = arith.constant 14 : i32
    %min3A_447 = vector.broadcast %min3A_446 : i32 to vector<16xi32>
    %min3A_448 = arith.minsi %convert_element_type3A_445, %min3A_447 : vector<16xi32>
    %add3A_449 = arith.addi %mul3A_99, %min3A_448 : vector<16xi32>
    tpu.vector_store_idx %arg7[%add3A_449], %broadcast_in_dim3A_101 {add = true} : memref<768xf32, #tpu.memory_space<vmem>>[vector<16xi32>], vector<16xf32>,
    %add3A_450 = arith.constant 16 : i32
    %add3A_451 = vector.broadcast %add3A_450 : i32 to vector<16xi32>
    %add3A_452 = arith.addi %min3A_448, %add3A_451 : vector<16xi32>
    %add3A_453 = arith.addi %mul3A_99, %add3A_452 : vector<16xi32>
    tpu.vector_store_idx %arg7[%add3A_453], %get3A_439 {add = true} : memref<768xf32, #tpu.memory_space<vmem>>[vector<16xi32>], vector<16xf32>,
    %add3A_454 = arith.constant 32 : i32
    %add3A_455 = vector.broadcast %add3A_454 : i32 to vector<16xi32>
    %add3A_456 = arith.addi %min3A_448, %add3A_455 : vector<16xi32>
    %add3A_457 = arith.addi %mul3A_99, %add3A_456 : vector<16xi32>
    tpu.vector_store_idx %arg7[%add3A_457], %get3A_441 {add = true} : memref<768xf32, #tpu.memory_space<vmem>>[vector<16xi32>], vector<16xf32>,
    %get3A_458 = arith.constant 288 : index
    %get3A_459 = tpu.vector_load %arg5[%get3A_458] {strides = array<i32>} : memref<512xf32, #tpu.memory_space<vmem>>, vector<16xf32>,
    %get3A_460 = arith.constant 288 : index
    %get3A_461 = tpu.vector_load %arg6[%get3A_460] {strides = array<i32>} : memref<512xf32, #tpu.memory_space<vmem>>, vector<16xf32>,
    %mul3A_462 = arith.constant 1.500000e+01 : f32
    %mul3A_463 = vector.broadcast %mul3A_462 : f32 to vector<16xf32>
    %mul3A_464 = arith.mulf %get3A_459, %mul3A_463 : vector<16xf32>
    %convert_element_type3A_465 = arith.fptosi %mul3A_464 : vector<16xf32> to vector<16xi32>
    %min3A_466 = arith.constant 14 : i32
    %min3A_467 = vector.broadcast %min3A_466 : i32 to vector<16xi32>
    %min3A_468 = arith.minsi %convert_element_type3A_465, %min3A_467 : vector<16xi32>
    %add3A_469 = arith.addi %mul3A_99, %min3A_468 : vector<16xi32>
    tpu.vector_store_idx %arg7[%add3A_469], %broadcast_in_dim3A_101 {add = true} : memref<768xf32, #tpu.memory_space<vmem>>[vector<16xi32>], vector<16xf32>,
    %add3A_470 = arith.constant 16 : i32
    %add3A_471 = vector.broadcast %add3A_470 : i32 to vector<16xi32>
    %add3A_472 = arith.addi %min3A_468, %add3A_471 : vector<16xi32>
    %add3A_473 = arith.addi %mul3A_99, %add3A_472 : vector<16xi32>
    tpu.vector_store_idx %arg7[%add3A_473], %get3A_459 {add = true} : memref<768xf32, #tpu.memory_space<vmem>>[vector<16xi32>], vector<16xf32>,
    %add3A_474 = arith.constant 32 : i32
    %add3A_475 = vector.broadcast %add3A_474 : i32 to vector<16xi32>
    %add3A_476 = arith.addi %min3A_468, %add3A_475 : vector<16xi32>
    %add3A_477 = arith.addi %mul3A_99, %add3A_476 : vector<16xi32>
    tpu.vector_store_idx %arg7[%add3A_477], %get3A_461 {add = true} : memref<768xf32, #tpu.memory_space<vmem>>[vector<16xi32>], vector<16xf32>,
    %get3A_478 = arith.constant 304 : index
    %get3A_479 = tpu.vector_load %arg5[%get3A_478] {strides = array<i32>} : memref<512xf32, #tpu.memory_space<vmem>>, vector<16xf32>,
    %get3A_480 = arith.constant 304 : index
    %get3A_481 = tpu.vector_load %arg6[%get3A_480] {strides = array<i32>} : memref<512xf32, #tpu.memory_space<vmem>>, vector<16xf32>,
    %mul3A_482 = arith.constant 1.500000e+01 : f32
    %mul3A_483 = vector.broadcast %mul3A_482 : f32 to vector<16xf32>
    %mul3A_484 = arith.mulf %get3A_479, %mul3A_483 : vector<16xf32>
    %convert_element_type3A_485 = arith.fptosi %mul3A_484 : vector<16xf32> to vector<16xi32>
    %min3A_486 = arith.constant 14 : i32
    %min3A_487 = vector.broadcast %min3A_486 : i32 to vector<16xi32>
    %min3A_488 = arith.minsi %convert_element_type3A_485, %min3A_487 : vector<16xi32>
    %add3A_489 = arith.addi %mul3A_99, %min3A_488 : vector<16xi32>
    tpu.vector_store_idx %arg7[%add3A_489], %broadcast_in_dim3A_101 {add = true} : memref<768xf32, #tpu.memory_space<vmem>>[vector<16xi32>], vector<16xf32>,
    %add3A_490 = arith.constant 16 : i32
    %add3A_491 = vector.broadcast %add3A_490 : i32 to vector<16xi32>
    %add3A_492 = arith.addi %min3A_488, %add3A_491 : vector<16xi32>
    %add3A_493 = arith.addi %mul3A_99, %add3A_492 : vector<16xi32>
    tpu.vector_store_idx %arg7[%add3A_493], %get3A_479 {add = true} : memref<768xf32, #tpu.memory_space<vmem>>[vector<16xi32>], vector<16xf32>,
    %add3A_494 = arith.constant 32 : i32
    %add3A_495 = vector.broadcast %add3A_494 : i32 to vector<16xi32>
    %add3A_496 = arith.addi %min3A_488, %add3A_495 : vector<16xi32>
    %add3A_497 = arith.addi %mul3A_99, %add3A_496 : vector<16xi32>
    tpu.vector_store_idx %arg7[%add3A_497], %get3A_481 {add = true} : memref<768xf32, #tpu.memory_space<vmem>>[vector<16xi32>], vector<16xf32>,
    %get3A_498 = arith.constant 320 : index
    %get3A_499 = tpu.vector_load %arg5[%get3A_498] {strides = array<i32>} : memref<512xf32, #tpu.memory_space<vmem>>, vector<16xf32>,
    %get3A_500 = arith.constant 320 : index
    %get3A_501 = tpu.vector_load %arg6[%get3A_500] {strides = array<i32>} : memref<512xf32, #tpu.memory_space<vmem>>, vector<16xf32>,
    %mul3A_502 = arith.constant 1.500000e+01 : f32
    %mul3A_503 = vector.broadcast %mul3A_502 : f32 to vector<16xf32>
    %mul3A_504 = arith.mulf %get3A_499, %mul3A_503 : vector<16xf32>
    %convert_element_type3A_505 = arith.fptosi %mul3A_504 : vector<16xf32> to vector<16xi32>
    %min3A_506 = arith.constant 14 : i32
    %min3A_507 = vector.broadcast %min3A_506 : i32 to vector<16xi32>
    %min3A_508 = arith.minsi %convert_element_type3A_505, %min3A_507 : vector<16xi32>
    %add3A_509 = arith.addi %mul3A_99, %min3A_508 : vector<16xi32>
    tpu.vector_store_idx %arg7[%add3A_509], %broadcast_in_dim3A_101 {add = true} : memref<768xf32, #tpu.memory_space<vmem>>[vector<16xi32>], vector<16xf32>,
    %add3A_510 = arith.constant 16 : i32
    %add3A_511 = vector.broadcast %add3A_510 : i32 to vector<16xi32>
    %add3A_512 = arith.addi %min3A_508, %add3A_511 : vector<16xi32>
    %add3A_513 = arith.addi %mul3A_99, %add3A_512 : vector<16xi32>
    tpu.vector_store_idx %arg7[%add3A_513], %get3A_499 {add = true} : memref<768xf32, #tpu.memory_space<vmem>>[vector<16xi32>], vector<16xf32>,
    %add3A_514 = arith.constant 32 : i32
    %add3A_515 = vector.broadcast %add3A_514 : i32 to vector<16xi32>
    %add3A_516 = arith.addi %min3A_508, %add3A_515 : vector<16xi32>
    %add3A_517 = arith.addi %mul3A_99, %add3A_516 : vector<16xi32>
    tpu.vector_store_idx %arg7[%add3A_517], %get3A_501 {add = true} : memref<768xf32, #tpu.memory_space<vmem>>[vector<16xi32>], vector<16xf32>,
    %get3A_518 = arith.constant 336 : index
    %get3A_519 = tpu.vector_load %arg5[%get3A_518] {strides = array<i32>} : memref<512xf32, #tpu.memory_space<vmem>>, vector<16xf32>,
    %get3A_520 = arith.constant 336 : index
    %get3A_521 = tpu.vector_load %arg6[%get3A_520] {strides = array<i32>} : memref<512xf32, #tpu.memory_space<vmem>>, vector<16xf32>,
    %mul3A_522 = arith.constant 1.500000e+01 : f32
    %mul3A_523 = vector.broadcast %mul3A_522 : f32 to vector<16xf32>
    %mul3A_524 = arith.mulf %get3A_519, %mul3A_523 : vector<16xf32>
    %convert_element_type3A_525 = arith.fptosi %mul3A_524 : vector<16xf32> to vector<16xi32>
    %min3A_526 = arith.constant 14 : i32
    %min3A_527 = vector.broadcast %min3A_526 : i32 to vector<16xi32>
    %min3A_528 = arith.minsi %convert_element_type3A_525, %min3A_527 : vector<16xi32>
    %add3A_529 = arith.addi %mul3A_99, %min3A_528 : vector<16xi32>
    tpu.vector_store_idx %arg7[%add3A_529], %broadcast_in_dim3A_101 {add = true} : memref<768xf32, #tpu.memory_space<vmem>>[vector<16xi32>], vector<16xf32>,
    %add3A_530 = arith.constant 16 : i32
    %add3A_531 = vector.broadcast %add3A_530 : i32 to vector<16xi32>
    %add3A_532 = arith.addi %min3A_528, %add3A_531 : vector<16xi32>
    %add3A_533 = arith.addi %mul3A_99, %add3A_532 : vector<16xi32>
    tpu.vector_store_idx %arg7[%add3A_533], %get3A_519 {add = true} : memref<768xf32, #tpu.memory_space<vmem>>[vector<16xi32>], vector<16xf32>,
    %add3A_534 = arith.constant 32 : i32
    %add3A_535 = vector.broadcast %add3A_534 : i32 to vector<16xi32>
    %add3A_536 = arith.addi %min3A_528, %add3A_535 : vector<16xi32>
    %add3A_537 = arith.addi %mul3A_99, %add3A_536 : vector<16xi32>
    tpu.vector_store_idx %arg7[%add3A_537], %get3A_521 {add = true} : memref<768xf32, #tpu.memory_space<vmem>>[vector<16xi32>], vector<16xf32>,
    %get3A_538 = arith.constant 352 : index
    %get3A_539 = tpu.vector_load %arg5[%get3A_538] {strides = array<i32>} : memref<512xf32, #tpu.memory_space<vmem>>, vector<16xf32>,
    %get3A_540 = arith.constant 352 : index
    %get3A_541 = tpu.vector_load %arg6[%get3A_540] {strides = array<i32>} : memref<512xf32, #tpu.memory_space<vmem>>, vector<16xf32>,
    %mul3A_542 = arith.constant 1.500000e+01 : f32
    %mul3A_543 = vector.broadcast %mul3A_542 : f32 to vector<16xf32>
    %mul3A_544 = arith.mulf %get3A_539, %mul3A_543 : vector<16xf32>
    %convert_element_type3A_545 = arith.fptosi %mul3A_544 : vector<16xf32> to vector<16xi32>
    %min3A_546 = arith.constant 14 : i32
    %min3A_547 = vector.broadcast %min3A_546 : i32 to vector<16xi32>
    %min3A_548 = arith.minsi %convert_element_type3A_545, %min3A_547 : vector<16xi32>
    %add3A_549 = arith.addi %mul3A_99, %min3A_548 : vector<16xi32>
    tpu.vector_store_idx %arg7[%add3A_549], %broadcast_in_dim3A_101 {add = true} : memref<768xf32, #tpu.memory_space<vmem>>[vector<16xi32>], vector<16xf32>,
    %add3A_550 = arith.constant 16 : i32
    %add3A_551 = vector.broadcast %add3A_550 : i32 to vector<16xi32>
    %add3A_552 = arith.addi %min3A_548, %add3A_551 : vector<16xi32>
    %add3A_553 = arith.addi %mul3A_99, %add3A_552 : vector<16xi32>
    tpu.vector_store_idx %arg7[%add3A_553], %get3A_539 {add = true} : memref<768xf32, #tpu.memory_space<vmem>>[vector<16xi32>], vector<16xf32>,
    %add3A_554 = arith.constant 32 : i32
    %add3A_555 = vector.broadcast %add3A_554 : i32 to vector<16xi32>
    %add3A_556 = arith.addi %min3A_548, %add3A_555 : vector<16xi32>
    %add3A_557 = arith.addi %mul3A_99, %add3A_556 : vector<16xi32>
    tpu.vector_store_idx %arg7[%add3A_557], %get3A_541 {add = true} : memref<768xf32, #tpu.memory_space<vmem>>[vector<16xi32>], vector<16xf32>,
    %get3A_558 = arith.constant 368 : index
    %get3A_559 = tpu.vector_load %arg5[%get3A_558] {strides = array<i32>} : memref<512xf32, #tpu.memory_space<vmem>>, vector<16xf32>,
    %get3A_560 = arith.constant 368 : index
    %get3A_561 = tpu.vector_load %arg6[%get3A_560] {strides = array<i32>} : memref<512xf32, #tpu.memory_space<vmem>>, vector<16xf32>,
    %mul3A_562 = arith.constant 1.500000e+01 : f32
    %mul3A_563 = vector.broadcast %mul3A_562 : f32 to vector<16xf32>
    %mul3A_564 = arith.mulf %get3A_559, %mul3A_563 : vector<16xf32>
    %convert_element_type3A_565 = arith.fptosi %mul3A_564 : vector<16xf32> to vector<16xi32>
    %min3A_566 = arith.constant 14 : i32
    %min3A_567 = vector.broadcast %min3A_566 : i32 to vector<16xi32>
    %min3A_568 = arith.minsi %convert_element_type3A_565, %min3A_567 : vector<16xi32>
    %add3A_569 = arith.addi %mul3A_99, %min3A_568 : vector<16xi32>
    tpu.vector_store_idx %arg7[%add3A_569], %broadcast_in_dim3A_101 {add = true} : memref<768xf32, #tpu.memory_space<vmem>>[vector<16xi32>], vector<16xf32>,
    %add3A_570 = arith.constant 16 : i32
    %add3A_571 = vector.broadcast %add3A_570 : i32 to vector<16xi32>
    %add3A_572 = arith.addi %min3A_568, %add3A_571 : vector<16xi32>
    %add3A_573 = arith.addi %mul3A_99, %add3A_572 : vector<16xi32>
    tpu.vector_store_idx %arg7[%add3A_573], %get3A_559 {add = true} : memref<768xf32, #tpu.memory_space<vmem>>[vector<16xi32>], vector<16xf32>,
    %add3A_574 = arith.constant 32 : i32
    %add3A_575 = vector.broadcast %add3A_574 : i32 to vector<16xi32>
    %add3A_576 = arith.addi %min3A_568, %add3A_575 : vector<16xi32>
    %add3A_577 = arith.addi %mul3A_99, %add3A_576 : vector<16xi32>
    tpu.vector_store_idx %arg7[%add3A_577], %get3A_561 {add = true} : memref<768xf32, #tpu.memory_space<vmem>>[vector<16xi32>], vector<16xf32>,
    %get3A_578 = arith.constant 384 : index
    %get3A_579 = tpu.vector_load %arg5[%get3A_578] {strides = array<i32>} : memref<512xf32, #tpu.memory_space<vmem>>, vector<16xf32>,
    %get3A_580 = arith.constant 384 : index
    %get3A_581 = tpu.vector_load %arg6[%get3A_580] {strides = array<i32>} : memref<512xf32, #tpu.memory_space<vmem>>, vector<16xf32>,
    %mul3A_582 = arith.constant 1.500000e+01 : f32
    %mul3A_583 = vector.broadcast %mul3A_582 : f32 to vector<16xf32>
    %mul3A_584 = arith.mulf %get3A_579, %mul3A_583 : vector<16xf32>
    %convert_element_type3A_585 = arith.fptosi %mul3A_584 : vector<16xf32> to vector<16xi32>
    %min3A_586 = arith.constant 14 : i32
    %min3A_587 = vector.broadcast %min3A_586 : i32 to vector<16xi32>
    %min3A_588 = arith.minsi %convert_element_type3A_585, %min3A_587 : vector<16xi32>
    %add3A_589 = arith.addi %mul3A_99, %min3A_588 : vector<16xi32>
    tpu.vector_store_idx %arg7[%add3A_589], %broadcast_in_dim3A_101 {add = true} : memref<768xf32, #tpu.memory_space<vmem>>[vector<16xi32>], vector<16xf32>,
    %add3A_590 = arith.constant 16 : i32
    %add3A_591 = vector.broadcast %add3A_590 : i32 to vector<16xi32>
    %add3A_592 = arith.addi %min3A_588, %add3A_591 : vector<16xi32>
    %add3A_593 = arith.addi %mul3A_99, %add3A_592 : vector<16xi32>
    tpu.vector_store_idx %arg7[%add3A_593], %get3A_579 {add = true} : memref<768xf32, #tpu.memory_space<vmem>>[vector<16xi32>], vector<16xf32>,
    %add3A_594 = arith.constant 32 : i32
    %add3A_595 = vector.broadcast %add3A_594 : i32 to vector<16xi32>
    %add3A_596 = arith.addi %min3A_588, %add3A_595 : vector<16xi32>
    %add3A_597 = arith.addi %mul3A_99, %add3A_596 : vector<16xi32>
    tpu.vector_store_idx %arg7[%add3A_597], %get3A_581 {add = true} : memref<768xf32, #tpu.memory_space<vmem>>[vector<16xi32>], vector<16xf32>,
    %get3A_598 = arith.constant 400 : index
    %get3A_599 = tpu.vector_load %arg5[%get3A_598] {strides = array<i32>} : memref<512xf32, #tpu.memory_space<vmem>>, vector<16xf32>,
    %get3A_600 = arith.constant 400 : index
    %get3A_601 = tpu.vector_load %arg6[%get3A_600] {strides = array<i32>} : memref<512xf32, #tpu.memory_space<vmem>>, vector<16xf32>,
    %mul3A_602 = arith.constant 1.500000e+01 : f32
    %mul3A_603 = vector.broadcast %mul3A_602 : f32 to vector<16xf32>
    %mul3A_604 = arith.mulf %get3A_599, %mul3A_603 : vector<16xf32>
    %convert_element_type3A_605 = arith.fptosi %mul3A_604 : vector<16xf32> to vector<16xi32>
    %min3A_606 = arith.constant 14 : i32
    %min3A_607 = vector.broadcast %min3A_606 : i32 to vector<16xi32>
    %min3A_608 = arith.minsi %convert_element_type3A_605, %min3A_607 : vector<16xi32>
    %add3A_609 = arith.addi %mul3A_99, %min3A_608 : vector<16xi32>
    tpu.vector_store_idx %arg7[%add3A_609], %broadcast_in_dim3A_101 {add = true} : memref<768xf32, #tpu.memory_space<vmem>>[vector<16xi32>], vector<16xf32>,
    %add3A_610 = arith.constant 16 : i32
    %add3A_611 = vector.broadcast %add3A_610 : i32 to vector<16xi32>
    %add3A_612 = arith.addi %min3A_608, %add3A_611 : vector<16xi32>
    %add3A_613 = arith.addi %mul3A_99, %add3A_612 : vector<16xi32>
    tpu.vector_store_idx %arg7[%add3A_613], %get3A_599 {add = true} : memref<768xf32, #tpu.memory_space<vmem>>[vector<16xi32>], vector<16xf32>,
    %add3A_614 = arith.constant 32 : i32
    %add3A_615 = vector.broadcast %add3A_614 : i32 to vector<16xi32>
    %add3A_616 = arith.addi %min3A_608, %add3A_615 : vector<16xi32>
    %add3A_617 = arith.addi %mul3A_99, %add3A_616 : vector<16xi32>
    tpu.vector_store_idx %arg7[%add3A_617], %get3A_601 {add = true} : memref<768xf32, #tpu.memory_space<vmem>>[vector<16xi32>], vector<16xf32>,
    %get3A_618 = arith.constant 416 : index
    %get3A_619 = tpu.vector_load %arg5[%get3A_618] {strides = array<i32>} : memref<512xf32, #tpu.memory_space<vmem>>, vector<16xf32>,
    %get3A_620 = arith.constant 416 : index
    %get3A_621 = tpu.vector_load %arg6[%get3A_620] {strides = array<i32>} : memref<512xf32, #tpu.memory_space<vmem>>, vector<16xf32>,
    %mul3A_622 = arith.constant 1.500000e+01 : f32
    %mul3A_623 = vector.broadcast %mul3A_622 : f32 to vector<16xf32>
    %mul3A_624 = arith.mulf %get3A_619, %mul3A_623 : vector<16xf32>
    %convert_element_type3A_625 = arith.fptosi %mul3A_624 : vector<16xf32> to vector<16xi32>
    %min3A_626 = arith.constant 14 : i32
    %min3A_627 = vector.broadcast %min3A_626 : i32 to vector<16xi32>
    %min3A_628 = arith.minsi %convert_element_type3A_625, %min3A_627 : vector<16xi32>
    %add3A_629 = arith.addi %mul3A_99, %min3A_628 : vector<16xi32>
    tpu.vector_store_idx %arg7[%add3A_629], %broadcast_in_dim3A_101 {add = true} : memref<768xf32, #tpu.memory_space<vmem>>[vector<16xi32>], vector<16xf32>,
    %add3A_630 = arith.constant 16 : i32
    %add3A_631 = vector.broadcast %add3A_630 : i32 to vector<16xi32>
    %add3A_632 = arith.addi %min3A_628, %add3A_631 : vector<16xi32>
    %add3A_633 = arith.addi %mul3A_99, %add3A_632 : vector<16xi32>
    tpu.vector_store_idx %arg7[%add3A_633], %get3A_619 {add = true} : memref<768xf32, #tpu.memory_space<vmem>>[vector<16xi32>], vector<16xf32>,
    %add3A_634 = arith.constant 32 : i32
    %add3A_635 = vector.broadcast %add3A_634 : i32 to vector<16xi32>
    %add3A_636 = arith.addi %min3A_628, %add3A_635 : vector<16xi32>
    %add3A_637 = arith.addi %mul3A_99, %add3A_636 : vector<16xi32>
    tpu.vector_store_idx %arg7[%add3A_637], %get3A_621 {add = true} : memref<768xf32, #tpu.memory_space<vmem>>[vector<16xi32>], vector<16xf32>,
    %get3A_638 = arith.constant 432 : index
    %get3A_639 = tpu.vector_load %arg5[%get3A_638] {strides = array<i32>} : memref<512xf32, #tpu.memory_space<vmem>>, vector<16xf32>,
    %get3A_640 = arith.constant 432 : index
    %get3A_641 = tpu.vector_load %arg6[%get3A_640] {strides = array<i32>} : memref<512xf32, #tpu.memory_space<vmem>>, vector<16xf32>,
    %mul3A_642 = arith.constant 1.500000e+01 : f32
    %mul3A_643 = vector.broadcast %mul3A_642 : f32 to vector<16xf32>
    %mul3A_644 = arith.mulf %get3A_639, %mul3A_643 : vector<16xf32>
    %convert_element_type3A_645 = arith.fptosi %mul3A_644 : vector<16xf32> to vector<16xi32>
    %min3A_646 = arith.constant 14 : i32
    %min3A_647 = vector.broadcast %min3A_646 : i32 to vector<16xi32>
    %min3A_648 = arith.minsi %convert_element_type3A_645, %min3A_647 : vector<16xi32>
    %add3A_649 = arith.addi %mul3A_99, %min3A_648 : vector<16xi32>
    tpu.vector_store_idx %arg7[%add3A_649], %broadcast_in_dim3A_101 {add = true} : memref<768xf32, #tpu.memory_space<vmem>>[vector<16xi32>], vector<16xf32>,
    %add3A_650 = arith.constant 16 : i32
    %add3A_651 = vector.broadcast %add3A_650 : i32 to vector<16xi32>
    %add3A_652 = arith.addi %min3A_648, %add3A_651 : vector<16xi32>
    %add3A_653 = arith.addi %mul3A_99, %add3A_652 : vector<16xi32>
    tpu.vector_store_idx %arg7[%add3A_653], %get3A_639 {add = true} : memref<768xf32, #tpu.memory_space<vmem>>[vector<16xi32>], vector<16xf32>,
    %add3A_654 = arith.constant 32 : i32
    %add3A_655 = vector.broadcast %add3A_654 : i32 to vector<16xi32>
    %add3A_656 = arith.addi %min3A_648, %add3A_655 : vector<16xi32>
    %add3A_657 = arith.addi %mul3A_99, %add3A_656 : vector<16xi32>
    tpu.vector_store_idx %arg7[%add3A_657], %get3A_641 {add = true} : memref<768xf32, #tpu.memory_space<vmem>>[vector<16xi32>], vector<16xf32>,
    %get3A_658 = arith.constant 448 : index
    %get3A_659 = tpu.vector_load %arg5[%get3A_658] {strides = array<i32>} : memref<512xf32, #tpu.memory_space<vmem>>, vector<16xf32>,
    %get3A_660 = arith.constant 448 : index
    %get3A_661 = tpu.vector_load %arg6[%get3A_660] {strides = array<i32>} : memref<512xf32, #tpu.memory_space<vmem>>, vector<16xf32>,
    %mul3A_662 = arith.constant 1.500000e+01 : f32
    %mul3A_663 = vector.broadcast %mul3A_662 : f32 to vector<16xf32>
    %mul3A_664 = arith.mulf %get3A_659, %mul3A_663 : vector<16xf32>
    %convert_element_type3A_665 = arith.fptosi %mul3A_664 : vector<16xf32> to vector<16xi32>
    %min3A_666 = arith.constant 14 : i32
    %min3A_667 = vector.broadcast %min3A_666 : i32 to vector<16xi32>
    %min3A_668 = arith.minsi %convert_element_type3A_665, %min3A_667 : vector<16xi32>
    %add3A_669 = arith.addi %mul3A_99, %min3A_668 : vector<16xi32>
    tpu.vector_store_idx %arg7[%add3A_669], %broadcast_in_dim3A_101 {add = true} : memref<768xf32, #tpu.memory_space<vmem>>[vector<16xi32>], vector<16xf32>,
    %add3A_670 = arith.constant 16 : i32
    %add3A_671 = vector.broadcast %add3A_670 : i32 to vector<16xi32>
    %add3A_672 = arith.addi %min3A_668, %add3A_671 : vector<16xi32>
    %add3A_673 = arith.addi %mul3A_99, %add3A_672 : vector<16xi32>
    tpu.vector_store_idx %arg7[%add3A_673], %get3A_659 {add = true} : memref<768xf32, #tpu.memory_space<vmem>>[vector<16xi32>], vector<16xf32>,
    %add3A_674 = arith.constant 32 : i32
    %add3A_675 = vector.broadcast %add3A_674 : i32 to vector<16xi32>
    %add3A_676 = arith.addi %min3A_668, %add3A_675 : vector<16xi32>
    %add3A_677 = arith.addi %mul3A_99, %add3A_676 : vector<16xi32>
    tpu.vector_store_idx %arg7[%add3A_677], %get3A_661 {add = true} : memref<768xf32, #tpu.memory_space<vmem>>[vector<16xi32>], vector<16xf32>,
    %get3A_678 = arith.constant 464 : index
    %get3A_679 = tpu.vector_load %arg5[%get3A_678] {strides = array<i32>} : memref<512xf32, #tpu.memory_space<vmem>>, vector<16xf32>,
    %get3A_680 = arith.constant 464 : index
    %get3A_681 = tpu.vector_load %arg6[%get3A_680] {strides = array<i32>} : memref<512xf32, #tpu.memory_space<vmem>>, vector<16xf32>,
    %mul3A_682 = arith.constant 1.500000e+01 : f32
    %mul3A_683 = vector.broadcast %mul3A_682 : f32 to vector<16xf32>
    %mul3A_684 = arith.mulf %get3A_679, %mul3A_683 : vector<16xf32>
    %convert_element_type3A_685 = arith.fptosi %mul3A_684 : vector<16xf32> to vector<16xi32>
    %min3A_686 = arith.constant 14 : i32
    %min3A_687 = vector.broadcast %min3A_686 : i32 to vector<16xi32>
    %min3A_688 = arith.minsi %convert_element_type3A_685, %min3A_687 : vector<16xi32>
    %add3A_689 = arith.addi %mul3A_99, %min3A_688 : vector<16xi32>
    tpu.vector_store_idx %arg7[%add3A_689], %broadcast_in_dim3A_101 {add = true} : memref<768xf32, #tpu.memory_space<vmem>>[vector<16xi32>], vector<16xf32>,
    %add3A_690 = arith.constant 16 : i32
    %add3A_691 = vector.broadcast %add3A_690 : i32 to vector<16xi32>
    %add3A_692 = arith.addi %min3A_688, %add3A_691 : vector<16xi32>
    %add3A_693 = arith.addi %mul3A_99, %add3A_692 : vector<16xi32>
    tpu.vector_store_idx %arg7[%add3A_693], %get3A_679 {add = true} : memref<768xf32, #tpu.memory_space<vmem>>[vector<16xi32>], vector<16xf32>,
    %add3A_694 = arith.constant 32 : i32
    %add3A_695 = vector.broadcast %add3A_694 : i32 to vector<16xi32>
    %add3A_696 = arith.addi %min3A_688, %add3A_695 : vector<16xi32>
    %add3A_697 = arith.addi %mul3A_99, %add3A_696 : vector<16xi32>
    tpu.vector_store_idx %arg7[%add3A_697], %get3A_681 {add = true} : memref<768xf32, #tpu.memory_space<vmem>>[vector<16xi32>], vector<16xf32>,
    %get3A_698 = arith.constant 480 : index
    %get3A_699 = tpu.vector_load %arg5[%get3A_698] {strides = array<i32>} : memref<512xf32, #tpu.memory_space<vmem>>, vector<16xf32>,
    %get3A_700 = arith.constant 480 : index
    %get3A_701 = tpu.vector_load %arg6[%get3A_700] {strides = array<i32>} : memref<512xf32, #tpu.memory_space<vmem>>, vector<16xf32>,
    %mul3A_702 = arith.constant 1.500000e+01 : f32
    %mul3A_703 = vector.broadcast %mul3A_702 : f32 to vector<16xf32>
    %mul3A_704 = arith.mulf %get3A_699, %mul3A_703 : vector<16xf32>
    %convert_element_type3A_705 = arith.fptosi %mul3A_704 : vector<16xf32> to vector<16xi32>
    %min3A_706 = arith.constant 14 : i32
    %min3A_707 = vector.broadcast %min3A_706 : i32 to vector<16xi32>
    %min3A_708 = arith.minsi %convert_element_type3A_705, %min3A_707 : vector<16xi32>
    %add3A_709 = arith.addi %mul3A_99, %min3A_708 : vector<16xi32>
    tpu.vector_store_idx %arg7[%add3A_709], %broadcast_in_dim3A_101 {add = true} : memref<768xf32, #tpu.memory_space<vmem>>[vector<16xi32>], vector<16xf32>,
    %add3A_710 = arith.constant 16 : i32
    %add3A_711 = vector.broadcast %add3A_710 : i32 to vector<16xi32>
    %add3A_712 = arith.addi %min3A_708, %add3A_711 : vector<16xi32>
    %add3A_713 = arith.addi %mul3A_99, %add3A_712 : vector<16xi32>
    tpu.vector_store_idx %arg7[%add3A_713], %get3A_699 {add = true} : memref<768xf32, #tpu.memory_space<vmem>>[vector<16xi32>], vector<16xf32>,
    %add3A_714 = arith.constant 32 : i32
    %add3A_715 = vector.broadcast %add3A_714 : i32 to vector<16xi32>
    %add3A_716 = arith.addi %min3A_708, %add3A_715 : vector<16xi32>
    %add3A_717 = arith.addi %mul3A_99, %add3A_716 : vector<16xi32>
    tpu.vector_store_idx %arg7[%add3A_717], %get3A_701 {add = true} : memref<768xf32, #tpu.memory_space<vmem>>[vector<16xi32>], vector<16xf32>,
    %get3A_718 = arith.constant 496 : index
    %get3A_719 = tpu.vector_load %arg5[%get3A_718] {strides = array<i32>} : memref<512xf32, #tpu.memory_space<vmem>>, vector<16xf32>,
    %get3A_720 = arith.constant 496 : index
    %get3A_721 = tpu.vector_load %arg6[%get3A_720] {strides = array<i32>} : memref<512xf32, #tpu.memory_space<vmem>>, vector<16xf32>,
    %mul3A_722 = arith.constant 1.500000e+01 : f32
    %mul3A_723 = vector.broadcast %mul3A_722 : f32 to vector<16xf32>
    %mul3A_724 = arith.mulf %get3A_719, %mul3A_723 : vector<16xf32>
    %convert_element_type3A_725 = arith.fptosi %mul3A_724 : vector<16xf32> to vector<16xi32>
    %min3A_726 = arith.constant 14 : i32
    %min3A_727 = vector.broadcast %min3A_726 : i32 to vector<16xi32>
    %min3A_728 = arith.minsi %convert_element_type3A_725, %min3A_727 : vector<16xi32>
    %add3A_729 = arith.addi %mul3A_99, %min3A_728 : vector<16xi32>
    tpu.vector_store_idx %arg7[%add3A_729], %broadcast_in_dim3A_101 {add = true} : memref<768xf32, #tpu.memory_space<vmem>>[vector<16xi32>], vector<16xf32>,
    %add3A_730 = arith.constant 16 : i32
    %add3A_731 = vector.broadcast %add3A_730 : i32 to vector<16xi32>
    %add3A_732 = arith.addi %min3A_728, %add3A_731 : vector<16xi32>
    %add3A_733 = arith.addi %mul3A_99, %add3A_732 : vector<16xi32>
    tpu.vector_store_idx %arg7[%add3A_733], %get3A_719 {add = true} : memref<768xf32, #tpu.memory_space<vmem>>[vector<16xi32>], vector<16xf32>,
    %add3A_734 = arith.constant 32 : i32
    %add3A_735 = vector.broadcast %add3A_734 : i32 to vector<16xi32>
    %add3A_736 = arith.addi %min3A_728, %add3A_735 : vector<16xi32>
    %add3A_737 = arith.addi %mul3A_99, %add3A_736 : vector<16xi32>
    tpu.vector_store_idx %arg7[%add3A_737], %get3A_721 {add = true} : memref<768xf32, #tpu.memory_space<vmem>>[vector<16xi32>], vector<16xf32>,
    %get3A_738 = arith.constant 0 : index
    %get3A_739 = tpu.vector_load %arg7[%get3A_738] {strides = array<i32>} : memref<768xf32, #tpu.memory_space<vmem>>, vector<16xf32>,
    %get3A_740 = arith.constant 48 : index
    %get3A_741 = tpu.vector_load %arg7[%get3A_740] {strides = array<i32>} : memref<768xf32, #tpu.memory_space<vmem>>, vector<16xf32>,
    %add3A_742 = arith.addf %get3A_739, %get3A_741 : vector<16xf32>
    %get3A_743 = arith.constant 96 : index
    %get3A_744 = tpu.vector_load %arg7[%get3A_743] {strides = array<i32>} : memref<768xf32, #tpu.memory_space<vmem>>, vector<16xf32>,
    %add3A_745 = arith.addf %add3A_742, %get3A_744 : vector<16xf32>
    %get3A_746 = arith.constant 144 : index
    %get3A_747 = tpu.vector_load %arg7[%get3A_746] {strides = array<i32>} : memref<768xf32, #tpu.memory_space<vmem>>, vector<16xf32>,
    %add3A_748 = arith.addf %add3A_745, %get3A_747 : vector<16xf32>
    %get3A_749 = arith.constant 192 : index
    %get3A_750 = tpu.vector_load %arg7[%get3A_749] {strides = array<i32>} : memref<768xf32, #tpu.memory_space<vmem>>, vector<16xf32>,
    %add3A_751 = arith.addf %add3A_748, %get3A_750 : vector<16xf32>
    %get3A_752 = arith.constant 240 : index
    %get3A_753 = tpu.vector_load %arg7[%get3A_752] {strides = array<i32>} : memref<768xf32, #tpu.memory_space<vmem>>, vector<16xf32>,
    %add3A_754 = arith.addf %add3A_751, %get3A_753 : vector<16xf32>
    %get3A_755 = arith.constant 288 : index
    %get3A_756 = tpu.vector_load %arg7[%get3A_755] {strides = array<i32>} : memref<768xf32, #tpu.memory_space<vmem>>, vector<16xf32>,
    %add3A_757 = arith.addf %add3A_754, %get3A_756 : vector<16xf32>
    %get3A_758 = arith.constant 336 : index
    %get3A_759 = tpu.vector_load %arg7[%get3A_758] {strides = array<i32>} : memref<768xf32, #tpu.memory_space<vmem>>, vector<16xf32>,
    %add3A_760 = arith.addf %add3A_757, %get3A_759 : vector<16xf32>
    %get3A_761 = arith.constant 384 : index
    %get3A_762 = tpu.vector_load %arg7[%get3A_761] {strides = array<i32>} : memref<768xf32, #tpu.memory_space<vmem>>, vector<16xf32>,
    %add3A_763 = arith.addf %add3A_760, %get3A_762 : vector<16xf32>
    %get3A_764 = arith.constant 432 : index
    %get3A_765 = tpu.vector_load %arg7[%get3A_764] {strides = array<i32>} : memref<768xf32, #tpu.memory_space<vmem>>, vector<16xf32>,
    %add3A_766 = arith.addf %add3A_763, %get3A_765 : vector<16xf32>
    %get3A_767 = arith.constant 480 : index
    %get3A_768 = tpu.vector_load %arg7[%get3A_767] {strides = array<i32>} : memref<768xf32, #tpu.memory_space<vmem>>, vector<16xf32>,
    %add3A_769 = arith.addf %add3A_766, %get3A_768 : vector<16xf32>
    %get3A_770 = arith.constant 528 : index
    %get3A_771 = tpu.vector_load %arg7[%get3A_770] {strides = array<i32>} : memref<768xf32, #tpu.memory_space<vmem>>, vector<16xf32>,
    %add3A_772 = arith.addf %add3A_769, %get3A_771 : vector<16xf32>
    %get3A_773 = arith.constant 576 : index
    %get3A_774 = tpu.vector_load %arg7[%get3A_773] {strides = array<i32>} : memref<768xf32, #tpu.memory_space<vmem>>, vector<16xf32>,
    %add3A_775 = arith.addf %add3A_772, %get3A_774 : vector<16xf32>
    %get3A_776 = arith.constant 624 : index
    %get3A_777 = tpu.vector_load %arg7[%get3A_776] {strides = array<i32>} : memref<768xf32, #tpu.memory_space<vmem>>, vector<16xf32>,
    %add3A_778 = arith.addf %add3A_775, %get3A_777 : vector<16xf32>
    %get3A_779 = arith.constant 672 : index
    %get3A_780 = tpu.vector_load %arg7[%get3A_779] {strides = array<i32>} : memref<768xf32, #tpu.memory_space<vmem>>, vector<16xf32>,
    %add3A_781 = arith.addf %add3A_778, %get3A_780 : vector<16xf32>
    %get3A_782 = arith.constant 720 : index
    %get3A_783 = tpu.vector_load %arg7[%get3A_782] {strides = array<i32>} : memref<768xf32, #tpu.memory_space<vmem>>, vector<16xf32>,
    %add3A_784 = arith.addf %add3A_781, %get3A_783 : vector<16xf32>
    %swap3A_785 = arith.constant 0 : index
    %swap3A_786 = tpu.vector_load %arg8[%swap3A_785] {strides = array<i32>} : memref<48xf32, #tpu.memory_space<vmem>>, vector<16xf32>,
    tpu.vector_store %arg8[%swap3A_785], %add3A_784 {strides = array<i32>} : memref<48xf32, #tpu.memory_space<vmem>>, vector<16xf32>,
    %get3A_787 = arith.constant 16 : index
    %get3A_788 = tpu.vector_load %arg7[%get3A_787] {strides = array<i32>} : memref<768xf32, #tpu.memory_space<vmem>>, vector<16xf32>,
    %get3A_789 = arith.constant 64 : index
    %get3A_790 = tpu.vector_load %arg7[%get3A_789] {strides = array<i32>} : memref<768xf32, #tpu.memory_space<vmem>>, vector<16xf32>,
    %add3A_791 = arith.addf %get3A_788, %get3A_790 : vector<16xf32>
    %get3A_792 = arith.constant 112 : index
    %get3A_793 = tpu.vector_load %arg7[%get3A_792] {strides = array<i32>} : memref<768xf32, #tpu.memory_space<vmem>>, vector<16xf32>,
    %add3A_794 = arith.addf %add3A_791, %get3A_793 : vector<16xf32>
    %get3A_795 = arith.constant 160 : index
    %get3A_796 = tpu.vector_load %arg7[%get3A_795] {strides = array<i32>} : memref<768xf32, #tpu.memory_space<vmem>>, vector<16xf32>,
    %add3A_797 = arith.addf %add3A_794, %get3A_796 : vector<16xf32>
    %get3A_798 = arith.constant 208 : index
    %get3A_799 = tpu.vector_load %arg7[%get3A_798] {strides = array<i32>} : memref<768xf32, #tpu.memory_space<vmem>>, vector<16xf32>,
    %add3A_800 = arith.addf %add3A_797, %get3A_799 : vector<16xf32>
    %get3A_801 = arith.constant 256 : index
    %get3A_802 = tpu.vector_load %arg7[%get3A_801] {strides = array<i32>} : memref<768xf32, #tpu.memory_space<vmem>>, vector<16xf32>,
    %add3A_803 = arith.addf %add3A_800, %get3A_802 : vector<16xf32>
    %get3A_804 = arith.constant 304 : index
    %get3A_805 = tpu.vector_load %arg7[%get3A_804] {strides = array<i32>} : memref<768xf32, #tpu.memory_space<vmem>>, vector<16xf32>,
    %add3A_806 = arith.addf %add3A_803, %get3A_805 : vector<16xf32>
    %get3A_807 = arith.constant 352 : index
    %get3A_808 = tpu.vector_load %arg7[%get3A_807] {strides = array<i32>} : memref<768xf32, #tpu.memory_space<vmem>>, vector<16xf32>,
    %add3A_809 = arith.addf %add3A_806, %get3A_808 : vector<16xf32>
    %get3A_810 = arith.constant 400 : index
    %get3A_811 = tpu.vector_load %arg7[%get3A_810] {strides = array<i32>} : memref<768xf32, #tpu.memory_space<vmem>>, vector<16xf32>,
    %add3A_812 = arith.addf %add3A_809, %get3A_811 : vector<16xf32>
    %get3A_813 = arith.constant 448 : index
    %get3A_814 = tpu.vector_load %arg7[%get3A_813] {strides = array<i32>} : memref<768xf32, #tpu.memory_space<vmem>>, vector<16xf32>,
    %add3A_815 = arith.addf %add3A_812, %get3A_814 : vector<16xf32>
    %get3A_816 = arith.constant 496 : index
    %get3A_817 = tpu.vector_load %arg7[%get3A_816] {strides = array<i32>} : memref<768xf32, #tpu.memory_space<vmem>>, vector<16xf32>,
    %add3A_818 = arith.addf %add3A_815, %get3A_817 : vector<16xf32>
    %get3A_819 = arith.constant 544 : index
    %get3A_820 = tpu.vector_load %arg7[%get3A_819] {strides = array<i32>} : memref<768xf32, #tpu.memory_space<vmem>>, vector<16xf32>,
    %add3A_821 = arith.addf %add3A_818, %get3A_820 : vector<16xf32>
    %get3A_822 = arith.constant 592 : index
    %get3A_823 = tpu.vector_load %arg7[%get3A_822] {strides = array<i32>} : memref<768xf32, #tpu.memory_space<vmem>>, vector<16xf32>,
    %add3A_824 = arith.addf %add3A_821, %get3A_823 : vector<16xf32>
    %get3A_825 = arith.constant 640 : index
    %get3A_826 = tpu.vector_load %arg7[%get3A_825] {strides = array<i32>} : memref<768xf32, #tpu.memory_space<vmem>>, vector<16xf32>,
    %add3A_827 = arith.addf %add3A_824, %get3A_826 : vector<16xf32>
    %get3A_828 = arith.constant 688 : index
    %get3A_829 = tpu.vector_load %arg7[%get3A_828] {strides = array<i32>} : memref<768xf32, #tpu.memory_space<vmem>>, vector<16xf32>,
    %add3A_830 = arith.addf %add3A_827, %get3A_829 : vector<16xf32>
    %get3A_831 = arith.constant 736 : index
    %get3A_832 = tpu.vector_load %arg7[%get3A_831] {strides = array<i32>} : memref<768xf32, #tpu.memory_space<vmem>>, vector<16xf32>,
    %add3A_833 = arith.addf %add3A_830, %get3A_832 : vector<16xf32>
    %swap3A_834 = arith.constant 16 : index
    %swap3A_835 = tpu.vector_load %arg8[%swap3A_834] {strides = array<i32>} : memref<48xf32, #tpu.memory_space<vmem>>, vector<16xf32>,
    tpu.vector_store %arg8[%swap3A_834], %add3A_833 {strides = array<i32>} : memref<48xf32, #tpu.memory_space<vmem>>, vector<16xf32>,
    %get3A_836 = arith.constant 32 : index
    %get3A_837 = tpu.vector_load %arg7[%get3A_836] {strides = array<i32>} : memref<768xf32, #tpu.memory_space<vmem>>, vector<16xf32>,
    %get3A_838 = arith.constant 80 : index
    %get3A_839 = tpu.vector_load %arg7[%get3A_838] {strides = array<i32>} : memref<768xf32, #tpu.memory_space<vmem>>, vector<16xf32>,
    %add3A_840 = arith.addf %get3A_837, %get3A_839 : vector<16xf32>
    %get3A_841 = arith.constant 128 : index
    %get3A_842 = tpu.vector_load %arg7[%get3A_841] {strides = array<i32>} : memref<768xf32, #tpu.memory_space<vmem>>, vector<16xf32>,
    %add3A_843 = arith.addf %add3A_840, %get3A_842 : vector<16xf32>
    %get3A_844 = arith.constant 176 : index
    %get3A_845 = tpu.vector_load %arg7[%get3A_844] {strides = array<i32>} : memref<768xf32, #tpu.memory_space<vmem>>, vector<16xf32>,
    %add3A_846 = arith.addf %add3A_843, %get3A_845 : vector<16xf32>
    %get3A_847 = arith.constant 224 : index
    %get3A_848 = tpu.vector_load %arg7[%get3A_847] {strides = array<i32>} : memref<768xf32, #tpu.memory_space<vmem>>, vector<16xf32>,
    %add3A_849 = arith.addf %add3A_846, %get3A_848 : vector<16xf32>
    %get3A_850 = arith.constant 272 : index
    %get3A_851 = tpu.vector_load %arg7[%get3A_850] {strides = array<i32>} : memref<768xf32, #tpu.memory_space<vmem>>, vector<16xf32>,
    %add3A_852 = arith.addf %add3A_849, %get3A_851 : vector<16xf32>
    %get3A_853 = arith.constant 320 : index
    %get3A_854 = tpu.vector_load %arg7[%get3A_853] {strides = array<i32>} : memref<768xf32, #tpu.memory_space<vmem>>, vector<16xf32>,
    %add3A_855 = arith.addf %add3A_852, %get3A_854 : vector<16xf32>
    %get3A_856 = arith.constant 368 : index
    %get3A_857 = tpu.vector_load %arg7[%get3A_856] {strides = array<i32>} : memref<768xf32, #tpu.memory_space<vmem>>, vector<16xf32>,
    %add3A_858 = arith.addf %add3A_855, %get3A_857 : vector<16xf32>
    %get3A_859 = arith.constant 416 : index
    %get3A_860 = tpu.vector_load %arg7[%get3A_859] {strides = array<i32>} : memref<768xf32, #tpu.memory_space<vmem>>, vector<16xf32>,
    %add3A_861 = arith.addf %add3A_858, %get3A_860 : vector<16xf32>
    %get3A_862 = arith.constant 464 : index
    %get3A_863 = tpu.vector_load %arg7[%get3A_862] {strides = array<i32>} : memref<768xf32, #tpu.memory_space<vmem>>, vector<16xf32>,
    %add3A_864 = arith.addf %add3A_861, %get3A_863 : vector<16xf32>
    %get3A_865 = arith.constant 512 : index
    %get3A_866 = tpu.vector_load %arg7[%get3A_865] {strides = array<i32>} : memref<768xf32, #tpu.memory_space<vmem>>, vector<16xf32>,
    %add3A_867 = arith.addf %add3A_864, %get3A_866 : vector<16xf32>
    %get3A_868 = arith.constant 560 : index
    %get3A_869 = tpu.vector_load %arg7[%get3A_868] {strides = array<i32>} : memref<768xf32, #tpu.memory_space<vmem>>, vector<16xf32>,
    %add3A_870 = arith.addf %add3A_867, %get3A_869 : vector<16xf32>
    %get3A_871 = arith.constant 608 : index
    %get3A_872 = tpu.vector_load %arg7[%get3A_871] {strides = array<i32>} : memref<768xf32, #tpu.memory_space<vmem>>, vector<16xf32>,
    %add3A_873 = arith.addf %add3A_870, %get3A_872 : vector<16xf32>
    %get3A_874 = arith.constant 656 : index
    %get3A_875 = tpu.vector_load %arg7[%get3A_874] {strides = array<i32>} : memref<768xf32, #tpu.memory_space<vmem>>, vector<16xf32>,
    %add3A_876 = arith.addf %add3A_873, %get3A_875 : vector<16xf32>
    %get3A_877 = arith.constant 704 : index
    %get3A_878 = tpu.vector_load %arg7[%get3A_877] {strides = array<i32>} : memref<768xf32, #tpu.memory_space<vmem>>, vector<16xf32>,
    %add3A_879 = arith.addf %add3A_876, %get3A_878 : vector<16xf32>
    %get3A_880 = arith.constant 752 : index
    %get3A_881 = tpu.vector_load %arg7[%get3A_880] {strides = array<i32>} : memref<768xf32, #tpu.memory_space<vmem>>, vector<16xf32>,
    %add3A_882 = arith.addf %add3A_879, %get3A_881 : vector<16xf32>
    %swap3A_883 = arith.constant 32 : index
    %swap3A_884 = tpu.vector_load %arg8[%swap3A_883] {strides = array<i32>} : memref<48xf32, #tpu.memory_space<vmem>>, vector<16xf32>,
    tpu.vector_store %arg8[%swap3A_883], %add3A_882 {strides = array<i32>} : memref<48xf32, #tpu.memory_space<vmem>>, vector<16xf32>,
    %mul3A_885 = arith.constant 48 : i32
    %mul3A_886 = arith.muli %arg1, %mul3A_885 : i32
    "tpu.region"() ({
      %run_scoped3A = tpu.sem_alloc : memref<!tpu.dma_semaphore, #tpu.memory_space<semaphore_mem>>
      %dma_start3A = tpu.memref_slice %arg11[%mul3A_886] : memref<768xf32, #tpu.memory_space<vmem_shared>> -> memref<48xf32, #tpu.memory_space<vmem_shared>>
      %dma_start3A_890 = tpu.memref_slice %arg11[%mul3A_886] : memref<768xf32, #tpu.memory_space<vmem_shared>> -> memref<48xf32, #tpu.memory_space<vmem_shared>>
      tpu.enqueue_dma source(%arg8 : memref<48xf32, #tpu.memory_space<vmem>>) target(%dma_start3A_890 : memref<48xf32, #tpu.memory_space<vmem_shared>>) target_semaphore(%run_scoped3A : memref<!tpu.dma_semaphore, #tpu.memory_space<semaphore_mem>>)
      %dma_wait3A = tpu.memref_slice %arg11[%mul3A_886] : memref<768xf32, #tpu.memory_space<vmem_shared>> -> memref<48xf32, #tpu.memory_space<vmem_shared>>
      %dma_wait3A_891 = tpu.memref_slice %arg11[%mul3A_886] : memref<768xf32, #tpu.memory_space<vmem_shared>> -> memref<48xf32, #tpu.memory_space<vmem_shared>>
      tpu.wait_dma2 semaphore(%run_scoped3A : memref<!tpu.dma_semaphore, #tpu.memory_space<semaphore_mem>>) src(%arg8 : memref<48xf32, #tpu.memory_space<vmem>>) dst(%dma_wait3A_891 : memref<48xf32, #tpu.memory_space<vmem_shared>>)
      tpu.yield
    }) : () -> ()
    %barrier3A = arith.constant 0 : index
    tpu.barrier barrier_id(%barrier3A)
    %eq3A = arith.constant 0 : i32
    %eq3A_887 = arith.cmpi eq, %arg1, %eq3A : i32
    %convert_element_type3A_888 = arith.extui %eq3A_887 : i1 to i32
    %cond3A = arith.constant 0 : i32
    %cond3A_889 = arith.cmpi ne, %convert_element_type3A_888, %cond3A : i32
    scf.if %cond3A_889 {
      "tpu.region"() ({
        %run_scoped3A = tpu.sem_alloc : memref<!tpu.dma_semaphore, #tpu.memory_space<semaphore_mem>>
        tpu.enqueue_dma source(%arg11 : memref<768xf32, #tpu.memory_space<vmem_shared>>) target(%arg9 : memref<768xf32, #tpu.memory_space<vmem>>) target_semaphore(%run_scoped3A : memref<!tpu.dma_semaphore, #tpu.memory_space<semaphore_mem>>)
        tpu.wait_dma2 semaphore(%run_scoped3A : memref<!tpu.dma_semaphore, #tpu.memory_space<semaphore_mem>>) src(%arg11 : memref<768xf32, #tpu.memory_space<vmem_shared>>) dst(%arg9 : memref<768xf32, #tpu.memory_space<vmem>>)
        tpu.yield
      }) : () -> ()
      %get3A_890 = arith.constant 0 : index
      %get3A_891 = tpu.vector_load %arg9[%get3A_890] {strides = array<i32>} : memref<768xf32, #tpu.memory_space<vmem>>, vector<16xf32>,
      %get3A_892 = arith.constant 48 : index
      %get3A_893 = tpu.vector_load %arg9[%get3A_892] {strides = array<i32>} : memref<768xf32, #tpu.memory_space<vmem>>, vector<16xf32>,
      %add3A_894 = arith.addf %get3A_891, %get3A_893 : vector<16xf32>
      %get3A_895 = arith.constant 96 : index
      %get3A_896 = tpu.vector_load %arg9[%get3A_895] {strides = array<i32>} : memref<768xf32, #tpu.memory_space<vmem>>, vector<16xf32>,
      %add3A_897 = arith.addf %add3A_894, %get3A_896 : vector<16xf32>
      %get3A_898 = arith.constant 144 : index
      %get3A_899 = tpu.vector_load %arg9[%get3A_898] {strides = array<i32>} : memref<768xf32, #tpu.memory_space<vmem>>, vector<16xf32>,
      %add3A_900 = arith.addf %add3A_897, %get3A_899 : vector<16xf32>
      %get3A_901 = arith.constant 192 : index
      %get3A_902 = tpu.vector_load %arg9[%get3A_901] {strides = array<i32>} : memref<768xf32, #tpu.memory_space<vmem>>, vector<16xf32>,
      %add3A_903 = arith.addf %add3A_900, %get3A_902 : vector<16xf32>
      %get3A_904 = arith.constant 240 : index
      %get3A_905 = tpu.vector_load %arg9[%get3A_904] {strides = array<i32>} : memref<768xf32, #tpu.memory_space<vmem>>, vector<16xf32>,
      %add3A_906 = arith.addf %add3A_903, %get3A_905 : vector<16xf32>
      %get3A_907 = arith.constant 288 : index
      %get3A_908 = tpu.vector_load %arg9[%get3A_907] {strides = array<i32>} : memref<768xf32, #tpu.memory_space<vmem>>, vector<16xf32>,
      %add3A_909 = arith.addf %add3A_906, %get3A_908 : vector<16xf32>
      %get3A_910 = arith.constant 336 : index
      %get3A_911 = tpu.vector_load %arg9[%get3A_910] {strides = array<i32>} : memref<768xf32, #tpu.memory_space<vmem>>, vector<16xf32>,
      %add3A_912 = arith.addf %add3A_909, %get3A_911 : vector<16xf32>
      %get3A_913 = arith.constant 384 : index
      %get3A_914 = tpu.vector_load %arg9[%get3A_913] {strides = array<i32>} : memref<768xf32, #tpu.memory_space<vmem>>, vector<16xf32>,
      %add3A_915 = arith.addf %add3A_912, %get3A_914 : vector<16xf32>
      %get3A_916 = arith.constant 432 : index
      %get3A_917 = tpu.vector_load %arg9[%get3A_916] {strides = array<i32>} : memref<768xf32, #tpu.memory_space<vmem>>, vector<16xf32>,
      %add3A_918 = arith.addf %add3A_915, %get3A_917 : vector<16xf32>
      %get3A_919 = arith.constant 480 : index
      %get3A_920 = tpu.vector_load %arg9[%get3A_919] {strides = array<i32>} : memref<768xf32, #tpu.memory_space<vmem>>, vector<16xf32>,
      %add3A_921 = arith.addf %add3A_918, %get3A_920 : vector<16xf32>
      %get3A_922 = arith.constant 528 : index
      %get3A_923 = tpu.vector_load %arg9[%get3A_922] {strides = array<i32>} : memref<768xf32, #tpu.memory_space<vmem>>, vector<16xf32>,
      %add3A_924 = arith.addf %add3A_921, %get3A_923 : vector<16xf32>
      %get3A_925 = arith.constant 576 : index
      %get3A_926 = tpu.vector_load %arg9[%get3A_925] {strides = array<i32>} : memref<768xf32, #tpu.memory_space<vmem>>, vector<16xf32>,
      %add3A_927 = arith.addf %add3A_924, %get3A_926 : vector<16xf32>
      %get3A_928 = arith.constant 624 : index
      %get3A_929 = tpu.vector_load %arg9[%get3A_928] {strides = array<i32>} : memref<768xf32, #tpu.memory_space<vmem>>, vector<16xf32>,
      %add3A_930 = arith.addf %add3A_927, %get3A_929 : vector<16xf32>
      %get3A_931 = arith.constant 672 : index
      %get3A_932 = tpu.vector_load %arg9[%get3A_931] {strides = array<i32>} : memref<768xf32, #tpu.memory_space<vmem>>, vector<16xf32>,
      %add3A_933 = arith.addf %add3A_930, %get3A_932 : vector<16xf32>
      %get3A_934 = arith.constant 720 : index
      %get3A_935 = tpu.vector_load %arg9[%get3A_934] {strides = array<i32>} : memref<768xf32, #tpu.memory_space<vmem>>, vector<16xf32>,
      %add3A_936 = arith.addf %add3A_933, %get3A_935 : vector<16xf32>
      %get3A_937 = arith.constant 16 : index
      %get3A_938 = tpu.vector_load %arg9[%get3A_937] {strides = array<i32>} : memref<768xf32, #tpu.memory_space<vmem>>, vector<16xf32>,
      %get3A_939 = arith.constant 64 : index
      %get3A_940 = tpu.vector_load %arg9[%get3A_939] {strides = array<i32>} : memref<768xf32, #tpu.memory_space<vmem>>, vector<16xf32>,
      %add3A_941 = arith.addf %get3A_938, %get3A_940 : vector<16xf32>
      %get3A_942 = arith.constant 112 : index
      %get3A_943 = tpu.vector_load %arg9[%get3A_942] {strides = array<i32>} : memref<768xf32, #tpu.memory_space<vmem>>, vector<16xf32>,
      %add3A_944 = arith.addf %add3A_941, %get3A_943 : vector<16xf32>
      %get3A_945 = arith.constant 160 : index
      %get3A_946 = tpu.vector_load %arg9[%get3A_945] {strides = array<i32>} : memref<768xf32, #tpu.memory_space<vmem>>, vector<16xf32>,
      %add3A_947 = arith.addf %add3A_944, %get3A_946 : vector<16xf32>
      %get3A_948 = arith.constant 208 : index
      %get3A_949 = tpu.vector_load %arg9[%get3A_948] {strides = array<i32>} : memref<768xf32, #tpu.memory_space<vmem>>, vector<16xf32>,
      %add3A_950 = arith.addf %add3A_947, %get3A_949 : vector<16xf32>
      %get3A_951 = arith.constant 256 : index
      %get3A_952 = tpu.vector_load %arg9[%get3A_951] {strides = array<i32>} : memref<768xf32, #tpu.memory_space<vmem>>, vector<16xf32>,
      %add3A_953 = arith.addf %add3A_950, %get3A_952 : vector<16xf32>
      %get3A_954 = arith.constant 304 : index
      %get3A_955 = tpu.vector_load %arg9[%get3A_954] {strides = array<i32>} : memref<768xf32, #tpu.memory_space<vmem>>, vector<16xf32>,
      %add3A_956 = arith.addf %add3A_953, %get3A_955 : vector<16xf32>
      %get3A_957 = arith.constant 352 : index
      %get3A_958 = tpu.vector_load %arg9[%get3A_957] {strides = array<i32>} : memref<768xf32, #tpu.memory_space<vmem>>, vector<16xf32>,
      %add3A_959 = arith.addf %add3A_956, %get3A_958 : vector<16xf32>
      %get3A_960 = arith.constant 400 : index
      %get3A_961 = tpu.vector_load %arg9[%get3A_960] {strides = array<i32>} : memref<768xf32, #tpu.memory_space<vmem>>, vector<16xf32>,
      %add3A_962 = arith.addf %add3A_959, %get3A_961 : vector<16xf32>
      %get3A_963 = arith.constant 448 : index
      %get3A_964 = tpu.vector_load %arg9[%get3A_963] {strides = array<i32>} : memref<768xf32, #tpu.memory_space<vmem>>, vector<16xf32>,
      %add3A_965 = arith.addf %add3A_962, %get3A_964 : vector<16xf32>
      %get3A_966 = arith.constant 496 : index
      %get3A_967 = tpu.vector_load %arg9[%get3A_966] {strides = array<i32>} : memref<768xf32, #tpu.memory_space<vmem>>, vector<16xf32>,
      %add3A_968 = arith.addf %add3A_965, %get3A_967 : vector<16xf32>
      %get3A_969 = arith.constant 544 : index
      %get3A_970 = tpu.vector_load %arg9[%get3A_969] {strides = array<i32>} : memref<768xf32, #tpu.memory_space<vmem>>, vector<16xf32>,
      %add3A_971 = arith.addf %add3A_968, %get3A_970 : vector<16xf32>
      %get3A_972 = arith.constant 592 : index
      %get3A_973 = tpu.vector_load %arg9[%get3A_972] {strides = array<i32>} : memref<768xf32, #tpu.memory_space<vmem>>, vector<16xf32>,
      %add3A_974 = arith.addf %add3A_971, %get3A_973 : vector<16xf32>
      %get3A_975 = arith.constant 640 : index
      %get3A_976 = tpu.vector_load %arg9[%get3A_975] {strides = array<i32>} : memref<768xf32, #tpu.memory_space<vmem>>, vector<16xf32>,
      %add3A_977 = arith.addf %add3A_974, %get3A_976 : vector<16xf32>
      %get3A_978 = arith.constant 688 : index
      %get3A_979 = tpu.vector_load %arg9[%get3A_978] {strides = array<i32>} : memref<768xf32, #tpu.memory_space<vmem>>, vector<16xf32>,
      %add3A_980 = arith.addf %add3A_977, %get3A_979 : vector<16xf32>
      %get3A_981 = arith.constant 736 : index
      %get3A_982 = tpu.vector_load %arg9[%get3A_981] {strides = array<i32>} : memref<768xf32, #tpu.memory_space<vmem>>, vector<16xf32>,
      %add3A_983 = arith.addf %add3A_980, %get3A_982 : vector<16xf32>
      %get3A_984 = arith.constant 32 : index
      %get3A_985 = tpu.vector_load %arg9[%get3A_984] {strides = array<i32>} : memref<768xf32, #tpu.memory_space<vmem>>, vector<16xf32>,
      %get3A_986 = arith.constant 80 : index
      %get3A_987 = tpu.vector_load %arg9[%get3A_986] {strides = array<i32>} : memref<768xf32, #tpu.memory_space<vmem>>, vector<16xf32>,
      %add3A_988 = arith.addf %get3A_985, %get3A_987 : vector<16xf32>
      %get3A_989 = arith.constant 128 : index
      %get3A_990 = tpu.vector_load %arg9[%get3A_989] {strides = array<i32>} : memref<768xf32, #tpu.memory_space<vmem>>, vector<16xf32>,
      %add3A_991 = arith.addf %add3A_988, %get3A_990 : vector<16xf32>
      %get3A_992 = arith.constant 176 : index
      %get3A_993 = tpu.vector_load %arg9[%get3A_992] {strides = array<i32>} : memref<768xf32, #tpu.memory_space<vmem>>, vector<16xf32>,
      %add3A_994 = arith.addf %add3A_991, %get3A_993 : vector<16xf32>
      %get3A_995 = arith.constant 224 : index
      %get3A_996 = tpu.vector_load %arg9[%get3A_995] {strides = array<i32>} : memref<768xf32, #tpu.memory_space<vmem>>, vector<16xf32>,
      %add3A_997 = arith.addf %add3A_994, %get3A_996 : vector<16xf32>
      %get3A_998 = arith.constant 272 : index
      %get3A_999 = tpu.vector_load %arg9[%get3A_998] {strides = array<i32>} : memref<768xf32, #tpu.memory_space<vmem>>, vector<16xf32>,
      %add3A_1000 = arith.addf %add3A_997, %get3A_999 : vector<16xf32>
      %get3A_1001 = arith.constant 320 : index
      %get3A_1002 = tpu.vector_load %arg9[%get3A_1001] {strides = array<i32>} : memref<768xf32, #tpu.memory_space<vmem>>, vector<16xf32>,
      %add3A_1003 = arith.addf %add3A_1000, %get3A_1002 : vector<16xf32>
      %get3A_1004 = arith.constant 368 : index
      %get3A_1005 = tpu.vector_load %arg9[%get3A_1004] {strides = array<i32>} : memref<768xf32, #tpu.memory_space<vmem>>, vector<16xf32>,
      %add3A_1006 = arith.addf %add3A_1003, %get3A_1005 : vector<16xf32>
      %get3A_1007 = arith.constant 416 : index
      %get3A_1008 = tpu.vector_load %arg9[%get3A_1007] {strides = array<i32>} : memref<768xf32, #tpu.memory_space<vmem>>, vector<16xf32>,
      %add3A_1009 = arith.addf %add3A_1006, %get3A_1008 : vector<16xf32>
      %get3A_1010 = arith.constant 464 : index
      %get3A_1011 = tpu.vector_load %arg9[%get3A_1010] {strides = array<i32>} : memref<768xf32, #tpu.memory_space<vmem>>, vector<16xf32>,
      %add3A_1012 = arith.addf %add3A_1009, %get3A_1011 : vector<16xf32>
      %get3A_1013 = arith.constant 512 : index
      %get3A_1014 = tpu.vector_load %arg9[%get3A_1013] {strides = array<i32>} : memref<768xf32, #tpu.memory_space<vmem>>, vector<16xf32>,
      %add3A_1015 = arith.addf %add3A_1012, %get3A_1014 : vector<16xf32>
      %get3A_1016 = arith.constant 560 : index
      %get3A_1017 = tpu.vector_load %arg9[%get3A_1016] {strides = array<i32>} : memref<768xf32, #tpu.memory_space<vmem>>, vector<16xf32>,
      %add3A_1018 = arith.addf %add3A_1015, %get3A_1017 : vector<16xf32>
      %get3A_1019 = arith.constant 608 : index
      %get3A_1020 = tpu.vector_load %arg9[%get3A_1019] {strides = array<i32>} : memref<768xf32, #tpu.memory_space<vmem>>, vector<16xf32>,
      %add3A_1021 = arith.addf %add3A_1018, %get3A_1020 : vector<16xf32>
      %get3A_1022 = arith.constant 656 : index
      %get3A_1023 = tpu.vector_load %arg9[%get3A_1022] {strides = array<i32>} : memref<768xf32, #tpu.memory_space<vmem>>, vector<16xf32>,
      %add3A_1024 = arith.addf %add3A_1021, %get3A_1023 : vector<16xf32>
      %get3A_1025 = arith.constant 704 : index
      %get3A_1026 = tpu.vector_load %arg9[%get3A_1025] {strides = array<i32>} : memref<768xf32, #tpu.memory_space<vmem>>, vector<16xf32>,
      %add3A_1027 = arith.addf %add3A_1024, %get3A_1026 : vector<16xf32>
      %get3A_1028 = arith.constant 752 : index
      %get3A_1029 = tpu.vector_load %arg9[%get3A_1028] {strides = array<i32>} : memref<768xf32, #tpu.memory_space<vmem>>, vector<16xf32>,
      %add3A_1030 = arith.addf %add3A_1027, %get3A_1029 : vector<16xf32>
      %swap3A_1031 = arith.constant 0 : index
      %swap3A_1032 = tpu.vector_load %arg10[%swap3A_1031] {strides = array<i32>} : memref<48xf32, #tpu.memory_space<vmem>>, vector<16xf32>,
      tpu.vector_store %arg10[%swap3A_1031], %add3A_936 {strides = array<i32>} : memref<48xf32, #tpu.memory_space<vmem>>, vector<16xf32>,
      %swap3A_1033 = arith.constant 16 : index
      %swap3A_1034 = tpu.vector_load %arg10[%swap3A_1033] {strides = array<i32>} : memref<48xf32, #tpu.memory_space<vmem>>, vector<16xf32>,
      tpu.vector_store %arg10[%swap3A_1033], %add3A_983 {strides = array<i32>} : memref<48xf32, #tpu.memory_space<vmem>>, vector<16xf32>,
      %swap3A_1035 = arith.constant 32 : index
      %swap3A_1036 = tpu.vector_load %arg10[%swap3A_1035] {strides = array<i32>} : memref<48xf32, #tpu.memory_space<vmem>>, vector<16xf32>,
      tpu.vector_store %arg10[%swap3A_1035], %add3A_1030 {strides = array<i32>} : memref<48xf32, #tpu.memory_space<vmem>>, vector<16xf32>,
      "tpu.region"() ({
        %run_scoped3A = tpu.sem_alloc : memref<!tpu.dma_semaphore, #tpu.memory_space<semaphore_mem>>
        tpu.enqueue_dma source(%arg10 : memref<48xf32, #tpu.memory_space<vmem>>) target(%arg4 : memref<48xf32, #tpu.memory_space<hbm>>) target_semaphore(%run_scoped3A : memref<!tpu.dma_semaphore, #tpu.memory_space<semaphore_mem>>)
        tpu.wait_dma2 semaphore(%run_scoped3A : memref<!tpu.dma_semaphore, #tpu.memory_space<semaphore_mem>>) src(%arg10 : memref<48xf32, #tpu.memory_space<vmem>>) dst(%arg4 : memref<48xf32, #tpu.memory_space<hbm>>)
        tpu.yield
      }) : () -> ()
    } else {
    }
    return
  }
}

#map = affine_map<(d0, d1) -> (0)>
module attributes {stable_mosaic.version = 14 : i64} {
  func.func @_sc_final_body(%arg0: i32, %arg1: i32, %arg2: memref<8192xf32, #tpu.memory_space<hbm>>, %arg3: memref<8192xf32, #tpu.memory_space<hbm>>, %arg4: memref<48xf32, #tpu.memory_space<hbm>>, %arg5: memref<16xf32, #tpu.memory_space<hbm>>, %arg6: memref<512xf32, #tpu.memory_space<vmem>>, %arg7: memref<512xf32, #tpu.memory_space<vmem>>, %arg8: memref<768xf32, #tpu.memory_space<vmem>>, %arg9: memref<48xf32, #tpu.memory_space<vmem>>, %arg10: memref<768xf32, #tpu.memory_space<vmem>>, %arg11: memref<48xf32, #tpu.memory_space<vmem>>, %arg12: memref<16xf32, #tpu.memory_space<vmem>>, %arg13: memref<768xf32, #tpu.memory_space<vmem_shared>>) attributes {dimension_semantics = [#tpu.dimension_semantics<core_parallel>, #tpu.dimension_semantics<subcore_parallel>], iteration_bounds = array<i64: 1, 16>, scalar_prefetch = 0 : i64, scratch_operands = 8 : i64, tpu.core_type = #tpu.core_type<sc_vector_subcore>, window_params = [{transform_indices = #map}, {transform_indices = #map}, {transform_indices = #map}, {transform_indices = #map}]} {
    %mul3A = arith.constant 512 : i32
    %mul3A_0 = arith.muli %arg1, %mul3A : i32
    "tpu.region"() ({
      %run_scoped3A = tpu.sem_alloc : memref<!tpu.dma_semaphore, #tpu.memory_space<semaphore_mem>>
      %dma_start3A = tpu.memref_slice %arg2[%mul3A_0] : memref<8192xf32, #tpu.memory_space<hbm>> -> memref<512xf32, #tpu.memory_space<hbm>>
      %dma_start3A_890 = tpu.memref_slice %arg2[%mul3A_0] : memref<8192xf32, #tpu.memory_space<hbm>> -> memref<512xf32, #tpu.memory_space<hbm>>
      tpu.enqueue_dma source(%dma_start3A_890 : memref<512xf32, #tpu.memory_space<hbm>>) target(%arg6 : memref<512xf32, #tpu.memory_space<vmem>>) target_semaphore(%run_scoped3A : memref<!tpu.dma_semaphore, #tpu.memory_space<semaphore_mem>>)
      %dma_wait3A = tpu.memref_slice %arg2[%mul3A_0] : memref<8192xf32, #tpu.memory_space<hbm>> -> memref<512xf32, #tpu.memory_space<hbm>>
      %dma_wait3A_891 = tpu.memref_slice %arg2[%mul3A_0] : memref<8192xf32, #tpu.memory_space<hbm>> -> memref<512xf32, #tpu.memory_space<hbm>>
      tpu.wait_dma2 semaphore(%run_scoped3A : memref<!tpu.dma_semaphore, #tpu.memory_space<semaphore_mem>>) src(%dma_wait3A_891 : memref<512xf32, #tpu.memory_space<hbm>>) dst(%arg6 : memref<512xf32, #tpu.memory_space<vmem>>)
      tpu.yield
    }) : () -> ()
    "tpu.region"() ({
      %run_scoped3A = tpu.sem_alloc : memref<!tpu.dma_semaphore, #tpu.memory_space<semaphore_mem>>
      %dma_start3A = tpu.memref_slice %arg3[%mul3A_0] : memref<8192xf32, #tpu.memory_space<hbm>> -> memref<512xf32, #tpu.memory_space<hbm>>
      %dma_start3A_890 = tpu.memref_slice %arg3[%mul3A_0] : memref<8192xf32, #tpu.memory_space<hbm>> -> memref<512xf32, #tpu.memory_space<hbm>>
      tpu.enqueue_dma source(%dma_start3A_890 : memref<512xf32, #tpu.memory_space<hbm>>) target(%arg7 : memref<512xf32, #tpu.memory_space<vmem>>) target_semaphore(%run_scoped3A : memref<!tpu.dma_semaphore, #tpu.memory_space<semaphore_mem>>)
      %dma_wait3A = tpu.memref_slice %arg3[%mul3A_0] : memref<8192xf32, #tpu.memory_space<hbm>> -> memref<512xf32, #tpu.memory_space<hbm>>
      %dma_wait3A_891 = tpu.memref_slice %arg3[%mul3A_0] : memref<8192xf32, #tpu.memory_space<hbm>> -> memref<512xf32, #tpu.memory_space<hbm>>
      tpu.wait_dma2 semaphore(%run_scoped3A : memref<!tpu.dma_semaphore, #tpu.memory_space<semaphore_mem>>) src(%dma_wait3A_891 : memref<512xf32, #tpu.memory_space<hbm>>) dst(%arg7 : memref<512xf32, #tpu.memory_space<vmem>>)
      tpu.yield
    }) : () -> ()
    %broadcast_in_dim3A = arith.constant 0.000000e+00 : f32
    %broadcast_in_dim3A_1 = vector.broadcast %broadcast_in_dim3A : f32 to vector<16xf32>
    %swap3A = arith.constant 0 : index
    %swap3A_2 = tpu.vector_load %arg8[%swap3A] {strides = array<i32>} : memref<768xf32, #tpu.memory_space<vmem>>, vector<16xf32>,
    tpu.vector_store %arg8[%swap3A], %broadcast_in_dim3A_1 {strides = array<i32>} : memref<768xf32, #tpu.memory_space<vmem>>, vector<16xf32>,
    %swap3A_3 = arith.constant 16 : index
    %swap3A_4 = tpu.vector_load %arg8[%swap3A_3] {strides = array<i32>} : memref<768xf32, #tpu.memory_space<vmem>>, vector<16xf32>,
    tpu.vector_store %arg8[%swap3A_3], %broadcast_in_dim3A_1 {strides = array<i32>} : memref<768xf32, #tpu.memory_space<vmem>>, vector<16xf32>,
    %swap3A_5 = arith.constant 32 : index
    %swap3A_6 = tpu.vector_load %arg8[%swap3A_5] {strides = array<i32>} : memref<768xf32, #tpu.memory_space<vmem>>, vector<16xf32>,
    tpu.vector_store %arg8[%swap3A_5], %broadcast_in_dim3A_1 {strides = array<i32>} : memref<768xf32, #tpu.memory_space<vmem>>, vector<16xf32>,
    %swap3A_7 = arith.constant 48 : index
    %swap3A_8 = tpu.vector_load %arg8[%swap3A_7] {strides = array<i32>} : memref<768xf32, #tpu.memory_space<vmem>>, vector<16xf32>,
    tpu.vector_store %arg8[%swap3A_7], %broadcast_in_dim3A_1 {strides = array<i32>} : memref<768xf32, #tpu.memory_space<vmem>>, vector<16xf32>,
    %swap3A_9 = arith.constant 64 : index
    %swap3A_10 = tpu.vector_load %arg8[%swap3A_9] {strides = array<i32>} : memref<768xf32, #tpu.memory_space<vmem>>, vector<16xf32>,
    tpu.vector_store %arg8[%swap3A_9], %broadcast_in_dim3A_1 {strides = array<i32>} : memref<768xf32, #tpu.memory_space<vmem>>, vector<16xf32>,
    %swap3A_11 = arith.constant 80 : index
    %swap3A_12 = tpu.vector_load %arg8[%swap3A_11] {strides = array<i32>} : memref<768xf32, #tpu.memory_space<vmem>>, vector<16xf32>,
    tpu.vector_store %arg8[%swap3A_11], %broadcast_in_dim3A_1 {strides = array<i32>} : memref<768xf32, #tpu.memory_space<vmem>>, vector<16xf32>,
    %swap3A_13 = arith.constant 96 : index
    %swap3A_14 = tpu.vector_load %arg8[%swap3A_13] {strides = array<i32>} : memref<768xf32, #tpu.memory_space<vmem>>, vector<16xf32>,
    tpu.vector_store %arg8[%swap3A_13], %broadcast_in_dim3A_1 {strides = array<i32>} : memref<768xf32, #tpu.memory_space<vmem>>, vector<16xf32>,
    %swap3A_15 = arith.constant 112 : index
    %swap3A_16 = tpu.vector_load %arg8[%swap3A_15] {strides = array<i32>} : memref<768xf32, #tpu.memory_space<vmem>>, vector<16xf32>,
    tpu.vector_store %arg8[%swap3A_15], %broadcast_in_dim3A_1 {strides = array<i32>} : memref<768xf32, #tpu.memory_space<vmem>>, vector<16xf32>,
    %swap3A_17 = arith.constant 128 : index
    %swap3A_18 = tpu.vector_load %arg8[%swap3A_17] {strides = array<i32>} : memref<768xf32, #tpu.memory_space<vmem>>, vector<16xf32>,
    tpu.vector_store %arg8[%swap3A_17], %broadcast_in_dim3A_1 {strides = array<i32>} : memref<768xf32, #tpu.memory_space<vmem>>, vector<16xf32>,
    %swap3A_19 = arith.constant 144 : index
    %swap3A_20 = tpu.vector_load %arg8[%swap3A_19] {strides = array<i32>} : memref<768xf32, #tpu.memory_space<vmem>>, vector<16xf32>,
    tpu.vector_store %arg8[%swap3A_19], %broadcast_in_dim3A_1 {strides = array<i32>} : memref<768xf32, #tpu.memory_space<vmem>>, vector<16xf32>,
    %swap3A_21 = arith.constant 160 : index
    %swap3A_22 = tpu.vector_load %arg8[%swap3A_21] {strides = array<i32>} : memref<768xf32, #tpu.memory_space<vmem>>, vector<16xf32>,
    tpu.vector_store %arg8[%swap3A_21], %broadcast_in_dim3A_1 {strides = array<i32>} : memref<768xf32, #tpu.memory_space<vmem>>, vector<16xf32>,
    %swap3A_23 = arith.constant 176 : index
    %swap3A_24 = tpu.vector_load %arg8[%swap3A_23] {strides = array<i32>} : memref<768xf32, #tpu.memory_space<vmem>>, vector<16xf32>,
    tpu.vector_store %arg8[%swap3A_23], %broadcast_in_dim3A_1 {strides = array<i32>} : memref<768xf32, #tpu.memory_space<vmem>>, vector<16xf32>,
    %swap3A_25 = arith.constant 192 : index
    %swap3A_26 = tpu.vector_load %arg8[%swap3A_25] {strides = array<i32>} : memref<768xf32, #tpu.memory_space<vmem>>, vector<16xf32>,
    tpu.vector_store %arg8[%swap3A_25], %broadcast_in_dim3A_1 {strides = array<i32>} : memref<768xf32, #tpu.memory_space<vmem>>, vector<16xf32>,
    %swap3A_27 = arith.constant 208 : index
    %swap3A_28 = tpu.vector_load %arg8[%swap3A_27] {strides = array<i32>} : memref<768xf32, #tpu.memory_space<vmem>>, vector<16xf32>,
    tpu.vector_store %arg8[%swap3A_27], %broadcast_in_dim3A_1 {strides = array<i32>} : memref<768xf32, #tpu.memory_space<vmem>>, vector<16xf32>,
    %swap3A_29 = arith.constant 224 : index
    %swap3A_30 = tpu.vector_load %arg8[%swap3A_29] {strides = array<i32>} : memref<768xf32, #tpu.memory_space<vmem>>, vector<16xf32>,
    tpu.vector_store %arg8[%swap3A_29], %broadcast_in_dim3A_1 {strides = array<i32>} : memref<768xf32, #tpu.memory_space<vmem>>, vector<16xf32>,
    %swap3A_31 = arith.constant 240 : index
    %swap3A_32 = tpu.vector_load %arg8[%swap3A_31] {strides = array<i32>} : memref<768xf32, #tpu.memory_space<vmem>>, vector<16xf32>,
    tpu.vector_store %arg8[%swap3A_31], %broadcast_in_dim3A_1 {strides = array<i32>} : memref<768xf32, #tpu.memory_space<vmem>>, vector<16xf32>,
    %swap3A_33 = arith.constant 256 : index
    %swap3A_34 = tpu.vector_load %arg8[%swap3A_33] {strides = array<i32>} : memref<768xf32, #tpu.memory_space<vmem>>, vector<16xf32>,
    tpu.vector_store %arg8[%swap3A_33], %broadcast_in_dim3A_1 {strides = array<i32>} : memref<768xf32, #tpu.memory_space<vmem>>, vector<16xf32>,
    %swap3A_35 = arith.constant 272 : index
    %swap3A_36 = tpu.vector_load %arg8[%swap3A_35] {strides = array<i32>} : memref<768xf32, #tpu.memory_space<vmem>>, vector<16xf32>,
    tpu.vector_store %arg8[%swap3A_35], %broadcast_in_dim3A_1 {strides = array<i32>} : memref<768xf32, #tpu.memory_space<vmem>>, vector<16xf32>,
    %swap3A_37 = arith.constant 288 : index
    %swap3A_38 = tpu.vector_load %arg8[%swap3A_37] {strides = array<i32>} : memref<768xf32, #tpu.memory_space<vmem>>, vector<16xf32>,
    tpu.vector_store %arg8[%swap3A_37], %broadcast_in_dim3A_1 {strides = array<i32>} : memref<768xf32, #tpu.memory_space<vmem>>, vector<16xf32>,
    %swap3A_39 = arith.constant 304 : index
    %swap3A_40 = tpu.vector_load %arg8[%swap3A_39] {strides = array<i32>} : memref<768xf32, #tpu.memory_space<vmem>>, vector<16xf32>,
    tpu.vector_store %arg8[%swap3A_39], %broadcast_in_dim3A_1 {strides = array<i32>} : memref<768xf32, #tpu.memory_space<vmem>>, vector<16xf32>,
    %swap3A_41 = arith.constant 320 : index
    %swap3A_42 = tpu.vector_load %arg8[%swap3A_41] {strides = array<i32>} : memref<768xf32, #tpu.memory_space<vmem>>, vector<16xf32>,
    tpu.vector_store %arg8[%swap3A_41], %broadcast_in_dim3A_1 {strides = array<i32>} : memref<768xf32, #tpu.memory_space<vmem>>, vector<16xf32>,
    %swap3A_43 = arith.constant 336 : index
    %swap3A_44 = tpu.vector_load %arg8[%swap3A_43] {strides = array<i32>} : memref<768xf32, #tpu.memory_space<vmem>>, vector<16xf32>,
    tpu.vector_store %arg8[%swap3A_43], %broadcast_in_dim3A_1 {strides = array<i32>} : memref<768xf32, #tpu.memory_space<vmem>>, vector<16xf32>,
    %swap3A_45 = arith.constant 352 : index
    %swap3A_46 = tpu.vector_load %arg8[%swap3A_45] {strides = array<i32>} : memref<768xf32, #tpu.memory_space<vmem>>, vector<16xf32>,
    tpu.vector_store %arg8[%swap3A_45], %broadcast_in_dim3A_1 {strides = array<i32>} : memref<768xf32, #tpu.memory_space<vmem>>, vector<16xf32>,
    %swap3A_47 = arith.constant 368 : index
    %swap3A_48 = tpu.vector_load %arg8[%swap3A_47] {strides = array<i32>} : memref<768xf32, #tpu.memory_space<vmem>>, vector<16xf32>,
    tpu.vector_store %arg8[%swap3A_47], %broadcast_in_dim3A_1 {strides = array<i32>} : memref<768xf32, #tpu.memory_space<vmem>>, vector<16xf32>,
    %swap3A_49 = arith.constant 384 : index
    %swap3A_50 = tpu.vector_load %arg8[%swap3A_49] {strides = array<i32>} : memref<768xf32, #tpu.memory_space<vmem>>, vector<16xf32>,
    tpu.vector_store %arg8[%swap3A_49], %broadcast_in_dim3A_1 {strides = array<i32>} : memref<768xf32, #tpu.memory_space<vmem>>, vector<16xf32>,
    %swap3A_51 = arith.constant 400 : index
    %swap3A_52 = tpu.vector_load %arg8[%swap3A_51] {strides = array<i32>} : memref<768xf32, #tpu.memory_space<vmem>>, vector<16xf32>,
    tpu.vector_store %arg8[%swap3A_51], %broadcast_in_dim3A_1 {strides = array<i32>} : memref<768xf32, #tpu.memory_space<vmem>>, vector<16xf32>,
    %swap3A_53 = arith.constant 416 : index
    %swap3A_54 = tpu.vector_load %arg8[%swap3A_53] {strides = array<i32>} : memref<768xf32, #tpu.memory_space<vmem>>, vector<16xf32>,
    tpu.vector_store %arg8[%swap3A_53], %broadcast_in_dim3A_1 {strides = array<i32>} : memref<768xf32, #tpu.memory_space<vmem>>, vector<16xf32>,
    %swap3A_55 = arith.constant 432 : index
    %swap3A_56 = tpu.vector_load %arg8[%swap3A_55] {strides = array<i32>} : memref<768xf32, #tpu.memory_space<vmem>>, vector<16xf32>,
    tpu.vector_store %arg8[%swap3A_55], %broadcast_in_dim3A_1 {strides = array<i32>} : memref<768xf32, #tpu.memory_space<vmem>>, vector<16xf32>,
    %swap3A_57 = arith.constant 448 : index
    %swap3A_58 = tpu.vector_load %arg8[%swap3A_57] {strides = array<i32>} : memref<768xf32, #tpu.memory_space<vmem>>, vector<16xf32>,
    tpu.vector_store %arg8[%swap3A_57], %broadcast_in_dim3A_1 {strides = array<i32>} : memref<768xf32, #tpu.memory_space<vmem>>, vector<16xf32>,
    %swap3A_59 = arith.constant 464 : index
    %swap3A_60 = tpu.vector_load %arg8[%swap3A_59] {strides = array<i32>} : memref<768xf32, #tpu.memory_space<vmem>>, vector<16xf32>,
    tpu.vector_store %arg8[%swap3A_59], %broadcast_in_dim3A_1 {strides = array<i32>} : memref<768xf32, #tpu.memory_space<vmem>>, vector<16xf32>,
    %swap3A_61 = arith.constant 480 : index
    %swap3A_62 = tpu.vector_load %arg8[%swap3A_61] {strides = array<i32>} : memref<768xf32, #tpu.memory_space<vmem>>, vector<16xf32>,
    tpu.vector_store %arg8[%swap3A_61], %broadcast_in_dim3A_1 {strides = array<i32>} : memref<768xf32, #tpu.memory_space<vmem>>, vector<16xf32>,
    %swap3A_63 = arith.constant 496 : index
    %swap3A_64 = tpu.vector_load %arg8[%swap3A_63] {strides = array<i32>} : memref<768xf32, #tpu.memory_space<vmem>>, vector<16xf32>,
    tpu.vector_store %arg8[%swap3A_63], %broadcast_in_dim3A_1 {strides = array<i32>} : memref<768xf32, #tpu.memory_space<vmem>>, vector<16xf32>,
    %swap3A_65 = arith.constant 512 : index
    %swap3A_66 = tpu.vector_load %arg8[%swap3A_65] {strides = array<i32>} : memref<768xf32, #tpu.memory_space<vmem>>, vector<16xf32>,
    tpu.vector_store %arg8[%swap3A_65], %broadcast_in_dim3A_1 {strides = array<i32>} : memref<768xf32, #tpu.memory_space<vmem>>, vector<16xf32>,
    %swap3A_67 = arith.constant 528 : index
    %swap3A_68 = tpu.vector_load %arg8[%swap3A_67] {strides = array<i32>} : memref<768xf32, #tpu.memory_space<vmem>>, vector<16xf32>,
    tpu.vector_store %arg8[%swap3A_67], %broadcast_in_dim3A_1 {strides = array<i32>} : memref<768xf32, #tpu.memory_space<vmem>>, vector<16xf32>,
    %swap3A_69 = arith.constant 544 : index
    %swap3A_70 = tpu.vector_load %arg8[%swap3A_69] {strides = array<i32>} : memref<768xf32, #tpu.memory_space<vmem>>, vector<16xf32>,
    tpu.vector_store %arg8[%swap3A_69], %broadcast_in_dim3A_1 {strides = array<i32>} : memref<768xf32, #tpu.memory_space<vmem>>, vector<16xf32>,
    %swap3A_71 = arith.constant 560 : index
    %swap3A_72 = tpu.vector_load %arg8[%swap3A_71] {strides = array<i32>} : memref<768xf32, #tpu.memory_space<vmem>>, vector<16xf32>,
    tpu.vector_store %arg8[%swap3A_71], %broadcast_in_dim3A_1 {strides = array<i32>} : memref<768xf32, #tpu.memory_space<vmem>>, vector<16xf32>,
    %swap3A_73 = arith.constant 576 : index
    %swap3A_74 = tpu.vector_load %arg8[%swap3A_73] {strides = array<i32>} : memref<768xf32, #tpu.memory_space<vmem>>, vector<16xf32>,
    tpu.vector_store %arg8[%swap3A_73], %broadcast_in_dim3A_1 {strides = array<i32>} : memref<768xf32, #tpu.memory_space<vmem>>, vector<16xf32>,
    %swap3A_75 = arith.constant 592 : index
    %swap3A_76 = tpu.vector_load %arg8[%swap3A_75] {strides = array<i32>} : memref<768xf32, #tpu.memory_space<vmem>>, vector<16xf32>,
    tpu.vector_store %arg8[%swap3A_75], %broadcast_in_dim3A_1 {strides = array<i32>} : memref<768xf32, #tpu.memory_space<vmem>>, vector<16xf32>,
    %swap3A_77 = arith.constant 608 : index
    %swap3A_78 = tpu.vector_load %arg8[%swap3A_77] {strides = array<i32>} : memref<768xf32, #tpu.memory_space<vmem>>, vector<16xf32>,
    tpu.vector_store %arg8[%swap3A_77], %broadcast_in_dim3A_1 {strides = array<i32>} : memref<768xf32, #tpu.memory_space<vmem>>, vector<16xf32>,
    %swap3A_79 = arith.constant 624 : index
    %swap3A_80 = tpu.vector_load %arg8[%swap3A_79] {strides = array<i32>} : memref<768xf32, #tpu.memory_space<vmem>>, vector<16xf32>,
    tpu.vector_store %arg8[%swap3A_79], %broadcast_in_dim3A_1 {strides = array<i32>} : memref<768xf32, #tpu.memory_space<vmem>>, vector<16xf32>,
    %swap3A_81 = arith.constant 640 : index
    %swap3A_82 = tpu.vector_load %arg8[%swap3A_81] {strides = array<i32>} : memref<768xf32, #tpu.memory_space<vmem>>, vector<16xf32>,
    tpu.vector_store %arg8[%swap3A_81], %broadcast_in_dim3A_1 {strides = array<i32>} : memref<768xf32, #tpu.memory_space<vmem>>, vector<16xf32>,
    %swap3A_83 = arith.constant 656 : index
    %swap3A_84 = tpu.vector_load %arg8[%swap3A_83] {strides = array<i32>} : memref<768xf32, #tpu.memory_space<vmem>>, vector<16xf32>,
    tpu.vector_store %arg8[%swap3A_83], %broadcast_in_dim3A_1 {strides = array<i32>} : memref<768xf32, #tpu.memory_space<vmem>>, vector<16xf32>,
    %swap3A_85 = arith.constant 672 : index
    %swap3A_86 = tpu.vector_load %arg8[%swap3A_85] {strides = array<i32>} : memref<768xf32, #tpu.memory_space<vmem>>, vector<16xf32>,
    tpu.vector_store %arg8[%swap3A_85], %broadcast_in_dim3A_1 {strides = array<i32>} : memref<768xf32, #tpu.memory_space<vmem>>, vector<16xf32>,
    %swap3A_87 = arith.constant 688 : index
    %swap3A_88 = tpu.vector_load %arg8[%swap3A_87] {strides = array<i32>} : memref<768xf32, #tpu.memory_space<vmem>>, vector<16xf32>,
    tpu.vector_store %arg8[%swap3A_87], %broadcast_in_dim3A_1 {strides = array<i32>} : memref<768xf32, #tpu.memory_space<vmem>>, vector<16xf32>,
    %swap3A_89 = arith.constant 704 : index
    %swap3A_90 = tpu.vector_load %arg8[%swap3A_89] {strides = array<i32>} : memref<768xf32, #tpu.memory_space<vmem>>, vector<16xf32>,
    tpu.vector_store %arg8[%swap3A_89], %broadcast_in_dim3A_1 {strides = array<i32>} : memref<768xf32, #tpu.memory_space<vmem>>, vector<16xf32>,
    %swap3A_91 = arith.constant 720 : index
    %swap3A_92 = tpu.vector_load %arg8[%swap3A_91] {strides = array<i32>} : memref<768xf32, #tpu.memory_space<vmem>>, vector<16xf32>,
    tpu.vector_store %arg8[%swap3A_91], %broadcast_in_dim3A_1 {strides = array<i32>} : memref<768xf32, #tpu.memory_space<vmem>>, vector<16xf32>,
    %swap3A_93 = arith.constant 736 : index
    %swap3A_94 = tpu.vector_load %arg8[%swap3A_93] {strides = array<i32>} : memref<768xf32, #tpu.memory_space<vmem>>, vector<16xf32>,
    tpu.vector_store %arg8[%swap3A_93], %broadcast_in_dim3A_1 {strides = array<i32>} : memref<768xf32, #tpu.memory_space<vmem>>, vector<16xf32>,
    %swap3A_95 = arith.constant 752 : index
    %swap3A_96 = tpu.vector_load %arg8[%swap3A_95] {strides = array<i32>} : memref<768xf32, #tpu.memory_space<vmem>>, vector<16xf32>,
    tpu.vector_store %arg8[%swap3A_95], %broadcast_in_dim3A_1 {strides = array<i32>} : memref<768xf32, #tpu.memory_space<vmem>>, vector<16xf32>,
    %iota3A = tpu.iota {dimensions = array<i32: 0>} : vector<16xi32>
    %mul3A_97 = arith.constant 48 : i32
    %mul3A_98 = vector.broadcast %mul3A_97 : i32 to vector<16xi32>
    %mul3A_99 = arith.muli %iota3A, %mul3A_98 : vector<16xi32>
    %broadcast_in_dim3A_100 = arith.constant 1.000000e+00 : f32
    %broadcast_in_dim3A_101 = vector.broadcast %broadcast_in_dim3A_100 : f32 to vector<16xf32>
    %get3A = arith.constant 0 : index
    %get3A_102 = tpu.vector_load %arg6[%get3A] {strides = array<i32>} : memref<512xf32, #tpu.memory_space<vmem>>, vector<16xf32>,
    %get3A_103 = arith.constant 0 : index
    %get3A_104 = tpu.vector_load %arg7[%get3A_103] {strides = array<i32>} : memref<512xf32, #tpu.memory_space<vmem>>, vector<16xf32>,
    %mul3A_105 = arith.constant 1.500000e+01 : f32
    %mul3A_106 = vector.broadcast %mul3A_105 : f32 to vector<16xf32>
    %mul3A_107 = arith.mulf %get3A_102, %mul3A_106 : vector<16xf32>
    %convert_element_type3A = arith.fptosi %mul3A_107 : vector<16xf32> to vector<16xi32>
    %min3A = arith.constant 14 : i32
    %min3A_108 = vector.broadcast %min3A : i32 to vector<16xi32>
    %min3A_109 = arith.minsi %convert_element_type3A, %min3A_108 : vector<16xi32>
    %add3A = arith.addi %mul3A_99, %min3A_109 : vector<16xi32>
    tpu.vector_store_idx %arg8[%add3A], %broadcast_in_dim3A_101 {add = true} : memref<768xf32, #tpu.memory_space<vmem>>[vector<16xi32>], vector<16xf32>,
    %add3A_110 = arith.constant 16 : i32
    %add3A_111 = vector.broadcast %add3A_110 : i32 to vector<16xi32>
    %add3A_112 = arith.addi %min3A_109, %add3A_111 : vector<16xi32>
    %add3A_113 = arith.addi %mul3A_99, %add3A_112 : vector<16xi32>
    tpu.vector_store_idx %arg8[%add3A_113], %get3A_102 {add = true} : memref<768xf32, #tpu.memory_space<vmem>>[vector<16xi32>], vector<16xf32>,
    %add3A_114 = arith.constant 32 : i32
    %add3A_115 = vector.broadcast %add3A_114 : i32 to vector<16xi32>
    %add3A_116 = arith.addi %min3A_109, %add3A_115 : vector<16xi32>
    %add3A_117 = arith.addi %mul3A_99, %add3A_116 : vector<16xi32>
    tpu.vector_store_idx %arg8[%add3A_117], %get3A_104 {add = true} : memref<768xf32, #tpu.memory_space<vmem>>[vector<16xi32>], vector<16xf32>,
    %get3A_118 = arith.constant 16 : index
    %get3A_119 = tpu.vector_load %arg6[%get3A_118] {strides = array<i32>} : memref<512xf32, #tpu.memory_space<vmem>>, vector<16xf32>,
    %get3A_120 = arith.constant 16 : index
    %get3A_121 = tpu.vector_load %arg7[%get3A_120] {strides = array<i32>} : memref<512xf32, #tpu.memory_space<vmem>>, vector<16xf32>,
    %mul3A_122 = arith.constant 1.500000e+01 : f32
    %mul3A_123 = vector.broadcast %mul3A_122 : f32 to vector<16xf32>
    %mul3A_124 = arith.mulf %get3A_119, %mul3A_123 : vector<16xf32>
    %convert_element_type3A_125 = arith.fptosi %mul3A_124 : vector<16xf32> to vector<16xi32>
    %min3A_126 = arith.constant 14 : i32
    %min3A_127 = vector.broadcast %min3A_126 : i32 to vector<16xi32>
    %min3A_128 = arith.minsi %convert_element_type3A_125, %min3A_127 : vector<16xi32>
    %add3A_129 = arith.addi %mul3A_99, %min3A_128 : vector<16xi32>
    tpu.vector_store_idx %arg8[%add3A_129], %broadcast_in_dim3A_101 {add = true} : memref<768xf32, #tpu.memory_space<vmem>>[vector<16xi32>], vector<16xf32>,
    %add3A_130 = arith.constant 16 : i32
    %add3A_131 = vector.broadcast %add3A_130 : i32 to vector<16xi32>
    %add3A_132 = arith.addi %min3A_128, %add3A_131 : vector<16xi32>
    %add3A_133 = arith.addi %mul3A_99, %add3A_132 : vector<16xi32>
    tpu.vector_store_idx %arg8[%add3A_133], %get3A_119 {add = true} : memref<768xf32, #tpu.memory_space<vmem>>[vector<16xi32>], vector<16xf32>,
    %add3A_134 = arith.constant 32 : i32
    %add3A_135 = vector.broadcast %add3A_134 : i32 to vector<16xi32>
    %add3A_136 = arith.addi %min3A_128, %add3A_135 : vector<16xi32>
    %add3A_137 = arith.addi %mul3A_99, %add3A_136 : vector<16xi32>
    tpu.vector_store_idx %arg8[%add3A_137], %get3A_121 {add = true} : memref<768xf32, #tpu.memory_space<vmem>>[vector<16xi32>], vector<16xf32>,
    %get3A_138 = arith.constant 32 : index
    %get3A_139 = tpu.vector_load %arg6[%get3A_138] {strides = array<i32>} : memref<512xf32, #tpu.memory_space<vmem>>, vector<16xf32>,
    %get3A_140 = arith.constant 32 : index
    %get3A_141 = tpu.vector_load %arg7[%get3A_140] {strides = array<i32>} : memref<512xf32, #tpu.memory_space<vmem>>, vector<16xf32>,
    %mul3A_142 = arith.constant 1.500000e+01 : f32
    %mul3A_143 = vector.broadcast %mul3A_142 : f32 to vector<16xf32>
    %mul3A_144 = arith.mulf %get3A_139, %mul3A_143 : vector<16xf32>
    %convert_element_type3A_145 = arith.fptosi %mul3A_144 : vector<16xf32> to vector<16xi32>
    %min3A_146 = arith.constant 14 : i32
    %min3A_147 = vector.broadcast %min3A_146 : i32 to vector<16xi32>
    %min3A_148 = arith.minsi %convert_element_type3A_145, %min3A_147 : vector<16xi32>
    %add3A_149 = arith.addi %mul3A_99, %min3A_148 : vector<16xi32>
    tpu.vector_store_idx %arg8[%add3A_149], %broadcast_in_dim3A_101 {add = true} : memref<768xf32, #tpu.memory_space<vmem>>[vector<16xi32>], vector<16xf32>,
    %add3A_150 = arith.constant 16 : i32
    %add3A_151 = vector.broadcast %add3A_150 : i32 to vector<16xi32>
    %add3A_152 = arith.addi %min3A_148, %add3A_151 : vector<16xi32>
    %add3A_153 = arith.addi %mul3A_99, %add3A_152 : vector<16xi32>
    tpu.vector_store_idx %arg8[%add3A_153], %get3A_139 {add = true} : memref<768xf32, #tpu.memory_space<vmem>>[vector<16xi32>], vector<16xf32>,
    %add3A_154 = arith.constant 32 : i32
    %add3A_155 = vector.broadcast %add3A_154 : i32 to vector<16xi32>
    %add3A_156 = arith.addi %min3A_148, %add3A_155 : vector<16xi32>
    %add3A_157 = arith.addi %mul3A_99, %add3A_156 : vector<16xi32>
    tpu.vector_store_idx %arg8[%add3A_157], %get3A_141 {add = true} : memref<768xf32, #tpu.memory_space<vmem>>[vector<16xi32>], vector<16xf32>,
    %get3A_158 = arith.constant 48 : index
    %get3A_159 = tpu.vector_load %arg6[%get3A_158] {strides = array<i32>} : memref<512xf32, #tpu.memory_space<vmem>>, vector<16xf32>,
    %get3A_160 = arith.constant 48 : index
    %get3A_161 = tpu.vector_load %arg7[%get3A_160] {strides = array<i32>} : memref<512xf32, #tpu.memory_space<vmem>>, vector<16xf32>,
    %mul3A_162 = arith.constant 1.500000e+01 : f32
    %mul3A_163 = vector.broadcast %mul3A_162 : f32 to vector<16xf32>
    %mul3A_164 = arith.mulf %get3A_159, %mul3A_163 : vector<16xf32>
    %convert_element_type3A_165 = arith.fptosi %mul3A_164 : vector<16xf32> to vector<16xi32>
    %min3A_166 = arith.constant 14 : i32
    %min3A_167 = vector.broadcast %min3A_166 : i32 to vector<16xi32>
    %min3A_168 = arith.minsi %convert_element_type3A_165, %min3A_167 : vector<16xi32>
    %add3A_169 = arith.addi %mul3A_99, %min3A_168 : vector<16xi32>
    tpu.vector_store_idx %arg8[%add3A_169], %broadcast_in_dim3A_101 {add = true} : memref<768xf32, #tpu.memory_space<vmem>>[vector<16xi32>], vector<16xf32>,
    %add3A_170 = arith.constant 16 : i32
    %add3A_171 = vector.broadcast %add3A_170 : i32 to vector<16xi32>
    %add3A_172 = arith.addi %min3A_168, %add3A_171 : vector<16xi32>
    %add3A_173 = arith.addi %mul3A_99, %add3A_172 : vector<16xi32>
    tpu.vector_store_idx %arg8[%add3A_173], %get3A_159 {add = true} : memref<768xf32, #tpu.memory_space<vmem>>[vector<16xi32>], vector<16xf32>,
    %add3A_174 = arith.constant 32 : i32
    %add3A_175 = vector.broadcast %add3A_174 : i32 to vector<16xi32>
    %add3A_176 = arith.addi %min3A_168, %add3A_175 : vector<16xi32>
    %add3A_177 = arith.addi %mul3A_99, %add3A_176 : vector<16xi32>
    tpu.vector_store_idx %arg8[%add3A_177], %get3A_161 {add = true} : memref<768xf32, #tpu.memory_space<vmem>>[vector<16xi32>], vector<16xf32>,
    %get3A_178 = arith.constant 64 : index
    %get3A_179 = tpu.vector_load %arg6[%get3A_178] {strides = array<i32>} : memref<512xf32, #tpu.memory_space<vmem>>, vector<16xf32>,
    %get3A_180 = arith.constant 64 : index
    %get3A_181 = tpu.vector_load %arg7[%get3A_180] {strides = array<i32>} : memref<512xf32, #tpu.memory_space<vmem>>, vector<16xf32>,
    %mul3A_182 = arith.constant 1.500000e+01 : f32
    %mul3A_183 = vector.broadcast %mul3A_182 : f32 to vector<16xf32>
    %mul3A_184 = arith.mulf %get3A_179, %mul3A_183 : vector<16xf32>
    %convert_element_type3A_185 = arith.fptosi %mul3A_184 : vector<16xf32> to vector<16xi32>
    %min3A_186 = arith.constant 14 : i32
    %min3A_187 = vector.broadcast %min3A_186 : i32 to vector<16xi32>
    %min3A_188 = arith.minsi %convert_element_type3A_185, %min3A_187 : vector<16xi32>
    %add3A_189 = arith.addi %mul3A_99, %min3A_188 : vector<16xi32>
    tpu.vector_store_idx %arg8[%add3A_189], %broadcast_in_dim3A_101 {add = true} : memref<768xf32, #tpu.memory_space<vmem>>[vector<16xi32>], vector<16xf32>,
    %add3A_190 = arith.constant 16 : i32
    %add3A_191 = vector.broadcast %add3A_190 : i32 to vector<16xi32>
    %add3A_192 = arith.addi %min3A_188, %add3A_191 : vector<16xi32>
    %add3A_193 = arith.addi %mul3A_99, %add3A_192 : vector<16xi32>
    tpu.vector_store_idx %arg8[%add3A_193], %get3A_179 {add = true} : memref<768xf32, #tpu.memory_space<vmem>>[vector<16xi32>], vector<16xf32>,
    %add3A_194 = arith.constant 32 : i32
    %add3A_195 = vector.broadcast %add3A_194 : i32 to vector<16xi32>
    %add3A_196 = arith.addi %min3A_188, %add3A_195 : vector<16xi32>
    %add3A_197 = arith.addi %mul3A_99, %add3A_196 : vector<16xi32>
    tpu.vector_store_idx %arg8[%add3A_197], %get3A_181 {add = true} : memref<768xf32, #tpu.memory_space<vmem>>[vector<16xi32>], vector<16xf32>,
    %get3A_198 = arith.constant 80 : index
    %get3A_199 = tpu.vector_load %arg6[%get3A_198] {strides = array<i32>} : memref<512xf32, #tpu.memory_space<vmem>>, vector<16xf32>,
    %get3A_200 = arith.constant 80 : index
    %get3A_201 = tpu.vector_load %arg7[%get3A_200] {strides = array<i32>} : memref<512xf32, #tpu.memory_space<vmem>>, vector<16xf32>,
    %mul3A_202 = arith.constant 1.500000e+01 : f32
    %mul3A_203 = vector.broadcast %mul3A_202 : f32 to vector<16xf32>
    %mul3A_204 = arith.mulf %get3A_199, %mul3A_203 : vector<16xf32>
    %convert_element_type3A_205 = arith.fptosi %mul3A_204 : vector<16xf32> to vector<16xi32>
    %min3A_206 = arith.constant 14 : i32
    %min3A_207 = vector.broadcast %min3A_206 : i32 to vector<16xi32>
    %min3A_208 = arith.minsi %convert_element_type3A_205, %min3A_207 : vector<16xi32>
    %add3A_209 = arith.addi %mul3A_99, %min3A_208 : vector<16xi32>
    tpu.vector_store_idx %arg8[%add3A_209], %broadcast_in_dim3A_101 {add = true} : memref<768xf32, #tpu.memory_space<vmem>>[vector<16xi32>], vector<16xf32>,
    %add3A_210 = arith.constant 16 : i32
    %add3A_211 = vector.broadcast %add3A_210 : i32 to vector<16xi32>
    %add3A_212 = arith.addi %min3A_208, %add3A_211 : vector<16xi32>
    %add3A_213 = arith.addi %mul3A_99, %add3A_212 : vector<16xi32>
    tpu.vector_store_idx %arg8[%add3A_213], %get3A_199 {add = true} : memref<768xf32, #tpu.memory_space<vmem>>[vector<16xi32>], vector<16xf32>,
    %add3A_214 = arith.constant 32 : i32
    %add3A_215 = vector.broadcast %add3A_214 : i32 to vector<16xi32>
    %add3A_216 = arith.addi %min3A_208, %add3A_215 : vector<16xi32>
    %add3A_217 = arith.addi %mul3A_99, %add3A_216 : vector<16xi32>
    tpu.vector_store_idx %arg8[%add3A_217], %get3A_201 {add = true} : memref<768xf32, #tpu.memory_space<vmem>>[vector<16xi32>], vector<16xf32>,
    %get3A_218 = arith.constant 96 : index
    %get3A_219 = tpu.vector_load %arg6[%get3A_218] {strides = array<i32>} : memref<512xf32, #tpu.memory_space<vmem>>, vector<16xf32>,
    %get3A_220 = arith.constant 96 : index
    %get3A_221 = tpu.vector_load %arg7[%get3A_220] {strides = array<i32>} : memref<512xf32, #tpu.memory_space<vmem>>, vector<16xf32>,
    %mul3A_222 = arith.constant 1.500000e+01 : f32
    %mul3A_223 = vector.broadcast %mul3A_222 : f32 to vector<16xf32>
    %mul3A_224 = arith.mulf %get3A_219, %mul3A_223 : vector<16xf32>
    %convert_element_type3A_225 = arith.fptosi %mul3A_224 : vector<16xf32> to vector<16xi32>
    %min3A_226 = arith.constant 14 : i32
    %min3A_227 = vector.broadcast %min3A_226 : i32 to vector<16xi32>
    %min3A_228 = arith.minsi %convert_element_type3A_225, %min3A_227 : vector<16xi32>
    %add3A_229 = arith.addi %mul3A_99, %min3A_228 : vector<16xi32>
    tpu.vector_store_idx %arg8[%add3A_229], %broadcast_in_dim3A_101 {add = true} : memref<768xf32, #tpu.memory_space<vmem>>[vector<16xi32>], vector<16xf32>,
    %add3A_230 = arith.constant 16 : i32
    %add3A_231 = vector.broadcast %add3A_230 : i32 to vector<16xi32>
    %add3A_232 = arith.addi %min3A_228, %add3A_231 : vector<16xi32>
    %add3A_233 = arith.addi %mul3A_99, %add3A_232 : vector<16xi32>
    tpu.vector_store_idx %arg8[%add3A_233], %get3A_219 {add = true} : memref<768xf32, #tpu.memory_space<vmem>>[vector<16xi32>], vector<16xf32>,
    %add3A_234 = arith.constant 32 : i32
    %add3A_235 = vector.broadcast %add3A_234 : i32 to vector<16xi32>
    %add3A_236 = arith.addi %min3A_228, %add3A_235 : vector<16xi32>
    %add3A_237 = arith.addi %mul3A_99, %add3A_236 : vector<16xi32>
    tpu.vector_store_idx %arg8[%add3A_237], %get3A_221 {add = true} : memref<768xf32, #tpu.memory_space<vmem>>[vector<16xi32>], vector<16xf32>,
    %get3A_238 = arith.constant 112 : index
    %get3A_239 = tpu.vector_load %arg6[%get3A_238] {strides = array<i32>} : memref<512xf32, #tpu.memory_space<vmem>>, vector<16xf32>,
    %get3A_240 = arith.constant 112 : index
    %get3A_241 = tpu.vector_load %arg7[%get3A_240] {strides = array<i32>} : memref<512xf32, #tpu.memory_space<vmem>>, vector<16xf32>,
    %mul3A_242 = arith.constant 1.500000e+01 : f32
    %mul3A_243 = vector.broadcast %mul3A_242 : f32 to vector<16xf32>
    %mul3A_244 = arith.mulf %get3A_239, %mul3A_243 : vector<16xf32>
    %convert_element_type3A_245 = arith.fptosi %mul3A_244 : vector<16xf32> to vector<16xi32>
    %min3A_246 = arith.constant 14 : i32
    %min3A_247 = vector.broadcast %min3A_246 : i32 to vector<16xi32>
    %min3A_248 = arith.minsi %convert_element_type3A_245, %min3A_247 : vector<16xi32>
    %add3A_249 = arith.addi %mul3A_99, %min3A_248 : vector<16xi32>
    tpu.vector_store_idx %arg8[%add3A_249], %broadcast_in_dim3A_101 {add = true} : memref<768xf32, #tpu.memory_space<vmem>>[vector<16xi32>], vector<16xf32>,
    %add3A_250 = arith.constant 16 : i32
    %add3A_251 = vector.broadcast %add3A_250 : i32 to vector<16xi32>
    %add3A_252 = arith.addi %min3A_248, %add3A_251 : vector<16xi32>
    %add3A_253 = arith.addi %mul3A_99, %add3A_252 : vector<16xi32>
    tpu.vector_store_idx %arg8[%add3A_253], %get3A_239 {add = true} : memref<768xf32, #tpu.memory_space<vmem>>[vector<16xi32>], vector<16xf32>,
    %add3A_254 = arith.constant 32 : i32
    %add3A_255 = vector.broadcast %add3A_254 : i32 to vector<16xi32>
    %add3A_256 = arith.addi %min3A_248, %add3A_255 : vector<16xi32>
    %add3A_257 = arith.addi %mul3A_99, %add3A_256 : vector<16xi32>
    tpu.vector_store_idx %arg8[%add3A_257], %get3A_241 {add = true} : memref<768xf32, #tpu.memory_space<vmem>>[vector<16xi32>], vector<16xf32>,
    %get3A_258 = arith.constant 128 : index
    %get3A_259 = tpu.vector_load %arg6[%get3A_258] {strides = array<i32>} : memref<512xf32, #tpu.memory_space<vmem>>, vector<16xf32>,
    %get3A_260 = arith.constant 128 : index
    %get3A_261 = tpu.vector_load %arg7[%get3A_260] {strides = array<i32>} : memref<512xf32, #tpu.memory_space<vmem>>, vector<16xf32>,
    %mul3A_262 = arith.constant 1.500000e+01 : f32
    %mul3A_263 = vector.broadcast %mul3A_262 : f32 to vector<16xf32>
    %mul3A_264 = arith.mulf %get3A_259, %mul3A_263 : vector<16xf32>
    %convert_element_type3A_265 = arith.fptosi %mul3A_264 : vector<16xf32> to vector<16xi32>
    %min3A_266 = arith.constant 14 : i32
    %min3A_267 = vector.broadcast %min3A_266 : i32 to vector<16xi32>
    %min3A_268 = arith.minsi %convert_element_type3A_265, %min3A_267 : vector<16xi32>
    %add3A_269 = arith.addi %mul3A_99, %min3A_268 : vector<16xi32>
    tpu.vector_store_idx %arg8[%add3A_269], %broadcast_in_dim3A_101 {add = true} : memref<768xf32, #tpu.memory_space<vmem>>[vector<16xi32>], vector<16xf32>,
    %add3A_270 = arith.constant 16 : i32
    %add3A_271 = vector.broadcast %add3A_270 : i32 to vector<16xi32>
    %add3A_272 = arith.addi %min3A_268, %add3A_271 : vector<16xi32>
    %add3A_273 = arith.addi %mul3A_99, %add3A_272 : vector<16xi32>
    tpu.vector_store_idx %arg8[%add3A_273], %get3A_259 {add = true} : memref<768xf32, #tpu.memory_space<vmem>>[vector<16xi32>], vector<16xf32>,
    %add3A_274 = arith.constant 32 : i32
    %add3A_275 = vector.broadcast %add3A_274 : i32 to vector<16xi32>
    %add3A_276 = arith.addi %min3A_268, %add3A_275 : vector<16xi32>
    %add3A_277 = arith.addi %mul3A_99, %add3A_276 : vector<16xi32>
    tpu.vector_store_idx %arg8[%add3A_277], %get3A_261 {add = true} : memref<768xf32, #tpu.memory_space<vmem>>[vector<16xi32>], vector<16xf32>,
    %get3A_278 = arith.constant 144 : index
    %get3A_279 = tpu.vector_load %arg6[%get3A_278] {strides = array<i32>} : memref<512xf32, #tpu.memory_space<vmem>>, vector<16xf32>,
    %get3A_280 = arith.constant 144 : index
    %get3A_281 = tpu.vector_load %arg7[%get3A_280] {strides = array<i32>} : memref<512xf32, #tpu.memory_space<vmem>>, vector<16xf32>,
    %mul3A_282 = arith.constant 1.500000e+01 : f32
    %mul3A_283 = vector.broadcast %mul3A_282 : f32 to vector<16xf32>
    %mul3A_284 = arith.mulf %get3A_279, %mul3A_283 : vector<16xf32>
    %convert_element_type3A_285 = arith.fptosi %mul3A_284 : vector<16xf32> to vector<16xi32>
    %min3A_286 = arith.constant 14 : i32
    %min3A_287 = vector.broadcast %min3A_286 : i32 to vector<16xi32>
    %min3A_288 = arith.minsi %convert_element_type3A_285, %min3A_287 : vector<16xi32>
    %add3A_289 = arith.addi %mul3A_99, %min3A_288 : vector<16xi32>
    tpu.vector_store_idx %arg8[%add3A_289], %broadcast_in_dim3A_101 {add = true} : memref<768xf32, #tpu.memory_space<vmem>>[vector<16xi32>], vector<16xf32>,
    %add3A_290 = arith.constant 16 : i32
    %add3A_291 = vector.broadcast %add3A_290 : i32 to vector<16xi32>
    %add3A_292 = arith.addi %min3A_288, %add3A_291 : vector<16xi32>
    %add3A_293 = arith.addi %mul3A_99, %add3A_292 : vector<16xi32>
    tpu.vector_store_idx %arg8[%add3A_293], %get3A_279 {add = true} : memref<768xf32, #tpu.memory_space<vmem>>[vector<16xi32>], vector<16xf32>,
    %add3A_294 = arith.constant 32 : i32
    %add3A_295 = vector.broadcast %add3A_294 : i32 to vector<16xi32>
    %add3A_296 = arith.addi %min3A_288, %add3A_295 : vector<16xi32>
    %add3A_297 = arith.addi %mul3A_99, %add3A_296 : vector<16xi32>
    tpu.vector_store_idx %arg8[%add3A_297], %get3A_281 {add = true} : memref<768xf32, #tpu.memory_space<vmem>>[vector<16xi32>], vector<16xf32>,
    %get3A_298 = arith.constant 160 : index
    %get3A_299 = tpu.vector_load %arg6[%get3A_298] {strides = array<i32>} : memref<512xf32, #tpu.memory_space<vmem>>, vector<16xf32>,
    %get3A_300 = arith.constant 160 : index
    %get3A_301 = tpu.vector_load %arg7[%get3A_300] {strides = array<i32>} : memref<512xf32, #tpu.memory_space<vmem>>, vector<16xf32>,
    %mul3A_302 = arith.constant 1.500000e+01 : f32
    %mul3A_303 = vector.broadcast %mul3A_302 : f32 to vector<16xf32>
    %mul3A_304 = arith.mulf %get3A_299, %mul3A_303 : vector<16xf32>
    %convert_element_type3A_305 = arith.fptosi %mul3A_304 : vector<16xf32> to vector<16xi32>
    %min3A_306 = arith.constant 14 : i32
    %min3A_307 = vector.broadcast %min3A_306 : i32 to vector<16xi32>
    %min3A_308 = arith.minsi %convert_element_type3A_305, %min3A_307 : vector<16xi32>
    %add3A_309 = arith.addi %mul3A_99, %min3A_308 : vector<16xi32>
    tpu.vector_store_idx %arg8[%add3A_309], %broadcast_in_dim3A_101 {add = true} : memref<768xf32, #tpu.memory_space<vmem>>[vector<16xi32>], vector<16xf32>,
    %add3A_310 = arith.constant 16 : i32
    %add3A_311 = vector.broadcast %add3A_310 : i32 to vector<16xi32>
    %add3A_312 = arith.addi %min3A_308, %add3A_311 : vector<16xi32>
    %add3A_313 = arith.addi %mul3A_99, %add3A_312 : vector<16xi32>
    tpu.vector_store_idx %arg8[%add3A_313], %get3A_299 {add = true} : memref<768xf32, #tpu.memory_space<vmem>>[vector<16xi32>], vector<16xf32>,
    %add3A_314 = arith.constant 32 : i32
    %add3A_315 = vector.broadcast %add3A_314 : i32 to vector<16xi32>
    %add3A_316 = arith.addi %min3A_308, %add3A_315 : vector<16xi32>
    %add3A_317 = arith.addi %mul3A_99, %add3A_316 : vector<16xi32>
    tpu.vector_store_idx %arg8[%add3A_317], %get3A_301 {add = true} : memref<768xf32, #tpu.memory_space<vmem>>[vector<16xi32>], vector<16xf32>,
    %get3A_318 = arith.constant 176 : index
    %get3A_319 = tpu.vector_load %arg6[%get3A_318] {strides = array<i32>} : memref<512xf32, #tpu.memory_space<vmem>>, vector<16xf32>,
    %get3A_320 = arith.constant 176 : index
    %get3A_321 = tpu.vector_load %arg7[%get3A_320] {strides = array<i32>} : memref<512xf32, #tpu.memory_space<vmem>>, vector<16xf32>,
    %mul3A_322 = arith.constant 1.500000e+01 : f32
    %mul3A_323 = vector.broadcast %mul3A_322 : f32 to vector<16xf32>
    %mul3A_324 = arith.mulf %get3A_319, %mul3A_323 : vector<16xf32>
    %convert_element_type3A_325 = arith.fptosi %mul3A_324 : vector<16xf32> to vector<16xi32>
    %min3A_326 = arith.constant 14 : i32
    %min3A_327 = vector.broadcast %min3A_326 : i32 to vector<16xi32>
    %min3A_328 = arith.minsi %convert_element_type3A_325, %min3A_327 : vector<16xi32>
    %add3A_329 = arith.addi %mul3A_99, %min3A_328 : vector<16xi32>
    tpu.vector_store_idx %arg8[%add3A_329], %broadcast_in_dim3A_101 {add = true} : memref<768xf32, #tpu.memory_space<vmem>>[vector<16xi32>], vector<16xf32>,
    %add3A_330 = arith.constant 16 : i32
    %add3A_331 = vector.broadcast %add3A_330 : i32 to vector<16xi32>
    %add3A_332 = arith.addi %min3A_328, %add3A_331 : vector<16xi32>
    %add3A_333 = arith.addi %mul3A_99, %add3A_332 : vector<16xi32>
    tpu.vector_store_idx %arg8[%add3A_333], %get3A_319 {add = true} : memref<768xf32, #tpu.memory_space<vmem>>[vector<16xi32>], vector<16xf32>,
    %add3A_334 = arith.constant 32 : i32
    %add3A_335 = vector.broadcast %add3A_334 : i32 to vector<16xi32>
    %add3A_336 = arith.addi %min3A_328, %add3A_335 : vector<16xi32>
    %add3A_337 = arith.addi %mul3A_99, %add3A_336 : vector<16xi32>
    tpu.vector_store_idx %arg8[%add3A_337], %get3A_321 {add = true} : memref<768xf32, #tpu.memory_space<vmem>>[vector<16xi32>], vector<16xf32>,
    %get3A_338 = arith.constant 192 : index
    %get3A_339 = tpu.vector_load %arg6[%get3A_338] {strides = array<i32>} : memref<512xf32, #tpu.memory_space<vmem>>, vector<16xf32>,
    %get3A_340 = arith.constant 192 : index
    %get3A_341 = tpu.vector_load %arg7[%get3A_340] {strides = array<i32>} : memref<512xf32, #tpu.memory_space<vmem>>, vector<16xf32>,
    %mul3A_342 = arith.constant 1.500000e+01 : f32
    %mul3A_343 = vector.broadcast %mul3A_342 : f32 to vector<16xf32>
    %mul3A_344 = arith.mulf %get3A_339, %mul3A_343 : vector<16xf32>
    %convert_element_type3A_345 = arith.fptosi %mul3A_344 : vector<16xf32> to vector<16xi32>
    %min3A_346 = arith.constant 14 : i32
    %min3A_347 = vector.broadcast %min3A_346 : i32 to vector<16xi32>
    %min3A_348 = arith.minsi %convert_element_type3A_345, %min3A_347 : vector<16xi32>
    %add3A_349 = arith.addi %mul3A_99, %min3A_348 : vector<16xi32>
    tpu.vector_store_idx %arg8[%add3A_349], %broadcast_in_dim3A_101 {add = true} : memref<768xf32, #tpu.memory_space<vmem>>[vector<16xi32>], vector<16xf32>,
    %add3A_350 = arith.constant 16 : i32
    %add3A_351 = vector.broadcast %add3A_350 : i32 to vector<16xi32>
    %add3A_352 = arith.addi %min3A_348, %add3A_351 : vector<16xi32>
    %add3A_353 = arith.addi %mul3A_99, %add3A_352 : vector<16xi32>
    tpu.vector_store_idx %arg8[%add3A_353], %get3A_339 {add = true} : memref<768xf32, #tpu.memory_space<vmem>>[vector<16xi32>], vector<16xf32>,
    %add3A_354 = arith.constant 32 : i32
    %add3A_355 = vector.broadcast %add3A_354 : i32 to vector<16xi32>
    %add3A_356 = arith.addi %min3A_348, %add3A_355 : vector<16xi32>
    %add3A_357 = arith.addi %mul3A_99, %add3A_356 : vector<16xi32>
    tpu.vector_store_idx %arg8[%add3A_357], %get3A_341 {add = true} : memref<768xf32, #tpu.memory_space<vmem>>[vector<16xi32>], vector<16xf32>,
    %get3A_358 = arith.constant 208 : index
    %get3A_359 = tpu.vector_load %arg6[%get3A_358] {strides = array<i32>} : memref<512xf32, #tpu.memory_space<vmem>>, vector<16xf32>,
    %get3A_360 = arith.constant 208 : index
    %get3A_361 = tpu.vector_load %arg7[%get3A_360] {strides = array<i32>} : memref<512xf32, #tpu.memory_space<vmem>>, vector<16xf32>,
    %mul3A_362 = arith.constant 1.500000e+01 : f32
    %mul3A_363 = vector.broadcast %mul3A_362 : f32 to vector<16xf32>
    %mul3A_364 = arith.mulf %get3A_359, %mul3A_363 : vector<16xf32>
    %convert_element_type3A_365 = arith.fptosi %mul3A_364 : vector<16xf32> to vector<16xi32>
    %min3A_366 = arith.constant 14 : i32
    %min3A_367 = vector.broadcast %min3A_366 : i32 to vector<16xi32>
    %min3A_368 = arith.minsi %convert_element_type3A_365, %min3A_367 : vector<16xi32>
    %add3A_369 = arith.addi %mul3A_99, %min3A_368 : vector<16xi32>
    tpu.vector_store_idx %arg8[%add3A_369], %broadcast_in_dim3A_101 {add = true} : memref<768xf32, #tpu.memory_space<vmem>>[vector<16xi32>], vector<16xf32>,
    %add3A_370 = arith.constant 16 : i32
    %add3A_371 = vector.broadcast %add3A_370 : i32 to vector<16xi32>
    %add3A_372 = arith.addi %min3A_368, %add3A_371 : vector<16xi32>
    %add3A_373 = arith.addi %mul3A_99, %add3A_372 : vector<16xi32>
    tpu.vector_store_idx %arg8[%add3A_373], %get3A_359 {add = true} : memref<768xf32, #tpu.memory_space<vmem>>[vector<16xi32>], vector<16xf32>,
    %add3A_374 = arith.constant 32 : i32
    %add3A_375 = vector.broadcast %add3A_374 : i32 to vector<16xi32>
    %add3A_376 = arith.addi %min3A_368, %add3A_375 : vector<16xi32>
    %add3A_377 = arith.addi %mul3A_99, %add3A_376 : vector<16xi32>
    tpu.vector_store_idx %arg8[%add3A_377], %get3A_361 {add = true} : memref<768xf32, #tpu.memory_space<vmem>>[vector<16xi32>], vector<16xf32>,
    %get3A_378 = arith.constant 224 : index
    %get3A_379 = tpu.vector_load %arg6[%get3A_378] {strides = array<i32>} : memref<512xf32, #tpu.memory_space<vmem>>, vector<16xf32>,
    %get3A_380 = arith.constant 224 : index
    %get3A_381 = tpu.vector_load %arg7[%get3A_380] {strides = array<i32>} : memref<512xf32, #tpu.memory_space<vmem>>, vector<16xf32>,
    %mul3A_382 = arith.constant 1.500000e+01 : f32
    %mul3A_383 = vector.broadcast %mul3A_382 : f32 to vector<16xf32>
    %mul3A_384 = arith.mulf %get3A_379, %mul3A_383 : vector<16xf32>
    %convert_element_type3A_385 = arith.fptosi %mul3A_384 : vector<16xf32> to vector<16xi32>
    %min3A_386 = arith.constant 14 : i32
    %min3A_387 = vector.broadcast %min3A_386 : i32 to vector<16xi32>
    %min3A_388 = arith.minsi %convert_element_type3A_385, %min3A_387 : vector<16xi32>
    %add3A_389 = arith.addi %mul3A_99, %min3A_388 : vector<16xi32>
    tpu.vector_store_idx %arg8[%add3A_389], %broadcast_in_dim3A_101 {add = true} : memref<768xf32, #tpu.memory_space<vmem>>[vector<16xi32>], vector<16xf32>,
    %add3A_390 = arith.constant 16 : i32
    %add3A_391 = vector.broadcast %add3A_390 : i32 to vector<16xi32>
    %add3A_392 = arith.addi %min3A_388, %add3A_391 : vector<16xi32>
    %add3A_393 = arith.addi %mul3A_99, %add3A_392 : vector<16xi32>
    tpu.vector_store_idx %arg8[%add3A_393], %get3A_379 {add = true} : memref<768xf32, #tpu.memory_space<vmem>>[vector<16xi32>], vector<16xf32>,
    %add3A_394 = arith.constant 32 : i32
    %add3A_395 = vector.broadcast %add3A_394 : i32 to vector<16xi32>
    %add3A_396 = arith.addi %min3A_388, %add3A_395 : vector<16xi32>
    %add3A_397 = arith.addi %mul3A_99, %add3A_396 : vector<16xi32>
    tpu.vector_store_idx %arg8[%add3A_397], %get3A_381 {add = true} : memref<768xf32, #tpu.memory_space<vmem>>[vector<16xi32>], vector<16xf32>,
    %get3A_398 = arith.constant 240 : index
    %get3A_399 = tpu.vector_load %arg6[%get3A_398] {strides = array<i32>} : memref<512xf32, #tpu.memory_space<vmem>>, vector<16xf32>,
    %get3A_400 = arith.constant 240 : index
    %get3A_401 = tpu.vector_load %arg7[%get3A_400] {strides = array<i32>} : memref<512xf32, #tpu.memory_space<vmem>>, vector<16xf32>,
    %mul3A_402 = arith.constant 1.500000e+01 : f32
    %mul3A_403 = vector.broadcast %mul3A_402 : f32 to vector<16xf32>
    %mul3A_404 = arith.mulf %get3A_399, %mul3A_403 : vector<16xf32>
    %convert_element_type3A_405 = arith.fptosi %mul3A_404 : vector<16xf32> to vector<16xi32>
    %min3A_406 = arith.constant 14 : i32
    %min3A_407 = vector.broadcast %min3A_406 : i32 to vector<16xi32>
    %min3A_408 = arith.minsi %convert_element_type3A_405, %min3A_407 : vector<16xi32>
    %add3A_409 = arith.addi %mul3A_99, %min3A_408 : vector<16xi32>
    tpu.vector_store_idx %arg8[%add3A_409], %broadcast_in_dim3A_101 {add = true} : memref<768xf32, #tpu.memory_space<vmem>>[vector<16xi32>], vector<16xf32>,
    %add3A_410 = arith.constant 16 : i32
    %add3A_411 = vector.broadcast %add3A_410 : i32 to vector<16xi32>
    %add3A_412 = arith.addi %min3A_408, %add3A_411 : vector<16xi32>
    %add3A_413 = arith.addi %mul3A_99, %add3A_412 : vector<16xi32>
    tpu.vector_store_idx %arg8[%add3A_413], %get3A_399 {add = true} : memref<768xf32, #tpu.memory_space<vmem>>[vector<16xi32>], vector<16xf32>,
    %add3A_414 = arith.constant 32 : i32
    %add3A_415 = vector.broadcast %add3A_414 : i32 to vector<16xi32>
    %add3A_416 = arith.addi %min3A_408, %add3A_415 : vector<16xi32>
    %add3A_417 = arith.addi %mul3A_99, %add3A_416 : vector<16xi32>
    tpu.vector_store_idx %arg8[%add3A_417], %get3A_401 {add = true} : memref<768xf32, #tpu.memory_space<vmem>>[vector<16xi32>], vector<16xf32>,
    %get3A_418 = arith.constant 256 : index
    %get3A_419 = tpu.vector_load %arg6[%get3A_418] {strides = array<i32>} : memref<512xf32, #tpu.memory_space<vmem>>, vector<16xf32>,
    %get3A_420 = arith.constant 256 : index
    %get3A_421 = tpu.vector_load %arg7[%get3A_420] {strides = array<i32>} : memref<512xf32, #tpu.memory_space<vmem>>, vector<16xf32>,
    %mul3A_422 = arith.constant 1.500000e+01 : f32
    %mul3A_423 = vector.broadcast %mul3A_422 : f32 to vector<16xf32>
    %mul3A_424 = arith.mulf %get3A_419, %mul3A_423 : vector<16xf32>
    %convert_element_type3A_425 = arith.fptosi %mul3A_424 : vector<16xf32> to vector<16xi32>
    %min3A_426 = arith.constant 14 : i32
    %min3A_427 = vector.broadcast %min3A_426 : i32 to vector<16xi32>
    %min3A_428 = arith.minsi %convert_element_type3A_425, %min3A_427 : vector<16xi32>
    %add3A_429 = arith.addi %mul3A_99, %min3A_428 : vector<16xi32>
    tpu.vector_store_idx %arg8[%add3A_429], %broadcast_in_dim3A_101 {add = true} : memref<768xf32, #tpu.memory_space<vmem>>[vector<16xi32>], vector<16xf32>,
    %add3A_430 = arith.constant 16 : i32
    %add3A_431 = vector.broadcast %add3A_430 : i32 to vector<16xi32>
    %add3A_432 = arith.addi %min3A_428, %add3A_431 : vector<16xi32>
    %add3A_433 = arith.addi %mul3A_99, %add3A_432 : vector<16xi32>
    tpu.vector_store_idx %arg8[%add3A_433], %get3A_419 {add = true} : memref<768xf32, #tpu.memory_space<vmem>>[vector<16xi32>], vector<16xf32>,
    %add3A_434 = arith.constant 32 : i32
    %add3A_435 = vector.broadcast %add3A_434 : i32 to vector<16xi32>
    %add3A_436 = arith.addi %min3A_428, %add3A_435 : vector<16xi32>
    %add3A_437 = arith.addi %mul3A_99, %add3A_436 : vector<16xi32>
    tpu.vector_store_idx %arg8[%add3A_437], %get3A_421 {add = true} : memref<768xf32, #tpu.memory_space<vmem>>[vector<16xi32>], vector<16xf32>,
    %get3A_438 = arith.constant 272 : index
    %get3A_439 = tpu.vector_load %arg6[%get3A_438] {strides = array<i32>} : memref<512xf32, #tpu.memory_space<vmem>>, vector<16xf32>,
    %get3A_440 = arith.constant 272 : index
    %get3A_441 = tpu.vector_load %arg7[%get3A_440] {strides = array<i32>} : memref<512xf32, #tpu.memory_space<vmem>>, vector<16xf32>,
    %mul3A_442 = arith.constant 1.500000e+01 : f32
    %mul3A_443 = vector.broadcast %mul3A_442 : f32 to vector<16xf32>
    %mul3A_444 = arith.mulf %get3A_439, %mul3A_443 : vector<16xf32>
    %convert_element_type3A_445 = arith.fptosi %mul3A_444 : vector<16xf32> to vector<16xi32>
    %min3A_446 = arith.constant 14 : i32
    %min3A_447 = vector.broadcast %min3A_446 : i32 to vector<16xi32>
    %min3A_448 = arith.minsi %convert_element_type3A_445, %min3A_447 : vector<16xi32>
    %add3A_449 = arith.addi %mul3A_99, %min3A_448 : vector<16xi32>
    tpu.vector_store_idx %arg8[%add3A_449], %broadcast_in_dim3A_101 {add = true} : memref<768xf32, #tpu.memory_space<vmem>>[vector<16xi32>], vector<16xf32>,
    %add3A_450 = arith.constant 16 : i32
    %add3A_451 = vector.broadcast %add3A_450 : i32 to vector<16xi32>
    %add3A_452 = arith.addi %min3A_448, %add3A_451 : vector<16xi32>
    %add3A_453 = arith.addi %mul3A_99, %add3A_452 : vector<16xi32>
    tpu.vector_store_idx %arg8[%add3A_453], %get3A_439 {add = true} : memref<768xf32, #tpu.memory_space<vmem>>[vector<16xi32>], vector<16xf32>,
    %add3A_454 = arith.constant 32 : i32
    %add3A_455 = vector.broadcast %add3A_454 : i32 to vector<16xi32>
    %add3A_456 = arith.addi %min3A_448, %add3A_455 : vector<16xi32>
    %add3A_457 = arith.addi %mul3A_99, %add3A_456 : vector<16xi32>
    tpu.vector_store_idx %arg8[%add3A_457], %get3A_441 {add = true} : memref<768xf32, #tpu.memory_space<vmem>>[vector<16xi32>], vector<16xf32>,
    %get3A_458 = arith.constant 288 : index
    %get3A_459 = tpu.vector_load %arg6[%get3A_458] {strides = array<i32>} : memref<512xf32, #tpu.memory_space<vmem>>, vector<16xf32>,
    %get3A_460 = arith.constant 288 : index
    %get3A_461 = tpu.vector_load %arg7[%get3A_460] {strides = array<i32>} : memref<512xf32, #tpu.memory_space<vmem>>, vector<16xf32>,
    %mul3A_462 = arith.constant 1.500000e+01 : f32
    %mul3A_463 = vector.broadcast %mul3A_462 : f32 to vector<16xf32>
    %mul3A_464 = arith.mulf %get3A_459, %mul3A_463 : vector<16xf32>
    %convert_element_type3A_465 = arith.fptosi %mul3A_464 : vector<16xf32> to vector<16xi32>
    %min3A_466 = arith.constant 14 : i32
    %min3A_467 = vector.broadcast %min3A_466 : i32 to vector<16xi32>
    %min3A_468 = arith.minsi %convert_element_type3A_465, %min3A_467 : vector<16xi32>
    %add3A_469 = arith.addi %mul3A_99, %min3A_468 : vector<16xi32>
    tpu.vector_store_idx %arg8[%add3A_469], %broadcast_in_dim3A_101 {add = true} : memref<768xf32, #tpu.memory_space<vmem>>[vector<16xi32>], vector<16xf32>,
    %add3A_470 = arith.constant 16 : i32
    %add3A_471 = vector.broadcast %add3A_470 : i32 to vector<16xi32>
    %add3A_472 = arith.addi %min3A_468, %add3A_471 : vector<16xi32>
    %add3A_473 = arith.addi %mul3A_99, %add3A_472 : vector<16xi32>
    tpu.vector_store_idx %arg8[%add3A_473], %get3A_459 {add = true} : memref<768xf32, #tpu.memory_space<vmem>>[vector<16xi32>], vector<16xf32>,
    %add3A_474 = arith.constant 32 : i32
    %add3A_475 = vector.broadcast %add3A_474 : i32 to vector<16xi32>
    %add3A_476 = arith.addi %min3A_468, %add3A_475 : vector<16xi32>
    %add3A_477 = arith.addi %mul3A_99, %add3A_476 : vector<16xi32>
    tpu.vector_store_idx %arg8[%add3A_477], %get3A_461 {add = true} : memref<768xf32, #tpu.memory_space<vmem>>[vector<16xi32>], vector<16xf32>,
    %get3A_478 = arith.constant 304 : index
    %get3A_479 = tpu.vector_load %arg6[%get3A_478] {strides = array<i32>} : memref<512xf32, #tpu.memory_space<vmem>>, vector<16xf32>,
    %get3A_480 = arith.constant 304 : index
    %get3A_481 = tpu.vector_load %arg7[%get3A_480] {strides = array<i32>} : memref<512xf32, #tpu.memory_space<vmem>>, vector<16xf32>,
    %mul3A_482 = arith.constant 1.500000e+01 : f32
    %mul3A_483 = vector.broadcast %mul3A_482 : f32 to vector<16xf32>
    %mul3A_484 = arith.mulf %get3A_479, %mul3A_483 : vector<16xf32>
    %convert_element_type3A_485 = arith.fptosi %mul3A_484 : vector<16xf32> to vector<16xi32>
    %min3A_486 = arith.constant 14 : i32
    %min3A_487 = vector.broadcast %min3A_486 : i32 to vector<16xi32>
    %min3A_488 = arith.minsi %convert_element_type3A_485, %min3A_487 : vector<16xi32>
    %add3A_489 = arith.addi %mul3A_99, %min3A_488 : vector<16xi32>
    tpu.vector_store_idx %arg8[%add3A_489], %broadcast_in_dim3A_101 {add = true} : memref<768xf32, #tpu.memory_space<vmem>>[vector<16xi32>], vector<16xf32>,
    %add3A_490 = arith.constant 16 : i32
    %add3A_491 = vector.broadcast %add3A_490 : i32 to vector<16xi32>
    %add3A_492 = arith.addi %min3A_488, %add3A_491 : vector<16xi32>
    %add3A_493 = arith.addi %mul3A_99, %add3A_492 : vector<16xi32>
    tpu.vector_store_idx %arg8[%add3A_493], %get3A_479 {add = true} : memref<768xf32, #tpu.memory_space<vmem>>[vector<16xi32>], vector<16xf32>,
    %add3A_494 = arith.constant 32 : i32
    %add3A_495 = vector.broadcast %add3A_494 : i32 to vector<16xi32>
    %add3A_496 = arith.addi %min3A_488, %add3A_495 : vector<16xi32>
    %add3A_497 = arith.addi %mul3A_99, %add3A_496 : vector<16xi32>
    tpu.vector_store_idx %arg8[%add3A_497], %get3A_481 {add = true} : memref<768xf32, #tpu.memory_space<vmem>>[vector<16xi32>], vector<16xf32>,
    %get3A_498 = arith.constant 320 : index
    %get3A_499 = tpu.vector_load %arg6[%get3A_498] {strides = array<i32>} : memref<512xf32, #tpu.memory_space<vmem>>, vector<16xf32>,
    %get3A_500 = arith.constant 320 : index
    %get3A_501 = tpu.vector_load %arg7[%get3A_500] {strides = array<i32>} : memref<512xf32, #tpu.memory_space<vmem>>, vector<16xf32>,
    %mul3A_502 = arith.constant 1.500000e+01 : f32
    %mul3A_503 = vector.broadcast %mul3A_502 : f32 to vector<16xf32>
    %mul3A_504 = arith.mulf %get3A_499, %mul3A_503 : vector<16xf32>
    %convert_element_type3A_505 = arith.fptosi %mul3A_504 : vector<16xf32> to vector<16xi32>
    %min3A_506 = arith.constant 14 : i32
    %min3A_507 = vector.broadcast %min3A_506 : i32 to vector<16xi32>
    %min3A_508 = arith.minsi %convert_element_type3A_505, %min3A_507 : vector<16xi32>
    %add3A_509 = arith.addi %mul3A_99, %min3A_508 : vector<16xi32>
    tpu.vector_store_idx %arg8[%add3A_509], %broadcast_in_dim3A_101 {add = true} : memref<768xf32, #tpu.memory_space<vmem>>[vector<16xi32>], vector<16xf32>,
    %add3A_510 = arith.constant 16 : i32
    %add3A_511 = vector.broadcast %add3A_510 : i32 to vector<16xi32>
    %add3A_512 = arith.addi %min3A_508, %add3A_511 : vector<16xi32>
    %add3A_513 = arith.addi %mul3A_99, %add3A_512 : vector<16xi32>
    tpu.vector_store_idx %arg8[%add3A_513], %get3A_499 {add = true} : memref<768xf32, #tpu.memory_space<vmem>>[vector<16xi32>], vector<16xf32>,
    %add3A_514 = arith.constant 32 : i32
    %add3A_515 = vector.broadcast %add3A_514 : i32 to vector<16xi32>
    %add3A_516 = arith.addi %min3A_508, %add3A_515 : vector<16xi32>
    %add3A_517 = arith.addi %mul3A_99, %add3A_516 : vector<16xi32>
    tpu.vector_store_idx %arg8[%add3A_517], %get3A_501 {add = true} : memref<768xf32, #tpu.memory_space<vmem>>[vector<16xi32>], vector<16xf32>,
    %get3A_518 = arith.constant 336 : index
    %get3A_519 = tpu.vector_load %arg6[%get3A_518] {strides = array<i32>} : memref<512xf32, #tpu.memory_space<vmem>>, vector<16xf32>,
    %get3A_520 = arith.constant 336 : index
    %get3A_521 = tpu.vector_load %arg7[%get3A_520] {strides = array<i32>} : memref<512xf32, #tpu.memory_space<vmem>>, vector<16xf32>,
    %mul3A_522 = arith.constant 1.500000e+01 : f32
    %mul3A_523 = vector.broadcast %mul3A_522 : f32 to vector<16xf32>
    %mul3A_524 = arith.mulf %get3A_519, %mul3A_523 : vector<16xf32>
    %convert_element_type3A_525 = arith.fptosi %mul3A_524 : vector<16xf32> to vector<16xi32>
    %min3A_526 = arith.constant 14 : i32
    %min3A_527 = vector.broadcast %min3A_526 : i32 to vector<16xi32>
    %min3A_528 = arith.minsi %convert_element_type3A_525, %min3A_527 : vector<16xi32>
    %add3A_529 = arith.addi %mul3A_99, %min3A_528 : vector<16xi32>
    tpu.vector_store_idx %arg8[%add3A_529], %broadcast_in_dim3A_101 {add = true} : memref<768xf32, #tpu.memory_space<vmem>>[vector<16xi32>], vector<16xf32>,
    %add3A_530 = arith.constant 16 : i32
    %add3A_531 = vector.broadcast %add3A_530 : i32 to vector<16xi32>
    %add3A_532 = arith.addi %min3A_528, %add3A_531 : vector<16xi32>
    %add3A_533 = arith.addi %mul3A_99, %add3A_532 : vector<16xi32>
    tpu.vector_store_idx %arg8[%add3A_533], %get3A_519 {add = true} : memref<768xf32, #tpu.memory_space<vmem>>[vector<16xi32>], vector<16xf32>,
    %add3A_534 = arith.constant 32 : i32
    %add3A_535 = vector.broadcast %add3A_534 : i32 to vector<16xi32>
    %add3A_536 = arith.addi %min3A_528, %add3A_535 : vector<16xi32>
    %add3A_537 = arith.addi %mul3A_99, %add3A_536 : vector<16xi32>
    tpu.vector_store_idx %arg8[%add3A_537], %get3A_521 {add = true} : memref<768xf32, #tpu.memory_space<vmem>>[vector<16xi32>], vector<16xf32>,
    %get3A_538 = arith.constant 352 : index
    %get3A_539 = tpu.vector_load %arg6[%get3A_538] {strides = array<i32>} : memref<512xf32, #tpu.memory_space<vmem>>, vector<16xf32>,
    %get3A_540 = arith.constant 352 : index
    %get3A_541 = tpu.vector_load %arg7[%get3A_540] {strides = array<i32>} : memref<512xf32, #tpu.memory_space<vmem>>, vector<16xf32>,
    %mul3A_542 = arith.constant 1.500000e+01 : f32
    %mul3A_543 = vector.broadcast %mul3A_542 : f32 to vector<16xf32>
    %mul3A_544 = arith.mulf %get3A_539, %mul3A_543 : vector<16xf32>
    %convert_element_type3A_545 = arith.fptosi %mul3A_544 : vector<16xf32> to vector<16xi32>
    %min3A_546 = arith.constant 14 : i32
    %min3A_547 = vector.broadcast %min3A_546 : i32 to vector<16xi32>
    %min3A_548 = arith.minsi %convert_element_type3A_545, %min3A_547 : vector<16xi32>
    %add3A_549 = arith.addi %mul3A_99, %min3A_548 : vector<16xi32>
    tpu.vector_store_idx %arg8[%add3A_549], %broadcast_in_dim3A_101 {add = true} : memref<768xf32, #tpu.memory_space<vmem>>[vector<16xi32>], vector<16xf32>,
    %add3A_550 = arith.constant 16 : i32
    %add3A_551 = vector.broadcast %add3A_550 : i32 to vector<16xi32>
    %add3A_552 = arith.addi %min3A_548, %add3A_551 : vector<16xi32>
    %add3A_553 = arith.addi %mul3A_99, %add3A_552 : vector<16xi32>
    tpu.vector_store_idx %arg8[%add3A_553], %get3A_539 {add = true} : memref<768xf32, #tpu.memory_space<vmem>>[vector<16xi32>], vector<16xf32>,
    %add3A_554 = arith.constant 32 : i32
    %add3A_555 = vector.broadcast %add3A_554 : i32 to vector<16xi32>
    %add3A_556 = arith.addi %min3A_548, %add3A_555 : vector<16xi32>
    %add3A_557 = arith.addi %mul3A_99, %add3A_556 : vector<16xi32>
    tpu.vector_store_idx %arg8[%add3A_557], %get3A_541 {add = true} : memref<768xf32, #tpu.memory_space<vmem>>[vector<16xi32>], vector<16xf32>,
    %get3A_558 = arith.constant 368 : index
    %get3A_559 = tpu.vector_load %arg6[%get3A_558] {strides = array<i32>} : memref<512xf32, #tpu.memory_space<vmem>>, vector<16xf32>,
    %get3A_560 = arith.constant 368 : index
    %get3A_561 = tpu.vector_load %arg7[%get3A_560] {strides = array<i32>} : memref<512xf32, #tpu.memory_space<vmem>>, vector<16xf32>,
    %mul3A_562 = arith.constant 1.500000e+01 : f32
    %mul3A_563 = vector.broadcast %mul3A_562 : f32 to vector<16xf32>
    %mul3A_564 = arith.mulf %get3A_559, %mul3A_563 : vector<16xf32>
    %convert_element_type3A_565 = arith.fptosi %mul3A_564 : vector<16xf32> to vector<16xi32>
    %min3A_566 = arith.constant 14 : i32
    %min3A_567 = vector.broadcast %min3A_566 : i32 to vector<16xi32>
    %min3A_568 = arith.minsi %convert_element_type3A_565, %min3A_567 : vector<16xi32>
    %add3A_569 = arith.addi %mul3A_99, %min3A_568 : vector<16xi32>
    tpu.vector_store_idx %arg8[%add3A_569], %broadcast_in_dim3A_101 {add = true} : memref<768xf32, #tpu.memory_space<vmem>>[vector<16xi32>], vector<16xf32>,
    %add3A_570 = arith.constant 16 : i32
    %add3A_571 = vector.broadcast %add3A_570 : i32 to vector<16xi32>
    %add3A_572 = arith.addi %min3A_568, %add3A_571 : vector<16xi32>
    %add3A_573 = arith.addi %mul3A_99, %add3A_572 : vector<16xi32>
    tpu.vector_store_idx %arg8[%add3A_573], %get3A_559 {add = true} : memref<768xf32, #tpu.memory_space<vmem>>[vector<16xi32>], vector<16xf32>,
    %add3A_574 = arith.constant 32 : i32
    %add3A_575 = vector.broadcast %add3A_574 : i32 to vector<16xi32>
    %add3A_576 = arith.addi %min3A_568, %add3A_575 : vector<16xi32>
    %add3A_577 = arith.addi %mul3A_99, %add3A_576 : vector<16xi32>
    tpu.vector_store_idx %arg8[%add3A_577], %get3A_561 {add = true} : memref<768xf32, #tpu.memory_space<vmem>>[vector<16xi32>], vector<16xf32>,
    %get3A_578 = arith.constant 384 : index
    %get3A_579 = tpu.vector_load %arg6[%get3A_578] {strides = array<i32>} : memref<512xf32, #tpu.memory_space<vmem>>, vector<16xf32>,
    %get3A_580 = arith.constant 384 : index
    %get3A_581 = tpu.vector_load %arg7[%get3A_580] {strides = array<i32>} : memref<512xf32, #tpu.memory_space<vmem>>, vector<16xf32>,
    %mul3A_582 = arith.constant 1.500000e+01 : f32
    %mul3A_583 = vector.broadcast %mul3A_582 : f32 to vector<16xf32>
    %mul3A_584 = arith.mulf %get3A_579, %mul3A_583 : vector<16xf32>
    %convert_element_type3A_585 = arith.fptosi %mul3A_584 : vector<16xf32> to vector<16xi32>
    %min3A_586 = arith.constant 14 : i32
    %min3A_587 = vector.broadcast %min3A_586 : i32 to vector<16xi32>
    %min3A_588 = arith.minsi %convert_element_type3A_585, %min3A_587 : vector<16xi32>
    %add3A_589 = arith.addi %mul3A_99, %min3A_588 : vector<16xi32>
    tpu.vector_store_idx %arg8[%add3A_589], %broadcast_in_dim3A_101 {add = true} : memref<768xf32, #tpu.memory_space<vmem>>[vector<16xi32>], vector<16xf32>,
    %add3A_590 = arith.constant 16 : i32
    %add3A_591 = vector.broadcast %add3A_590 : i32 to vector<16xi32>
    %add3A_592 = arith.addi %min3A_588, %add3A_591 : vector<16xi32>
    %add3A_593 = arith.addi %mul3A_99, %add3A_592 : vector<16xi32>
    tpu.vector_store_idx %arg8[%add3A_593], %get3A_579 {add = true} : memref<768xf32, #tpu.memory_space<vmem>>[vector<16xi32>], vector<16xf32>,
    %add3A_594 = arith.constant 32 : i32
    %add3A_595 = vector.broadcast %add3A_594 : i32 to vector<16xi32>
    %add3A_596 = arith.addi %min3A_588, %add3A_595 : vector<16xi32>
    %add3A_597 = arith.addi %mul3A_99, %add3A_596 : vector<16xi32>
    tpu.vector_store_idx %arg8[%add3A_597], %get3A_581 {add = true} : memref<768xf32, #tpu.memory_space<vmem>>[vector<16xi32>], vector<16xf32>,
    %get3A_598 = arith.constant 400 : index
    %get3A_599 = tpu.vector_load %arg6[%get3A_598] {strides = array<i32>} : memref<512xf32, #tpu.memory_space<vmem>>, vector<16xf32>,
    %get3A_600 = arith.constant 400 : index
    %get3A_601 = tpu.vector_load %arg7[%get3A_600] {strides = array<i32>} : memref<512xf32, #tpu.memory_space<vmem>>, vector<16xf32>,
    %mul3A_602 = arith.constant 1.500000e+01 : f32
    %mul3A_603 = vector.broadcast %mul3A_602 : f32 to vector<16xf32>
    %mul3A_604 = arith.mulf %get3A_599, %mul3A_603 : vector<16xf32>
    %convert_element_type3A_605 = arith.fptosi %mul3A_604 : vector<16xf32> to vector<16xi32>
    %min3A_606 = arith.constant 14 : i32
    %min3A_607 = vector.broadcast %min3A_606 : i32 to vector<16xi32>
    %min3A_608 = arith.minsi %convert_element_type3A_605, %min3A_607 : vector<16xi32>
    %add3A_609 = arith.addi %mul3A_99, %min3A_608 : vector<16xi32>
    tpu.vector_store_idx %arg8[%add3A_609], %broadcast_in_dim3A_101 {add = true} : memref<768xf32, #tpu.memory_space<vmem>>[vector<16xi32>], vector<16xf32>,
    %add3A_610 = arith.constant 16 : i32
    %add3A_611 = vector.broadcast %add3A_610 : i32 to vector<16xi32>
    %add3A_612 = arith.addi %min3A_608, %add3A_611 : vector<16xi32>
    %add3A_613 = arith.addi %mul3A_99, %add3A_612 : vector<16xi32>
    tpu.vector_store_idx %arg8[%add3A_613], %get3A_599 {add = true} : memref<768xf32, #tpu.memory_space<vmem>>[vector<16xi32>], vector<16xf32>,
    %add3A_614 = arith.constant 32 : i32
    %add3A_615 = vector.broadcast %add3A_614 : i32 to vector<16xi32>
    %add3A_616 = arith.addi %min3A_608, %add3A_615 : vector<16xi32>
    %add3A_617 = arith.addi %mul3A_99, %add3A_616 : vector<16xi32>
    tpu.vector_store_idx %arg8[%add3A_617], %get3A_601 {add = true} : memref<768xf32, #tpu.memory_space<vmem>>[vector<16xi32>], vector<16xf32>,
    %get3A_618 = arith.constant 416 : index
    %get3A_619 = tpu.vector_load %arg6[%get3A_618] {strides = array<i32>} : memref<512xf32, #tpu.memory_space<vmem>>, vector<16xf32>,
    %get3A_620 = arith.constant 416 : index
    %get3A_621 = tpu.vector_load %arg7[%get3A_620] {strides = array<i32>} : memref<512xf32, #tpu.memory_space<vmem>>, vector<16xf32>,
    %mul3A_622 = arith.constant 1.500000e+01 : f32
    %mul3A_623 = vector.broadcast %mul3A_622 : f32 to vector<16xf32>
    %mul3A_624 = arith.mulf %get3A_619, %mul3A_623 : vector<16xf32>
    %convert_element_type3A_625 = arith.fptosi %mul3A_624 : vector<16xf32> to vector<16xi32>
    %min3A_626 = arith.constant 14 : i32
    %min3A_627 = vector.broadcast %min3A_626 : i32 to vector<16xi32>
    %min3A_628 = arith.minsi %convert_element_type3A_625, %min3A_627 : vector<16xi32>
    %add3A_629 = arith.addi %mul3A_99, %min3A_628 : vector<16xi32>
    tpu.vector_store_idx %arg8[%add3A_629], %broadcast_in_dim3A_101 {add = true} : memref<768xf32, #tpu.memory_space<vmem>>[vector<16xi32>], vector<16xf32>,
    %add3A_630 = arith.constant 16 : i32
    %add3A_631 = vector.broadcast %add3A_630 : i32 to vector<16xi32>
    %add3A_632 = arith.addi %min3A_628, %add3A_631 : vector<16xi32>
    %add3A_633 = arith.addi %mul3A_99, %add3A_632 : vector<16xi32>
    tpu.vector_store_idx %arg8[%add3A_633], %get3A_619 {add = true} : memref<768xf32, #tpu.memory_space<vmem>>[vector<16xi32>], vector<16xf32>,
    %add3A_634 = arith.constant 32 : i32
    %add3A_635 = vector.broadcast %add3A_634 : i32 to vector<16xi32>
    %add3A_636 = arith.addi %min3A_628, %add3A_635 : vector<16xi32>
    %add3A_637 = arith.addi %mul3A_99, %add3A_636 : vector<16xi32>
    tpu.vector_store_idx %arg8[%add3A_637], %get3A_621 {add = true} : memref<768xf32, #tpu.memory_space<vmem>>[vector<16xi32>], vector<16xf32>,
    %get3A_638 = arith.constant 432 : index
    %get3A_639 = tpu.vector_load %arg6[%get3A_638] {strides = array<i32>} : memref<512xf32, #tpu.memory_space<vmem>>, vector<16xf32>,
    %get3A_640 = arith.constant 432 : index
    %get3A_641 = tpu.vector_load %arg7[%get3A_640] {strides = array<i32>} : memref<512xf32, #tpu.memory_space<vmem>>, vector<16xf32>,
    %mul3A_642 = arith.constant 1.500000e+01 : f32
    %mul3A_643 = vector.broadcast %mul3A_642 : f32 to vector<16xf32>
    %mul3A_644 = arith.mulf %get3A_639, %mul3A_643 : vector<16xf32>
    %convert_element_type3A_645 = arith.fptosi %mul3A_644 : vector<16xf32> to vector<16xi32>
    %min3A_646 = arith.constant 14 : i32
    %min3A_647 = vector.broadcast %min3A_646 : i32 to vector<16xi32>
    %min3A_648 = arith.minsi %convert_element_type3A_645, %min3A_647 : vector<16xi32>
    %add3A_649 = arith.addi %mul3A_99, %min3A_648 : vector<16xi32>
    tpu.vector_store_idx %arg8[%add3A_649], %broadcast_in_dim3A_101 {add = true} : memref<768xf32, #tpu.memory_space<vmem>>[vector<16xi32>], vector<16xf32>,
    %add3A_650 = arith.constant 16 : i32
    %add3A_651 = vector.broadcast %add3A_650 : i32 to vector<16xi32>
    %add3A_652 = arith.addi %min3A_648, %add3A_651 : vector<16xi32>
    %add3A_653 = arith.addi %mul3A_99, %add3A_652 : vector<16xi32>
    tpu.vector_store_idx %arg8[%add3A_653], %get3A_639 {add = true} : memref<768xf32, #tpu.memory_space<vmem>>[vector<16xi32>], vector<16xf32>,
    %add3A_654 = arith.constant 32 : i32
    %add3A_655 = vector.broadcast %add3A_654 : i32 to vector<16xi32>
    %add3A_656 = arith.addi %min3A_648, %add3A_655 : vector<16xi32>
    %add3A_657 = arith.addi %mul3A_99, %add3A_656 : vector<16xi32>
    tpu.vector_store_idx %arg8[%add3A_657], %get3A_641 {add = true} : memref<768xf32, #tpu.memory_space<vmem>>[vector<16xi32>], vector<16xf32>,
    %get3A_658 = arith.constant 448 : index
    %get3A_659 = tpu.vector_load %arg6[%get3A_658] {strides = array<i32>} : memref<512xf32, #tpu.memory_space<vmem>>, vector<16xf32>,
    %get3A_660 = arith.constant 448 : index
    %get3A_661 = tpu.vector_load %arg7[%get3A_660] {strides = array<i32>} : memref<512xf32, #tpu.memory_space<vmem>>, vector<16xf32>,
    %mul3A_662 = arith.constant 1.500000e+01 : f32
    %mul3A_663 = vector.broadcast %mul3A_662 : f32 to vector<16xf32>
    %mul3A_664 = arith.mulf %get3A_659, %mul3A_663 : vector<16xf32>
    %convert_element_type3A_665 = arith.fptosi %mul3A_664 : vector<16xf32> to vector<16xi32>
    %min3A_666 = arith.constant 14 : i32
    %min3A_667 = vector.broadcast %min3A_666 : i32 to vector<16xi32>
    %min3A_668 = arith.minsi %convert_element_type3A_665, %min3A_667 : vector<16xi32>
    %add3A_669 = arith.addi %mul3A_99, %min3A_668 : vector<16xi32>
    tpu.vector_store_idx %arg8[%add3A_669], %broadcast_in_dim3A_101 {add = true} : memref<768xf32, #tpu.memory_space<vmem>>[vector<16xi32>], vector<16xf32>,
    %add3A_670 = arith.constant 16 : i32
    %add3A_671 = vector.broadcast %add3A_670 : i32 to vector<16xi32>
    %add3A_672 = arith.addi %min3A_668, %add3A_671 : vector<16xi32>
    %add3A_673 = arith.addi %mul3A_99, %add3A_672 : vector<16xi32>
    tpu.vector_store_idx %arg8[%add3A_673], %get3A_659 {add = true} : memref<768xf32, #tpu.memory_space<vmem>>[vector<16xi32>], vector<16xf32>,
    %add3A_674 = arith.constant 32 : i32
    %add3A_675 = vector.broadcast %add3A_674 : i32 to vector<16xi32>
    %add3A_676 = arith.addi %min3A_668, %add3A_675 : vector<16xi32>
    %add3A_677 = arith.addi %mul3A_99, %add3A_676 : vector<16xi32>
    tpu.vector_store_idx %arg8[%add3A_677], %get3A_661 {add = true} : memref<768xf32, #tpu.memory_space<vmem>>[vector<16xi32>], vector<16xf32>,
    %get3A_678 = arith.constant 464 : index
    %get3A_679 = tpu.vector_load %arg6[%get3A_678] {strides = array<i32>} : memref<512xf32, #tpu.memory_space<vmem>>, vector<16xf32>,
    %get3A_680 = arith.constant 464 : index
    %get3A_681 = tpu.vector_load %arg7[%get3A_680] {strides = array<i32>} : memref<512xf32, #tpu.memory_space<vmem>>, vector<16xf32>,
    %mul3A_682 = arith.constant 1.500000e+01 : f32
    %mul3A_683 = vector.broadcast %mul3A_682 : f32 to vector<16xf32>
    %mul3A_684 = arith.mulf %get3A_679, %mul3A_683 : vector<16xf32>
    %convert_element_type3A_685 = arith.fptosi %mul3A_684 : vector<16xf32> to vector<16xi32>
    %min3A_686 = arith.constant 14 : i32
    %min3A_687 = vector.broadcast %min3A_686 : i32 to vector<16xi32>
    %min3A_688 = arith.minsi %convert_element_type3A_685, %min3A_687 : vector<16xi32>
    %add3A_689 = arith.addi %mul3A_99, %min3A_688 : vector<16xi32>
    tpu.vector_store_idx %arg8[%add3A_689], %broadcast_in_dim3A_101 {add = true} : memref<768xf32, #tpu.memory_space<vmem>>[vector<16xi32>], vector<16xf32>,
    %add3A_690 = arith.constant 16 : i32
    %add3A_691 = vector.broadcast %add3A_690 : i32 to vector<16xi32>
    %add3A_692 = arith.addi %min3A_688, %add3A_691 : vector<16xi32>
    %add3A_693 = arith.addi %mul3A_99, %add3A_692 : vector<16xi32>
    tpu.vector_store_idx %arg8[%add3A_693], %get3A_679 {add = true} : memref<768xf32, #tpu.memory_space<vmem>>[vector<16xi32>], vector<16xf32>,
    %add3A_694 = arith.constant 32 : i32
    %add3A_695 = vector.broadcast %add3A_694 : i32 to vector<16xi32>
    %add3A_696 = arith.addi %min3A_688, %add3A_695 : vector<16xi32>
    %add3A_697 = arith.addi %mul3A_99, %add3A_696 : vector<16xi32>
    tpu.vector_store_idx %arg8[%add3A_697], %get3A_681 {add = true} : memref<768xf32, #tpu.memory_space<vmem>>[vector<16xi32>], vector<16xf32>,
    %get3A_698 = arith.constant 480 : index
    %get3A_699 = tpu.vector_load %arg6[%get3A_698] {strides = array<i32>} : memref<512xf32, #tpu.memory_space<vmem>>, vector<16xf32>,
    %get3A_700 = arith.constant 480 : index
    %get3A_701 = tpu.vector_load %arg7[%get3A_700] {strides = array<i32>} : memref<512xf32, #tpu.memory_space<vmem>>, vector<16xf32>,
    %mul3A_702 = arith.constant 1.500000e+01 : f32
    %mul3A_703 = vector.broadcast %mul3A_702 : f32 to vector<16xf32>
    %mul3A_704 = arith.mulf %get3A_699, %mul3A_703 : vector<16xf32>
    %convert_element_type3A_705 = arith.fptosi %mul3A_704 : vector<16xf32> to vector<16xi32>
    %min3A_706 = arith.constant 14 : i32
    %min3A_707 = vector.broadcast %min3A_706 : i32 to vector<16xi32>
    %min3A_708 = arith.minsi %convert_element_type3A_705, %min3A_707 : vector<16xi32>
    %add3A_709 = arith.addi %mul3A_99, %min3A_708 : vector<16xi32>
    tpu.vector_store_idx %arg8[%add3A_709], %broadcast_in_dim3A_101 {add = true} : memref<768xf32, #tpu.memory_space<vmem>>[vector<16xi32>], vector<16xf32>,
    %add3A_710 = arith.constant 16 : i32
    %add3A_711 = vector.broadcast %add3A_710 : i32 to vector<16xi32>
    %add3A_712 = arith.addi %min3A_708, %add3A_711 : vector<16xi32>
    %add3A_713 = arith.addi %mul3A_99, %add3A_712 : vector<16xi32>
    tpu.vector_store_idx %arg8[%add3A_713], %get3A_699 {add = true} : memref<768xf32, #tpu.memory_space<vmem>>[vector<16xi32>], vector<16xf32>,
    %add3A_714 = arith.constant 32 : i32
    %add3A_715 = vector.broadcast %add3A_714 : i32 to vector<16xi32>
    %add3A_716 = arith.addi %min3A_708, %add3A_715 : vector<16xi32>
    %add3A_717 = arith.addi %mul3A_99, %add3A_716 : vector<16xi32>
    tpu.vector_store_idx %arg8[%add3A_717], %get3A_701 {add = true} : memref<768xf32, #tpu.memory_space<vmem>>[vector<16xi32>], vector<16xf32>,
    %get3A_718 = arith.constant 496 : index
    %get3A_719 = tpu.vector_load %arg6[%get3A_718] {strides = array<i32>} : memref<512xf32, #tpu.memory_space<vmem>>, vector<16xf32>,
    %get3A_720 = arith.constant 496 : index
    %get3A_721 = tpu.vector_load %arg7[%get3A_720] {strides = array<i32>} : memref<512xf32, #tpu.memory_space<vmem>>, vector<16xf32>,
    %mul3A_722 = arith.constant 1.500000e+01 : f32
    %mul3A_723 = vector.broadcast %mul3A_722 : f32 to vector<16xf32>
    %mul3A_724 = arith.mulf %get3A_719, %mul3A_723 : vector<16xf32>
    %convert_element_type3A_725 = arith.fptosi %mul3A_724 : vector<16xf32> to vector<16xi32>
    %min3A_726 = arith.constant 14 : i32
    %min3A_727 = vector.broadcast %min3A_726 : i32 to vector<16xi32>
    %min3A_728 = arith.minsi %convert_element_type3A_725, %min3A_727 : vector<16xi32>
    %add3A_729 = arith.addi %mul3A_99, %min3A_728 : vector<16xi32>
    tpu.vector_store_idx %arg8[%add3A_729], %broadcast_in_dim3A_101 {add = true} : memref<768xf32, #tpu.memory_space<vmem>>[vector<16xi32>], vector<16xf32>,
    %add3A_730 = arith.constant 16 : i32
    %add3A_731 = vector.broadcast %add3A_730 : i32 to vector<16xi32>
    %add3A_732 = arith.addi %min3A_728, %add3A_731 : vector<16xi32>
    %add3A_733 = arith.addi %mul3A_99, %add3A_732 : vector<16xi32>
    tpu.vector_store_idx %arg8[%add3A_733], %get3A_719 {add = true} : memref<768xf32, #tpu.memory_space<vmem>>[vector<16xi32>], vector<16xf32>,
    %add3A_734 = arith.constant 32 : i32
    %add3A_735 = vector.broadcast %add3A_734 : i32 to vector<16xi32>
    %add3A_736 = arith.addi %min3A_728, %add3A_735 : vector<16xi32>
    %add3A_737 = arith.addi %mul3A_99, %add3A_736 : vector<16xi32>
    tpu.vector_store_idx %arg8[%add3A_737], %get3A_721 {add = true} : memref<768xf32, #tpu.memory_space<vmem>>[vector<16xi32>], vector<16xf32>,
    %get3A_738 = arith.constant 0 : index
    %get3A_739 = tpu.vector_load %arg8[%get3A_738] {strides = array<i32>} : memref<768xf32, #tpu.memory_space<vmem>>, vector<16xf32>,
    %get3A_740 = arith.constant 48 : index
    %get3A_741 = tpu.vector_load %arg8[%get3A_740] {strides = array<i32>} : memref<768xf32, #tpu.memory_space<vmem>>, vector<16xf32>,
    %add3A_742 = arith.addf %get3A_739, %get3A_741 : vector<16xf32>
    %get3A_743 = arith.constant 96 : index
    %get3A_744 = tpu.vector_load %arg8[%get3A_743] {strides = array<i32>} : memref<768xf32, #tpu.memory_space<vmem>>, vector<16xf32>,
    %add3A_745 = arith.addf %add3A_742, %get3A_744 : vector<16xf32>
    %get3A_746 = arith.constant 144 : index
    %get3A_747 = tpu.vector_load %arg8[%get3A_746] {strides = array<i32>} : memref<768xf32, #tpu.memory_space<vmem>>, vector<16xf32>,
    %add3A_748 = arith.addf %add3A_745, %get3A_747 : vector<16xf32>
    %get3A_749 = arith.constant 192 : index
    %get3A_750 = tpu.vector_load %arg8[%get3A_749] {strides = array<i32>} : memref<768xf32, #tpu.memory_space<vmem>>, vector<16xf32>,
    %add3A_751 = arith.addf %add3A_748, %get3A_750 : vector<16xf32>
    %get3A_752 = arith.constant 240 : index
    %get3A_753 = tpu.vector_load %arg8[%get3A_752] {strides = array<i32>} : memref<768xf32, #tpu.memory_space<vmem>>, vector<16xf32>,
    %add3A_754 = arith.addf %add3A_751, %get3A_753 : vector<16xf32>
    %get3A_755 = arith.constant 288 : index
    %get3A_756 = tpu.vector_load %arg8[%get3A_755] {strides = array<i32>} : memref<768xf32, #tpu.memory_space<vmem>>, vector<16xf32>,
    %add3A_757 = arith.addf %add3A_754, %get3A_756 : vector<16xf32>
    %get3A_758 = arith.constant 336 : index
    %get3A_759 = tpu.vector_load %arg8[%get3A_758] {strides = array<i32>} : memref<768xf32, #tpu.memory_space<vmem>>, vector<16xf32>,
    %add3A_760 = arith.addf %add3A_757, %get3A_759 : vector<16xf32>
    %get3A_761 = arith.constant 384 : index
    %get3A_762 = tpu.vector_load %arg8[%get3A_761] {strides = array<i32>} : memref<768xf32, #tpu.memory_space<vmem>>, vector<16xf32>,
    %add3A_763 = arith.addf %add3A_760, %get3A_762 : vector<16xf32>
    %get3A_764 = arith.constant 432 : index
    %get3A_765 = tpu.vector_load %arg8[%get3A_764] {strides = array<i32>} : memref<768xf32, #tpu.memory_space<vmem>>, vector<16xf32>,
    %add3A_766 = arith.addf %add3A_763, %get3A_765 : vector<16xf32>
    %get3A_767 = arith.constant 480 : index
    %get3A_768 = tpu.vector_load %arg8[%get3A_767] {strides = array<i32>} : memref<768xf32, #tpu.memory_space<vmem>>, vector<16xf32>,
    %add3A_769 = arith.addf %add3A_766, %get3A_768 : vector<16xf32>
    %get3A_770 = arith.constant 528 : index
    %get3A_771 = tpu.vector_load %arg8[%get3A_770] {strides = array<i32>} : memref<768xf32, #tpu.memory_space<vmem>>, vector<16xf32>,
    %add3A_772 = arith.addf %add3A_769, %get3A_771 : vector<16xf32>
    %get3A_773 = arith.constant 576 : index
    %get3A_774 = tpu.vector_load %arg8[%get3A_773] {strides = array<i32>} : memref<768xf32, #tpu.memory_space<vmem>>, vector<16xf32>,
    %add3A_775 = arith.addf %add3A_772, %get3A_774 : vector<16xf32>
    %get3A_776 = arith.constant 624 : index
    %get3A_777 = tpu.vector_load %arg8[%get3A_776] {strides = array<i32>} : memref<768xf32, #tpu.memory_space<vmem>>, vector<16xf32>,
    %add3A_778 = arith.addf %add3A_775, %get3A_777 : vector<16xf32>
    %get3A_779 = arith.constant 672 : index
    %get3A_780 = tpu.vector_load %arg8[%get3A_779] {strides = array<i32>} : memref<768xf32, #tpu.memory_space<vmem>>, vector<16xf32>,
    %add3A_781 = arith.addf %add3A_778, %get3A_780 : vector<16xf32>
    %get3A_782 = arith.constant 720 : index
    %get3A_783 = tpu.vector_load %arg8[%get3A_782] {strides = array<i32>} : memref<768xf32, #tpu.memory_space<vmem>>, vector<16xf32>,
    %add3A_784 = arith.addf %add3A_781, %get3A_783 : vector<16xf32>
    %swap3A_785 = arith.constant 0 : index
    %swap3A_786 = tpu.vector_load %arg9[%swap3A_785] {strides = array<i32>} : memref<48xf32, #tpu.memory_space<vmem>>, vector<16xf32>,
    tpu.vector_store %arg9[%swap3A_785], %add3A_784 {strides = array<i32>} : memref<48xf32, #tpu.memory_space<vmem>>, vector<16xf32>,
    %get3A_787 = arith.constant 16 : index
    %get3A_788 = tpu.vector_load %arg8[%get3A_787] {strides = array<i32>} : memref<768xf32, #tpu.memory_space<vmem>>, vector<16xf32>,
    %get3A_789 = arith.constant 64 : index
    %get3A_790 = tpu.vector_load %arg8[%get3A_789] {strides = array<i32>} : memref<768xf32, #tpu.memory_space<vmem>>, vector<16xf32>,
    %add3A_791 = arith.addf %get3A_788, %get3A_790 : vector<16xf32>
    %get3A_792 = arith.constant 112 : index
    %get3A_793 = tpu.vector_load %arg8[%get3A_792] {strides = array<i32>} : memref<768xf32, #tpu.memory_space<vmem>>, vector<16xf32>,
    %add3A_794 = arith.addf %add3A_791, %get3A_793 : vector<16xf32>
    %get3A_795 = arith.constant 160 : index
    %get3A_796 = tpu.vector_load %arg8[%get3A_795] {strides = array<i32>} : memref<768xf32, #tpu.memory_space<vmem>>, vector<16xf32>,
    %add3A_797 = arith.addf %add3A_794, %get3A_796 : vector<16xf32>
    %get3A_798 = arith.constant 208 : index
    %get3A_799 = tpu.vector_load %arg8[%get3A_798] {strides = array<i32>} : memref<768xf32, #tpu.memory_space<vmem>>, vector<16xf32>,
    %add3A_800 = arith.addf %add3A_797, %get3A_799 : vector<16xf32>
    %get3A_801 = arith.constant 256 : index
    %get3A_802 = tpu.vector_load %arg8[%get3A_801] {strides = array<i32>} : memref<768xf32, #tpu.memory_space<vmem>>, vector<16xf32>,
    %add3A_803 = arith.addf %add3A_800, %get3A_802 : vector<16xf32>
    %get3A_804 = arith.constant 304 : index
    %get3A_805 = tpu.vector_load %arg8[%get3A_804] {strides = array<i32>} : memref<768xf32, #tpu.memory_space<vmem>>, vector<16xf32>,
    %add3A_806 = arith.addf %add3A_803, %get3A_805 : vector<16xf32>
    %get3A_807 = arith.constant 352 : index
    %get3A_808 = tpu.vector_load %arg8[%get3A_807] {strides = array<i32>} : memref<768xf32, #tpu.memory_space<vmem>>, vector<16xf32>,
    %add3A_809 = arith.addf %add3A_806, %get3A_808 : vector<16xf32>
    %get3A_810 = arith.constant 400 : index
    %get3A_811 = tpu.vector_load %arg8[%get3A_810] {strides = array<i32>} : memref<768xf32, #tpu.memory_space<vmem>>, vector<16xf32>,
    %add3A_812 = arith.addf %add3A_809, %get3A_811 : vector<16xf32>
    %get3A_813 = arith.constant 448 : index
    %get3A_814 = tpu.vector_load %arg8[%get3A_813] {strides = array<i32>} : memref<768xf32, #tpu.memory_space<vmem>>, vector<16xf32>,
    %add3A_815 = arith.addf %add3A_812, %get3A_814 : vector<16xf32>
    %get3A_816 = arith.constant 496 : index
    %get3A_817 = tpu.vector_load %arg8[%get3A_816] {strides = array<i32>} : memref<768xf32, #tpu.memory_space<vmem>>, vector<16xf32>,
    %add3A_818 = arith.addf %add3A_815, %get3A_817 : vector<16xf32>
    %get3A_819 = arith.constant 544 : index
    %get3A_820 = tpu.vector_load %arg8[%get3A_819] {strides = array<i32>} : memref<768xf32, #tpu.memory_space<vmem>>, vector<16xf32>,
    %add3A_821 = arith.addf %add3A_818, %get3A_820 : vector<16xf32>
    %get3A_822 = arith.constant 592 : index
    %get3A_823 = tpu.vector_load %arg8[%get3A_822] {strides = array<i32>} : memref<768xf32, #tpu.memory_space<vmem>>, vector<16xf32>,
    %add3A_824 = arith.addf %add3A_821, %get3A_823 : vector<16xf32>
    %get3A_825 = arith.constant 640 : index
    %get3A_826 = tpu.vector_load %arg8[%get3A_825] {strides = array<i32>} : memref<768xf32, #tpu.memory_space<vmem>>, vector<16xf32>,
    %add3A_827 = arith.addf %add3A_824, %get3A_826 : vector<16xf32>
    %get3A_828 = arith.constant 688 : index
    %get3A_829 = tpu.vector_load %arg8[%get3A_828] {strides = array<i32>} : memref<768xf32, #tpu.memory_space<vmem>>, vector<16xf32>,
    %add3A_830 = arith.addf %add3A_827, %get3A_829 : vector<16xf32>
    %get3A_831 = arith.constant 736 : index
    %get3A_832 = tpu.vector_load %arg8[%get3A_831] {strides = array<i32>} : memref<768xf32, #tpu.memory_space<vmem>>, vector<16xf32>,
    %add3A_833 = arith.addf %add3A_830, %get3A_832 : vector<16xf32>
    %swap3A_834 = arith.constant 16 : index
    %swap3A_835 = tpu.vector_load %arg9[%swap3A_834] {strides = array<i32>} : memref<48xf32, #tpu.memory_space<vmem>>, vector<16xf32>,
    tpu.vector_store %arg9[%swap3A_834], %add3A_833 {strides = array<i32>} : memref<48xf32, #tpu.memory_space<vmem>>, vector<16xf32>,
    %get3A_836 = arith.constant 32 : index
    %get3A_837 = tpu.vector_load %arg8[%get3A_836] {strides = array<i32>} : memref<768xf32, #tpu.memory_space<vmem>>, vector<16xf32>,
    %get3A_838 = arith.constant 80 : index
    %get3A_839 = tpu.vector_load %arg8[%get3A_838] {strides = array<i32>} : memref<768xf32, #tpu.memory_space<vmem>>, vector<16xf32>,
    %add3A_840 = arith.addf %get3A_837, %get3A_839 : vector<16xf32>
    %get3A_841 = arith.constant 128 : index
    %get3A_842 = tpu.vector_load %arg8[%get3A_841] {strides = array<i32>} : memref<768xf32, #tpu.memory_space<vmem>>, vector<16xf32>,
    %add3A_843 = arith.addf %add3A_840, %get3A_842 : vector<16xf32>
    %get3A_844 = arith.constant 176 : index
    %get3A_845 = tpu.vector_load %arg8[%get3A_844] {strides = array<i32>} : memref<768xf32, #tpu.memory_space<vmem>>, vector<16xf32>,
    %add3A_846 = arith.addf %add3A_843, %get3A_845 : vector<16xf32>
    %get3A_847 = arith.constant 224 : index
    %get3A_848 = tpu.vector_load %arg8[%get3A_847] {strides = array<i32>} : memref<768xf32, #tpu.memory_space<vmem>>, vector<16xf32>,
    %add3A_849 = arith.addf %add3A_846, %get3A_848 : vector<16xf32>
    %get3A_850 = arith.constant 272 : index
    %get3A_851 = tpu.vector_load %arg8[%get3A_850] {strides = array<i32>} : memref<768xf32, #tpu.memory_space<vmem>>, vector<16xf32>,
    %add3A_852 = arith.addf %add3A_849, %get3A_851 : vector<16xf32>
    %get3A_853 = arith.constant 320 : index
    %get3A_854 = tpu.vector_load %arg8[%get3A_853] {strides = array<i32>} : memref<768xf32, #tpu.memory_space<vmem>>, vector<16xf32>,
    %add3A_855 = arith.addf %add3A_852, %get3A_854 : vector<16xf32>
    %get3A_856 = arith.constant 368 : index
    %get3A_857 = tpu.vector_load %arg8[%get3A_856] {strides = array<i32>} : memref<768xf32, #tpu.memory_space<vmem>>, vector<16xf32>,
    %add3A_858 = arith.addf %add3A_855, %get3A_857 : vector<16xf32>
    %get3A_859 = arith.constant 416 : index
    %get3A_860 = tpu.vector_load %arg8[%get3A_859] {strides = array<i32>} : memref<768xf32, #tpu.memory_space<vmem>>, vector<16xf32>,
    %add3A_861 = arith.addf %add3A_858, %get3A_860 : vector<16xf32>
    %get3A_862 = arith.constant 464 : index
    %get3A_863 = tpu.vector_load %arg8[%get3A_862] {strides = array<i32>} : memref<768xf32, #tpu.memory_space<vmem>>, vector<16xf32>,
    %add3A_864 = arith.addf %add3A_861, %get3A_863 : vector<16xf32>
    %get3A_865 = arith.constant 512 : index
    %get3A_866 = tpu.vector_load %arg8[%get3A_865] {strides = array<i32>} : memref<768xf32, #tpu.memory_space<vmem>>, vector<16xf32>,
    %add3A_867 = arith.addf %add3A_864, %get3A_866 : vector<16xf32>
    %get3A_868 = arith.constant 560 : index
    %get3A_869 = tpu.vector_load %arg8[%get3A_868] {strides = array<i32>} : memref<768xf32, #tpu.memory_space<vmem>>, vector<16xf32>,
    %add3A_870 = arith.addf %add3A_867, %get3A_869 : vector<16xf32>
    %get3A_871 = arith.constant 608 : index
    %get3A_872 = tpu.vector_load %arg8[%get3A_871] {strides = array<i32>} : memref<768xf32, #tpu.memory_space<vmem>>, vector<16xf32>,
    %add3A_873 = arith.addf %add3A_870, %get3A_872 : vector<16xf32>
    %get3A_874 = arith.constant 656 : index
    %get3A_875 = tpu.vector_load %arg8[%get3A_874] {strides = array<i32>} : memref<768xf32, #tpu.memory_space<vmem>>, vector<16xf32>,
    %add3A_876 = arith.addf %add3A_873, %get3A_875 : vector<16xf32>
    %get3A_877 = arith.constant 704 : index
    %get3A_878 = tpu.vector_load %arg8[%get3A_877] {strides = array<i32>} : memref<768xf32, #tpu.memory_space<vmem>>, vector<16xf32>,
    %add3A_879 = arith.addf %add3A_876, %get3A_878 : vector<16xf32>
    %get3A_880 = arith.constant 752 : index
    %get3A_881 = tpu.vector_load %arg8[%get3A_880] {strides = array<i32>} : memref<768xf32, #tpu.memory_space<vmem>>, vector<16xf32>,
    %add3A_882 = arith.addf %add3A_879, %get3A_881 : vector<16xf32>
    %swap3A_883 = arith.constant 32 : index
    %swap3A_884 = tpu.vector_load %arg9[%swap3A_883] {strides = array<i32>} : memref<48xf32, #tpu.memory_space<vmem>>, vector<16xf32>,
    tpu.vector_store %arg9[%swap3A_883], %add3A_882 {strides = array<i32>} : memref<48xf32, #tpu.memory_space<vmem>>, vector<16xf32>,
    %mul3A_885 = arith.constant 48 : i32
    %mul3A_886 = arith.muli %arg1, %mul3A_885 : i32
    "tpu.region"() ({
      %run_scoped3A = tpu.sem_alloc : memref<!tpu.dma_semaphore, #tpu.memory_space<semaphore_mem>>
      %dma_start3A = tpu.memref_slice %arg13[%mul3A_886] : memref<768xf32, #tpu.memory_space<vmem_shared>> -> memref<48xf32, #tpu.memory_space<vmem_shared>>
      %dma_start3A_890 = tpu.memref_slice %arg13[%mul3A_886] : memref<768xf32, #tpu.memory_space<vmem_shared>> -> memref<48xf32, #tpu.memory_space<vmem_shared>>
      tpu.enqueue_dma source(%arg9 : memref<48xf32, #tpu.memory_space<vmem>>) target(%dma_start3A_890 : memref<48xf32, #tpu.memory_space<vmem_shared>>) target_semaphore(%run_scoped3A : memref<!tpu.dma_semaphore, #tpu.memory_space<semaphore_mem>>)
      %dma_wait3A = tpu.memref_slice %arg13[%mul3A_886] : memref<768xf32, #tpu.memory_space<vmem_shared>> -> memref<48xf32, #tpu.memory_space<vmem_shared>>
      %dma_wait3A_891 = tpu.memref_slice %arg13[%mul3A_886] : memref<768xf32, #tpu.memory_space<vmem_shared>> -> memref<48xf32, #tpu.memory_space<vmem_shared>>
      tpu.wait_dma2 semaphore(%run_scoped3A : memref<!tpu.dma_semaphore, #tpu.memory_space<semaphore_mem>>) src(%arg9 : memref<48xf32, #tpu.memory_space<vmem>>) dst(%dma_wait3A_891 : memref<48xf32, #tpu.memory_space<vmem_shared>>)
      tpu.yield
    }) : () -> ()
    %barrier3A = arith.constant 0 : index
    tpu.barrier barrier_id(%barrier3A)
    %eq3A = arith.constant 0 : i32
    %eq3A_887 = arith.cmpi eq, %arg1, %eq3A : i32
    %convert_element_type3A_888 = arith.extui %eq3A_887 : i1 to i32
    %cond3A = arith.constant 0 : i32
    %cond3A_889 = arith.cmpi ne, %convert_element_type3A_888, %cond3A : i32
    scf.if %cond3A_889 {
      "tpu.region"() ({
        %run_scoped3A = tpu.sem_alloc : memref<!tpu.dma_semaphore, #tpu.memory_space<semaphore_mem>>
        tpu.enqueue_dma source(%arg13 : memref<768xf32, #tpu.memory_space<vmem_shared>>) target(%arg10 : memref<768xf32, #tpu.memory_space<vmem>>) target_semaphore(%run_scoped3A : memref<!tpu.dma_semaphore, #tpu.memory_space<semaphore_mem>>)
        tpu.wait_dma2 semaphore(%run_scoped3A : memref<!tpu.dma_semaphore, #tpu.memory_space<semaphore_mem>>) src(%arg13 : memref<768xf32, #tpu.memory_space<vmem_shared>>) dst(%arg10 : memref<768xf32, #tpu.memory_space<vmem>>)
        tpu.yield
      }) : () -> ()
      "tpu.region"() ({
        %run_scoped3A = tpu.sem_alloc : memref<!tpu.dma_semaphore, #tpu.memory_space<semaphore_mem>>
        tpu.enqueue_dma source(%arg4 : memref<48xf32, #tpu.memory_space<hbm>>) target(%arg11 : memref<48xf32, #tpu.memory_space<vmem>>) target_semaphore(%run_scoped3A : memref<!tpu.dma_semaphore, #tpu.memory_space<semaphore_mem>>)
        tpu.wait_dma2 semaphore(%run_scoped3A : memref<!tpu.dma_semaphore, #tpu.memory_space<semaphore_mem>>) src(%arg4 : memref<48xf32, #tpu.memory_space<hbm>>) dst(%arg11 : memref<48xf32, #tpu.memory_space<vmem>>)
        tpu.yield
      }) : () -> ()
      %get3A_890 = arith.constant 0 : index
      %get3A_891 = tpu.vector_load %arg10[%get3A_890] {strides = array<i32>} : memref<768xf32, #tpu.memory_space<vmem>>, vector<16xf32>,
      %get3A_892 = arith.constant 48 : index
      %get3A_893 = tpu.vector_load %arg10[%get3A_892] {strides = array<i32>} : memref<768xf32, #tpu.memory_space<vmem>>, vector<16xf32>,
      %add3A_894 = arith.addf %get3A_891, %get3A_893 : vector<16xf32>
      %get3A_895 = arith.constant 96 : index
      %get3A_896 = tpu.vector_load %arg10[%get3A_895] {strides = array<i32>} : memref<768xf32, #tpu.memory_space<vmem>>, vector<16xf32>,
      %add3A_897 = arith.addf %add3A_894, %get3A_896 : vector<16xf32>
      %get3A_898 = arith.constant 144 : index
      %get3A_899 = tpu.vector_load %arg10[%get3A_898] {strides = array<i32>} : memref<768xf32, #tpu.memory_space<vmem>>, vector<16xf32>,
      %add3A_900 = arith.addf %add3A_897, %get3A_899 : vector<16xf32>
      %get3A_901 = arith.constant 192 : index
      %get3A_902 = tpu.vector_load %arg10[%get3A_901] {strides = array<i32>} : memref<768xf32, #tpu.memory_space<vmem>>, vector<16xf32>,
      %add3A_903 = arith.addf %add3A_900, %get3A_902 : vector<16xf32>
      %get3A_904 = arith.constant 240 : index
      %get3A_905 = tpu.vector_load %arg10[%get3A_904] {strides = array<i32>} : memref<768xf32, #tpu.memory_space<vmem>>, vector<16xf32>,
      %add3A_906 = arith.addf %add3A_903, %get3A_905 : vector<16xf32>
      %get3A_907 = arith.constant 288 : index
      %get3A_908 = tpu.vector_load %arg10[%get3A_907] {strides = array<i32>} : memref<768xf32, #tpu.memory_space<vmem>>, vector<16xf32>,
      %add3A_909 = arith.addf %add3A_906, %get3A_908 : vector<16xf32>
      %get3A_910 = arith.constant 336 : index
      %get3A_911 = tpu.vector_load %arg10[%get3A_910] {strides = array<i32>} : memref<768xf32, #tpu.memory_space<vmem>>, vector<16xf32>,
      %add3A_912 = arith.addf %add3A_909, %get3A_911 : vector<16xf32>
      %get3A_913 = arith.constant 384 : index
      %get3A_914 = tpu.vector_load %arg10[%get3A_913] {strides = array<i32>} : memref<768xf32, #tpu.memory_space<vmem>>, vector<16xf32>,
      %add3A_915 = arith.addf %add3A_912, %get3A_914 : vector<16xf32>
      %get3A_916 = arith.constant 432 : index
      %get3A_917 = tpu.vector_load %arg10[%get3A_916] {strides = array<i32>} : memref<768xf32, #tpu.memory_space<vmem>>, vector<16xf32>,
      %add3A_918 = arith.addf %add3A_915, %get3A_917 : vector<16xf32>
      %get3A_919 = arith.constant 480 : index
      %get3A_920 = tpu.vector_load %arg10[%get3A_919] {strides = array<i32>} : memref<768xf32, #tpu.memory_space<vmem>>, vector<16xf32>,
      %add3A_921 = arith.addf %add3A_918, %get3A_920 : vector<16xf32>
      %get3A_922 = arith.constant 528 : index
      %get3A_923 = tpu.vector_load %arg10[%get3A_922] {strides = array<i32>} : memref<768xf32, #tpu.memory_space<vmem>>, vector<16xf32>,
      %add3A_924 = arith.addf %add3A_921, %get3A_923 : vector<16xf32>
      %get3A_925 = arith.constant 576 : index
      %get3A_926 = tpu.vector_load %arg10[%get3A_925] {strides = array<i32>} : memref<768xf32, #tpu.memory_space<vmem>>, vector<16xf32>,
      %add3A_927 = arith.addf %add3A_924, %get3A_926 : vector<16xf32>
      %get3A_928 = arith.constant 624 : index
      %get3A_929 = tpu.vector_load %arg10[%get3A_928] {strides = array<i32>} : memref<768xf32, #tpu.memory_space<vmem>>, vector<16xf32>,
      %add3A_930 = arith.addf %add3A_927, %get3A_929 : vector<16xf32>
      %get3A_931 = arith.constant 672 : index
      %get3A_932 = tpu.vector_load %arg10[%get3A_931] {strides = array<i32>} : memref<768xf32, #tpu.memory_space<vmem>>, vector<16xf32>,
      %add3A_933 = arith.addf %add3A_930, %get3A_932 : vector<16xf32>
      %get3A_934 = arith.constant 720 : index
      %get3A_935 = tpu.vector_load %arg10[%get3A_934] {strides = array<i32>} : memref<768xf32, #tpu.memory_space<vmem>>, vector<16xf32>,
      %add3A_936 = arith.addf %add3A_933, %get3A_935 : vector<16xf32>
      %get3A_937 = arith.constant 16 : index
      %get3A_938 = tpu.vector_load %arg10[%get3A_937] {strides = array<i32>} : memref<768xf32, #tpu.memory_space<vmem>>, vector<16xf32>,
      %get3A_939 = arith.constant 64 : index
      %get3A_940 = tpu.vector_load %arg10[%get3A_939] {strides = array<i32>} : memref<768xf32, #tpu.memory_space<vmem>>, vector<16xf32>,
      %add3A_941 = arith.addf %get3A_938, %get3A_940 : vector<16xf32>
      %get3A_942 = arith.constant 112 : index
      %get3A_943 = tpu.vector_load %arg10[%get3A_942] {strides = array<i32>} : memref<768xf32, #tpu.memory_space<vmem>>, vector<16xf32>,
      %add3A_944 = arith.addf %add3A_941, %get3A_943 : vector<16xf32>
      %get3A_945 = arith.constant 160 : index
      %get3A_946 = tpu.vector_load %arg10[%get3A_945] {strides = array<i32>} : memref<768xf32, #tpu.memory_space<vmem>>, vector<16xf32>,
      %add3A_947 = arith.addf %add3A_944, %get3A_946 : vector<16xf32>
      %get3A_948 = arith.constant 208 : index
      %get3A_949 = tpu.vector_load %arg10[%get3A_948] {strides = array<i32>} : memref<768xf32, #tpu.memory_space<vmem>>, vector<16xf32>,
      %add3A_950 = arith.addf %add3A_947, %get3A_949 : vector<16xf32>
      %get3A_951 = arith.constant 256 : index
      %get3A_952 = tpu.vector_load %arg10[%get3A_951] {strides = array<i32>} : memref<768xf32, #tpu.memory_space<vmem>>, vector<16xf32>,
      %add3A_953 = arith.addf %add3A_950, %get3A_952 : vector<16xf32>
      %get3A_954 = arith.constant 304 : index
      %get3A_955 = tpu.vector_load %arg10[%get3A_954] {strides = array<i32>} : memref<768xf32, #tpu.memory_space<vmem>>, vector<16xf32>,
      %add3A_956 = arith.addf %add3A_953, %get3A_955 : vector<16xf32>
      %get3A_957 = arith.constant 352 : index
      %get3A_958 = tpu.vector_load %arg10[%get3A_957] {strides = array<i32>} : memref<768xf32, #tpu.memory_space<vmem>>, vector<16xf32>,
      %add3A_959 = arith.addf %add3A_956, %get3A_958 : vector<16xf32>
      %get3A_960 = arith.constant 400 : index
      %get3A_961 = tpu.vector_load %arg10[%get3A_960] {strides = array<i32>} : memref<768xf32, #tpu.memory_space<vmem>>, vector<16xf32>,
      %add3A_962 = arith.addf %add3A_959, %get3A_961 : vector<16xf32>
      %get3A_963 = arith.constant 448 : index
      %get3A_964 = tpu.vector_load %arg10[%get3A_963] {strides = array<i32>} : memref<768xf32, #tpu.memory_space<vmem>>, vector<16xf32>,
      %add3A_965 = arith.addf %add3A_962, %get3A_964 : vector<16xf32>
      %get3A_966 = arith.constant 496 : index
      %get3A_967 = tpu.vector_load %arg10[%get3A_966] {strides = array<i32>} : memref<768xf32, #tpu.memory_space<vmem>>, vector<16xf32>,
      %add3A_968 = arith.addf %add3A_965, %get3A_967 : vector<16xf32>
      %get3A_969 = arith.constant 544 : index
      %get3A_970 = tpu.vector_load %arg10[%get3A_969] {strides = array<i32>} : memref<768xf32, #tpu.memory_space<vmem>>, vector<16xf32>,
      %add3A_971 = arith.addf %add3A_968, %get3A_970 : vector<16xf32>
      %get3A_972 = arith.constant 592 : index
      %get3A_973 = tpu.vector_load %arg10[%get3A_972] {strides = array<i32>} : memref<768xf32, #tpu.memory_space<vmem>>, vector<16xf32>,
      %add3A_974 = arith.addf %add3A_971, %get3A_973 : vector<16xf32>
      %get3A_975 = arith.constant 640 : index
      %get3A_976 = tpu.vector_load %arg10[%get3A_975] {strides = array<i32>} : memref<768xf32, #tpu.memory_space<vmem>>, vector<16xf32>,
      %add3A_977 = arith.addf %add3A_974, %get3A_976 : vector<16xf32>
      %get3A_978 = arith.constant 688 : index
      %get3A_979 = tpu.vector_load %arg10[%get3A_978] {strides = array<i32>} : memref<768xf32, #tpu.memory_space<vmem>>, vector<16xf32>,
      %add3A_980 = arith.addf %add3A_977, %get3A_979 : vector<16xf32>
      %get3A_981 = arith.constant 736 : index
      %get3A_982 = tpu.vector_load %arg10[%get3A_981] {strides = array<i32>} : memref<768xf32, #tpu.memory_space<vmem>>, vector<16xf32>,
      %add3A_983 = arith.addf %add3A_980, %get3A_982 : vector<16xf32>
      %get3A_984 = arith.constant 32 : index
      %get3A_985 = tpu.vector_load %arg10[%get3A_984] {strides = array<i32>} : memref<768xf32, #tpu.memory_space<vmem>>, vector<16xf32>,
      %get3A_986 = arith.constant 80 : index
      %get3A_987 = tpu.vector_load %arg10[%get3A_986] {strides = array<i32>} : memref<768xf32, #tpu.memory_space<vmem>>, vector<16xf32>,
      %add3A_988 = arith.addf %get3A_985, %get3A_987 : vector<16xf32>
      %get3A_989 = arith.constant 128 : index
      %get3A_990 = tpu.vector_load %arg10[%get3A_989] {strides = array<i32>} : memref<768xf32, #tpu.memory_space<vmem>>, vector<16xf32>,
      %add3A_991 = arith.addf %add3A_988, %get3A_990 : vector<16xf32>
      %get3A_992 = arith.constant 176 : index
      %get3A_993 = tpu.vector_load %arg10[%get3A_992] {strides = array<i32>} : memref<768xf32, #tpu.memory_space<vmem>>, vector<16xf32>,
      %add3A_994 = arith.addf %add3A_991, %get3A_993 : vector<16xf32>
      %get3A_995 = arith.constant 224 : index
      %get3A_996 = tpu.vector_load %arg10[%get3A_995] {strides = array<i32>} : memref<768xf32, #tpu.memory_space<vmem>>, vector<16xf32>,
      %add3A_997 = arith.addf %add3A_994, %get3A_996 : vector<16xf32>
      %get3A_998 = arith.constant 272 : index
      %get3A_999 = tpu.vector_load %arg10[%get3A_998] {strides = array<i32>} : memref<768xf32, #tpu.memory_space<vmem>>, vector<16xf32>,
      %add3A_1000 = arith.addf %add3A_997, %get3A_999 : vector<16xf32>
      %get3A_1001 = arith.constant 320 : index
      %get3A_1002 = tpu.vector_load %arg10[%get3A_1001] {strides = array<i32>} : memref<768xf32, #tpu.memory_space<vmem>>, vector<16xf32>,
      %add3A_1003 = arith.addf %add3A_1000, %get3A_1002 : vector<16xf32>
      %get3A_1004 = arith.constant 368 : index
      %get3A_1005 = tpu.vector_load %arg10[%get3A_1004] {strides = array<i32>} : memref<768xf32, #tpu.memory_space<vmem>>, vector<16xf32>,
      %add3A_1006 = arith.addf %add3A_1003, %get3A_1005 : vector<16xf32>
      %get3A_1007 = arith.constant 416 : index
      %get3A_1008 = tpu.vector_load %arg10[%get3A_1007] {strides = array<i32>} : memref<768xf32, #tpu.memory_space<vmem>>, vector<16xf32>,
      %add3A_1009 = arith.addf %add3A_1006, %get3A_1008 : vector<16xf32>
      %get3A_1010 = arith.constant 464 : index
      %get3A_1011 = tpu.vector_load %arg10[%get3A_1010] {strides = array<i32>} : memref<768xf32, #tpu.memory_space<vmem>>, vector<16xf32>,
      %add3A_1012 = arith.addf %add3A_1009, %get3A_1011 : vector<16xf32>
      %get3A_1013 = arith.constant 512 : index
      %get3A_1014 = tpu.vector_load %arg10[%get3A_1013] {strides = array<i32>} : memref<768xf32, #tpu.memory_space<vmem>>, vector<16xf32>,
      %add3A_1015 = arith.addf %add3A_1012, %get3A_1014 : vector<16xf32>
      %get3A_1016 = arith.constant 560 : index
      %get3A_1017 = tpu.vector_load %arg10[%get3A_1016] {strides = array<i32>} : memref<768xf32, #tpu.memory_space<vmem>>, vector<16xf32>,
      %add3A_1018 = arith.addf %add3A_1015, %get3A_1017 : vector<16xf32>
      %get3A_1019 = arith.constant 608 : index
      %get3A_1020 = tpu.vector_load %arg10[%get3A_1019] {strides = array<i32>} : memref<768xf32, #tpu.memory_space<vmem>>, vector<16xf32>,
      %add3A_1021 = arith.addf %add3A_1018, %get3A_1020 : vector<16xf32>
      %get3A_1022 = arith.constant 656 : index
      %get3A_1023 = tpu.vector_load %arg10[%get3A_1022] {strides = array<i32>} : memref<768xf32, #tpu.memory_space<vmem>>, vector<16xf32>,
      %add3A_1024 = arith.addf %add3A_1021, %get3A_1023 : vector<16xf32>
      %get3A_1025 = arith.constant 704 : index
      %get3A_1026 = tpu.vector_load %arg10[%get3A_1025] {strides = array<i32>} : memref<768xf32, #tpu.memory_space<vmem>>, vector<16xf32>,
      %add3A_1027 = arith.addf %add3A_1024, %get3A_1026 : vector<16xf32>
      %get3A_1028 = arith.constant 752 : index
      %get3A_1029 = tpu.vector_load %arg10[%get3A_1028] {strides = array<i32>} : memref<768xf32, #tpu.memory_space<vmem>>, vector<16xf32>,
      %add3A_1030 = arith.addf %add3A_1027, %get3A_1029 : vector<16xf32>
      %get3A_1031 = arith.constant 0 : index
      %get3A_1032 = tpu.vector_load %arg11[%get3A_1031] {strides = array<i32>} : memref<48xf32, #tpu.memory_space<vmem>>, vector<16xf32>,
      %add3A_1033 = arith.addf %add3A_936, %get3A_1032 : vector<16xf32>
      %get3A_1034 = arith.constant 16 : index
      %get3A_1035 = tpu.vector_load %arg11[%get3A_1034] {strides = array<i32>} : memref<48xf32, #tpu.memory_space<vmem>>, vector<16xf32>,
      %add3A_1036 = arith.addf %add3A_983, %get3A_1035 : vector<16xf32>
      %get3A_1037 = arith.constant 32 : index
      %get3A_1038 = tpu.vector_load %arg11[%get3A_1037] {strides = array<i32>} : memref<48xf32, #tpu.memory_space<vmem>>, vector<16xf32>,
      %add3A_1039 = arith.addf %add3A_1030, %get3A_1038 : vector<16xf32>
      %max3A = arith.constant 1.000000e+00 : f32
      %max3A_1040 = vector.broadcast %max3A : f32 to vector<16xf32>
      %max3A_1041 = arith.maximumf %add3A_1033, %max3A_1040 : vector<16xf32>
      %gt3A = arith.constant 0.000000e+00 : f32
      %gt3A_1042 = vector.broadcast %gt3A : f32 to vector<16xf32>
      %gt3A_1043 = arith.cmpf ogt, %add3A_1033, %gt3A_1042 : vector<16xf32>
      %div3A = arith.divf %add3A_1036, %max3A_1041 : vector<16xf32>
      %div3A_1044 = arith.divf %add3A_1039, %max3A_1041 : vector<16xf32>
      %sub3A = arith.subf %div3A, %div3A_1044 : vector<16xf32>
      %abs3A = math.absf %sub3A : vector<16xf32>
      %div3A_1045 = arith.constant 1.638400e+04 : f32
      %div3A_1046 = vector.broadcast %div3A_1045 : f32 to vector<16xf32>
      %div3A_1047 = arith.divf %add3A_1033, %div3A_1046 : vector<16xf32>
      %mul3A_1048 = arith.mulf %abs3A, %div3A_1047 : vector<16xf32>
      %jit3A = arith.constant 0.000000e+00 : f32
      %broadcast_in_dim3A_1049 = vector.broadcast %jit3A : f32 to vector<16xf32>
      %select_n3A = arith.select %gt3A_1043, %mul3A_1048, %broadcast_in_dim3A_1049 : vector<16xi1>, vector<16xf32>
      %reduce_sum3A = arith.constant true
      %reduce_sum3A_1050 = vector.broadcast %reduce_sum3A : i1 to vector<16xi1>
      %reduce_sum3A_1051 = tpu.scan <sum>, %select_n3A masked %reduce_sum3A_1050 : vector<16xf32>, vector<16xi1> -> vector<16xf32>
      %reduce_sum3A_1052 = vector.extract %reduce_sum3A_1051[15] : f32 from vector<16xf32>
      %broadcast_in_dim3A_1053 = vector.broadcast %reduce_sum3A_1052 : f32 to vector<16xf32>
      %swap3A_1054 = arith.constant 0 : index
      %swap3A_1055 = tpu.vector_load %arg12[%swap3A_1054] {strides = array<i32>} : memref<16xf32, #tpu.memory_space<vmem>>, vector<16xf32>,
      tpu.vector_store %arg12[%swap3A_1054], %broadcast_in_dim3A_1053 {strides = array<i32>} : memref<16xf32, #tpu.memory_space<vmem>>, vector<16xf32>,
      "tpu.region"() ({
        %run_scoped3A = tpu.sem_alloc : memref<!tpu.dma_semaphore, #tpu.memory_space<semaphore_mem>>
        tpu.enqueue_dma source(%arg12 : memref<16xf32, #tpu.memory_space<vmem>>) target(%arg5 : memref<16xf32, #tpu.memory_space<hbm>>) target_semaphore(%run_scoped3A : memref<!tpu.dma_semaphore, #tpu.memory_space<semaphore_mem>>)
        tpu.wait_dma2 semaphore(%run_scoped3A : memref<!tpu.dma_semaphore, #tpu.memory_space<semaphore_mem>>) src(%arg12 : memref<16xf32, #tpu.memory_space<vmem>>) dst(%arg5 : memref<16xf32, #tpu.memory_space<hbm>>)
        tpu.yield
      }) : () -> ()
    } else {
    }
    return
  }
}

module attributes {stable_mosaic.version = 14 : i64} {
  func.func @_rowstats_body(%arg0: i32, %arg1: memref<1000x2048xf32, #tpu.memory_space<vmem>>, %arg2: memref<1x1x2048xi32, #tpu.memory_space<vmem>>, %arg3: memref<1x1x2048xf32, #tpu.memory_space<vmem>>, %arg4: memref<1x1x2048xf32, #tpu.memory_space<vmem>>) attributes {dimension_semantics = [#tpu.dimension_semantics<arbitrary>], iteration_bounds = array<i64: 4>, scalar_prefetch = 0 : i64, scratch_operands = 0 : i64, tpu.core_type = #tpu.core_type<tc>, window_params = [{transform_indices = @transform_0, window_bounds = array<i64: 1000, 2048>}, {transform_indices = @transform_1, window_bounds = array<i64: 1, 1, 2048>}, {transform_indices = @transform_2, window_bounds = array<i64: 1, 1, 2048>}, {transform_indices = @transform_3, window_bounds = array<i64: 1, 1, 2048>}]} {
    %get3A = arith.constant 0 : index
    %get3A_0 = arith.constant 0 : index
    %get3A_1 = vector.load %arg1[%get3A, %get3A_0] : memref<1000x2048xf32, #tpu.memory_space<vmem>>, vector<1000x2048xf32>
    %reduce_max3A = arith.constant dense<0xFF800000> : vector<2048xf32>
    %reduce_max3A_2 = vector.multi_reduction <maximumf>, %get3A_1, %reduce_max3A [0] : vector<1000x2048xf32> to vector<2048xf32>
    %broadcast_in_dim3A = vector.shape_cast %reduce_max3A_2 : vector<2048xf32> to vector<1x2048xf32>
    %sub3A = vector.broadcast %broadcast_in_dim3A : vector<1x2048xf32> to vector<1000x2048xf32>
    %sub3A_3 = arith.subf %get3A_1, %sub3A : vector<1000x2048xf32>
    %exp3A = math.exp %sub3A_3 : vector<1000x2048xf32>
    %reduce_sum3A = arith.constant dense<0.000000e+00> : vector<2048xf32>
    %reduce_sum3A_4 = vector.multi_reduction <add>, %exp3A, %reduce_sum3A [0] : vector<1000x2048xf32> to vector<2048xf32>
    %iota3A = tpu.iota {dimensions = array<i32: 0>} : vector<1000x2048xi32>
    %eq3A = vector.broadcast %broadcast_in_dim3A : vector<1x2048xf32> to vector<1000x2048xf32>
    %eq3A_5 = arith.cmpf oeq, %get3A_1, %eq3A : vector<1000x2048xf32>
    %jit3A = arith.constant 1000 : i32
    %broadcast_in_dim3A_6 = vector.broadcast %jit3A : i32 to vector<1000x2048xi32>
    %select_n3A = arith.select %eq3A_5, %iota3A, %broadcast_in_dim3A_6 : vector<1000x2048xi1>, vector<1000x2048xi32>
    %reduce_min3A = arith.constant dense<2147483647> : vector<2048xi32>
    %reduce_min3A_7 = vector.multi_reduction <minsi>, %select_n3A, %reduce_min3A [0] : vector<1000x2048xi32> to vector<2048xi32>
    %div3A = arith.constant 1.000000e+00 : f32
    %div3A_8 = vector.broadcast %div3A : f32 to vector<2048xf32>
    %div3A_9 = arith.divf %div3A_8, %reduce_sum3A_4 : vector<2048xf32>
    %swap3A = arith.constant 0 : index
    %swap3A_10 = arith.constant 0 : index
    %swap3A_11 = arith.constant 0 : index
    %swap3A_12 = vector.load %arg3[%swap3A, %swap3A_10, %swap3A_11] : memref<1x1x2048xf32, #tpu.memory_space<vmem>>, vector<1x1x2048xf32>
    %swap3A_13 = vector.shape_cast %swap3A_12 : vector<1x1x2048xf32> to vector<2048xf32>
    %swap3A_14 = vector.shape_cast %div3A_9 : vector<2048xf32> to vector<1x1x2048xf32>
    tpu.vector_store %arg3[%swap3A, %swap3A_10, %swap3A_11], %swap3A_14 {strides = array<i32>} : memref<1x1x2048xf32, #tpu.memory_space<vmem>>, vector<1x1x2048xf32>,
    %get3A_15 = arith.constant 0 : index
    %get3A_16 = arith.constant 0 : index
    %get3A_17 = arith.constant 0 : index
    %get3A_18 = vector.load %arg2[%get3A_15, %get3A_16, %get3A_17] : memref<1x1x2048xi32, #tpu.memory_space<vmem>>, vector<1x1x2048xi32>
    %get3A_19 = vector.shape_cast %get3A_18 : vector<1x1x2048xi32> to vector<2048xi32>
    %eq3A_20 = arith.cmpi eq, %reduce_min3A_7, %get3A_19 : vector<2048xi32>
    %convert_element_type3A = arith.extui %eq3A_20 : vector<2048xi1> to vector<2048xi32>
    %convert_element_type3A_21 = arith.sitofp %convert_element_type3A : vector<2048xi32> to vector<2048xf32>
    %swap3A_22 = arith.constant 0 : index
    %swap3A_23 = arith.constant 0 : index
    %swap3A_24 = arith.constant 0 : index
    %swap3A_25 = vector.load %arg4[%swap3A_22, %swap3A_23, %swap3A_24] : memref<1x1x2048xf32, #tpu.memory_space<vmem>>, vector<1x1x2048xf32>
    %swap3A_26 = vector.shape_cast %swap3A_25 : vector<1x1x2048xf32> to vector<2048xf32>
    %swap3A_27 = vector.shape_cast %convert_element_type3A_21 : vector<2048xf32> to vector<1x1x2048xf32>
    tpu.vector_store %arg4[%swap3A_22, %swap3A_23, %swap3A_24], %swap3A_27 {strides = array<i32>} : memref<1x1x2048xf32, #tpu.memory_space<vmem>>, vector<1x1x2048xf32>,
    return
  }
  func.func @transform_0(%arg0: i32) -> (i32, i32) {
    %add3A = arith.constant 0 : i32
    %add3A_0 = arith.addi %arg0, %add3A : i32
    %c0_i32 = arith.constant 0 : i32
    %c0_i32_1 = arith.constant 0 : i32
    return %c0_i32, %add3A_0 : i32, i32
  }
  func.func @transform_1(%arg0: i32) -> (i32, i32, i32) {
    %c0_i32 = arith.constant 0 : i32
    %c0_i32_0 = arith.constant 0 : i32
    %c0_i32_1 = arith.constant 0 : i32
    return %arg0, %c0_i32, %c0_i32_0 : i32, i32, i32
  }
  func.func @transform_2(%arg0: i32) -> (i32, i32, i32) {
    %c0_i32 = arith.constant 0 : i32
    %c0_i32_0 = arith.constant 0 : i32
    %c0_i32_1 = arith.constant 0 : i32
    return %arg0, %c0_i32, %c0_i32_0 : i32, i32, i32
  }
  func.func @transform_3(%arg0: i32) -> (i32, i32, i32) {
    %c0_i32 = arith.constant 0 : i32
    %c0_i32_0 = arith.constant 0 : i32
    %c0_i32_1 = arith.constant 0 : i32
    return %arg0, %c0_i32, %c0_i32_0 : i32, i32, i32
  }
}

module attributes {stable_mosaic.version = 14 : i64} {
  func.func @_rowstats_body(%arg0: i32, %arg1: memref<1000x2048xf32, #tpu.memory_space<vmem>>, %arg2: memref<1x1x2048xi32, #tpu.memory_space<vmem>>, %arg3: memref<1x1x2048xf32, #tpu.memory_space<vmem>>, %arg4: memref<1x1x2048xf32, #tpu.memory_space<vmem>>) attributes {dimension_semantics = [#tpu.dimension_semantics<arbitrary>], iteration_bounds = array<i64: 4>, scalar_prefetch = 0 : i64, scratch_operands = 0 : i64, tpu.core_type = #tpu.core_type<tc>, window_params = [{transform_indices = @transform_0, window_bounds = array<i64: 1000, 2048>}, {transform_indices = @transform_1, window_bounds = array<i64: 1, 1, 2048>}, {transform_indices = @transform_2, window_bounds = array<i64: 1, 1, 2048>}, {transform_indices = @transform_3, window_bounds = array<i64: 1, 1, 2048>}]} {
    %get3A = arith.constant 0 : index
    %get3A_0 = arith.constant 0 : index
    %get3A_1 = vector.load %arg1[%get3A, %get3A_0] : memref<1000x2048xf32, #tpu.memory_space<vmem>>, vector<1000x2048xf32>
    %reduce_max3A = arith.constant dense<0xFF800000> : vector<2048xf32>
    %reduce_max3A_2 = vector.multi_reduction <maximumf>, %get3A_1, %reduce_max3A [0] : vector<1000x2048xf32> to vector<2048xf32>
    %broadcast_in_dim3A = vector.shape_cast %reduce_max3A_2 : vector<2048xf32> to vector<1x2048xf32>
    %sub3A = vector.broadcast %broadcast_in_dim3A : vector<1x2048xf32> to vector<1000x2048xf32>
    %sub3A_3 = arith.subf %get3A_1, %sub3A : vector<1000x2048xf32>
    %exp3A = math.exp %sub3A_3 : vector<1000x2048xf32>
    %reduce_sum3A = arith.constant dense<0.000000e+00> : vector<2048xf32>
    %reduce_sum3A_4 = vector.multi_reduction <add>, %exp3A, %reduce_sum3A [0] : vector<1000x2048xf32> to vector<2048xf32>
    %iota3A = tpu.iota {dimensions = array<i32: 0>} : vector<1000x2048xi32>
    %eq3A = vector.broadcast %broadcast_in_dim3A : vector<1x2048xf32> to vector<1000x2048xf32>
    %eq3A_5 = arith.cmpf oeq, %get3A_1, %eq3A : vector<1000x2048xf32>
    %jit3A = arith.constant 1000 : i32
    %broadcast_in_dim3A_6 = vector.broadcast %jit3A : i32 to vector<1000x2048xi32>
    %select_n3A = arith.select %eq3A_5, %iota3A, %broadcast_in_dim3A_6 : vector<1000x2048xi1>, vector<1000x2048xi32>
    %reduce_min3A = arith.constant dense<2147483647> : vector<2048xi32>
    %reduce_min3A_7 = vector.multi_reduction <minsi>, %select_n3A, %reduce_min3A [0] : vector<1000x2048xi32> to vector<2048xi32>
    %div3A = arith.constant 1.000000e+00 : f32
    %div3A_8 = vector.broadcast %div3A : f32 to vector<2048xf32>
    %div3A_9 = arith.divf %div3A_8, %reduce_sum3A_4 : vector<2048xf32>
    %swap3A = arith.constant 0 : index
    %swap3A_10 = arith.constant 0 : index
    %swap3A_11 = arith.constant 0 : index
    %swap3A_12 = vector.load %arg3[%swap3A, %swap3A_10, %swap3A_11] : memref<1x1x2048xf32, #tpu.memory_space<vmem>>, vector<1x1x2048xf32>
    %swap3A_13 = vector.shape_cast %swap3A_12 : vector<1x1x2048xf32> to vector<2048xf32>
    %swap3A_14 = vector.shape_cast %div3A_9 : vector<2048xf32> to vector<1x1x2048xf32>
    tpu.vector_store %arg3[%swap3A, %swap3A_10, %swap3A_11], %swap3A_14 {strides = array<i32>} : memref<1x1x2048xf32, #tpu.memory_space<vmem>>, vector<1x1x2048xf32>,
    %get3A_15 = arith.constant 0 : index
    %get3A_16 = arith.constant 0 : index
    %get3A_17 = arith.constant 0 : index
    %get3A_18 = vector.load %arg2[%get3A_15, %get3A_16, %get3A_17] : memref<1x1x2048xi32, #tpu.memory_space<vmem>>, vector<1x1x2048xi32>
    %get3A_19 = vector.shape_cast %get3A_18 : vector<1x1x2048xi32> to vector<2048xi32>
    %eq3A_20 = arith.cmpi eq, %reduce_min3A_7, %get3A_19 : vector<2048xi32>
    %convert_element_type3A = arith.extui %eq3A_20 : vector<2048xi1> to vector<2048xi32>
    %convert_element_type3A_21 = arith.sitofp %convert_element_type3A : vector<2048xi32> to vector<2048xf32>
    %swap3A_22 = arith.constant 0 : index
    %swap3A_23 = arith.constant 0 : index
    %swap3A_24 = arith.constant 0 : index
    %swap3A_25 = vector.load %arg4[%swap3A_22, %swap3A_23, %swap3A_24] : memref<1x1x2048xf32, #tpu.memory_space<vmem>>, vector<1x1x2048xf32>
    %swap3A_26 = vector.shape_cast %swap3A_25 : vector<1x1x2048xf32> to vector<2048xf32>
    %swap3A_27 = vector.shape_cast %convert_element_type3A_21 : vector<2048xf32> to vector<1x1x2048xf32>
    tpu.vector_store %arg4[%swap3A_22, %swap3A_23, %swap3A_24], %swap3A_27 {strides = array<i32>} : memref<1x1x2048xf32, #tpu.memory_space<vmem>>, vector<1x1x2048xf32>,
    return
  }
  func.func @transform_0(%arg0: i32) -> (i32, i32) {
    %add3A = arith.constant 4 : i32
    %add3A_0 = arith.addi %arg0, %add3A : i32
    %c0_i32 = arith.constant 0 : i32
    %c0_i32_1 = arith.constant 0 : i32
    return %c0_i32, %add3A_0 : i32, i32
  }
  func.func @transform_1(%arg0: i32) -> (i32, i32, i32) {
    %c0_i32 = arith.constant 0 : i32
    %c0_i32_0 = arith.constant 0 : i32
    %c0_i32_1 = arith.constant 0 : i32
    return %arg0, %c0_i32, %c0_i32_0 : i32, i32, i32
  }
  func.func @transform_2(%arg0: i32) -> (i32, i32, i32) {
    %c0_i32 = arith.constant 0 : i32
    %c0_i32_0 = arith.constant 0 : i32
    %c0_i32_1 = arith.constant 0 : i32
    return %arg0, %c0_i32, %c0_i32_0 : i32, i32, i32
  }
  func.func @transform_3(%arg0: i32) -> (i32, i32, i32) {
    %c0_i32 = arith.constant 0 : i32
    %c0_i32_0 = arith.constant 0 : i32
    %c0_i32_1 = arith.constant 0 : i32
    return %arg0, %c0_i32, %c0_i32_0 : i32, i32, i32
  }
}

</mosaic_0001>

<sc_bundles>
// kernel: kernel.6.cloned.1.call-start
scs
__scs_entry_jumppad:
0x0: {  	(pc) =	sbr.rel $0x88, $3  }
0x1: {  	(tag) =	ssettag $0x0;
	lr =	simm.s32 $0x1  }
0x2: {  	[smem:$0x3F9F] =	sst lr;
	_ =	strace $0xD0000000  }
0x3: {  	_ = 	snop  }
0x4: {  	_ = 	snop  }
0x5: {  	_ = 	snop  }
0x6: {  	_ = 	snop  }
0x7: {  	_ = 	snop  }
__scs_overlays_trampoline_lowered:
0x8: {  	[smem:$0x3FAE] =	sst s0  }
0x9: {  	[smem:$0x3FAF] =	sst s1  }
0xa: {  	[smem:$0x3FB0] =	sst s2  }
0xb: {  	[smem:$0x3FB1] =	sst s3  }
0xc: {  	[smem:$0x3FB2] =	sst s4  }
0xd: {  	[smem:$0x3FB3] =	sst s5  }
0xe: {  	[smem:$0x3FB4] =	sst s6  }
0xf: {  	[smem:$0x3FB5] =	sst s7  }
0x10: {  	[smem:$0x3FB6] =	sst s8  }
0x11: {  	[smem:$0x3FB7] =	sst s9;
	s0 =	simm.s32 @!p0 $0x0  }
0x12: {  	s1 =	sld [smem:$0x3F9D];
	s0 =	simm.s32 @p0 $0x1  }
0x13: {  	[smem:$0x3FB8] =	sst s0;
	s0 =	simm.s32 @!p1 $0x0  }
0x14: {  	s2 =	sld [smem:$0x3F9C];
	s0 =	simm.s32 @p1 $0x1  }
0x15: {  	[smem:$0x3FB9] =	sst s0;
	s0 =	simm.s32 @!p2 $0x0  }
0x16: {  	s3 =	sld [smem:$0x3FDB];
	s0 =	simm.s32 @p2 $0x1  }
0x17: {  	s4 =	simm.s32 $0x1BF5;
	[smem:$0x3FBB] =	sst s0  }
0x18: {  	s0 =	sld [smem:$0x3F9E];
	_ =	swait.ge [sflag:s4], $0x0  }
0x19: {  	s7 =	sld [smem:$0x3F9F]  }
0x1a: {  	s8 =	sadd.s32 $0xFFFFE003, lr  }
0x1b: {  	s9 =	sadd.s32 $0xFFFFFEF7, lr;
	s5 =	simm.s32 $0xFFFFFFFF;
	p2 =	slt.u32 s8, $0xFFFFF086  }
0x1c: {  	p1 =	slt.u32 s9, $0xF7A;
	s5 =	simm.s32 @!p2 $0x0  }
0x1d: {  	s5 =	simm.s32 @p1 $0x1;
	p0 =	seq.s32 s7, s2  }
0x1e: {  	s7 =	smul.u32 @!p0 $0xF7A, s2;
	p2 =	seq.s32 @!p0 s5, $0x0  }
0x1f: {  	s9 =	smul.u32 $0xF7A, s1;
	s8 =	simm.s32 @!p0 $0x1BF5;
	p2 =	por !p2, p0  }
0x20: {  	[sflag:s8] =	ssyncset.s32 @!p0 $0xFFFFF086;
	s6 =	sadd.s32 @!p0 s3, s7;
	s7 =	simm.s32 @!p0 $0x108  }
0x21: {  	s3 =	sadd.s32 s3, s9;
	s6 =	sadd.s32 @!p0 $0x88, s6;
	s7 =	simm.s32 @p2 $0x1082  }
0x22: {  	[simem:s7], [sflag:s8] =	dma.local @!p0 [hbm:s6], $0xF7A  }
0x23: {  	s9 =	sor.u32 $0xD0000000, s2;
	s6 =	simm.s32 $0x108;
	_ =	swait.ge @!p0 [sflag:s8], $0x0  }
0x24: {  	s3 =	sadd.s32 $0x88, s3;
	s6 =	simm.s32 @!p1 $0x1082;
	[sflag:s4] =	ssyncset.s32 $0xFFFFF086  }
0x25: {  	[simem:s6], [sflag:s4] =	dma.local [hbm:s3], $0xF7A  }
0x26: {  	[smem:$0x3F9F] =	sst s1;
	(tag) =	ssettag s2;
	_ =	strace s9  }
0x27: {  	s1 =	sld [smem:$0x3FAF]  }
0x28: {  	s2 =	sld [smem:$0x3FB0]  }
0x29: {  	s4 =	sld [smem:$0x3FB2]  }
0x2a: {  	p0 =	seq.s32 s5, $0x0;
	s5 =	sld [smem:$0x3FB3]  }
0x2b: {  	s6 =	sld [smem:$0x3FB4]  }
0x2c: {  	s7 =	sld [smem:$0x3FB5]  }
0x2d: {  	s3 =	simm.s32 $0x108;
	s8 =	sld [smem:$0x3FB6]  }
0x2e: {  	s3 =	simm.s32 @!p0 $0x1082;
	s9 =	sld [smem:$0x3FB7]  }
0x2f: {  	lr =	sadd.s32 s0, s3;
	s0 =	sld [smem:$0x3FAE]  }
0x30: {  	s3 =	sld [smem:$0x3FB1]  }
0x31: {  	[smem:$0x3FBA] =	sst s10  }
0x32: {  	s10 =	sld [smem:$0x3FB8];
	_ =	sdelay $0x3  }
0x33: {  	p0 =	seq.s32 s10, $0x1;
	s10 =	sld [smem:$0x3FBA];
	_ =	sdelay $0x3  }
0x34: {  	[smem:$0x3FBA] =	sst s10  }
0x35: {  	s10 =	sld [smem:$0x3FB9];
	_ =	sdelay $0x3  }
0x36: {  	p1 =	seq.s32 s10, $0x1;
	s10 =	sld [smem:$0x3FBA];
	_ =	sdelay $0x3  }
0x37: {  	[smem:$0x3FBA] =	sst s10  }
0x38: {  	s10 =	sld [smem:$0x3FBB]  }
0x39: {  	_ = 	snop;
	(pc) =	sbr.ind lr, $3  }
0x3a: {  	_ = 	snop  }
0x3b: {  	_ = 	snop  }
0x3c: {  	p2 =	seq.s32 s10, $0x1;
	s10 =	sld [smem:$0x3FBA]  }
0x3d: {  	_ =	shalt  }
0x3e: {  	_ =	shalt  }
0x3f: {  	_ =	shalt  }
0x40: {  	_ =	shalt  }
0x41: {  	_ =	shalt  }
0x42: {  	_ =	shalt  }
0x43: {  	_ =	shalt  }
0x44: {  	_ =	shalt  }
0x45: {  	_ =	shalt  }
0x46: {  	_ =	shalt  }
0x47: {  	_ =	shalt  }
0x48: {  	_ =	shalt  }
0x49: {  	_ =	shalt  }
0x4a: {  	_ =	shalt  }
0x4b: {  	_ =	shalt  }
0x4c: {  	_ =	shalt  }
0x4d: {  	_ =	shalt  }
0x4e: {  	_ =	shalt  }
0x4f: {  	_ =	shalt  }
0x50: {  	_ =	shalt  }
0x51: {  	_ =	shalt  }
0x52: {  	_ =	shalt  }
0x53: {  	_ =	shalt  }
0x54: {  	_ =	shalt  }
0x55: {  	_ =	shalt  }
0x56: {  	_ =	shalt  }
0x57: {  	_ =	shalt  }
0x58: {  	_ =	shalt  }
0x59: {  	_ =	shalt  }
0x5a: {  	_ =	shalt  }
0x5b: {  	_ =	shalt  }
0x5c: {  	_ =	shalt  }
0x5d: {  	_ =	shalt  }
0x5e: {  	_ =	shalt  }
0x5f: {  	_ =	shalt  }
0x60: {  	_ =	shalt  }
0x61: {  	_ =	shalt  }
0x62: {  	_ =	shalt  }
0x63: {  	_ =	shalt  }
0x64: {  	_ =	shalt  }
0x65: {  	_ =	shalt  }
0x66: {  	_ =	shalt  }
0x67: {  	_ =	shalt  }
0x68: {  	_ =	shalt  }
0x69: {  	_ =	shalt  }
0x6a: {  	_ =	shalt  }
0x6b: {  	_ =	shalt  }
0x6c: {  	_ =	shalt  }
0x6d: {  	_ =	shalt  }
0x6e: {  	_ =	shalt  }
0x6f: {  	_ =	shalt  }
0x70: {  	_ =	shalt  }
0x71: {  	_ =	shalt  }
0x72: {  	_ =	shalt  }
0x73: {  	_ =	shalt  }
0x74: {  	_ =	shalt  }
0x75: {  	_ =	shalt  }
0x76: {  	_ =	shalt  }
0x77: {  	_ =	shalt  }
0x78: {  	_ =	shalt  }
0x79: {  	_ =	shalt  }
0x7a: {  	_ =	shalt  }
0x7b: {  	_ =	shalt  }
0x7c: {  	_ =	shalt  }
0x7d: {  	_ =	shalt  }
0x7e: {  	_ =	shalt  }
0x7f: {  	_ =	shalt  }
0x80: {  	_ =	shalt  }
0x81: {  	_ =	shalt  }
0x82: {  	_ =	shalt  }
0x83: {  	_ =	shalt  }
0x84: {  	_ =	shalt  }
0x85: {  	_ =	shalt  }
0x86: {  	_ =	shalt  }
0x87: {  	_ =	shalt  }
.Lfunc_end0:
.L_simem_size_0:
called_computation_lowered:
.L_overlay_start_0:
0x88: {  	s0 =	sld [smem:$0x3FD9]  }
0x89: {  	s1 =	sld [smem:$0x3FFE];
	_ =	sdelay $0x3  }
0x8a: {  	s0 =	sadd.s32 s1, s0  }
0x8b: {  	[smem:$0x3FC6] =	sst s0  }
0x8c: {  	_ = 	snop  }
0x8d: {  	(tm) =	ssettm $0x1  }
0x8e: {  	s15 =	sld [smem:$0x3FFB];
	_ =	sdelay $0x3  }
0x8f: {  	_ =	strace s15  }
0x90: {  	s0 =	sld [smem:$0x3FFC];
	_ =	sdelay $0x3  }
0x91: {  	_ =	strace s0  }
0x92: {  	s0 =	sld [smem:$0x3FFD];
	_ =	sdelay $0x3  }
0x93: {  	_ =	strace s0  }
0x94: {  	_ =	strace $0x8FFFFFFF  }
0x95: {  	s16 =	sld [smem:$0x3FDB];
	_ =	sdelay $0x1  }
0x96: {  	s17 =	simm.s32 $_scs_section_size  }
0x97: {  	s2 =	simm.s32 $_size__tile_overlayer_lowered;
	s3 =	simm.s32 $_tile_overlayer_lowered  }
0x98: {  	s20 =	simm.s32 $0x1BFF;
	s19 =	sshll.u32 s3, $0x1;
	s0 =	sadd.s32 s17, s16  }
0x99: {  	s4 =	simm.s32 $0x0;
	s18 =	sshll.u32 s2, $0x1;
	s2 =	sadd.s32 s19, s0  }
0x9a: {  	[timem:s4], [sflag:s20] =	dma.local [hbm:s2], s18  }
0x9b: {  	_ =	swait.ge [sflag:s20], s18  }
0x9c: {  	s1 =	ssub.s32 $0x0, s18;
	[sflag:s20] =	ssyncset.done $0x0  }
0x9d: {  	[sflag:s20] =	ssyncadd.s32 s1;
	_ =	sdelay $0x1  }
0x9e: {  	s21 =	simm.s32 $0x1B8B  }
0x9f: {  	_ =	swait.ge [sflag:s21], $0x1  }
0xa0: {  	[sflag:s21] =	ssyncset.done $0x0  }
0xa1: {  	s23 =	simm.s32 $0x1B8E;
	s22 =	sld [smem:$0x3FFE];
	[sflag:s21] =	ssyncadd.s32 $0xFFFFFFFF  }
0xa2: {  	s24 =	simm.s32 $execute0_lowered;
	[smem:$0x3FD2] =	sst s23  }
0xa3: {  	s2 =	sshll.u32 s24, $0x1;
	_ =	strace $0x80000046;
	[dreg:$0x1] =	wrdreg $0xFFFFFFFF  }
0xa4: {  	s25 =	simm.s32 $_size_execute0_lowered;
	s0 =	sadd.s32 s0, s2;
	[dreg:$0x0] =	wrdreg $0x0  }
0xa5: {  	s2 =	sshll.u32 s25, $0x1;
	[dreg:$0x2] =	wrdreg s0  }
0xa6: {  	[dreg:$0x3] =	wrdreg s2  }
0xa7: {  	[dreg:$0x4] =	wrdreg $0xC0  }
0xa8: {  	_ =	task [dreg:s4], $0x5FFFF  }
0xa9: {  	[dreg:$0x1] =	wrdreg $0xFFFFFFFF  }
0xaa: {  	[dreg:$0x0] =	wrdreg $0x60  }
0xab: {  	[dreg:$0x2] =	wrdreg s22  }
0xac: {  	[dreg:$0x3] =	wrdreg $0xB000  }
0xad: {  	[dreg:$0x4] =	wrdreg $0x9  }
0xae: {  	_ =	task.clear_ibuf [dreg:s4], $0x5FFFF;
	_ =	strace $0x90000046  }
0xaf: {  	s26 =	simm.s32 $0x9;
	_ =	strace $0x80000048  }
0xb0: {  	_ =	swait.ge [sflag:s26], $0x1  }
0xb1: {  	[sflag:s26] =	ssyncadd.s32 $0xFFFFFFFF  }
0xb2: {  	_ =	strace $0x90000048  }
0xb3: {  	_ =	sfence  }
0xb4: {  	s28 =	sld [smem:$0x0];
	_ =	sdelay $0x1  }
0xb5: {  	s29 =	srdreg.scid  }
0xb6: {  	s30 =	sshll.u32 s29, $0xD;
	s31 =	sshrl.u32 s29, $0x2  }
0xb7: {  	s1 =	sand.u32 $0x1, s29;
	s2 =	sand.u32 $0x4000, s30;
	s0 =	sadd.s32 s31, s28  }
0xb8: {  	s1 =	sor.u32 s2, s1;
	s0 =	sshll.u32 s0, $0x11  }
0xb9: {  	s0 =	sor.u32 s0, s1  }
0xba: {  	s0 =	sadd.s32 $0x8F2B, s0  }
0xbb: {  	[sflag:s0] =	ssyncadd.remote.s32 $0x1  }
0xbc: {  	_ =	sfence.sel $0xFFFF  }
0xbd: {  	[dreg:$0x0] =	wrdreg $0xFFFFFFFF;
	(pc) =	sbr.abs _section_cstart, $3  }
0xbe: {  	[dreg:$0x1] =	wrdreg $0xFFFFFFFF  }
0xbf: {  	_ =	task.clear_ibuf [dreg:s4], $0x2FFFF;
	_ =	strace $0x9FFFFFFF  }
0xc0: {  	(tm) =	ssettm $0x7FFFFFFF  }
0xc1: {  	_ =	shalt  }
tec
execute0_lowered:
.L_overlay_start_1:
0x0: {  	(tag) =	ssettag $0x1  }
0x1: {  	s1 =	rddreg [dreg:$0x0];
	s5 =	stileid.u32  }
0x2: {  	s4 =	rddreg [dreg:$0x1];
	s2 =	simm.s32 $0x0;
	s3 =	sshll.u32 s5, $0x6  }
0x3: {  	[smem:$0x7FF] =	sst s2;
	s6 =	sadd.s32 s3, s1  }
0x4: {  	s0 =	rddreg [dreg:$0x2];
	_ =	strace $0x80000047;
	s3 =	sadd.s32 $0x1600, s6  }
0x5: {  	[tilespmem:s2], [sflag:$0x1] =	stream.linear.gather [hbm4b:s3+s2], $0x200, $0x38;
	[tilespmem:$0xB30] =	vst v63  }
0x6: {  	s3 =	simm.s32 $0x1  }
0x7: {  	_ =	swait.ge [sflag:s3], $0x200  }
0x8: {  	[sflag:s3] =	ssyncset.done $0x0  }
0x9: {  	s7 =	simm.s32 $0x200;
	s6 =	sadd.s32 $0x1A00, s6;
	[sflag:s3] =	ssyncadd.s32 $0xFFFFFE00  }
0xa: {  	[tilespmem:s7], [sflag:$0x1] =	stream.linear.gather [hbm4b:s6+s2], $0x200, $0x38;
	[tilespmem:$0xB30] =	vst v63  }
0xb: {  	_ =	swait.ge [sflag:s3], $0x200  }
0xc: {  	[sflag:s3] =	ssyncset.done $0x0  }
0xd: {  	v3 =	vimm.f32 $0.0e+00;
	[sflag:s3] =	ssyncadd.s32 $0xFFFFFE00  }
0xe: {  	[tilespmem:$0x400] =	vst v3  }
0xf: {  	[tilespmem:$0x410] =	vst v3  }
0x10: {  	[tilespmem:$0x420] =	vst v3  }
0x11: {  	[tilespmem:$0x430] =	vst v3  }
0x12: {  	[tilespmem:$0x440] =	vst v3  }
0x13: {  	[tilespmem:$0x450] =	vst v3  }
0x14: {  	[tilespmem:$0x460] =	vst v3  }
0x15: {  	[tilespmem:$0x470] =	vst v3  }
0x16: {  	[tilespmem:$0x480] =	vst v3  }
0x17: {  	[tilespmem:$0x490] =	vst v3  }
0x18: {  	[tilespmem:$0x4A0] =	vst v3  }
0x19: {  	[tilespmem:$0x4B0] =	vst v3  }
0x1a: {  	[tilespmem:$0x4C0] =	vst v3  }
0x1b: {  	[tilespmem:$0x4D0] =	vst v3  }
0x1c: {  	[tilespmem:$0x4E0] =	vst v3  }
0x1d: {  	[tilespmem:$0x4F0] =	vst v3  }
0x1e: {  	[tilespmem:$0x500] =	vst v3  }
0x1f: {  	[tilespmem:$0x510] =	vst v3  }
0x20: {  	[tilespmem:$0x520] =	vst v3  }
0x21: {  	[tilespmem:$0x530] =	vst v3  }
0x22: {  	[tilespmem:$0x540] =	vst v3  }
0x23: {  	[tilespmem:$0x550] =	vst v3  }
0x24: {  	[tilespmem:$0x560] =	vst v3  }
0x25: {  	[tilespmem:$0x570] =	vst v3  }
0x26: {  	[tilespmem:$0x580] =	vst v3  }
0x27: {  	[tilespmem:$0x590] =	vst v3  }
0x28: {  	[tilespmem:$0x5A0] =	vst v3  }
0x29: {  	[tilespmem:$0x5B0] =	vst v3  }
0x2a: {  	[tilespmem:$0x5C0] =	vst v3  }
0x2b: {  	[tilespmem:$0x5D0] =	vst v3  }
0x2c: {  	[tilespmem:$0x5E0] =	vst v3  }
0x2d: {  	[tilespmem:$0x5F0] =	vst v3;
	v4 =	vld [tilespmem:$0x0]  }
0x2e: {  	[tilespmem:$0x600] =	vst v3  }
0x2f: {  	[tilespmem:$0x610] =	vst v3  }
0x30: {  	[tilespmem:$0x620] =	vst v3  }
0x31: {  	[tilespmem:$0x630] =	vst v3  }
0x32: {  	[tilespmem:$0x640] =	vst v3;
	v0 =	vmul.f32 $1.500000000e+01, v4  }
0x33: {  	[tilespmem:$0x650] =	vst v3  }
0x34: {  	[tilespmem:$0x660] =	vst v3;
	v0 =	vtrunc.f32 v0  }
0x35: {  	[tilespmem:$0x670] =	vst v3;
	v1 =	vcvt.f32.s32 v0  }
0x36: {  	v48 =	vlaneseq.u32;
	[tilespmem:$0x680] =	vst v3  }
0x37: {  	[tilespmem:$0x690] =	vst v3;
	v0 =	vmul.u32 $0x30, v48;
	vm0 =	vlt.s32 v1, $0xE  }
0x38: {  	[tilespmem:$0x6A0] =	vst v3;
	v5 =	vnsel vm0, $0xE, v1  }
0x39: {  	[tilespmem:$0x6B0] =	vst v3;
	v1 =	vadd.s32 $0x10, v0;
	v6 =	vadd.s32 v0, v5  }
0x3a: {  	[tilespmem:$0x6C0] =	vst v3;
	v2 =	vadd.s32 $0x20, v0;
	v7 =	vadd.s32 v1, v5  }
0x3b: {  	[tilespmem:$0x6D0] =	vst v3;
	v8 =	vld [tilespmem:$0x200];
	v5 =	vadd.s32 v2, v5  }
0x3c: {  	[tilespmem:$0x6E0] =	vst v3  }
0x3d: {  	s29 =	simm.s32 $0x400;
	[tilespmem:$0x6F0] =	vst v3;
	v3 =	vimm.f32 $1.000000000e+00  }
0x3e: {  	[tilespmem:v6+s29+$0x0] =	vst.idx.add.f32.msk $0xffff, v3  }
0x3f: {  	[tilespmem:v7+s29+$0x0] =	vst.idx.add.f32.msk $0xffff, v4  }
0x40: {  	[tilespmem:v5+s29+$0x0] =	vst.idx.add.f32.msk $0xffff, v8  }
0x41: {  	v4 =	vld [tilespmem:$0x10];
	_ =	sdelay $0x4  }
0x42: {  	v49 =	vmul.f32 $1.500000000e+01, v4;
	_ =	sdelay $0x1  }
0x43: {  	v5 =	vtrunc.f32 v49  }
0x44: {  	v5 =	vcvt.f32.s32 v5;
	_ =	sdelay $0x1  }
0x45: {  	vm9 =	vlt.s32 v5, $0xE  }
0x46: {  	v5 =	vnsel vm9, $0xE, v5  }
0x47: {  	v50 =	vadd.s32 v0, v5  }
0x48: {  	v51 =	vadd.s32 v1, v5  }
0x49: {  	v8 =	vld [tilespmem:$0x210];
	v5 =	vadd.s32 v2, v5;
	_ =	sdelay $0x2  }
0x4a: {  	[tilespmem:v50+s29+$0x0] =	vst.idx.add.f32.msk $0xffff, v3  }
0x4b: {  	[tilespmem:v51+s29+$0x0] =	vst.idx.add.f32.msk $0xffff, v4  }
0x4c: {  	[tilespmem:v5+s29+$0x0] =	vst.idx.add.f32.msk $0xffff, v8  }
0x4d: {  	v4 =	vld [tilespmem:$0x20];
	_ =	sdelay $0x4  }
0x4e: {  	v52 =	vmul.f32 $1.500000000e+01, v4;
	_ =	sdelay $0x1  }
0x4f: {  	v5 =	vtrunc.f32 v52  }
0x50: {  	v5 =	vcvt.f32.s32 v5;
	_ =	sdelay $0x1  }
0x51: {  	vm10 =	vlt.s32 v5, $0xE  }
0x52: {  	v5 =	vnsel vm10, $0xE, v5  }
0x53: {  	v53 =	vadd.s32 v0, v5  }
0x54: {  	v54 =	vadd.s32 v1, v5  }
0x55: {  	v8 =	vld [tilespmem:$0x220];
	v5 =	vadd.s32 v2, v5;
	_ =	sdelay $0x2  }
0x56: {  	[tilespmem:v53+s29+$0x0] =	vst.idx.add.f32.msk $0xffff, v3  }
0x57: {  	[tilespmem:v54+s29+$0x0] =	vst.idx.add.f32.msk $0xffff, v4  }
0x58: {  	[tilespmem:v5+s29+$0x0] =	vst.idx.add.f32.msk $0xffff, v8  }
0x59: {  	v4 =	vld [tilespmem:$0x30];
	_ =	sdelay $0x4  }
0x5a: {  	v55 =	vmul.f32 $1.500000000e+01, v4;
	_ =	sdelay $0x1  }
0x5b: {  	v5 =	vtrunc.f32 v55  }
0x5c: {  	v5 =	vcvt.f32.s32 v5;
	_ =	sdelay $0x1  }
0x5d: {  	vm11 =	vlt.s32 v5, $0xE  }
0x5e: {  	v5 =	vnsel vm11, $0xE, v5  }
0x5f: {  	v56 =	vadd.s32 v0, v5  }
0x60: {  	v57 =	vadd.s32 v1, v5  }
0x61: {  	v8 =	vld [tilespmem:$0x230];
	v5 =	vadd.s32 v2, v5;
	_ =	sdelay $0x2  }
0x62: {  	[tilespmem:v56+s29+$0x0] =	vst.idx.add.f32.msk $0xffff, v3  }
0x63: {  	[tilespmem:v57+s29+$0x0] =	vst.idx.add.f32.msk $0xffff, v4  }
0x64: {  	[tilespmem:v5+s29+$0x0] =	vst.idx.add.f32.msk $0xffff, v8  }
0x65: {  	v4 =	vld [tilespmem:$0x40];
	_ =	sdelay $0x4  }
0x66: {  	v58 =	vmul.f32 $1.500000000e+01, v4;
	_ =	sdelay $0x1  }
0x67: {  	v5 =	vtrunc.f32 v58  }
0x68: {  	v5 =	vcvt.f32.s32 v5;
	_ =	sdelay $0x1  }
0x69: {  	vm12 =	vlt.s32 v5, $0xE  }
0x6a: {  	v5 =	vnsel vm12, $0xE, v5  }
0x6b: {  	v59 =	vadd.s32 v0, v5  }
0x6c: {  	v60 =	vadd.s32 v1, v5  }
0x6d: {  	v8 =	vld [tilespmem:$0x240];
	v5 =	vadd.s32 v2, v5;
	_ =	sdelay $0x2  }
0x6e: {  	[tilespmem:v59+s29+$0x0] =	vst.idx.add.f32.msk $0xffff, v3  }
0x6f: {  	[tilespmem:v60+s29+$0x0] =	vst.idx.add.f32.msk $0xffff, v4  }
0x70: {  	[tilespmem:v5+s29+$0x0] =	vst.idx.add.f32.msk $0xffff, v8  }
0x71: {  	v4 =	vld [tilespmem:$0x50];
	_ =	sdelay $0x4  }
0x72: {  	v61 =	vmul.f32 $1.500000000e+01, v4;
	_ =	sdelay $0x1  }
0x73: {  	v5 =	vtrunc.f32 v61  }
0x74: {  	v5 =	vcvt.f32.s32 v5;
	_ =	sdelay $0x1  }
0x75: {  	vm13 =	vlt.s32 v5, $0xE  }
0x76: {  	v5 =	vnsel vm13, $0xE, v5  }
0x77: {  	v62 =	vadd.s32 v0, v5  }
0x78: {  	v63 =	vadd.s32 v1, v5  }
0x79: {  	v8 =	vld [tilespmem:$0x250];
	v5 =	vadd.s32 v2, v5;
	_ =	sdelay $0x2  }
0x7a: {  	[tilespmem:v62+s29+$0x0] =	vst.idx.add.f32.msk $0xffff, v3  }
0x7b: {  	[tilespmem:v63+s29+$0x0] =	vst.idx.add.f32.msk $0xffff, v4  }
0x7c: {  	[tilespmem:v5+s29+$0x0] =	vst.idx.add.f32.msk $0xffff, v8  }
0x7d: {  	v4 =	vld [tilespmem:$0x60];
	_ =	sdelay $0x4  }
0x7e: {  	v11 =	vmul.f32 $1.500000000e+01, v4;
	_ =	sdelay $0x1  }
0x7f: {  	v5 =	vtrunc.f32 v11  }
0x80: {  	v5 =	vcvt.f32.s32 v5;
	_ =	sdelay $0x1  }
0x81: {  	vm14 =	vlt.s32 v5, $0xE  }
0x82: {  	v5 =	vnsel vm14, $0xE, v5  }
0x83: {  	v12 =	vadd.s32 v0, v5  }
0x84: {  	v13 =	vadd.s32 v1, v5  }
0x85: {  	v8 =	vld [tilespmem:$0x260];
	v5 =	vadd.s32 v2, v5;
	_ =	sdelay $0x2  }
0x86: {  	[tilespmem:v12+s29+$0x0] =	vst.idx.add.f32.msk $0xffff, v3  }
0x87: {  	[tilespmem:v13+s29+$0x0] =	vst.idx.add.f32.msk $0xffff, v4  }
0x88: {  	[tilespmem:v5+s29+$0x0] =	vst.idx.add.f32.msk $0xffff, v8  }
0x89: {  	v4 =	vld [tilespmem:$0x70];
	_ =	sdelay $0x4  }
0x8a: {  	v14 =	vmul.f32 $1.500000000e+01, v4;
	_ =	sdelay $0x1  }
0x8b: {  	v5 =	vtrunc.f32 v14  }
0x8c: {  	v5 =	vcvt.f32.s32 v5;
	_ =	sdelay $0x1  }
0x8d: {  	vm15 =	vlt.s32 v5, $0xE  }
0x8e: {  	v5 =	vnsel vm15, $0xE, v5  }
0x8f: {  	v15 =	vadd.s32 v0, v5  }
0x90: {  	v16 =	vadd.s32 v1, v5  }
0x91: {  	v8 =	vld [tilespmem:$0x270];
	v5 =	vadd.s32 v2, v5;
	_ =	sdelay $0x2  }
0x92: {  	[tilespmem:v15+s29+$0x0] =	vst.idx.add.f32.msk $0xffff, v3  }
0x93: {  	[tilespmem:v16+s29+$0x0] =	vst.idx.add.f32.msk $0xffff, v4  }
0x94: {  	[tilespmem:v5+s29+$0x0] =	vst.idx.add.f32.msk $0xffff, v8  }
0x95: {  	v4 =	vld [tilespmem:$0x80];
	_ =	sdelay $0x4  }
0x96: {  	v17 =	vmul.f32 $1.500000000e+01, v4;
	_ =	sdelay $0x1  }
0x97: {  	v5 =	vtrunc.f32 v17  }
0x98: {  	v5 =	vcvt.f32.s32 v5;
	_ =	sdelay $0x1  }
0x99: {  	vm4 =	vlt.s32 v5, $0xE  }
0x9a: {  	v5 =	vnsel vm4, $0xE, v5  }
0x9b: {  	v18 =	vadd.s32 v0, v5  }
0x9c: {  	v19 =	vadd.s32 v1, v5  }
0x9d: {  	v8 =	vld [tilespmem:$0x280];
	v5 =	vadd.s32 v2, v5;
	_ =	sdelay $0x2  }
0x9e: {  	[tilespmem:v18+s29+$0x0] =	vst.idx.add.f32.msk $0xffff, v3  }
0x9f: {  	[tilespmem:v19+s29+$0x0] =	vst.idx.add.f32.msk $0xffff, v4  }
0xa0: {  	[tilespmem:v5+s29+$0x0] =	vst.idx.add.f32.msk $0xffff, v8  }
0xa1: {  	v4 =	vld [tilespmem:$0x90];
	_ =	sdelay $0x4  }
0xa2: {  	v20 =	vmul.f32 $1.500000000e+01, v4;
	_ =	sdelay $0x1  }
0xa3: {  	v5 =	vtrunc.f32 v20  }
0xa4: {  	v5 =	vcvt.f32.s32 v5;
	_ =	sdelay $0x1  }
0xa5: {  	vm5 =	vlt.s32 v5, $0xE  }
0xa6: {  	v5 =	vnsel vm5, $0xE, v5  }
0xa7: {  	v21 =	vadd.s32 v0, v5  }
0xa8: {  	v22 =	vadd.s32 v1, v5  }
0xa9: {  	v8 =	vld [tilespmem:$0x290];
	v5 =	vadd.s32 v2, v5;
	_ =	sdelay $0x2  }
0xaa: {  	[tilespmem:v21+s29+$0x0] =	vst.idx.add.f32.msk $0xffff, v3  }
0xab: {  	[tilespmem:v22+s29+$0x0] =	vst.idx.add.f32.msk $0xffff, v4  }
0xac: {  	[tilespmem:v5+s29+$0x0] =	vst.idx.add.f32.msk $0xffff, v8  }
0xad: {  	v4 =	vld [tilespmem:$0xA0];
	_ =	sdelay $0x4  }
0xae: {  	v23 =	vmul.f32 $1.500000000e+01, v4;
	_ =	sdelay $0x1  }
0xaf: {  	v5 =	vtrunc.f32 v23  }
0xb0: {  	v5 =	vcvt.f32.s32 v5;
	_ =	sdelay $0x1  }
0xb1: {  	vm6 =	vlt.s32 v5, $0xE  }
0xb2: {  	v5 =	vnsel vm6, $0xE, v5  }
0xb3: {  	v24 =	vadd.s32 v0, v5  }
0xb4: {  	v25 =	vadd.s32 v1, v5  }
0xb5: {  	v8 =	vld [tilespmem:$0x2A0];
	v5 =	vadd.s32 v2, v5;
	_ =	sdelay $0x2  }
0xb6: {  	[tilespmem:v24+s29+$0x0] =	vst.idx.add.f32.msk $0xffff, v3  }
0xb7: {  	[tilespmem:v25+s29+$0x0] =	vst.idx.add.f32.msk $0xffff, v4  }
0xb8: {  	[tilespmem:v5+s29+$0x0] =	vst.idx.add.f32.msk $0xffff, v8  }
0xb9: {  	v4 =	vld [tilespmem:$0xB0];
	_ =	sdelay $0x4  }
0xba: {  	v26 =	vmul.f32 $1.500000000e+01, v4;
	_ =	sdelay $0x1  }
0xbb: {  	v5 =	vtrunc.f32 v26  }
0xbc: {  	v5 =	vcvt.f32.s32 v5;
	_ =	sdelay $0x1  }
0xbd: {  	vm7 =	vlt.s32 v5, $0xE  }
0xbe: {  	v5 =	vnsel vm7, $0xE, v5  }
0xbf: {  	v27 =	vadd.s32 v0, v5  }
0xc0: {  	v28 =	vadd.s32 v1, v5  }
0xc1: {  	v8 =	vld [tilespmem:$0x2B0];
	v5 =	vadd.s32 v2, v5;
	_ =	sdelay $0x2  }
0xc2: {  	[tilespmem:v27+s29+$0x0] =	vst.idx.add.f32.msk $0xffff, v3  }
0xc3: {  	[tilespmem:v28+s29+$0x0] =	vst.idx.add.f32.msk $0xffff, v4  }
0xc4: {  	[tilespmem:v5+s29+$0x0] =	vst.idx.add.f32.msk $0xffff, v8  }
0xc5: {  	v4 =	vld [tilespmem:$0xC0];
	_ =	sdelay $0x4  }
0xc6: {  	v29 =	vmul.f32 $1.500000000e+01, v4;
	_ =	sdelay $0x1  }
0xc7: {  	v5 =	vtrunc.f32 v29  }
0xc8: {  	v5 =	vcvt.f32.s32 v5;
	_ =	sdelay $0x1  }
0xc9: {  	vm8 =	vlt.s32 v5, $0xE  }
0xca: {  	v5 =	vnsel vm8, $0xE, v5  }
0xcb: {  	v30 =	vadd.s32 v0, v5  }
0xcc: {  	v31 =	vadd.s32 v1, v5  }
0xcd: {  	v8 =	vld [tilespmem:$0x2C0];
	v5 =	vadd.s32 v2, v5;
	_ =	sdelay $0x2  }
0xce: {  	[tilespmem:v30+s29+$0x0] =	vst.idx.add.f32.msk $0xffff, v3  }
0xcf: {  	[tilespmem:v31+s29+$0x0] =	vst.idx.add.f32.msk $0xffff, v4  }
0xd0: {  	[tilespmem:v5+s29+$0x0] =	vst.idx.add.f32.msk $0xffff, v8  }
0xd1: {  	v4 =	vld [tilespmem:$0xD0];
	_ =	sdelay $0x4  }
0xd2: {  	v32 =	vmul.f32 $1.500000000e+01, v4;
	_ =	sdelay $0x1  }
0xd3: {  	v5 =	vtrunc.f32 v32  }
0xd4: {  	v5 =	vcvt.f32.s32 v5;
	_ =	sdelay $0x1  }
0xd5: {  	vm9 =	vlt.s32 v5, $0xE  }
0xd6: {  	v5 =	vnsel vm9, $0xE, v5  }
0xd7: {  	v33 =	vadd.s32 v0, v5  }
0xd8: {  	v34 =	vadd.s32 v1, v5  }
0xd9: {  	v8 =	vld [tilespmem:$0x2D0];
	v5 =	vadd.s32 v2, v5;
	_ =	sdelay $0x2  }
0xda: {  	[tilespmem:v33+s29+$0x0] =	vst.idx.add.f32.msk $0xffff, v3  }
0xdb: {  	[tilespmem:v34+s29+$0x0] =	vst.idx.add.f32.msk $0xffff, v4  }
0xdc: {  	[tilespmem:v5+s29+$0x0] =	vst.idx.add.f32.msk $0xffff, v8  }
0xdd: {  	v4 =	vld [tilespmem:$0xE0];
	_ =	sdelay $0x4  }
0xde: {  	v35 =	vmul.f32 $1.500000000e+01, v4;
	_ =	sdelay $0x1  }
0xdf: {  	v5 =	vtrunc.f32 v35  }
0xe0: {  	v5 =	vcvt.f32.s32 v5;
	_ =	sdelay $0x1  }
0xe1: {  	vm10 =	vlt.s32 v5, $0xE  }
0xe2: {  	v5 =	vnsel vm10, $0xE, v5  }
0xe3: {  	v36 =	vadd.s32 v0, v5  }
0xe4: {  	v37 =	vadd.s32 v1, v5  }
0xe5: {  	v8 =	vld [tilespmem:$0x2E0];
	v5 =	vadd.s32 v2, v5;
	_ =	sdelay $0x2  }
0xe6: {  	[tilespmem:v36+s29+$0x0] =	vst.idx.add.f32.msk $0xffff, v3  }
0xe7: {  	[tilespmem:v37+s29+$0x0] =	vst.idx.add.f32.msk $0xffff, v4  }
0xe8: {  	[tilespmem:v5+s29+$0x0] =	vst.idx.add.f32.msk $0xffff, v8  }
0xe9: {  	v4 =	vld [tilespmem:$0xF0];
	_ =	sdelay $0x4  }
0xea: {  	v38 =	vmul.f32 $1.500000000e+01, v4;
	_ =	sdelay $0x1  }
0xeb: {  	v5 =	vtrunc.f32 v38  }
0xec: {  	v5 =	vcvt.f32.s32 v5;
	_ =	sdelay $0x1  }
0xed: {  	vm11 =	vlt.s32 v5, $0xE  }
0xee: {  	v5 =	vnsel vm11, $0xE, v5  }
0xef: {  	v39 =	vadd.s32 v0, v5  }
0xf0: {  	v40 =	vadd.s32 v1, v5  }
0xf1: {  	v8 =	vld [tilespmem:$0x2F0];
	v5 =	vadd.s32 v2, v5;
	_ =	sdelay $0x2  }
0xf2: {  	[tilespmem:v39+s29+$0x0] =	vst.idx.add.f32.msk $0xffff, v3  }
0xf3: {  	[tilespmem:v40+s29+$0x0] =	vst.idx.add.f32.msk $0xffff, v4  }
0xf4: {  	[tilespmem:v5+s29+$0x0] =	vst.idx.add.f32.msk $0xffff, v8  }
0xf5: {  	v4 =	vld [tilespmem:$0x100];
	_ =	sdelay $0x4  }
0xf6: {  	v41 =	vmul.f32 $1.500000000e+01, v4;
	_ =	sdelay $0x1  }
0xf7: {  	v5 =	vtrunc.f32 v41  }
0xf8: {  	v5 =	vcvt.f32.s32 v5;
	_ =	sdelay $0x1  }
0xf9: {  	vm12 =	vlt.s32 v5, $0xE  }
0xfa: {  	v5 =	vnsel vm12, $0xE, v5  }
0xfb: {  	v42 =	vadd.s32 v0, v5  }
0xfc: {  	v43 =	vadd.s32 v1, v5  }
0xfd: {  	v8 =	vld [tilespmem:$0x300];
	v5 =	vadd.s32 v2, v5;
	_ =	sdelay $0x2  }
0xfe: {  	[tilespmem:v42+s29+$0x0] =	vst.idx.add.f32.msk $0xffff, v3  }
0xff: {  	[tilespmem:v43+s29+$0x0] =	vst.idx.add.f32.msk $0xffff, v4  }
0x100: {  	[tilespmem:v5+s29+$0x0] =	vst.idx.add.f32.msk $0xffff, v8  }
0x101: {  	v4 =	vld [tilespmem:$0x110];
	_ =	sdelay $0x4  }
0x102: {  	v44 =	vmul.f32 $1.500000000e+01, v4;
	_ =	sdelay $0x1  }
0x103: {  	v5 =	vtrunc.f32 v44  }
0x104: {  	v5 =	vcvt.f32.s32 v5;
	_ =	sdelay $0x1  }
0x105: {  	vm13 =	vlt.s32 v5, $0xE  }
0x106: {  	v5 =	vnsel vm13, $0xE, v5  }
0x107: {  	v45 =	vadd.s32 v0, v5  }
0x108: {  	v46 =	vadd.s32 v1, v5  }
0x109: {  	v8 =	vld [tilespmem:$0x310];
	v5 =	vadd.s32 v2, v5;
	_ =	sdelay $0x2  }
0x10a: {  	[tilespmem:v45+s29+$0x0] =	vst.idx.add.f32.msk $0xffff, v3  }
0x10b: {  	[tilespmem:v46+s29+$0x0] =	vst.idx.add.f32.msk $0xffff, v4  }
0x10c: {  	[tilespmem:v5+s29+$0x0] =	vst.idx.add.f32.msk $0xffff, v8  }
0x10d: {  	v4 =	vld [tilespmem:$0x120];
	_ =	sdelay $0x4  }
0x10e: {  	v47 =	vmul.f32 $1.500000000e+01, v4;
	_ =	sdelay $0x1  }
0x10f: {  	v5 =	vtrunc.f32 v47  }
0x110: {  	v5 =	vcvt.f32.s32 v5;
	_ =	sdelay $0x1  }
0x111: {  	vm14 =	vlt.s32 v5, $0xE  }
0x112: {  	v5 =	vnsel vm14, $0xE, v5  }
0x113: {  	v48 =	vadd.s32 v0, v5  }
0x114: {  	v49 =	vadd.s32 v1, v5  }
0x115: {  	v8 =	vld [tilespmem:$0x320];
	v5 =	vadd.s32 v2, v5;
	_ =	sdelay $0x2  }
0x116: {  	[tilespmem:v48+s29+$0x0] =	vst.idx.add.f32.msk $0xffff, v3  }
0x117: {  	[tilespmem:v49+s29+$0x0] =	vst.idx.add.f32.msk $0xffff, v4  }
0x118: {  	[tilespmem:v5+s29+$0x0] =	vst.idx.add.f32.msk $0xffff, v8  }
0x119: {  	v4 =	vld [tilespmem:$0x130];
	_ =	sdelay $0x4  }
0x11a: {  	v50 =	vmul.f32 $1.500000000e+01, v4;
	_ =	sdelay $0x1  }
0x11b: {  	v5 =	vtrunc.f32 v50  }
0x11c: {  	v5 =	vcvt.f32.s32 v5;
	_ =	sdelay $0x1  }
0x11d: {  	vm15 =	vlt.s32 v5, $0xE  }
0x11e: {  	v5 =	vnsel vm15, $0xE, v5  }
0x11f: {  	v51 =	vadd.s32 v0, v5  }
0x120: {  	v52 =	vadd.s32 v1, v5  }
0x121: {  	v8 =	vld [tilespmem:$0x330];
	v5 =	vadd.s32 v2, v5;
	_ =	sdelay $0x2  }
0x122: {  	[tilespmem:v51+s29+$0x0] =	vst.idx.add.f32.msk $0xffff, v3  }
0x123: {  	[tilespmem:v52+s29+$0x0] =	vst.idx.add.f32.msk $0xffff, v4  }
0x124: {  	[tilespmem:v5+s29+$0x0] =	vst.idx.add.f32.msk $0xffff, v8  }
0x125: {  	v4 =	vld [tilespmem:$0x140];
	_ =	sdelay $0x4  }
0x126: {  	v53 =	vmul.f32 $1.500000000e+01, v4;
	_ =	sdelay $0x1  }
0x127: {  	v5 =	vtrunc.f32 v53  }
0x128: {  	v5 =	vcvt.f32.s32 v5;
	_ =	sdelay $0x1  }
0x129: {  	vm4 =	vlt.s32 v5, $0xE  }
0x12a: {  	v5 =	vnsel vm4, $0xE, v5  }
0x12b: {  	v54 =	vadd.s32 v0, v5  }
0x12c: {  	v55 =	vadd.s32 v1, v5  }
0x12d: {  	v8 =	vld [tilespmem:$0x340];
	v5 =	vadd.s32 v2, v5;
	_ =	sdelay $0x2  }
0x12e: {  	[tilespmem:v54+s29+$0x0] =	vst.idx.add.f32.msk $0xffff, v3  }
0x12f: {  	[tilespmem:v55+s29+$0x0] =	vst.idx.add.f32.msk $0xffff, v4  }
0x130: {  	[tilespmem:v5+s29+$0x0] =	vst.idx.add.f32.msk $0xffff, v8  }
0x131: {  	v4 =	vld [tilespmem:$0x150];
	_ =	sdelay $0x4  }
0x132: {  	v56 =	vmul.f32 $1.500000000e+01, v4;
	_ =	sdelay $0x1  }
0x133: {  	v5 =	vtrunc.f32 v56  }
0x134: {  	v5 =	vcvt.f32.s32 v5;
	_ =	sdelay $0x1  }
0x135: {  	vm5 =	vlt.s32 v5, $0xE  }
0x136: {  	v5 =	vnsel vm5, $0xE, v5  }
0x137: {  	v57 =	vadd.s32 v0, v5  }
0x138: {  	v58 =	vadd.s32 v1, v5  }
0x139: {  	v8 =	vld [tilespmem:$0x350];
	v5 =	vadd.s32 v2, v5;
	_ =	sdelay $0x2  }
0x13a: {  	[tilespmem:v57+s29+$0x0] =	vst.idx.add.f32.msk $0xffff, v3  }
0x13b: {  	[tilespmem:v58+s29+$0x0] =	vst.idx.add.f32.msk $0xffff, v4  }
0x13c: {  	[tilespmem:v5+s29+$0x0] =	vst.idx.add.f32.msk $0xffff, v8  }
0x13d: {  	v4 =	vld [tilespmem:$0x160];
	_ =	sdelay $0x4  }
0x13e: {  	v59 =	vmul.f32 $1.500000000e+01, v4;
	_ =	sdelay $0x1  }
0x13f: {  	v5 =	vtrunc.f32 v59  }
0x140: {  	v5 =	vcvt.f32.s32 v5;
	_ =	sdelay $0x1  }
0x141: {  	vm6 =	vlt.s32 v5, $0xE  }
0x142: {  	v5 =	vnsel vm6, $0xE, v5  }
0x143: {  	v60 =	vadd.s32 v0, v5  }
0x144: {  	v61 =	vadd.s32 v1, v5  }
0x145: {  	v8 =	vld [tilespmem:$0x360];
	v5 =	vadd.s32 v2, v5;
	_ =	sdelay $0x2  }
0x146: {  	[tilespmem:v60+s29+$0x0] =	vst.idx.add.f32.msk $0xffff, v3  }
0x147: {  	[tilespmem:v61+s29+$0x0] =	vst.idx.add.f32.msk $0xffff, v4  }
0x148: {  	[tilespmem:v5+s29+$0x0] =	vst.idx.add.f32.msk $0xffff, v8  }
0x149: {  	v4 =	vld [tilespmem:$0x170];
	_ =	sdelay $0x4  }
0x14a: {  	v62 =	vmul.f32 $1.500000000e+01, v4;
	_ =	sdelay $0x1  }
0x14b: {  	v5 =	vtrunc.f32 v62  }
0x14c: {  	v5 =	vcvt.f32.s32 v5;
	_ =	sdelay $0x1  }
0x14d: {  	vm7 =	vlt.s32 v5, $0xE  }
0x14e: {  	v5 =	vnsel vm7, $0xE, v5  }
0x14f: {  	v63 =	vadd.s32 v0, v5  }
0x150: {  	v12 =	vadd.s32 v1, v5  }
0x151: {  	v8 =	vld [tilespmem:$0x370];
	v5 =	vadd.s32 v2, v5;
	_ =	sdelay $0x2  }
0x152: {  	[tilespmem:v63+s29+$0x0] =	vst.idx.add.f32.msk $0xffff, v3  }
0x153: {  	[tilespmem:v12+s29+$0x0] =	vst.idx.add.f32.msk $0xffff, v4  }
0x154: {  	[tilespmem:v5+s29+$0x0] =	vst.idx.add.f32.msk $0xffff, v8  }
0x155: {  	v4 =	vld [tilespmem:$0x180];
	_ =	sdelay $0x4  }
0x156: {  	v13 =	vmul.f32 $1.500000000e+01, v4;
	_ =	sdelay $0x1  }
0x157: {  	v5 =	vtrunc.f32 v13  }
0x158: {  	v5 =	vcvt.f32.s32 v5;
	_ =	sdelay $0x1  }
0x159: {  	vm8 =	vlt.s32 v5, $0xE  }
0x15a: {  	v5 =	vnsel vm8, $0xE, v5  }
0x15b: {  	v14 =	vadd.s32 v0, v5  }
0x15c: {  	v15 =	vadd.s32 v1, v5  }
0x15d: {  	v8 =	vld [tilespmem:$0x380];
	v5 =	vadd.s32 v2, v5;
	_ =	sdelay $0x2  }
0x15e: {  	[tilespmem:v14+s29+$0x0] =	vst.idx.add.f32.msk $0xffff, v3  }
0x15f: {  	[tilespmem:v15+s29+$0x0] =	vst.idx.add.f32.msk $0xffff, v4  }
0x160: {  	[tilespmem:v5+s29+$0x0] =	vst.idx.add.f32.msk $0xffff, v8  }
0x161: {  	v4 =	vld [tilespmem:$0x190];
	_ =	sdelay $0x4  }
0x162: {  	v16 =	vmul.f32 $1.500000000e+01, v4;
	_ =	sdelay $0x1  }
0x163: {  	v5 =	vtrunc.f32 v16  }
0x164: {  	v5 =	vcvt.f32.s32 v5;
	_ =	sdelay $0x1  }
0x165: {  	vm9 =	vlt.s32 v5, $0xE  }
0x166: {  	v5 =	vnsel vm9, $0xE, v5  }
0x167: {  	v17 =	vadd.s32 v0, v5  }
0x168: {  	v18 =	vadd.s32 v1, v5  }
0x169: {  	v8 =	vld [tilespmem:$0x390];
	v5 =	vadd.s32 v2, v5;
	_ =	sdelay $0x2  }
0x16a: {  	[tilespmem:v17+s29+$0x0] =	vst.idx.add.f32.msk $0xffff, v3  }
0x16b: {  	[tilespmem:v18+s29+$0x0] =	vst.idx.add.f32.msk $0xffff, v4  }
0x16c: {  	[tilespmem:v5+s29+$0x0] =	vst.idx.add.f32.msk $0xffff, v8  }
0x16d: {  	v4 =	vld [tilespmem:$0x1A0];
	_ =	sdelay $0x4  }
0x16e: {  	v19 =	vmul.f32 $1.500000000e+01, v4;
	_ =	sdelay $0x1  }
0x16f: {  	v5 =	vtrunc.f32 v19  }
0x170: {  	v5 =	vcvt.f32.s32 v5;
	_ =	sdelay $0x1  }
0x171: {  	vm10 =	vlt.s32 v5, $0xE  }
0x172: {  	v5 =	vnsel vm10, $0xE, v5  }
0x173: {  	v20 =	vadd.s32 v0, v5  }
0x174: {  	v21 =	vadd.s32 v1, v5  }
0x175: {  	v8 =	vld [tilespmem:$0x3A0];
	v5 =	vadd.s32 v2, v5;
	_ =	sdelay $0x2  }
0x176: {  	[tilespmem:v20+s29+$0x0] =	vst.idx.add.f32.msk $0xffff, v3  }
0x177: {  	[tilespmem:v21+s29+$0x0] =	vst.idx.add.f32.msk $0xffff, v4  }
0x178: {  	[tilespmem:v5+s29+$0x0] =	vst.idx.add.f32.msk $0xffff, v8  }
0x179: {  	v4 =	vld [tilespmem:$0x1B0];
	_ =	sdelay $0x4  }
0x17a: {  	v22 =	vmul.f32 $1.500000000e+01, v4;
	_ =	sdelay $0x1  }
0x17b: {  	v5 =	vtrunc.f32 v22  }
0x17c: {  	v5 =	vcvt.f32.s32 v5;
	_ =	sdelay $0x1  }
0x17d: {  	vm11 =	vlt.s32 v5, $0xE  }
0x17e: {  	v5 =	vnsel vm11, $0xE, v5  }
0x17f: {  	v23 =	vadd.s32 v0, v5  }
0x180: {  	v24 =	vadd.s32 v1, v5  }
0x181: {  	v8 =	vld [tilespmem:$0x3B0];
	v5 =	vadd.s32 v2, v5;
	_ =	sdelay $0x2  }
0x182: {  	[tilespmem:v23+s29+$0x0] =	vst.idx.add.f32.msk $0xffff, v3  }
0x183: {  	[tilespmem:v24+s29+$0x0] =	vst.idx.add.f32.msk $0xffff, v4  }
0x184: {  	[tilespmem:v5+s29+$0x0] =	vst.idx.add.f32.msk $0xffff, v8  }
0x185: {  	v4 =	vld [tilespmem:$0x1C0];
	_ =	sdelay $0x4  }
0x186: {  	v25 =	vmul.f32 $1.500000000e+01, v4;
	_ =	sdelay $0x1  }
0x187: {  	v5 =	vtrunc.f32 v25  }
0x188: {  	v5 =	vcvt.f32.s32 v5;
	_ =	sdelay $0x1  }
0x189: {  	vm12 =	vlt.s32 v5, $0xE  }
0x18a: {  	v5 =	vnsel vm12, $0xE, v5  }
0x18b: {  	v26 =	vadd.s32 v0, v5  }
0x18c: {  	v27 =	vadd.s32 v1, v5  }
0x18d: {  	v8 =	vld [tilespmem:$0x3C0];
	v5 =	vadd.s32 v2, v5;
	_ =	sdelay $0x2  }
0x18e: {  	[tilespmem:v26+s29+$0x0] =	vst.idx.add.f32.msk $0xffff, v3  }
0x18f: {  	[tilespmem:v27+s29+$0x0] =	vst.idx.add.f32.msk $0xffff, v4  }
0x190: {  	[tilespmem:v5+s29+$0x0] =	vst.idx.add.f32.msk $0xffff, v8  }
0x191: {  	v4 =	vld [tilespmem:$0x1D0];
	_ =	sdelay $0x4  }
0x192: {  	v28 =	vmul.f32 $1.500000000e+01, v4;
	_ =	sdelay $0x1  }
0x193: {  	v5 =	vtrunc.f32 v28  }
0x194: {  	v5 =	vcvt.f32.s32 v5;
	_ =	sdelay $0x1  }
0x195: {  	vm13 =	vlt.s32 v5, $0xE  }
0x196: {  	v5 =	vnsel vm13, $0xE, v5  }
0x197: {  	v29 =	vadd.s32 v0, v5  }
0x198: {  	v30 =	vadd.s32 v1, v5  }
0x199: {  	v8 =	vld [tilespmem:$0x3D0];
	v5 =	vadd.s32 v2, v5;
	_ =	sdelay $0x2  }
0x19a: {  	[tilespmem:v29+s29+$0x0] =	vst.idx.add.f32.msk $0xffff, v3  }
0x19b: {  	[tilespmem:v30+s29+$0x0] =	vst.idx.add.f32.msk $0xffff, v4  }
0x19c: {  	[tilespmem:v5+s29+$0x0] =	vst.idx.add.f32.msk $0xffff, v8  }
0x19d: {  	v4 =	vld [tilespmem:$0x1E0];
	_ =	sdelay $0x4  }
0x19e: {  	v31 =	vmul.f32 $1.500000000e+01, v4;
	_ =	sdelay $0x1  }
0x19f: {  	v5 =	vtrunc.f32 v31  }
0x1a0: {  	v5 =	vcvt.f32.s32 v5;
	_ =	sdelay $0x1  }
0x1a1: {  	vm14 =	vlt.s32 v5, $0xE  }
0x1a2: {  	v5 =	vnsel vm14, $0xE, v5  }
0x1a3: {  	v32 =	vadd.s32 v0, v5  }
0x1a4: {  	v33 =	vadd.s32 v1, v5  }
0x1a5: {  	v8 =	vld [tilespmem:$0x3E0];
	v5 =	vadd.s32 v2, v5;
	_ =	sdelay $0x2  }
0x1a6: {  	[tilespmem:v32+s29+$0x0] =	vst.idx.add.f32.msk $0xffff, v3  }
0x1a7: {  	[tilespmem:v33+s29+$0x0] =	vst.idx.add.f32.msk $0xffff, v4  }
0x1a8: {  	[tilespmem:v5+s29+$0x0] =	vst.idx.add.f32.msk $0xffff, v8  }
0x1a9: {  	v4 =	vld [tilespmem:$0x1F0];
	_ =	sdelay $0x4  }
0x1aa: {  	v34 =	vmul.f32 $1.500000000e+01, v4;
	_ =	sdelay $0x1  }
0x1ab: {  	v5 =	vtrunc.f32 v34  }
0x1ac: {  	v5 =	vcvt.f32.s32 v5;
	_ =	sdelay $0x1  }
0x1ad: {  	vm15 =	vlt.s32 v5, $0xE  }
0x1ae: {  	v5 =	vnsel vm15, $0xE, v5  }
0x1af: {  	v0 =	vadd.s32 v0, v5  }
0x1b0: {  	v1 =	vadd.s32 v1, v5  }
0x1b1: {  	v6 =	vld [tilespmem:$0x3F0];
	v2 =	vadd.s32 v2, v5;
	_ =	sdelay $0x2  }
0x1b2: {  	[tilespmem:v0+s29+$0x0] =	vst.idx.add.f32.msk $0xffff, v3  }
0x1b3: {  	[tilespmem:v1+s29+$0x0] =	vst.idx.add.f32.msk $0xffff, v4  }
0x1b4: {  	[tilespmem:v2+s29+$0x0] =	vst.idx.add.f32.msk $0xffff, v6  }
0x1b5: {  	v0 =	vld [tilespmem:$0x400]  }
0x1b6: {  	v1 =	vld [tilespmem:$0x430]  }
0x1b7: {  	v2 =	vld [tilespmem:$0x460]  }
0x1b8: {  	v3 =	vld [tilespmem:$0x490]  }
0x1b9: {  	v4 =	vld [tilespmem:$0x4C0]  }
0x1ba: {  	v35 =	vld [tilespmem:$0x4F0]  }
0x1bb: {  	v6 =	vld [tilespmem:$0x520]  }
0x1bc: {  	v7 =	vld [tilespmem:$0x550]  }
0x1bd: {  	v8 =	vld [tilespmem:$0x580]  }
0x1be: {  	v9 =	vld [tilespmem:$0x5B0]  }
0x1bf: {  	v10 =	vld [tilespmem:$0x5E0]  }
0x1c0: {  	v11 =	vld [tilespmem:$0x610]  }
0x1c1: {  	v12 =	vld [tilespmem:$0x640]  }
0x1c2: {  	v13 =	vld [tilespmem:$0x670]  }
0x1c3: {  	v14 =	vld [tilespmem:$0x6A0]  }
0x1c4: {  	v15 =	vld [tilespmem:$0x6D0]  }
0x1c5: {  	v16 =	vld [tilespmem:$0x410]  }
0x1c6: {  	v17 =	vld [tilespmem:$0x440]  }
0x1c7: {  	v18 =	vld [tilespmem:$0x420]  }
0x1c8: {  	v19 =	vld [tilespmem:$0x450]  }
0x1c9: {  	v20 =	vld [tilespmem:$0x470]  }
0x1ca: {  	v21 =	vld [tilespmem:$0x480]  }
0x1cb: {  	v36 =	vld [tilespmem:$0x4A0];
	v0 =	vadd.f32 v1, v0  }
0x1cc: {  	v37 =	vld [tilespmem:$0x4B0];
	v16 =	vadd.f32 v17, v16  }
0x1cd: {  	v39 =	vld [tilespmem:$0x4D0];
	v38 =	vadd.f32 v19, v18;
	v0 =	vadd.f32 v2, v0  }
0x1ce: {  	v40 =	vld [tilespmem:$0x4E0];
	v16 =	vadd.f32 v20, v16  }
0x1cf: {  	v41 =	vld [tilespmem:$0x500];
	v2 =	vadd.f32 v21, v38;
	v0 =	vadd.f32 v3, v0  }
0x1d0: {  	v42 =	vld [tilespmem:$0x510];
	v1 =	vadd.f32 v36, v16  }
0x1d1: {  	v43 =	vld [tilespmem:$0x530];
	v2 =	vadd.f32 v37, v2;
	v0 =	vadd.f32 v4, v0  }
0x1d2: {  	v44 =	vld [tilespmem:$0x540];
	v1 =	vadd.f32 v39, v1  }
0x1d3: {  	v45 =	vld [tilespmem:$0x560];
	v2 =	vadd.f32 v40, v2;
	v0 =	vadd.f32 v35, v0  }
0x1d4: {  	v46 =	vld [tilespmem:$0x570];
	v1 =	vadd.f32 v41, v1  }
0x1d5: {  	v47 =	vld [tilespmem:$0x590];
	v2 =	vadd.f32 v42, v2;
	v0 =	vadd.f32 v6, v0  }
0x1d6: {  	v48 =	vld [tilespmem:$0x5A0];
	v1 =	vadd.f32 v43, v1  }
0x1d7: {  	v49 =	vld [tilespmem:$0x5C0];
	v2 =	vadd.f32 v44, v2;
	v0 =	vadd.f32 v7, v0  }
0x1d8: {  	v50 =	vld [tilespmem:$0x5D0];
	v1 =	vadd.f32 v45, v1  }
0x1d9: {  	v51 =	vld [tilespmem:$0x5F0];
	v2 =	vadd.f32 v46, v2;
	v0 =	vadd.f32 v8, v0  }
0x1da: {  	v52 =	vld [tilespmem:$0x600];
	v1 =	vadd.f32 v47, v1  }
0x1db: {  	v53 =	vld [tilespmem:$0x620];
	v2 =	vadd.f32 v48, v2;
	v0 =	vadd.f32 v9, v0  }
0x1dc: {  	v54 =	vld [tilespmem:$0x630];
	v1 =	vadd.f32 v49, v1  }
0x1dd: {  	v55 =	vld [tilespmem:$0x650];
	v2 =	vadd.f32 v50, v2;
	v0 =	vadd.f32 v10, v0  }
0x1de: {  	v56 =	vld [tilespmem:$0x660];
	v1 =	vadd.f32 v51, v1  }
0x1df: {  	v57 =	vld [tilespmem:$0x680];
	v2 =	vadd.f32 v52, v2;
	v0 =	vadd.f32 v11, v0  }
0x1e0: {  	v58 =	vld [tilespmem:$0x690];
	v1 =	vadd.f32 v53, v1  }
0x1e1: {  	v59 =	vld [tilespmem:$0x6B0];
	v2 =	vadd.f32 v54, v2;
	v0 =	vadd.f32 v12, v0  }
0x1e2: {  	v60 =	vld [tilespmem:$0x6C0];
	v1 =	vadd.f32 v55, v1  }
0x1e3: {  	v61 =	vld [tilespmem:$0x6E0];
	v2 =	vadd.f32 v56, v2;
	v0 =	vadd.f32 v13, v0  }
0x1e4: {  	v62 =	vld [tilespmem:$0x6F0];
	v1 =	vadd.f32 v57, v1  }
0x1e5: {  	v2 =	vadd.f32 v58, v2;
	v0 =	vadd.f32 v14, v0  }
0x1e6: {  	v1 =	vadd.f32 v59, v1  }
0x1e7: {  	v2 =	vadd.f32 v60, v2;
	v0 =	vadd.f32 v15, v0  }
0x1e8: {  	s30 =	smul.u32 $0xC0, s5;
	v1 =	vadd.f32 v61, v1  }
0x1e9: {  	v63 =	vadd.f32 v62, v2;
	[tilespmem:$0x700] =	vst v0  }
0x1ea: {  	s6 =	sshrl.u32 s30, $0x2;
	[tilespmem:$0x710] =	vst v1  }
0x1eb: {  	s31 =	simm.s32 $0x700;
	s6 =	sadd.s32 s6, s4;
	[tilespmem:$0x720] =	vst v63  }
0x1ec: {  	[spmem:s6] =	stream.linear.scatter [tilespmem:s31], [sflag:$0x1], $0x30, $0x38;
	[tilespmem:$0xB30] =	vst v63  }
0x1ed: {  	_ =	swait.ge [sflag:s3], $0x30  }
0x1ee: {  	[sflag:s3] =	ssyncset.done $0x0  }
0x1ef: {  	[sflag:s3] =	ssyncadd.s32 $0xFFFFFFD0  }
0x1f0: {  	p0 =	sne.s32 s5, $0x0;
	[bflag:$0x0] =	sbarrier.arrive $0xFFFF  }
0x1f1: {  	_ =	sfence.sel @p0 $0x180000  }
0x1f2: {  	[bflag:$0x0] =	sbarrier.arrive @p0 $0xFFFF  }
0x1f3: {  	_ =	strace @p0 $0x90000047  }
0x1f4: {  	[bflag:$0x2] =	sbarrier.arrive @p0 $0xFFFF  }
0x1f5: {  	_ =	shalt @p0  }
.LBB2_1:
0x1f6: {  	s5 =	simm.s32 $0x780  }
0x1f7: {  	[tilespmem:s5], [sflag:$0x1] =	stream.linear.gather [spmem:s4], $0x300, $0x38;
	[tilespmem:$0xB30] =	vst v63  }
0x1f8: {  	_ =	swait.ge [sflag:s3], $0x300  }
0x1f9: {  	[sflag:s3] =	ssyncset.done $0x0  }
0x1fa: {  	[sflag:s3] =	ssyncadd.s32 $0xFFFFFD00  }
0x1fb: {  	v0 =	vld [tilespmem:$0x780]  }
0x1fc: {  	v1 =	vld [tilespmem:$0x7B0]  }
0x1fd: {  	v2 =	vld [tilespmem:$0x7E0]  }
0x1fe: {  	v3 =	vld [tilespmem:$0x810]  }
0x1ff: {  	v4 =	vld [tilespmem:$0x840]  }
0x200: {  	v5 =	vld [tilespmem:$0x870]  }
0x201: {  	v6 =	vld [tilespmem:$0x8A0]  }
0x202: {  	v7 =	vld [tilespmem:$0x8D0]  }
0x203: {  	v8 =	vld [tilespmem:$0x900]  }
0x204: {  	v9 =	vld [tilespmem:$0x930]  }
0x205: {  	v10 =	vld [tilespmem:$0x960]  }
0x206: {  	v11 =	vld [tilespmem:$0x990]  }
0x207: {  	v12 =	vld [tilespmem:$0x9C0]  }
0x208: {  	v13 =	vld [tilespmem:$0x9F0]  }
0x209: {  	v14 =	vld [tilespmem:$0xA20]  }
0x20a: {  	v15 =	vld [tilespmem:$0xA50]  }
0x20b: {  	v16 =	vld [tilespmem:$0x790]  }
0x20c: {  	v17 =	vld [tilespmem:$0x7C0]  }
0x20d: {  	v18 =	vld [tilespmem:$0x7A0]  }
0x20e: {  	v19 =	vld [tilespmem:$0x7D0]  }
0x20f: {  	v20 =	vld [tilespmem:$0x7F0]  }
0x210: {  	v21 =	vld [tilespmem:$0x800]  }
0x211: {  	v37 =	vld [tilespmem:$0x820];
	v0 =	vadd.f32 v1, v0  }
0x212: {  	v38 =	vld [tilespmem:$0x830];
	v16 =	vadd.f32 v17, v16  }
0x213: {  	v40 =	vld [tilespmem:$0x850];
	v39 =	vadd.f32 v19, v18;
	v0 =	vadd.f32 v2, v0  }
0x214: {  	v41 =	vld [tilespmem:$0x860];
	v16 =	vadd.f32 v20, v16  }
0x215: {  	v42 =	vld [tilespmem:$0x880];
	v2 =	vadd.f32 v21, v39;
	v0 =	vadd.f32 v3, v0  }
0x216: {  	v43 =	vld [tilespmem:$0x890];
	v1 =	vadd.f32 v37, v16  }
0x217: {  	v44 =	vld [tilespmem:$0x8B0];
	v2 =	vadd.f32 v38, v2;
	v0 =	vadd.f32 v4, v0  }
0x218: {  	v45 =	vld [tilespmem:$0x8C0];
	v1 =	vadd.f32 v40, v1  }
0x219: {  	v46 =	vld [tilespmem:$0x8E0];
	v2 =	vadd.f32 v41, v2;
	v0 =	vadd.f32 v5, v0  }
0x21a: {  	v47 =	vld [tilespmem:$0x8F0];
	v1 =	vadd.f32 v42, v1  }
0x21b: {  	v48 =	vld [tilespmem:$0x910];
	v2 =	vadd.f32 v43, v2;
	v0 =	vadd.f32 v6, v0  }
0x21c: {  	v49 =	vld [tilespmem:$0x920];
	v1 =	vadd.f32 v44, v1  }
0x21d: {  	v50 =	vld [tilespmem:$0x940];
	v2 =	vadd.f32 v45, v2;
	v0 =	vadd.f32 v7, v0  }
0x21e: {  	v51 =	vld [tilespmem:$0x950];
	v1 =	vadd.f32 v46, v1  }
0x21f: {  	v52 =	vld [tilespmem:$0x970];
	v2 =	vadd.f32 v47, v2;
	v0 =	vadd.f32 v8, v0  }
0x220: {  	v53 =	vld [tilespmem:$0x980];
	v1 =	vadd.f32 v48, v1  }
0x221: {  	v54 =	vld [tilespmem:$0x9A0];
	v2 =	vadd.f32 v49, v2;
	v0 =	vadd.f32 v9, v0  }
0x222: {  	v55 =	vld [tilespmem:$0x9B0];
	v1 =	vadd.f32 v50, v1  }
0x223: {  	v56 =	vld [tilespmem:$0x9D0];
	v2 =	vadd.f32 v51, v2;
	v0 =	vadd.f32 v10, v0  }
0x224: {  	v57 =	vld [tilespmem:$0x9E0];
	v1 =	vadd.f32 v52, v1  }
0x225: {  	v58 =	vld [tilespmem:$0xA00];
	v2 =	vadd.f32 v53, v2;
	v0 =	vadd.f32 v11, v0  }
0x226: {  	v59 =	vld [tilespmem:$0xA10];
	v1 =	vadd.f32 v54, v1  }
0x227: {  	v60 =	vld [tilespmem:$0xA30];
	v2 =	vadd.f32 v55, v2;
	v0 =	vadd.f32 v12, v0  }
0x228: {  	v61 =	vld [tilespmem:$0xA40];
	v1 =	vadd.f32 v56, v1  }
0x229: {  	v62 =	vld [tilespmem:$0xA60];
	v2 =	vadd.f32 v57, v2;
	v0 =	vadd.f32 v13, v0  }
0x22a: {  	v63 =	vld [tilespmem:$0xA70];
	v1 =	vadd.f32 v58, v1  }
0x22b: {  	v2 =	vadd.f32 v59, v2;
	v0 =	vadd.f32 v14, v0  }
0x22c: {  	v1 =	vadd.f32 v60, v1  }
0x22d: {  	v2 =	vadd.f32 v61, v2;
	v0 =	vadd.f32 v15, v0  }
0x22e: {  	v1 =	vadd.f32 v62, v1  }
0x22f: {  	v2 =	vadd.f32 v63, v2;
	[tilespmem:$0xA80] =	vst v0  }
0x230: {  	[tilespmem:$0xA90] =	vst v1  }
0x231: {  	s1 =	sadd.s32 $0x1E00, s1;
	s31 =	simm.s32 $0xA80;
	[tilespmem:$0xAA0] =	vst v2  }
0x232: {  	[hbm4b:s1+s2] =	stream.linear.scatter [tilespmem:s31], [sflag:$0x1], $0x80, $0x38;
	[tilespmem:$0xB30] =	vst v63  }
0x233: {  	_ =	swait.ge [sflag:s3], $0x80  }
0x234: {  	[sflag:s3] =	ssyncset.done $0x0  }
0x235: {  	[sflag:s3] =	ssyncadd.s32 $0xFFFFFF80  }
0x236: {  	_ =	sfence.sel $0x180000  }
0x237: {  	[bflag:$0x0] =	sbarrier.arrive $0xFFFF  }
0x238: {  	_ =	strace $0x90000047  }
0x239: {  	s0 =	sadd.s32 $0x100000, s0;
	[bflag:$0x2] =	sbarrier.arrive $0xFFFF  }
0x23a: {  	[sflag:s0] =	ssyncadd.tile.s32 $0x1;
	_ =	shalt  }
.Lfunc_end2:
_tile_overlayer_lowered:
.L_overlay_start_2:
0x23b: {  	(tag) =	ssettag $0x2  }
0x23c: {  	s0 =	rddreg [dreg:$0x0];
	s2 =	stileid.u32  }
0x23d: {  	s1 =	rddreg [dreg:$0x1];
	p0 =	sne.s32 s2, $0x0  }
0x23e: {  	s3 =	rddreg [dreg:$0x2];
	[bflag:$0x3] =	sbarrier.arrive $0xFFFF;
	s2 =	simm.s32 @!p0 $0x1C01  }
0x23f: {  	[timem:s3], [sflag:s2] =	dma.local @!p0 [hbm:s0], s1  }
0x240: {  	s0 =	simm.s32 @!p0 $0x1  }
0x241: {  	_ =	swait.ge @!p0 [sflag:s0], s1  }
0x242: {  	s1 =	ssub.s32 @!p0 $0x0, s1;
	[sflag:s0] =	ssyncset.done @!p0 $0x0  }
0x243: {  	[sflag:s0] =	ssyncadd.s32 @!p0 s1  }
0x244: {  	[bflag:$0x3] =	sbarrier.arrive $0xFFFF  }
0x245: {  	_ =	shalt  }

// kernel: kernel.9.cloned.1.call-start
scs
__scs_entry_jumppad:
0x0: {  	(pc) =	sbr.rel $0x88, $3  }
0x1: {  	(tag) =	ssettag $0x0;
	lr =	simm.s32 $0x1  }
0x2: {  	[smem:$0x3F9F] =	sst lr;
	_ =	strace $0xD0000000  }
0x3: {  	_ = 	snop  }
0x4: {  	_ = 	snop  }
0x5: {  	_ = 	snop  }
0x6: {  	_ = 	snop  }
0x7: {  	_ = 	snop  }
__scs_overlays_trampoline_lowered:
0x8: {  	[smem:$0x3FAE] =	sst s0  }
0x9: {  	[smem:$0x3FAF] =	sst s1  }
0xa: {  	[smem:$0x3FB0] =	sst s2  }
0xb: {  	[smem:$0x3FB1] =	sst s3  }
0xc: {  	[smem:$0x3FB2] =	sst s4  }
0xd: {  	[smem:$0x3FB3] =	sst s5  }
0xe: {  	[smem:$0x3FB4] =	sst s6  }
0xf: {  	[smem:$0x3FB5] =	sst s7  }
0x10: {  	[smem:$0x3FB6] =	sst s8  }
0x11: {  	[smem:$0x3FB7] =	sst s9;
	s0 =	simm.s32 @!p0 $0x0  }
0x12: {  	s1 =	sld [smem:$0x3F9D];
	s0 =	simm.s32 @p0 $0x1  }
0x13: {  	[smem:$0x3FB8] =	sst s0;
	s0 =	simm.s32 @!p1 $0x0  }
0x14: {  	s2 =	sld [smem:$0x3F9C];
	s0 =	simm.s32 @p1 $0x1  }
0x15: {  	[smem:$0x3FB9] =	sst s0;
	s0 =	simm.s32 @!p2 $0x0  }
0x16: {  	s3 =	sld [smem:$0x3FDB];
	s0 =	simm.s32 @p2 $0x1  }
0x17: {  	s4 =	simm.s32 $0x1BF5;
	[smem:$0x3FBB] =	sst s0  }
0x18: {  	s0 =	sld [smem:$0x3F9E];
	_ =	swait.ge [sflag:s4], $0x0  }
0x19: {  	s7 =	sld [smem:$0x3F9F]  }
0x1a: {  	s8 =	sadd.s32 $0xFFFFE003, lr  }
0x1b: {  	s9 =	sadd.s32 $0xFFFFFEF7, lr;
	s5 =	simm.s32 $0xFFFFFFFF;
	p2 =	slt.u32 s8, $0xFFFFF086  }
0x1c: {  	p1 =	slt.u32 s9, $0xF7A;
	s5 =	simm.s32 @!p2 $0x0  }
0x1d: {  	s5 =	simm.s32 @p1 $0x1;
	p0 =	seq.s32 s7, s2  }
0x1e: {  	s7 =	smul.u32 @!p0 $0xF7A, s2;
	p2 =	seq.s32 @!p0 s5, $0x0  }
0x1f: {  	s9 =	smul.u32 $0xF7A, s1;
	s8 =	simm.s32 @!p0 $0x1BF5;
	p2 =	por !p2, p0  }
0x20: {  	[sflag:s8] =	ssyncset.s32 @!p0 $0xFFFFF086;
	s6 =	sadd.s32 @!p0 s3, s7;
	s7 =	simm.s32 @!p0 $0x108  }
0x21: {  	s3 =	sadd.s32 s3, s9;
	s6 =	sadd.s32 @!p0 $0x88, s6;
	s7 =	simm.s32 @p2 $0x1082  }
0x22: {  	[simem:s7], [sflag:s8] =	dma.local @!p0 [hbm:s6], $0xF7A  }
0x23: {  	s9 =	sor.u32 $0xD0000000, s2;
	s6 =	simm.s32 $0x108;
	_ =	swait.ge @!p0 [sflag:s8], $0x0  }
0x24: {  	s3 =	sadd.s32 $0x88, s3;
	s6 =	simm.s32 @!p1 $0x1082;
	[sflag:s4] =	ssyncset.s32 $0xFFFFF086  }
0x25: {  	[simem:s6], [sflag:s4] =	dma.local [hbm:s3], $0xF7A  }
0x26: {  	[smem:$0x3F9F] =	sst s1;
	(tag) =	ssettag s2;
	_ =	strace s9  }
0x27: {  	s1 =	sld [smem:$0x3FAF]  }
0x28: {  	s2 =	sld [smem:$0x3FB0]  }
0x29: {  	s4 =	sld [smem:$0x3FB2]  }
0x2a: {  	p0 =	seq.s32 s5, $0x0;
	s5 =	sld [smem:$0x3FB3]  }
0x2b: {  	s6 =	sld [smem:$0x3FB4]  }
0x2c: {  	s7 =	sld [smem:$0x3FB5]  }
0x2d: {  	s3 =	simm.s32 $0x108;
	s8 =	sld [smem:$0x3FB6]  }
0x2e: {  	s3 =	simm.s32 @!p0 $0x1082;
	s9 =	sld [smem:$0x3FB7]  }
0x2f: {  	lr =	sadd.s32 s0, s3;
	s0 =	sld [smem:$0x3FAE]  }
0x30: {  	s3 =	sld [smem:$0x3FB1]  }
0x31: {  	[smem:$0x3FBA] =	sst s10  }
0x32: {  	s10 =	sld [smem:$0x3FB8];
	_ =	sdelay $0x3  }
0x33: {  	p0 =	seq.s32 s10, $0x1;
	s10 =	sld [smem:$0x3FBA];
	_ =	sdelay $0x3  }
0x34: {  	[smem:$0x3FBA] =	sst s10  }
0x35: {  	s10 =	sld [smem:$0x3FB9];
	_ =	sdelay $0x3  }
0x36: {  	p1 =	seq.s32 s10, $0x1;
	s10 =	sld [smem:$0x3FBA];
	_ =	sdelay $0x3  }
0x37: {  	[smem:$0x3FBA] =	sst s10  }
0x38: {  	s10 =	sld [smem:$0x3FBB]  }
0x39: {  	_ = 	snop;
	(pc) =	sbr.ind lr, $3  }
0x3a: {  	_ = 	snop  }
0x3b: {  	_ = 	snop  }
0x3c: {  	p2 =	seq.s32 s10, $0x1;
	s10 =	sld [smem:$0x3FBA]  }
0x3d: {  	_ =	shalt  }
0x3e: {  	_ =	shalt  }
0x3f: {  	_ =	shalt  }
0x40: {  	_ =	shalt  }
0x41: {  	_ =	shalt  }
0x42: {  	_ =	shalt  }
0x43: {  	_ =	shalt  }
0x44: {  	_ =	shalt  }
0x45: {  	_ =	shalt  }
0x46: {  	_ =	shalt  }
0x47: {  	_ =	shalt  }
0x48: {  	_ =	shalt  }
0x49: {  	_ =	shalt  }
0x4a: {  	_ =	shalt  }
0x4b: {  	_ =	shalt  }
0x4c: {  	_ =	shalt  }
0x4d: {  	_ =	shalt  }
0x4e: {  	_ =	shalt  }
0x4f: {  	_ =	shalt  }
0x50: {  	_ =	shalt  }
0x51: {  	_ =	shalt  }
0x52: {  	_ =	shalt  }
0x53: {  	_ =	shalt  }
0x54: {  	_ =	shalt  }
0x55: {  	_ =	shalt  }
0x56: {  	_ =	shalt  }
0x57: {  	_ =	shalt  }
0x58: {  	_ =	shalt  }
0x59: {  	_ =	shalt  }
0x5a: {  	_ =	shalt  }
0x5b: {  	_ =	shalt  }
0x5c: {  	_ =	shalt  }
0x5d: {  	_ =	shalt  }
0x5e: {  	_ =	shalt  }
0x5f: {  	_ =	shalt  }
0x60: {  	_ =	shalt  }
0x61: {  	_ =	shalt  }
0x62: {  	_ =	shalt  }
0x63: {  	_ =	shalt  }
0x64: {  	_ =	shalt  }
0x65: {  	_ =	shalt  }
0x66: {  	_ =	shalt  }
0x67: {  	_ =	shalt  }
0x68: {  	_ =	shalt  }
0x69: {  	_ =	shalt  }
0x6a: {  	_ =	shalt  }
0x6b: {  	_ =	shalt  }
0x6c: {  	_ =	shalt  }
0x6d: {  	_ =	shalt  }
0x6e: {  	_ =	shalt  }
0x6f: {  	_ =	shalt  }
0x70: {  	_ =	shalt  }
0x71: {  	_ =	shalt  }
0x72: {  	_ =	shalt  }
0x73: {  	_ =	shalt  }
0x74: {  	_ =	shalt  }
0x75: {  	_ =	shalt  }
0x76: {  	_ =	shalt  }
0x77: {  	_ =	shalt  }
0x78: {  	_ =	shalt  }
0x79: {  	_ =	shalt  }
0x7a: {  	_ =	shalt  }
0x7b: {  	_ =	shalt  }
0x7c: {  	_ =	shalt  }
0x7d: {  	_ =	shalt  }
0x7e: {  	_ =	shalt  }
0x7f: {  	_ =	shalt  }
0x80: {  	_ =	shalt  }
0x81: {  	_ =	shalt  }
0x82: {  	_ =	shalt  }
0x83: {  	_ =	shalt  }
0x84: {  	_ =	shalt  }
0x85: {  	_ =	shalt  }
0x86: {  	_ =	shalt  }
0x87: {  	_ =	shalt  }
.Lfunc_end0:
.L_simem_size_0:
called_computation.1_lowered:
.L_overlay_start_0:
0x88: {  	s0 =	sld [smem:$0x3FD9]  }
0x89: {  	s1 =	sld [smem:$0x3FFE];
	_ =	sdelay $0x3  }
0x8a: {  	s0 =	sadd.s32 s1, s0  }
0x8b: {  	[smem:$0x3FC6] =	sst s0  }
0x8c: {  	_ = 	snop  }
0x8d: {  	s0 =	sld [smem:$0x3FD0];
	(tm) =	ssettm $0x1  }
0x8e: {  	s16 =	sld [smem:$0x3FFB];
	_ =	sdelay $0x3  }
0x8f: {  	_ =	strace s16  }
0x90: {  	s1 =	sld [smem:$0x3FFC];
	_ =	sdelay $0x3  }
0x91: {  	_ =	strace s1  }
0x92: {  	s1 =	sld [smem:$0x3FFD];
	_ =	sdelay $0x3  }
0x93: {  	_ =	strace s1  }
0x94: {  	_ =	strace $0x8FFFFFFF  }
0x95: {  	s17 =	sld [smem:$0x3FDB];
	_ =	sdelay $0x1  }
0x96: {  	s2 =	simm.s32 $_scs_section_size  }
0x97: {  	s3 =	simm.s32 $_size__tile_overlayer_lowered;
	s4 =	simm.s32 $_tile_overlayer_lowered  }
0x98: {  	s20 =	simm.s32 $0x1BFF;
	s19 =	sshll.u32 s4, $0x1;
	s1 =	sadd.s32 s2, s17  }
0x99: {  	s5 =	simm.s32 $0x0;
	s18 =	sshll.u32 s3, $0x1;
	s3 =	sadd.s32 s19, s1  }
0x9a: {  	[timem:s5], [sflag:s20] =	dma.local [hbm:s3], s18  }
0x9b: {  	_ =	swait.ge [sflag:s20], s18  }
0x9c: {  	s2 =	ssub.s32 $0x0, s18;
	[sflag:s20] =	ssyncset.done $0x0  }
0x9d: {  	[sflag:s20] =	ssyncadd.s32 s2;
	_ =	sdelay $0x1  }
0x9e: {  	s21 =	simm.s32 $0x1B8B  }
0x9f: {  	_ =	swait.ge [sflag:s21], $0x1  }
0xa0: {  	[sflag:s21] =	ssyncset.done $0x0  }
0xa1: {  	s23 =	simm.s32 $0x1B8E;
	s22 =	sld [smem:$0x3FFE];
	[sflag:s21] =	ssyncadd.s32 $0xFFFFFFFF  }
0xa2: {  	s24 =	simm.s32 $execute0_lowered;
	[smem:$0x3FD2] =	sst s23  }
0xa3: {  	s3 =	sshll.u32 s24, $0x1;
	_ =	strace $0x80000049;
	[dreg:$0x1] =	wrdreg $0xFFFFFFFF  }
0xa4: {  	s25 =	simm.s32 $_size_execute0_lowered;
	s1 =	sadd.s32 s1, s3;
	[dreg:$0x0] =	wrdreg $0x0  }
0xa5: {  	s3 =	sshll.u32 s25, $0x1;
	[dreg:$0x2] =	wrdreg s1  }
0xa6: {  	[dreg:$0x3] =	wrdreg s3  }
0xa7: {  	[dreg:$0x4] =	wrdreg $0xC0  }
0xa8: {  	_ =	task [dreg:s5], $0x5FFFF  }
0xa9: {  	[dreg:$0x1] =	wrdreg $0xFFFFFFFF  }
0xaa: {  	[dreg:$0x0] =	wrdreg $0x60  }
0xab: {  	[dreg:$0x2] =	wrdreg s22  }
0xac: {  	[dreg:$0x3] =	wrdreg s0  }
0xad: {  	[dreg:$0x4] =	wrdreg $0xB800  }
0xae: {  	[dreg:$0x5] =	wrdreg $0x9  }
0xaf: {  	_ =	task.clear_ibuf [dreg:s5], $0x6FFFF;
	_ =	strace $0x90000049  }
0xb0: {  	s26 =	simm.s32 $0x9;
	_ =	strace $0x8000004B  }
0xb1: {  	_ =	swait.ge [sflag:s26], $0x1  }
0xb2: {  	[sflag:s26] =	ssyncadd.s32 $0xFFFFFFFF  }
0xb3: {  	_ =	strace $0x9000004B  }
0xb4: {  	_ =	sfence  }
0xb5: {  	s28 =	sld [smem:$0x0];
	_ =	sdelay $0x1  }
0xb6: {  	s29 =	srdreg.scid  }
0xb7: {  	s30 =	sshll.u32 s29, $0xD;
	s31 =	sshrl.u32 s29, $0x2  }
0xb8: {  	s2 =	sand.u32 $0x4000, s30;
	s1 =	sand.u32 $0x1, s29;
	s0 =	sadd.s32 s31, s28  }
0xb9: {  	s1 =	sor.u32 s2, s1;
	s0 =	sshll.u32 s0, $0x11  }
0xba: {  	s0 =	sor.u32 s0, s1  }
0xbb: {  	s0 =	sadd.s32 $0x8F2B, s0  }
0xbc: {  	[sflag:s0] =	ssyncadd.remote.s32 $0x1  }
0xbd: {  	_ =	sfence.sel $0xFFFF  }
0xbe: {  	[dreg:$0x0] =	wrdreg $0xFFFFFFFF;
	(pc) =	sbr.abs _section_cstart, $3  }
0xbf: {  	[dreg:$0x1] =	wrdreg $0xFFFFFFFF  }
0xc0: {  	_ =	task.clear_ibuf [dreg:s5], $0x2FFFF;
	_ =	strace $0x9FFFFFFF  }
0xc1: {  	(tm) =	ssettm $0x7FFFFFFF  }
tec
execute0_lowered:
.L_overlay_start_1:
0x0: {  	(tag) =	ssettag $0x1  }
0x1: {  	s4 =	rddreg [dreg:$0x0]  }
0x2: {  	s1 =	rddreg [dreg:$0x1];
	s6 =	stileid.u32  }
0x3: {  	s5 =	rddreg [dreg:$0x2];
	s2 =	simm.s32 $0x0;
	s3 =	sshll.u32 s6, $0x6  }
0x4: {  	[smem:$0x7FF] =	sst s2;
	s7 =	sadd.s32 s3, s4  }
0x5: {  	s0 =	rddreg [dreg:$0x3];
	_ =	strace $0x8000004A;
	s3 =	sadd.s32 $0x2000, s7  }
0x6: {  	[tilespmem:s2], [sflag:$0x1] =	stream.linear.gather [hbm4b:s3+s2], $0x200, $0x38;
	[tilespmem:$0xBB0] =	vst v63  }
0x7: {  	s3 =	simm.s32 $0x1  }
0x8: {  	_ =	swait.ge [sflag:s3], $0x200  }
0x9: {  	[sflag:s3] =	ssyncset.done $0x0  }
0xa: {  	s8 =	simm.s32 $0x200;
	s7 =	sadd.s32 $0x2400, s7;
	[sflag:s3] =	ssyncadd.s32 $0xFFFFFE00  }
0xb: {  	[tilespmem:s8], [sflag:$0x1] =	stream.linear.gather [hbm4b:s7+s2], $0x200, $0x38;
	[tilespmem:$0xBB0] =	vst v63  }
0xc: {  	_ =	swait.ge [sflag:s3], $0x200  }
0xd: {  	[sflag:s3] =	ssyncset.done $0x0  }
0xe: {  	v3 =	vimm.f32 $0.0e+00;
	[sflag:s3] =	ssyncadd.s32 $0xFFFFFE00  }
0xf: {  	[tilespmem:$0x400] =	vst v3  }
0x10: {  	[tilespmem:$0x410] =	vst v3  }
0x11: {  	[tilespmem:$0x420] =	vst v3  }
0x12: {  	[tilespmem:$0x430] =	vst v3  }
0x13: {  	[tilespmem:$0x440] =	vst v3  }
0x14: {  	[tilespmem:$0x450] =	vst v3  }
0x15: {  	[tilespmem:$0x460] =	vst v3  }
0x16: {  	[tilespmem:$0x470] =	vst v3  }
0x17: {  	[tilespmem:$0x480] =	vst v3  }
0x18: {  	[tilespmem:$0x490] =	vst v3  }
0x19: {  	[tilespmem:$0x4A0] =	vst v3  }
0x1a: {  	[tilespmem:$0x4B0] =	vst v3  }
0x1b: {  	[tilespmem:$0x4C0] =	vst v3  }
0x1c: {  	[tilespmem:$0x4D0] =	vst v3  }
0x1d: {  	[tilespmem:$0x4E0] =	vst v3  }
0x1e: {  	[tilespmem:$0x4F0] =	vst v3  }
0x1f: {  	[tilespmem:$0x500] =	vst v3  }
0x20: {  	[tilespmem:$0x510] =	vst v3  }
0x21: {  	[tilespmem:$0x520] =	vst v3  }
0x22: {  	[tilespmem:$0x530] =	vst v3  }
0x23: {  	[tilespmem:$0x540] =	vst v3  }
0x24: {  	[tilespmem:$0x550] =	vst v3  }
0x25: {  	[tilespmem:$0x560] =	vst v3  }
0x26: {  	[tilespmem:$0x570] =	vst v3  }
0x27: {  	[tilespmem:$0x580] =	vst v3  }
0x28: {  	[tilespmem:$0x590] =	vst v3  }
0x29: {  	[tilespmem:$0x5A0] =	vst v3  }
0x2a: {  	[tilespmem:$0x5B0] =	vst v3  }
0x2b: {  	[tilespmem:$0x5C0] =	vst v3  }
0x2c: {  	[tilespmem:$0x5D0] =	vst v3  }
0x2d: {  	[tilespmem:$0x5E0] =	vst v3  }
0x2e: {  	[tilespmem:$0x5F0] =	vst v3;
	v4 =	vld [tilespmem:$0x0]  }
0x2f: {  	[tilespmem:$0x600] =	vst v3  }
0x30: {  	[tilespmem:$0x610] =	vst v3  }
0x31: {  	[tilespmem:$0x620] =	vst v3  }
0x32: {  	[tilespmem:$0x630] =	vst v3  }
0x33: {  	[tilespmem:$0x640] =	vst v3;
	v0 =	vmul.f32 $1.500000000e+01, v4  }
0x34: {  	[tilespmem:$0x650] =	vst v3  }
0x35: {  	[tilespmem:$0x660] =	vst v3;
	v0 =	vtrunc.f32 v0  }
0x36: {  	[tilespmem:$0x670] =	vst v3;
	v1 =	vcvt.f32.s32 v0  }
0x37: {  	v48 =	vlaneseq.u32;
	[tilespmem:$0x680] =	vst v3  }
0x38: {  	[tilespmem:$0x690] =	vst v3;
	v0 =	vmul.u32 $0x30, v48;
	vm0 =	vlt.s32 v1, $0xE  }
0x39: {  	[tilespmem:$0x6A0] =	vst v3;
	v5 =	vnsel vm0, $0xE, v1  }
0x3a: {  	[tilespmem:$0x6B0] =	vst v3;
	v1 =	vadd.s32 $0x10, v0;
	v6 =	vadd.s32 v0, v5  }
0x3b: {  	[tilespmem:$0x6C0] =	vst v3;
	v2 =	vadd.s32 $0x20, v0;
	v7 =	vadd.s32 v1, v5  }
0x3c: {  	[tilespmem:$0x6D0] =	vst v3;
	v8 =	vld [tilespmem:$0x200];
	v5 =	vadd.s32 v2, v5  }
0x3d: {  	[tilespmem:$0x6E0] =	vst v3  }
0x3e: {  	s29 =	simm.s32 $0x400;
	[tilespmem:$0x6F0] =	vst v3;
	v3 =	vimm.f32 $1.000000000e+00  }
0x3f: {  	[tilespmem:v6+s29+$0x0] =	vst.idx.add.f32.msk $0xffff, v3  }
0x40: {  	[tilespmem:v7+s29+$0x0] =	vst.idx.add.f32.msk $0xffff, v4  }
0x41: {  	[tilespmem:v5+s29+$0x0] =	vst.idx.add.f32.msk $0xffff, v8  }
0x42: {  	v4 =	vld [tilespmem:$0x10];
	_ =	sdelay $0x4  }
0x43: {  	v49 =	vmul.f32 $1.500000000e+01, v4;
	_ =	sdelay $0x1  }
0x44: {  	v5 =	vtrunc.f32 v49  }
0x45: {  	v5 =	vcvt.f32.s32 v5;
	_ =	sdelay $0x1  }
0x46: {  	vm9 =	vlt.s32 v5, $0xE  }
0x47: {  	v5 =	vnsel vm9, $0xE, v5  }
0x48: {  	v50 =	vadd.s32 v0, v5  }
0x49: {  	v51 =	vadd.s32 v1, v5  }
0x4a: {  	v8 =	vld [tilespmem:$0x210];
	v5 =	vadd.s32 v2, v5;
	_ =	sdelay $0x2  }
0x4b: {  	[tilespmem:v50+s29+$0x0] =	vst.idx.add.f32.msk $0xffff, v3  }
0x4c: {  	[tilespmem:v51+s29+$0x0] =	vst.idx.add.f32.msk $0xffff, v4  }
0x4d: {  	[tilespmem:v5+s29+$0x0] =	vst.idx.add.f32.msk $0xffff, v8  }
0x4e: {  	v4 =	vld [tilespmem:$0x20];
	_ =	sdelay $0x4  }
0x4f: {  	v52 =	vmul.f32 $1.500000000e+01, v4;
	_ =	sdelay $0x1  }
0x50: {  	v5 =	vtrunc.f32 v52  }
0x51: {  	v5 =	vcvt.f32.s32 v5;
	_ =	sdelay $0x1  }
0x52: {  	vm10 =	vlt.s32 v5, $0xE  }
0x53: {  	v5 =	vnsel vm10, $0xE, v5  }
0x54: {  	v53 =	vadd.s32 v0, v5  }
0x55: {  	v54 =	vadd.s32 v1, v5  }
0x56: {  	v8 =	vld [tilespmem:$0x220];
	v5 =	vadd.s32 v2, v5;
	_ =	sdelay $0x2  }
0x57: {  	[tilespmem:v53+s29+$0x0] =	vst.idx.add.f32.msk $0xffff, v3  }
0x58: {  	[tilespmem:v54+s29+$0x0] =	vst.idx.add.f32.msk $0xffff, v4  }
0x59: {  	[tilespmem:v5+s29+$0x0] =	vst.idx.add.f32.msk $0xffff, v8  }
0x5a: {  	v4 =	vld [tilespmem:$0x30];
	_ =	sdelay $0x4  }
0x5b: {  	v55 =	vmul.f32 $1.500000000e+01, v4;
	_ =	sdelay $0x1  }
0x5c: {  	v5 =	vtrunc.f32 v55  }
0x5d: {  	v5 =	vcvt.f32.s32 v5;
	_ =	sdelay $0x1  }
0x5e: {  	vm11 =	vlt.s32 v5, $0xE  }
0x5f: {  	v5 =	vnsel vm11, $0xE, v5  }
0x60: {  	v56 =	vadd.s32 v0, v5  }
0x61: {  	v57 =	vadd.s32 v1, v5  }
0x62: {  	v8 =	vld [tilespmem:$0x230];
	v5 =	vadd.s32 v2, v5;
	_ =	sdelay $0x2  }
0x63: {  	[tilespmem:v56+s29+$0x0] =	vst.idx.add.f32.msk $0xffff, v3  }
0x64: {  	[tilespmem:v57+s29+$0x0] =	vst.idx.add.f32.msk $0xffff, v4  }
0x65: {  	[tilespmem:v5+s29+$0x0] =	vst.idx.add.f32.msk $0xffff, v8  }
0x66: {  	v4 =	vld [tilespmem:$0x40];
	_ =	sdelay $0x4  }
0x67: {  	v58 =	vmul.f32 $1.500000000e+01, v4;
	_ =	sdelay $0x1  }
0x68: {  	v5 =	vtrunc.f32 v58  }
0x69: {  	v5 =	vcvt.f32.s32 v5;
	_ =	sdelay $0x1  }
0x6a: {  	vm12 =	vlt.s32 v5, $0xE  }
0x6b: {  	v5 =	vnsel vm12, $0xE, v5  }
0x6c: {  	v59 =	vadd.s32 v0, v5  }
0x6d: {  	v60 =	vadd.s32 v1, v5  }
0x6e: {  	v8 =	vld [tilespmem:$0x240];
	v5 =	vadd.s32 v2, v5;
	_ =	sdelay $0x2  }
0x6f: {  	[tilespmem:v59+s29+$0x0] =	vst.idx.add.f32.msk $0xffff, v3  }
0x70: {  	[tilespmem:v60+s29+$0x0] =	vst.idx.add.f32.msk $0xffff, v4  }
0x71: {  	[tilespmem:v5+s29+$0x0] =	vst.idx.add.f32.msk $0xffff, v8  }
0x72: {  	v4 =	vld [tilespmem:$0x50];
	_ =	sdelay $0x4  }
0x73: {  	v61 =	vmul.f32 $1.500000000e+01, v4;
	_ =	sdelay $0x1  }
0x74: {  	v5 =	vtrunc.f32 v61  }
0x75: {  	v5 =	vcvt.f32.s32 v5;
	_ =	sdelay $0x1  }
0x76: {  	vm13 =	vlt.s32 v5, $0xE  }
0x77: {  	v5 =	vnsel vm13, $0xE, v5  }
0x78: {  	v62 =	vadd.s32 v0, v5  }
0x79: {  	v63 =	vadd.s32 v1, v5  }
0x7a: {  	v8 =	vld [tilespmem:$0x250];
	v5 =	vadd.s32 v2, v5;
	_ =	sdelay $0x2  }
0x7b: {  	[tilespmem:v62+s29+$0x0] =	vst.idx.add.f32.msk $0xffff, v3  }
0x7c: {  	[tilespmem:v63+s29+$0x0] =	vst.idx.add.f32.msk $0xffff, v4  }
0x7d: {  	[tilespmem:v5+s29+$0x0] =	vst.idx.add.f32.msk $0xffff, v8  }
0x7e: {  	v4 =	vld [tilespmem:$0x60];
	_ =	sdelay $0x4  }
0x7f: {  	v11 =	vmul.f32 $1.500000000e+01, v4;
	_ =	sdelay $0x1  }
0x80: {  	v5 =	vtrunc.f32 v11  }
0x81: {  	v5 =	vcvt.f32.s32 v5;
	_ =	sdelay $0x1  }
0x82: {  	vm14 =	vlt.s32 v5, $0xE  }
0x83: {  	v5 =	vnsel vm14, $0xE, v5  }
0x84: {  	v12 =	vadd.s32 v0, v5  }
0x85: {  	v13 =	vadd.s32 v1, v5  }
0x86: {  	v8 =	vld [tilespmem:$0x260];
	v5 =	vadd.s32 v2, v5;
	_ =	sdelay $0x2  }
0x87: {  	[tilespmem:v12+s29+$0x0] =	vst.idx.add.f32.msk $0xffff, v3  }
0x88: {  	[tilespmem:v13+s29+$0x0] =	vst.idx.add.f32.msk $0xffff, v4  }
0x89: {  	[tilespmem:v5+s29+$0x0] =	vst.idx.add.f32.msk $0xffff, v8  }
0x8a: {  	v4 =	vld [tilespmem:$0x70];
	_ =	sdelay $0x4  }
0x8b: {  	v14 =	vmul.f32 $1.500000000e+01, v4;
	_ =	sdelay $0x1  }
0x8c: {  	v5 =	vtrunc.f32 v14  }
0x8d: {  	v5 =	vcvt.f32.s32 v5;
	_ =	sdelay $0x1  }
0x8e: {  	vm15 =	vlt.s32 v5, $0xE  }
0x8f: {  	v5 =	vnsel vm15, $0xE, v5  }
0x90: {  	v15 =	vadd.s32 v0, v5  }
0x91: {  	v16 =	vadd.s32 v1, v5  }
0x92: {  	v8 =	vld [tilespmem:$0x270];
	v5 =	vadd.s32 v2, v5;
	_ =	sdelay $0x2  }
0x93: {  	[tilespmem:v15+s29+$0x0] =	vst.idx.add.f32.msk $0xffff, v3  }
0x94: {  	[tilespmem:v16+s29+$0x0] =	vst.idx.add.f32.msk $0xffff, v4  }
0x95: {  	[tilespmem:v5+s29+$0x0] =	vst.idx.add.f32.msk $0xffff, v8  }
0x96: {  	v4 =	vld [tilespmem:$0x80];
	_ =	sdelay $0x4  }
0x97: {  	v17 =	vmul.f32 $1.500000000e+01, v4;
	_ =	sdelay $0x1  }
0x98: {  	v5 =	vtrunc.f32 v17  }
0x99: {  	v5 =	vcvt.f32.s32 v5;
	_ =	sdelay $0x1  }
0x9a: {  	vm4 =	vlt.s32 v5, $0xE  }
0x9b: {  	v5 =	vnsel vm4, $0xE, v5  }
0x9c: {  	v18 =	vadd.s32 v0, v5  }
0x9d: {  	v19 =	vadd.s32 v1, v5  }
0x9e: {  	v8 =	vld [tilespmem:$0x280];
	v5 =	vadd.s32 v2, v5;
	_ =	sdelay $0x2  }
0x9f: {  	[tilespmem:v18+s29+$0x0] =	vst.idx.add.f32.msk $0xffff, v3  }
0xa0: {  	[tilespmem:v19+s29+$0x0] =	vst.idx.add.f32.msk $0xffff, v4  }
0xa1: {  	[tilespmem:v5+s29+$0x0] =	vst.idx.add.f32.msk $0xffff, v8  }
0xa2: {  	v4 =	vld [tilespmem:$0x90];
	_ =	sdelay $0x4  }
0xa3: {  	v20 =	vmul.f32 $1.500000000e+01, v4;
	_ =	sdelay $0x1  }
0xa4: {  	v5 =	vtrunc.f32 v20  }
0xa5: {  	v5 =	vcvt.f32.s32 v5;
	_ =	sdelay $0x1  }
0xa6: {  	vm5 =	vlt.s32 v5, $0xE  }
0xa7: {  	v5 =	vnsel vm5, $0xE, v5  }
0xa8: {  	v21 =	vadd.s32 v0, v5  }
0xa9: {  	v22 =	vadd.s32 v1, v5  }
0xaa: {  	v8 =	vld [tilespmem:$0x290];
	v5 =	vadd.s32 v2, v5;
	_ =	sdelay $0x2  }
0xab: {  	[tilespmem:v21+s29+$0x0] =	vst.idx.add.f32.msk $0xffff, v3  }
0xac: {  	[tilespmem:v22+s29+$0x0] =	vst.idx.add.f32.msk $0xffff, v4  }
0xad: {  	[tilespmem:v5+s29+$0x0] =	vst.idx.add.f32.msk $0xffff, v8  }
0xae: {  	v4 =	vld [tilespmem:$0xA0];
	_ =	sdelay $0x4  }
0xaf: {  	v23 =	vmul.f32 $1.500000000e+01, v4;
	_ =	sdelay $0x1  }
0xb0: {  	v5 =	vtrunc.f32 v23  }
0xb1: {  	v5 =	vcvt.f32.s32 v5;
	_ =	sdelay $0x1  }
0xb2: {  	vm6 =	vlt.s32 v5, $0xE  }
0xb3: {  	v5 =	vnsel vm6, $0xE, v5  }
0xb4: {  	v24 =	vadd.s32 v0, v5  }
0xb5: {  	v25 =	vadd.s32 v1, v5  }
0xb6: {  	v8 =	vld [tilespmem:$0x2A0];
	v5 =	vadd.s32 v2, v5;
	_ =	sdelay $0x2  }
0xb7: {  	[tilespmem:v24+s29+$0x0] =	vst.idx.add.f32.msk $0xffff, v3  }
0xb8: {  	[tilespmem:v25+s29+$0x0] =	vst.idx.add.f32.msk $0xffff, v4  }
0xb9: {  	[tilespmem:v5+s29+$0x0] =	vst.idx.add.f32.msk $0xffff, v8  }
0xba: {  	v4 =	vld [tilespmem:$0xB0];
	_ =	sdelay $0x4  }
0xbb: {  	v26 =	vmul.f32 $1.500000000e+01, v4;
	_ =	sdelay $0x1  }
0xbc: {  	v5 =	vtrunc.f32 v26  }
0xbd: {  	v5 =	vcvt.f32.s32 v5;
	_ =	sdelay $0x1  }
0xbe: {  	vm7 =	vlt.s32 v5, $0xE  }
0xbf: {  	v5 =	vnsel vm7, $0xE, v5  }
0xc0: {  	v27 =	vadd.s32 v0, v5  }
0xc1: {  	v28 =	vadd.s32 v1, v5  }
0xc2: {  	v8 =	vld [tilespmem:$0x2B0];
	v5 =	vadd.s32 v2, v5;
	_ =	sdelay $0x2  }
0xc3: {  	[tilespmem:v27+s29+$0x0] =	vst.idx.add.f32.msk $0xffff, v3  }
0xc4: {  	[tilespmem:v28+s29+$0x0] =	vst.idx.add.f32.msk $0xffff, v4  }
0xc5: {  	[tilespmem:v5+s29+$0x0] =	vst.idx.add.f32.msk $0xffff, v8  }
0xc6: {  	v4 =	vld [tilespmem:$0xC0];
	_ =	sdelay $0x4  }
0xc7: {  	v29 =	vmul.f32 $1.500000000e+01, v4;
	_ =	sdelay $0x1  }
0xc8: {  	v5 =	vtrunc.f32 v29  }
0xc9: {  	v5 =	vcvt.f32.s32 v5;
	_ =	sdelay $0x1  }
0xca: {  	vm8 =	vlt.s32 v5, $0xE  }
0xcb: {  	v5 =	vnsel vm8, $0xE, v5  }
0xcc: {  	v30 =	vadd.s32 v0, v5  }
0xcd: {  	v31 =	vadd.s32 v1, v5  }
0xce: {  	v8 =	vld [tilespmem:$0x2C0];
	v5 =	vadd.s32 v2, v5;
	_ =	sdelay $0x2  }
0xcf: {  	[tilespmem:v30+s29+$0x0] =	vst.idx.add.f32.msk $0xffff, v3  }
0xd0: {  	[tilespmem:v31+s29+$0x0] =	vst.idx.add.f32.msk $0xffff, v4  }
0xd1: {  	[tilespmem:v5+s29+$0x0] =	vst.idx.add.f32.msk $0xffff, v8  }
0xd2: {  	v4 =	vld [tilespmem:$0xD0];
	_ =	sdelay $0x4  }
0xd3: {  	v32 =	vmul.f32 $1.500000000e+01, v4;
	_ =	sdelay $0x1  }
0xd4: {  	v5 =	vtrunc.f32 v32  }
0xd5: {  	v5 =	vcvt.f32.s32 v5;
	_ =	sdelay $0x1  }
0xd6: {  	vm9 =	vlt.s32 v5, $0xE  }
0xd7: {  	v5 =	vnsel vm9, $0xE, v5  }
0xd8: {  	v33 =	vadd.s32 v0, v5  }
0xd9: {  	v34 =	vadd.s32 v1, v5  }
0xda: {  	v8 =	vld [tilespmem:$0x2D0];
	v5 =	vadd.s32 v2, v5;
	_ =	sdelay $0x2  }
0xdb: {  	[tilespmem:v33+s29+$0x0] =	vst.idx.add.f32.msk $0xffff, v3  }
0xdc: {  	[tilespmem:v34+s29+$0x0] =	vst.idx.add.f32.msk $0xffff, v4  }
0xdd: {  	[tilespmem:v5+s29+$0x0] =	vst.idx.add.f32.msk $0xffff, v8  }
0xde: {  	v4 =	vld [tilespmem:$0xE0];
	_ =	sdelay $0x4  }
0xdf: {  	v35 =	vmul.f32 $1.500000000e+01, v4;
	_ =	sdelay $0x1  }
0xe0: {  	v5 =	vtrunc.f32 v35  }
0xe1: {  	v5 =	vcvt.f32.s32 v5;
	_ =	sdelay $0x1  }
0xe2: {  	vm10 =	vlt.s32 v5, $0xE  }
0xe3: {  	v5 =	vnsel vm10, $0xE, v5  }
0xe4: {  	v36 =	vadd.s32 v0, v5  }
0xe5: {  	v37 =	vadd.s32 v1, v5  }
0xe6: {  	v8 =	vld [tilespmem:$0x2E0];
	v5 =	vadd.s32 v2, v5;
	_ =	sdelay $0x2  }
0xe7: {  	[tilespmem:v36+s29+$0x0] =	vst.idx.add.f32.msk $0xffff, v3  }
0xe8: {  	[tilespmem:v37+s29+$0x0] =	vst.idx.add.f32.msk $0xffff, v4  }
0xe9: {  	[tilespmem:v5+s29+$0x0] =	vst.idx.add.f32.msk $0xffff, v8  }
0xea: {  	v4 =	vld [tilespmem:$0xF0];
	_ =	sdelay $0x4  }
0xeb: {  	v38 =	vmul.f32 $1.500000000e+01, v4;
	_ =	sdelay $0x1  }
0xec: {  	v5 =	vtrunc.f32 v38  }
0xed: {  	v5 =	vcvt.f32.s32 v5;
	_ =	sdelay $0x1  }
0xee: {  	vm11 =	vlt.s32 v5, $0xE  }
0xef: {  	v5 =	vnsel vm11, $0xE, v5  }
0xf0: {  	v39 =	vadd.s32 v0, v5  }
0xf1: {  	v40 =	vadd.s32 v1, v5  }
0xf2: {  	v8 =	vld [tilespmem:$0x2F0];
	v5 =	vadd.s32 v2, v5;
	_ =	sdelay $0x2  }
0xf3: {  	[tilespmem:v39+s29+$0x0] =	vst.idx.add.f32.msk $0xffff, v3  }
0xf4: {  	[tilespmem:v40+s29+$0x0] =	vst.idx.add.f32.msk $0xffff, v4  }
0xf5: {  	[tilespmem:v5+s29+$0x0] =	vst.idx.add.f32.msk $0xffff, v8  }
0xf6: {  	v4 =	vld [tilespmem:$0x100];
	_ =	sdelay $0x4  }
0xf7: {  	v41 =	vmul.f32 $1.500000000e+01, v4;
	_ =	sdelay $0x1  }
0xf8: {  	v5 =	vtrunc.f32 v41  }
0xf9: {  	v5 =	vcvt.f32.s32 v5;
	_ =	sdelay $0x1  }
0xfa: {  	vm12 =	vlt.s32 v5, $0xE  }
0xfb: {  	v5 =	vnsel vm12, $0xE, v5  }
0xfc: {  	v42 =	vadd.s32 v0, v5  }
0xfd: {  	v43 =	vadd.s32 v1, v5  }
0xfe: {  	v8 =	vld [tilespmem:$0x300];
	v5 =	vadd.s32 v2, v5;
	_ =	sdelay $0x2  }
0xff: {  	[tilespmem:v42+s29+$0x0] =	vst.idx.add.f32.msk $0xffff, v3  }
0x100: {  	[tilespmem:v43+s29+$0x0] =	vst.idx.add.f32.msk $0xffff, v4  }
0x101: {  	[tilespmem:v5+s29+$0x0] =	vst.idx.add.f32.msk $0xffff, v8  }
0x102: {  	v4 =	vld [tilespmem:$0x110];
	_ =	sdelay $0x4  }
0x103: {  	v44 =	vmul.f32 $1.500000000e+01, v4;
	_ =	sdelay $0x1  }
0x104: {  	v5 =	vtrunc.f32 v44  }
0x105: {  	v5 =	vcvt.f32.s32 v5;
	_ =	sdelay $0x1  }
0x106: {  	vm13 =	vlt.s32 v5, $0xE  }
0x107: {  	v5 =	vnsel vm13, $0xE, v5  }
0x108: {  	v45 =	vadd.s32 v0, v5  }
0x109: {  	v46 =	vadd.s32 v1, v5  }
0x10a: {  	v8 =	vld [tilespmem:$0x310];
	v5 =	vadd.s32 v2, v5;
	_ =	sdelay $0x2  }
0x10b: {  	[tilespmem:v45+s29+$0x0] =	vst.idx.add.f32.msk $0xffff, v3  }
0x10c: {  	[tilespmem:v46+s29+$0x0] =	vst.idx.add.f32.msk $0xffff, v4  }
0x10d: {  	[tilespmem:v5+s29+$0x0] =	vst.idx.add.f32.msk $0xffff, v8  }
0x10e: {  	v4 =	vld [tilespmem:$0x120];
	_ =	sdelay $0x4  }
0x10f: {  	v47 =	vmul.f32 $1.500000000e+01, v4;
	_ =	sdelay $0x1  }
0x110: {  	v5 =	vtrunc.f32 v47  }
0x111: {  	v5 =	vcvt.f32.s32 v5;
	_ =	sdelay $0x1  }
0x112: {  	vm14 =	vlt.s32 v5, $0xE  }
0x113: {  	v5 =	vnsel vm14, $0xE, v5  }
0x114: {  	v48 =	vadd.s32 v0, v5  }
0x115: {  	v49 =	vadd.s32 v1, v5  }
0x116: {  	v8 =	vld [tilespmem:$0x320];
	v5 =	vadd.s32 v2, v5;
	_ =	sdelay $0x2  }
0x117: {  	[tilespmem:v48+s29+$0x0] =	vst.idx.add.f32.msk $0xffff, v3  }
0x118: {  	[tilespmem:v49+s29+$0x0] =	vst.idx.add.f32.msk $0xffff, v4  }
0x119: {  	[tilespmem:v5+s29+$0x0] =	vst.idx.add.f32.msk $0xffff, v8  }
0x11a: {  	v4 =	vld [tilespmem:$0x130];
	_ =	sdelay $0x4  }
0x11b: {  	v50 =	vmul.f32 $1.500000000e+01, v4;
	_ =	sdelay $0x1  }
0x11c: {  	v5 =	vtrunc.f32 v50  }
0x11d: {  	v5 =	vcvt.f32.s32 v5;
	_ =	sdelay $0x1  }
0x11e: {  	vm15 =	vlt.s32 v5, $0xE  }
0x11f: {  	v5 =	vnsel vm15, $0xE, v5  }
0x120: {  	v51 =	vadd.s32 v0, v5  }
0x121: {  	v52 =	vadd.s32 v1, v5  }
0x122: {  	v8 =	vld [tilespmem:$0x330];
	v5 =	vadd.s32 v2, v5;
	_ =	sdelay $0x2  }
0x123: {  	[tilespmem:v51+s29+$0x0] =	vst.idx.add.f32.msk $0xffff, v3  }
0x124: {  	[tilespmem:v52+s29+$0x0] =	vst.idx.add.f32.msk $0xffff, v4  }
0x125: {  	[tilespmem:v5+s29+$0x0] =	vst.idx.add.f32.msk $0xffff, v8  }
0x126: {  	v4 =	vld [tilespmem:$0x140];
	_ =	sdelay $0x4  }
0x127: {  	v53 =	vmul.f32 $1.500000000e+01, v4;
	_ =	sdelay $0x1  }
0x128: {  	v5 =	vtrunc.f32 v53  }
0x129: {  	v5 =	vcvt.f32.s32 v5;
	_ =	sdelay $0x1  }
0x12a: {  	vm4 =	vlt.s32 v5, $0xE  }
0x12b: {  	v5 =	vnsel vm4, $0xE, v5  }
0x12c: {  	v54 =	vadd.s32 v0, v5  }
0x12d: {  	v55 =	vadd.s32 v1, v5  }
0x12e: {  	v8 =	vld [tilespmem:$0x340];
	v5 =	vadd.s32 v2, v5;
	_ =	sdelay $0x2  }
0x12f: {  	[tilespmem:v54+s29+$0x0] =	vst.idx.add.f32.msk $0xffff, v3  }
0x130: {  	[tilespmem:v55+s29+$0x0] =	vst.idx.add.f32.msk $0xffff, v4  }
0x131: {  	[tilespmem:v5+s29+$0x0] =	vst.idx.add.f32.msk $0xffff, v8  }
0x132: {  	v4 =	vld [tilespmem:$0x150];
	_ =	sdelay $0x4  }
0x133: {  	v56 =	vmul.f32 $1.500000000e+01, v4;
	_ =	sdelay $0x1  }
0x134: {  	v5 =	vtrunc.f32 v56  }
0x135: {  	v5 =	vcvt.f32.s32 v5;
	_ =	sdelay $0x1  }
0x136: {  	vm5 =	vlt.s32 v5, $0xE  }
0x137: {  	v5 =	vnsel vm5, $0xE, v5  }
0x138: {  	v57 =	vadd.s32 v0, v5  }
0x139: {  	v58 =	vadd.s32 v1, v5  }
0x13a: {  	v8 =	vld [tilespmem:$0x350];
	v5 =	vadd.s32 v2, v5;
	_ =	sdelay $0x2  }
0x13b: {  	[tilespmem:v57+s29+$0x0] =	vst.idx.add.f32.msk $0xffff, v3  }
0x13c: {  	[tilespmem:v58+s29+$0x0] =	vst.idx.add.f32.msk $0xffff, v4  }
0x13d: {  	[tilespmem:v5+s29+$0x0] =	vst.idx.add.f32.msk $0xffff, v8  }
0x13e: {  	v4 =	vld [tilespmem:$0x160];
	_ =	sdelay $0x4  }
0x13f: {  	v59 =	vmul.f32 $1.500000000e+01, v4;
	_ =	sdelay $0x1  }
0x140: {  	v5 =	vtrunc.f32 v59  }
0x141: {  	v5 =	vcvt.f32.s32 v5;
	_ =	sdelay $0x1  }
0x142: {  	vm6 =	vlt.s32 v5, $0xE  }
0x143: {  	v5 =	vnsel vm6, $0xE, v5  }
0x144: {  	v60 =	vadd.s32 v0, v5  }
0x145: {  	v61 =	vadd.s32 v1, v5  }
0x146: {  	v8 =	vld [tilespmem:$0x360];
	v5 =	vadd.s32 v2, v5;
	_ =	sdelay $0x2  }
0x147: {  	[tilespmem:v60+s29+$0x0] =	vst.idx.add.f32.msk $0xffff, v3  }
0x148: {  	[tilespmem:v61+s29+$0x0] =	vst.idx.add.f32.msk $0xffff, v4  }
0x149: {  	[tilespmem:v5+s29+$0x0] =	vst.idx.add.f32.msk $0xffff, v8  }
0x14a: {  	v4 =	vld [tilespmem:$0x170];
	_ =	sdelay $0x4  }
0x14b: {  	v62 =	vmul.f32 $1.500000000e+01, v4;
	_ =	sdelay $0x1  }
0x14c: {  	v5 =	vtrunc.f32 v62  }
0x14d: {  	v5 =	vcvt.f32.s32 v5;
	_ =	sdelay $0x1  }
0x14e: {  	vm7 =	vlt.s32 v5, $0xE  }
0x14f: {  	v5 =	vnsel vm7, $0xE, v5  }
0x150: {  	v63 =	vadd.s32 v0, v5  }
0x151: {  	v12 =	vadd.s32 v1, v5  }
0x152: {  	v8 =	vld [tilespmem:$0x370];
	v5 =	vadd.s32 v2, v5;
	_ =	sdelay $0x2  }
0x153: {  	[tilespmem:v63+s29+$0x0] =	vst.idx.add.f32.msk $0xffff, v3  }
0x154: {  	[tilespmem:v12+s29+$0x0] =	vst.idx.add.f32.msk $0xffff, v4  }
0x155: {  	[tilespmem:v5+s29+$0x0] =	vst.idx.add.f32.msk $0xffff, v8  }
0x156: {  	v4 =	vld [tilespmem:$0x180];
	_ =	sdelay $0x4  }
0x157: {  	v13 =	vmul.f32 $1.500000000e+01, v4;
	_ =	sdelay $0x1  }
0x158: {  	v5 =	vtrunc.f32 v13  }
0x159: {  	v5 =	vcvt.f32.s32 v5;
	_ =	sdelay $0x1  }
0x15a: {  	vm8 =	vlt.s32 v5, $0xE  }
0x15b: {  	v5 =	vnsel vm8, $0xE, v5  }
0x15c: {  	v14 =	vadd.s32 v0, v5  }
0x15d: {  	v15 =	vadd.s32 v1, v5  }
0x15e: {  	v8 =	vld [tilespmem:$0x380];
	v5 =	vadd.s32 v2, v5;
	_ =	sdelay $0x2  }
0x15f: {  	[tilespmem:v14+s29+$0x0] =	vst.idx.add.f32.msk $0xffff, v3  }
0x160: {  	[tilespmem:v15+s29+$0x0] =	vst.idx.add.f32.msk $0xffff, v4  }
0x161: {  	[tilespmem:v5+s29+$0x0] =	vst.idx.add.f32.msk $0xffff, v8  }
0x162: {  	v4 =	vld [tilespmem:$0x190];
	_ =	sdelay $0x4  }
0x163: {  	v16 =	vmul.f32 $1.500000000e+01, v4;
	_ =	sdelay $0x1  }
0x164: {  	v5 =	vtrunc.f32 v16  }
0x165: {  	v5 =	vcvt.f32.s32 v5;
	_ =	sdelay $0x1  }
0x166: {  	vm9 =	vlt.s32 v5, $0xE  }
0x167: {  	v5 =	vnsel vm9, $0xE, v5  }
0x168: {  	v17 =	vadd.s32 v0, v5  }
0x169: {  	v18 =	vadd.s32 v1, v5  }
0x16a: {  	v8 =	vld [tilespmem:$0x390];
	v5 =	vadd.s32 v2, v5;
	_ =	sdelay $0x2  }
0x16b: {  	[tilespmem:v17+s29+$0x0] =	vst.idx.add.f32.msk $0xffff, v3  }
0x16c: {  	[tilespmem:v18+s29+$0x0] =	vst.idx.add.f32.msk $0xffff, v4  }
0x16d: {  	[tilespmem:v5+s29+$0x0] =	vst.idx.add.f32.msk $0xffff, v8  }
0x16e: {  	v4 =	vld [tilespmem:$0x1A0];
	_ =	sdelay $0x4  }
0x16f: {  	v19 =	vmul.f32 $1.500000000e+01, v4;
	_ =	sdelay $0x1  }
0x170: {  	v5 =	vtrunc.f32 v19  }
0x171: {  	v5 =	vcvt.f32.s32 v5;
	_ =	sdelay $0x1  }
0x172: {  	vm10 =	vlt.s32 v5, $0xE  }
0x173: {  	v5 =	vnsel vm10, $0xE, v5  }
0x174: {  	v20 =	vadd.s32 v0, v5  }
0x175: {  	v21 =	vadd.s32 v1, v5  }
0x176: {  	v8 =	vld [tilespmem:$0x3A0];
	v5 =	vadd.s32 v2, v5;
	_ =	sdelay $0x2  }
0x177: {  	[tilespmem:v20+s29+$0x0] =	vst.idx.add.f32.msk $0xffff, v3  }
0x178: {  	[tilespmem:v21+s29+$0x0] =	vst.idx.add.f32.msk $0xffff, v4  }
0x179: {  	[tilespmem:v5+s29+$0x0] =	vst.idx.add.f32.msk $0xffff, v8  }
0x17a: {  	v4 =	vld [tilespmem:$0x1B0];
	_ =	sdelay $0x4  }
0x17b: {  	v22 =	vmul.f32 $1.500000000e+01, v4;
	_ =	sdelay $0x1  }
0x17c: {  	v5 =	vtrunc.f32 v22  }
0x17d: {  	v5 =	vcvt.f32.s32 v5;
	_ =	sdelay $0x1  }
0x17e: {  	vm11 =	vlt.s32 v5, $0xE  }
0x17f: {  	v5 =	vnsel vm11, $0xE, v5  }
0x180: {  	v23 =	vadd.s32 v0, v5  }
0x181: {  	v24 =	vadd.s32 v1, v5  }
0x182: {  	v8 =	vld [tilespmem:$0x3B0];
	v5 =	vadd.s32 v2, v5;
	_ =	sdelay $0x2  }
0x183: {  	[tilespmem:v23+s29+$0x0] =	vst.idx.add.f32.msk $0xffff, v3  }
0x184: {  	[tilespmem:v24+s29+$0x0] =	vst.idx.add.f32.msk $0xffff, v4  }
0x185: {  	[tilespmem:v5+s29+$0x0] =	vst.idx.add.f32.msk $0xffff, v8  }
0x186: {  	v4 =	vld [tilespmem:$0x1C0];
	_ =	sdelay $0x4  }
0x187: {  	v25 =	vmul.f32 $1.500000000e+01, v4;
	_ =	sdelay $0x1  }
0x188: {  	v5 =	vtrunc.f32 v25  }
0x189: {  	v5 =	vcvt.f32.s32 v5;
	_ =	sdelay $0x1  }
0x18a: {  	vm12 =	vlt.s32 v5, $0xE  }
0x18b: {  	v5 =	vnsel vm12, $0xE, v5  }
0x18c: {  	v26 =	vadd.s32 v0, v5  }
0x18d: {  	v27 =	vadd.s32 v1, v5  }
0x18e: {  	v8 =	vld [tilespmem:$0x3C0];
	v5 =	vadd.s32 v2, v5;
	_ =	sdelay $0x2  }
0x18f: {  	[tilespmem:v26+s29+$0x0] =	vst.idx.add.f32.msk $0xffff, v3  }
0x190: {  	[tilespmem:v27+s29+$0x0] =	vst.idx.add.f32.msk $0xffff, v4  }
0x191: {  	[tilespmem:v5+s29+$0x0] =	vst.idx.add.f32.msk $0xffff, v8  }
0x192: {  	v4 =	vld [tilespmem:$0x1D0];
	_ =	sdelay $0x4  }
0x193: {  	v28 =	vmul.f32 $1.500000000e+01, v4;
	_ =	sdelay $0x1  }
0x194: {  	v5 =	vtrunc.f32 v28  }
0x195: {  	v5 =	vcvt.f32.s32 v5;
	_ =	sdelay $0x1  }
0x196: {  	vm13 =	vlt.s32 v5, $0xE  }
0x197: {  	v5 =	vnsel vm13, $0xE, v5  }
0x198: {  	v29 =	vadd.s32 v0, v5  }
0x199: {  	v30 =	vadd.s32 v1, v5  }
0x19a: {  	v8 =	vld [tilespmem:$0x3D0];
	v5 =	vadd.s32 v2, v5;
	_ =	sdelay $0x2  }
0x19b: {  	[tilespmem:v29+s29+$0x0] =	vst.idx.add.f32.msk $0xffff, v3  }
0x19c: {  	[tilespmem:v30+s29+$0x0] =	vst.idx.add.f32.msk $0xffff, v4  }
0x19d: {  	[tilespmem:v5+s29+$0x0] =	vst.idx.add.f32.msk $0xffff, v8  }
0x19e: {  	v4 =	vld [tilespmem:$0x1E0];
	_ =	sdelay $0x4  }
0x19f: {  	v31 =	vmul.f32 $1.500000000e+01, v4;
	_ =	sdelay $0x1  }
0x1a0: {  	v5 =	vtrunc.f32 v31  }
0x1a1: {  	v5 =	vcvt.f32.s32 v5;
	_ =	sdelay $0x1  }
0x1a2: {  	vm14 =	vlt.s32 v5, $0xE  }
0x1a3: {  	v5 =	vnsel vm14, $0xE, v5  }
0x1a4: {  	v32 =	vadd.s32 v0, v5  }
0x1a5: {  	v33 =	vadd.s32 v1, v5  }
0x1a6: {  	v8 =	vld [tilespmem:$0x3E0];
	v5 =	vadd.s32 v2, v5;
	_ =	sdelay $0x2  }
0x1a7: {  	[tilespmem:v32+s29+$0x0] =	vst.idx.add.f32.msk $0xffff, v3  }
0x1a8: {  	[tilespmem:v33+s29+$0x0] =	vst.idx.add.f32.msk $0xffff, v4  }
0x1a9: {  	[tilespmem:v5+s29+$0x0] =	vst.idx.add.f32.msk $0xffff, v8  }
0x1aa: {  	v4 =	vld [tilespmem:$0x1F0];
	_ =	sdelay $0x4  }
0x1ab: {  	v34 =	vmul.f32 $1.500000000e+01, v4;
	_ =	sdelay $0x1  }
0x1ac: {  	v5 =	vtrunc.f32 v34  }
0x1ad: {  	v5 =	vcvt.f32.s32 v5;
	_ =	sdelay $0x1  }
0x1ae: {  	vm15 =	vlt.s32 v5, $0xE  }
0x1af: {  	v5 =	vnsel vm15, $0xE, v5  }
0x1b0: {  	v0 =	vadd.s32 v0, v5  }
0x1b1: {  	v1 =	vadd.s32 v1, v5  }
0x1b2: {  	v6 =	vld [tilespmem:$0x3F0];
	v2 =	vadd.s32 v2, v5;
	_ =	sdelay $0x2  }
0x1b3: {  	[tilespmem:v0+s29+$0x0] =	vst.idx.add.f32.msk $0xffff, v3  }
0x1b4: {  	[tilespmem:v1+s29+$0x0] =	vst.idx.add.f32.msk $0xffff, v4  }
0x1b5: {  	[tilespmem:v2+s29+$0x0] =	vst.idx.add.f32.msk $0xffff, v6  }
0x1b6: {  	v0 =	vld [tilespmem:$0x400]  }
0x1b7: {  	v1 =	vld [tilespmem:$0x430]  }
0x1b8: {  	v2 =	vld [tilespmem:$0x460]  }
0x1b9: {  	v3 =	vld [tilespmem:$0x490]  }
0x1ba: {  	v4 =	vld [tilespmem:$0x4C0]  }
0x1bb: {  	v35 =	vld [tilespmem:$0x4F0]  }
0x1bc: {  	v6 =	vld [tilespmem:$0x520]  }
0x1bd: {  	v7 =	vld [tilespmem:$0x550]  }
0x1be: {  	v8 =	vld [tilespmem:$0x580]  }
0x1bf: {  	v9 =	vld [tilespmem:$0x5B0]  }
0x1c0: {  	v10 =	vld [tilespmem:$0x5E0]  }
0x1c1: {  	v11 =	vld [tilespmem:$0x610]  }
0x1c2: {  	v12 =	vld [tilespmem:$0x640]  }
0x1c3: {  	v13 =	vld [tilespmem:$0x670]  }
0x1c4: {  	v14 =	vld [tilespmem:$0x6A0]  }
0x1c5: {  	v15 =	vld [tilespmem:$0x6D0]  }
0x1c6: {  	v16 =	vld [tilespmem:$0x410]  }
0x1c7: {  	v17 =	vld [tilespmem:$0x440]  }
0x1c8: {  	v18 =	vld [tilespmem:$0x420]  }
0x1c9: {  	v19 =	vld [tilespmem:$0x450]  }
0x1ca: {  	v20 =	vld [tilespmem:$0x470]  }
0x1cb: {  	v21 =	vld [tilespmem:$0x480]  }
0x1cc: {  	v36 =	vld [tilespmem:$0x4A0];
	v0 =	vadd.f32 v1, v0  }
0x1cd: {  	v37 =	vld [tilespmem:$0x4B0];
	v16 =	vadd.f32 v17, v16  }
0x1ce: {  	v39 =	vld [tilespmem:$0x4D0];
	v38 =	vadd.f32 v19, v18;
	v0 =	vadd.f32 v2, v0  }
0x1cf: {  	v40 =	vld [tilespmem:$0x4E0];
	v16 =	vadd.f32 v20, v16  }
0x1d0: {  	v41 =	vld [tilespmem:$0x500];
	v2 =	vadd.f32 v21, v38;
	v0 =	vadd.f32 v3, v0  }
0x1d1: {  	v42 =	vld [tilespmem:$0x510];
	v1 =	vadd.f32 v36, v16  }
0x1d2: {  	v43 =	vld [tilespmem:$0x530];
	v2 =	vadd.f32 v37, v2;
	v0 =	vadd.f32 v4, v0  }
0x1d3: {  	v44 =	vld [tilespmem:$0x540];
	v1 =	vadd.f32 v39, v1  }
0x1d4: {  	v45 =	vld [tilespmem:$0x560];
	v2 =	vadd.f32 v40, v2;
	v0 =	vadd.f32 v35, v0  }
0x1d5: {  	v46 =	vld [tilespmem:$0x570];
	v1 =	vadd.f32 v41, v1  }
0x1d6: {  	v47 =	vld [tilespmem:$0x590];
	v2 =	vadd.f32 v42, v2;
	v0 =	vadd.f32 v6, v0  }
0x1d7: {  	v48 =	vld [tilespmem:$0x5A0];
	v1 =	vadd.f32 v43, v1  }
0x1d8: {  	v49 =	vld [tilespmem:$0x5C0];
	v2 =	vadd.f32 v44, v2;
	v0 =	vadd.f32 v7, v0  }
0x1d9: {  	v50 =	vld [tilespmem:$0x5D0];
	v1 =	vadd.f32 v45, v1  }
0x1da: {  	v51 =	vld [tilespmem:$0x5F0];
	v2 =	vadd.f32 v46, v2;
	v0 =	vadd.f32 v8, v0  }
0x1db: {  	v52 =	vld [tilespmem:$0x600];
	v1 =	vadd.f32 v47, v1  }
0x1dc: {  	v53 =	vld [tilespmem:$0x620];
	v2 =	vadd.f32 v48, v2;
	v0 =	vadd.f32 v9, v0  }
0x1dd: {  	v54 =	vld [tilespmem:$0x630];
	v1 =	vadd.f32 v49, v1  }
0x1de: {  	v55 =	vld [tilespmem:$0x650];
	v2 =	vadd.f32 v50, v2;
	v0 =	vadd.f32 v10, v0  }
0x1df: {  	v56 =	vld [tilespmem:$0x660];
	v1 =	vadd.f32 v51, v1  }
0x1e0: {  	v57 =	vld [tilespmem:$0x680];
	v2 =	vadd.f32 v52, v2;
	v0 =	vadd.f32 v11, v0  }
0x1e1: {  	v58 =	vld [tilespmem:$0x690];
	v1 =	vadd.f32 v53, v1  }
0x1e2: {  	v59 =	vld [tilespmem:$0x6B0];
	v2 =	vadd.f32 v54, v2;
	v0 =	vadd.f32 v12, v0  }
0x1e3: {  	v60 =	vld [tilespmem:$0x6C0];
	v1 =	vadd.f32 v55, v1  }
0x1e4: {  	v61 =	vld [tilespmem:$0x6E0];
	v2 =	vadd.f32 v56, v2;
	v0 =	vadd.f32 v13, v0  }
0x1e5: {  	v62 =	vld [tilespmem:$0x6F0];
	v1 =	vadd.f32 v57, v1  }
0x1e6: {  	v2 =	vadd.f32 v58, v2;
	v0 =	vadd.f32 v14, v0  }
0x1e7: {  	v1 =	vadd.f32 v59, v1  }
0x1e8: {  	v2 =	vadd.f32 v60, v2;
	v0 =	vadd.f32 v15, v0  }
0x1e9: {  	s30 =	smul.u32 $0xC0, s6;
	v1 =	vadd.f32 v61, v1  }
0x1ea: {  	v63 =	vadd.f32 v62, v2;
	[tilespmem:$0x700] =	vst v0  }
0x1eb: {  	s7 =	sshrl.u32 s30, $0x2;
	[tilespmem:$0x710] =	vst v1  }
0x1ec: {  	s31 =	simm.s32 $0x700;
	s7 =	sadd.s32 s7, s5;
	[tilespmem:$0x720] =	vst v63  }
0x1ed: {  	[spmem:s7] =	stream.linear.scatter [tilespmem:s31], [sflag:$0x1], $0x30, $0x38;
	[tilespmem:$0xBB0] =	vst v63  }
0x1ee: {  	_ =	swait.ge [sflag:s3], $0x30  }
0x1ef: {  	[sflag:s3] =	ssyncset.done $0x0  }
0x1f0: {  	[sflag:s3] =	ssyncadd.s32 $0xFFFFFFD0  }
0x1f1: {  	p0 =	sne.s32 s6, $0x0;
	[bflag:$0x0] =	sbarrier.arrive $0xFFFF  }
0x1f2: {  	_ =	sfence.sel @p0 $0x180000  }
0x1f3: {  	[bflag:$0x0] =	sbarrier.arrive @p0 $0xFFFF  }
0x1f4: {  	_ =	strace @p0 $0x9000004A  }
0x1f5: {  	[bflag:$0x2] =	sbarrier.arrive @p0 $0xFFFF  }
0x1f6: {  	_ =	shalt @p0  }
.LBB2_1:
0x1f7: {  	v0 =	vimm.f32 $1.638400000e+04  }
0x1f8: {  	(erf) = vrcp.f32 v0;
	_ =	sdelay $0x7  }
0x1f9: {  	s6 =	simm.s32 $0x780  }
0x1fa: {  	[tilespmem:s6], [sflag:$0x1] =	stream.linear.gather [spmem:s5], $0x300, $0x38;
	v0 =	vpop (erf);
	[tilespmem:$0xBB0] =	vst v63  }
0x1fb: {  	_ =	swait.ge [sflag:s3], $0x300  }
0x1fc: {  	[sflag:s3] =	ssyncset.done $0x0  }
0x1fd: {  	s4 =	sadd.s32 $0x1E00, s4;
	s30 =	simm.s32 $0xA80;
	[sflag:s3] =	ssyncadd.s32 $0xFFFFFD00  }
0x1fe: {  	[tilespmem:s30], [sflag:$0x1] =	stream.linear.gather [hbm4b:s4+s2], $0x80, $0x38;
	[tilespmem:$0xBB0] =	vst v63  }
0x1ff: {  	_ =	swait.ge [sflag:s3], $0x80  }
0x200: {  	[sflag:s3] =	ssyncset.done $0x0  }
0x201: {  	[sflag:s3] =	ssyncadd.s32 $0xFFFFFF80  }
0x202: {  	v1 =	vld [tilespmem:$0x780]  }
0x203: {  	v2 =	vld [tilespmem:$0x7B0]  }
0x204: {  	v3 =	vld [tilespmem:$0x7E0]  }
0x205: {  	v4 =	vld [tilespmem:$0x810]  }
0x206: {  	v5 =	vld [tilespmem:$0x840]  }
0x207: {  	v6 =	vld [tilespmem:$0x870]  }
0x208: {  	v7 =	vld [tilespmem:$0x8A0]  }
0x209: {  	v8 =	vld [tilespmem:$0x8D0]  }
0x20a: {  	v9 =	vld [tilespmem:$0x900]  }
0x20b: {  	v10 =	vld [tilespmem:$0x930]  }
0x20c: {  	v11 =	vld [tilespmem:$0x960]  }
0x20d: {  	v12 =	vld [tilespmem:$0x990]  }
0x20e: {  	v13 =	vld [tilespmem:$0x9C0]  }
0x20f: {  	v14 =	vld [tilespmem:$0x9F0]  }
0x210: {  	v30 =	vld [tilespmem:$0xA20];
	v1 =	vadd.f32 v2, v1  }
0x211: {  	v15 =	vld [tilespmem:$0xA50]  }
0x212: {  	v31 =	vld [tilespmem:$0x790];
	v1 =	vadd.f32 v3, v1  }
0x213: {  	v16 =	vld [tilespmem:$0x7C0]  }
0x214: {  	v32 =	vld [tilespmem:$0x7F0];
	v1 =	vadd.f32 v4, v1  }
0x215: {  	v17 =	vld [tilespmem:$0x7A0]  }
0x216: {  	v33 =	vld [tilespmem:$0x7D0];
	v1 =	vadd.f32 v5, v1  }
0x217: {  	v18 =	vld [tilespmem:$0x820]  }
0x218: {  	v34 =	vld [tilespmem:$0x800];
	v1 =	vadd.f32 v6, v1  }
0x219: {  	v19 =	vld [tilespmem:$0x850]  }
0x21a: {  	v35 =	vld [tilespmem:$0x830];
	v1 =	vadd.f32 v7, v1  }
0x21b: {  	v36 =	vld [tilespmem:$0x880];
	v3 =	vadd.f32 v16, v31;
	v5 =	vadd.f32 v33, v17  }
0x21c: {  	v37 =	vld [tilespmem:$0x860];
	v1 =	vadd.f32 v8, v1  }
0x21d: {  	v39 =	vld [tilespmem:$0x8B0];
	v3 =	vadd.f32 v32, v3;
	v38 =	vadd.f32 v34, v5  }
0x21e: {  	v40 =	vld [tilespmem:$0x890];
	v1 =	vadd.f32 v9, v1  }
0x21f: {  	v41 =	vld [tilespmem:$0x8E0];
	v3 =	vadd.f32 v18, v3;
	v4 =	vadd.f32 v35, v38  }
0x220: {  	v42 =	vld [tilespmem:$0x8C0];
	v1 =	vadd.f32 v10, v1  }
0x221: {  	v43 =	vld [tilespmem:$0x910];
	v3 =	vadd.f32 v19, v3;
	v4 =	vadd.f32 v37, v4  }
0x222: {  	v44 =	vld [tilespmem:$0x8F0];
	v1 =	vadd.f32 v11, v1  }
0x223: {  	v45 =	vld [tilespmem:$0x940];
	v3 =	vadd.f32 v36, v3;
	v4 =	vadd.f32 v40, v4  }
0x224: {  	v46 =	vld [tilespmem:$0x920];
	v1 =	vadd.f32 v12, v1  }
0x225: {  	v47 =	vld [tilespmem:$0x970];
	v3 =	vadd.f32 v39, v3;
	v4 =	vadd.f32 v42, v4  }
0x226: {  	v48 =	vld [tilespmem:$0x950];
	v1 =	vadd.f32 v13, v1  }
0x227: {  	v49 =	vld [tilespmem:$0x9A0];
	v3 =	vadd.f32 v41, v3;
	v4 =	vadd.f32 v44, v4  }
0x228: {  	v50 =	vld [tilespmem:$0x980];
	v1 =	vadd.f32 v14, v1  }
0x229: {  	v51 =	vld [tilespmem:$0xA80];
	v3 =	vadd.f32 v43, v3;
	v4 =	vadd.f32 v46, v4  }
0x22a: {  	v52 =	vld [tilespmem:$0x9B0];
	v1 =	vadd.f32 v30, v1  }
0x22b: {  	v53 =	vld [tilespmem:$0x9D0];
	v3 =	vadd.f32 v45, v3;
	v4 =	vadd.f32 v48, v4  }
0x22c: {  	v54 =	vld [tilespmem:$0x9E0];
	v1 =	vadd.f32 v15, v1  }
0x22d: {  	v55 =	vld [tilespmem:$0xA00];
	v3 =	vadd.f32 v47, v3;
	v4 =	vadd.f32 v50, v4  }
0x22e: {  	v56 =	vld [tilespmem:$0xA10];
	v1 =	vadd.f32 v51, v1  }
0x22f: {  	v57 =	vld [tilespmem:$0xA30];
	v3 =	vadd.f32 v49, v3;
	v2 =	vadd.f32 v52, v4  }
0x230: {  	v58 =	vld [tilespmem:$0xA40];
	v8 =	vmax.f32 v1, $1.000000000e+00  }
0x231: {  	v59 =	vld [tilespmem:$0xA60];
	v3 =	vadd.f32 v53, v3;
	v2 =	vadd.f32 v54, v2;
	(erf) = vrcp.f32 v8  }
0x232: {  	v60 =	vld [tilespmem:$0xA70]  }
0x233: {  	v61 =	vld [tilespmem:$0xA90];
	v3 =	vadd.f32 v55, v3;
	v2 =	vadd.f32 v56, v2  }
0x234: {  	v62 =	vld [tilespmem:$0xAA0]  }
0x235: {  	v3 =	vadd.f32 v57, v3;
	v2 =	vadd.f32 v58, v2;
	_ =	sdelay $0x1  }
0x236: {  	v3 =	vadd.f32 v59, v3;
	v2 =	vadd.f32 v60, v2;
	_ =	sdelay $0x1  }
0x237: {  	v3 =	vadd.f32 v61, v3;
	v2 =	vadd.f32 v62, v2  }
0x238: {  	v63 =	vpop (erf)  }
0x239: {  	v3 =	vmul.f32 v63, v3;
	v2 =	vmul.f32 v63, v2;
	_ =	sdelay $0x1  }
0x23a: {  	v2 =	vsub.f32 v3, v2  }
0x23b: {  	v0 =	vmul.f32 v1, v0  }
0x23c: {  	v2 =	vand.u32 $0x7FFFFFFF, v2  }
0x23d: {  	v0 =	vmul.f32 v2, v0  }
0x23e: {  	vm0 =	vgt.f32 v1, $0.0e+00  }
0x23f: {  	v0 =	vnsel vm0, $0x0, v0  }
0x240: {  	(xrf2) =	vadd.scan.msk.f32 $0xffff, v0;
	_ =	sdelay $0x9  }
0x241: {  	v0, _, _ =	vpop (xrf2)  }
0x242: {  	v0 =	vbroadcast v0, $0xF;
	_ =	sdelay $0x1  }
0x243: {  	s31 =	simm.s32 $0xB00;
	[tilespmem:$0xB00] =	vst v0  }
0x244: {  	[hbm4b:s1+s2] =	stream.linear.scatter [tilespmem:s31], [sflag:$0x1], $0x80, $0x38;
	[tilespmem:$0xBB0] =	vst v63  }
0x245: {  	_ =	swait.ge [sflag:s3], $0x80  }
0x246: {  	[sflag:s3] =	ssyncset.done $0x0  }
0x247: {  	[sflag:s3] =	ssyncadd.s32 $0xFFFFFF80  }
0x248: {  	_ =	sfence.sel $0x180000  }
0x249: {  	[bflag:$0x0] =	sbarrier.arrive $0xFFFF  }
0x24a: {  	_ =	strace $0x9000004A  }
0x24b: {  	s0 =	sadd.s32 $0x100000, s0;
	[bflag:$0x2] =	sbarrier.arrive $0xFFFF  }
0x24c: {  	[sflag:s0] =	ssyncadd.tile.s32 $0x1;
	_ =	shalt  }
.Lfunc_end2:
_tile_overlayer_lowered:
.L_overlay_start_2:
0x24d: {  	(tag) =	ssettag $0x2  }
0x24e: {  	s0 =	rddreg [dreg:$0x0];
	s2 =	stileid.u32  }
0x24f: {  	s1 =	rddreg [dreg:$0x1];
	p0 =	sne.s32 s2, $0x0  }
0x250: {  	s3 =	rddreg [dreg:$0x2];
	[bflag:$0x3] =	sbarrier.arrive $0xFFFF;
	s2 =	simm.s32 @!p0 $0x1C01  }
0x251: {  	[timem:s3], [sflag:s2] =	dma.local @!p0 [hbm:s0], s1  }
0x252: {  	s0 =	simm.s32 @!p0 $0x1  }
0x253: {  	_ =	swait.ge @!p0 [sflag:s0], s1  }
0x254: {  	s1 =	ssub.s32 @!p0 $0x0, s1;
	[sflag:s0] =	ssyncset.done @!p0 $0x0  }
0x255: {  	[sflag:s0] =	ssyncadd.s32 @!p0 s1  }
0x256: {  	[bflag:$0x3] =	sbarrier.arrive $0xFFFF  }
0x257: {  	_ =	shalt  }

</sc_bundles>
